<compile_context>
chip_gen: v7x
topology: tpu7x:2x2x1
jax: 0.10.2.dev20260603
libtpu: 0.0.44.dev20260713+nightly
codegen_flags: <defaults>
</compile_context>

<pallas_src>
import jax
import jax.numpy as jnp
from jax import lax
from jax.experimental import pallas as pl
from jax.experimental.pallas import tpu as pltpu
from jax.experimental.pallas import tpu_sc as plsc

N = 10000
E = 320000
D = 128

_NC = 2
_NS = 16
_NW = _NC * _NS
_EPW = E // _NW
_CW = 125
_CH = _EPW // _CW
_NPAD = 10112
_RPT = _NPAD // _NS
_HPW = E // _NS

_BLK = 1000



def _scale_matmul_body(x_ref, w_ref, deg_ref, o_ref):
    h = jnp.dot(x_ref[...], w_ref[...], preferred_element_type=jnp.float32)
    norm = jax.lax.rsqrt(jnp.clip(deg_ref[...], 1.0, None))
    o_ref[...] = h * norm


def _tc_scale_matmul(x, W, deg):
    return pl.pallas_call(
        _scale_matmul_body,
        grid=(N // _BLK,),
        in_specs=[
            pl.BlockSpec((_BLK, D), lambda i: (i, 0)),
            pl.BlockSpec((D, D), lambda i: (0, 0)),
            pl.BlockSpec((_BLK, 1), lambda i: (i, 0)),
        ],
        out_specs=pl.BlockSpec((_BLK, D), lambda i: (i, 0)),
        out_shape=jax.ShapeDtypeStruct((N, D), jnp.float32),
    )(x, W, deg)


def _post_body(p0_ref, p1_ref, deg_ref, b_ref, o_ref):
    norm = jax.lax.rsqrt(jnp.clip(deg_ref[...], 1.0, None))
    o_ref[...] = jnp.maximum(
        (p0_ref[0] + p1_ref[0]) * norm + b_ref[...], 0.0)


def _tc_post(p, deg, b):
    return pl.pallas_call(
        _post_body,
        grid=(N // _BLK,),
        in_specs=[
            pl.BlockSpec((1, _BLK, D), lambda i: (0, i, 0)),
            pl.BlockSpec((1, _BLK, D), lambda i: (1, i, 0)),
            pl.BlockSpec((_BLK, 1), lambda i: (i, 0)),
            pl.BlockSpec((1, D), lambda i: (0, 0)),
        ],
        out_specs=pl.BlockSpec((_BLK, D), lambda i: (i, 0)),
        out_shape=jax.ShapeDtypeStruct((N, D), jnp.float32),
    )(p, p, deg, b)


def _post_matmul_body(p0_ref, p1_ref, degi_ref, b_ref, w_ref, dego_ref, o_ref):
    normi = jax.lax.rsqrt(jnp.clip(degi_ref[...], 1.0, None))
    h = jnp.maximum((p0_ref[0] + p1_ref[0]) * normi + b_ref[...], 0.0)
    normo = jax.lax.rsqrt(jnp.clip(dego_ref[...], 1.0, None))
    o_ref[...] = jnp.dot(h, w_ref[...], preferred_element_type=jnp.float32) * normo


def _tc_post_matmul(p, deg_in, b, W, deg_out):
    return pl.pallas_call(
        _post_matmul_body,
        grid=(N // _BLK,),
        in_specs=[
            pl.BlockSpec((1, _BLK, D), lambda i: (0, i, 0)),
            pl.BlockSpec((1, _BLK, D), lambda i: (1, i, 0)),
            pl.BlockSpec((_BLK, 1), lambda i: (i, 0)),
            pl.BlockSpec((1, D), lambda i: (0, 0)),
            pl.BlockSpec((D, D), lambda i: (0, 0)),
            pl.BlockSpec((_BLK, 1), lambda i: (i, 0)),
        ],
        out_specs=pl.BlockSpec((_BLK, D), lambda i: (i, 0)),
        out_shape=jax.ShapeDtypeStruct((N, D), jnp.float32),
    )(p, p, deg_in, b, W, deg_out)



_MESH = plsc.VectorSubcoreMesh(core_axis_name="c", subcore_axis_name="s")


def _zero_rows(buf, nrows):
    ncol = buf.shape[1] // 16
    zeros = jnp.zeros((16,), jnp.float32)

    def row(i, carry):
        for k in range(ncol):
            buf[i, pl.ds(16 * k, 16)] = zeros
        return carry

    lax.fori_loop(0, nrows, row, 0)


def _zero_acc(zb, acc, base):
    _zero_rows(zb, 8)

    def blk(i, carry):
        pltpu.sync_copy(zb, acc.at[pl.ds(base + i * 8, 8)])
        return carry

    lax.fori_loop(0, _RPT // 8, blk, 0)


_CHH = _CH // 2


def _conv_body(hs_hbm, src_hbm, dst_hbm, out_hbm,
               idx_s, idx_d, rows0, rows1, zbuf, acc, sem0, sem1):
    c = lax.axis_index("c")
    s = lax.axis_index("s")
    _zero_acc(zbuf, acc, s * _RPT)
    plsc.subcore_barrier()

    def start(j, rb, sem):
        pltpu.async_copy(hs_hbm.at[idx_s.at[j]], rb, sem)

    def wait(rb, sem):
        pltpu.make_async_copy(hs_hbm.at[idx_s.at[0]], rb, sem).wait()

    def scat(j, rb):
        pltpu.sync_copy(rb, acc.at[idx_d.at[j]], add=True)

    for h in range(2):
        pltpu.sync_copy(src_hbm.at[c, s, pl.ds(h * _CHH, _CHH)], idx_s)
        pltpu.sync_copy(dst_hbm.at[c, s, pl.ds(h * _CHH, _CHH)], idx_d)
        start(0, rows0, sem0)

        def pair(t, carry):
            start(2 * t + 1, rows1, sem1)
            wait(rows0, sem0)
            scat(2 * t, rows0)

            @pl.when(t < _CHH // 2 - 1)
            def _():
                start(2 * t + 2, rows0, sem0)

            wait(rows1, sem1)
            scat(2 * t + 1, rows1)
            return carry

        lax.fori_loop(0, _CHH // 2, pair, 0)

    plsc.subcore_barrier()
    pltpu.sync_copy(acc.at[pl.ds(s * _RPT, _RPT)],
                    out_hbm.at[c, pl.ds(s * _RPT, _RPT)])


_conv = pl.kernel(
    _conv_body,
    out_type=jax.ShapeDtypeStruct((_NC, _NPAD, D), jnp.float32),
    mesh=_MESH,
    scratch_types=[
        pltpu.VMEM((_CHH, _CW), jnp.int32),
        pltpu.VMEM((_CHH, _CW), jnp.int32),
        pltpu.VMEM((_CW, D), jnp.float32),
        pltpu.VMEM((_CW, D), jnp.float32),
        pltpu.VMEM((8, D), jnp.float32),
        pltpu.VMEM_SHARED((_NPAD, D), jnp.float32),
        pltpu.SemaphoreType.DMA,
        pltpu.SemaphoreType.DMA,
    ],
)


_HROWS = 80
_HPWP = 20096


def _hist_one(idxbuf, hist):
    iota = lax.iota(jnp.int32, 16)
    pib = jax.lax.GatherScatterMode.PROMISE_IN_BOUNDS

    def step(k, carry):
        for g in range(8):
            idx = idxbuf[k, pl.ds(g * 16, 16)]
            sk, _ = plsc.sort_key_val(idx, idx)
            prev = sk.at[jnp.maximum(iota - 1, 0)].get(mode=pib)
            nxt = sk.at[jnp.minimum(iota + 1, 15)].get(mode=pib)
            head = (iota == 0) | (sk != prev)
            last = (iota == 15) | (sk != nxt)
            start = plsc.cummax(jnp.where(head, iota, 0))
            cnt = (iota - start + 1).astype(jnp.float32)
            plsc.addupdate_scatter(
                hist,
                [lax.shift_right_logical(sk, 7), lax.bitwise_and(sk, 127)],
                cnt, mask=last)
        return carry

    lax.fori_loop(0, _HPWP // D, step, 0)


def _hist_body(idx_hbm, out_hbm, idx_s, idx_d, hist_s, hist_d):
    c = lax.axis_index("c")
    s = lax.axis_index("s")
    pltpu.sync_copy(idx_hbm.at[c, 0, s], idx_s)
    pltpu.sync_copy(idx_hbm.at[c, 1, s], idx_d)
    _zero_rows(hist_s, _HROWS)
    _zero_rows(hist_d, _HROWS)
    _hist_one(idx_s, hist_s)
    _hist_one(idx_d, hist_d)
    pltpu.sync_copy(hist_s, out_hbm.at[c, 0, s])
    pltpu.sync_copy(hist_d, out_hbm.at[c, 1, s])


_hist = pl.kernel(
    _hist_body,
    out_type=jax.ShapeDtypeStruct((_NC, 2, _NS, _HROWS, D), jnp.float32),
    mesh=_MESH,
    scratch_types=[
        pltpu.VMEM((_HPWP // D, D), jnp.int32),
        pltpu.VMEM((_HPWP // D, D), jnp.int32),
        pltpu.VMEM((_HROWS, D), jnp.float32),
        pltpu.VMEM((_HROWS, D), jnp.float32),
    ],
    compiler_params=pltpu.CompilerParams(needs_layout_passes=False),
)


def _sum_tiles_body(p_ref, o_ref):
    o_ref[...] = jnp.sum(p_ref[...], axis=1)


def _tc_sum_tiles(p):
    hb = _HROWS * D
    return pl.pallas_call(
        _sum_tiles_body,
        out_shape=jax.ShapeDtypeStruct((4, hb), jnp.float32),
    )(p)


def _score_body(h_hbm, u_hbm, v_hbm, out_hbm,
                idx_u, idx_v, ubuf0, vbuf0, ubuf1, vbuf1, obuf,
                semu0, semv0, semu1, semv1):
    c = lax.axis_index("c")
    s = lax.axis_index("s")
    pltpu.sync_copy(u_hbm.at[c, s], idx_u)
    pltpu.sync_copy(v_hbm.at[c, s], idx_v)

    def start(j, ub, vb, su, sv):
        pltpu.async_copy(h_hbm.at[idx_u.at[j]], ub, su)
        pltpu.async_copy(h_hbm.at[idx_v.at[j]], vb, sv)

    def wait(ub, vb, su, sv):
        pltpu.make_async_copy(h_hbm.at[idx_u.at[0]], ub, su).wait()
        pltpu.make_async_copy(h_hbm.at[idx_v.at[0]], vb, sv).wait()

    def compute(j, ub, vb):
        def row(r5, carry2):
            for d in range(5):
                r = r5 * 5 + d
                acc = ub[r, pl.ds(0, 16)] * vb[r, pl.ds(0, 16)]
                for k in range(1, D // 16):
                    acc = acc + ub[r, pl.ds(16 * k, 16)] * vb[r, pl.ds(16 * k, 16)]
                obuf[r, pl.ds(0, 16)] = acc
            return carry2

        lax.fori_loop(0, _CW // 5, row, 0)
        pltpu.sync_copy(obuf, out_hbm.at[c, s, j])

    start(0, ubuf0, vbuf0, semu0, semv0)

    def pair(t, carry):
        start(2 * t + 1, ubuf1, vbuf1, semu1, semv1)
        wait(ubuf0, vbuf0, semu0, semv0)
        compute(2 * t, ubuf0, vbuf0)

        @pl.when(t < _CH // 2 - 1)
        def _():
            start(2 * t + 2, ubuf0, vbuf0, semu0, semv0)

        wait(ubuf1, vbuf1, semu1, semv1)
        compute(2 * t + 1, ubuf1, vbuf1)
        return carry

    lax.fori_loop(0, _CH // 2, pair, 0)


_score = pl.kernel(
    _score_body,
    out_type=jax.ShapeDtypeStruct((_NC, _NS, _CH, _CW, 16), jnp.float32),
    mesh=_MESH,
    scratch_types=[
        pltpu.VMEM((_CH, _CW), jnp.int32),
        pltpu.VMEM((_CH, _CW), jnp.int32),
        pltpu.VMEM((_CW, D), jnp.float32),
        pltpu.VMEM((_CW, D), jnp.float32),
        pltpu.VMEM((_CW, D), jnp.float32),
        pltpu.VMEM((_CW, D), jnp.float32),
        pltpu.VMEM((_CW, 16), jnp.float32),
        pltpu.SemaphoreType.DMA,
        pltpu.SemaphoreType.DMA,
        pltpu.SemaphoreType.DMA,
        pltpu.SemaphoreType.DMA,
    ],
)


def _reduce_body(p_ref, o_ref):
    o_ref[...] = jnp.sum(p_ref[...], axis=1, keepdims=True)


def _tc_reduce16(p):
    blk = 2000
    return pl.pallas_call(
        _reduce_body,
        grid=(E // blk,),
        in_specs=[pl.BlockSpec((blk, 16), lambda i: (i, 0))],
        out_specs=pl.BlockSpec((blk, 1), lambda i: (i, 0)),
        out_shape=jax.ShapeDtypeStruct((E, 1), jnp.float32),
    )(p)



@jax.jit
def kernel(x, edge_index0, edge_index1, score_edge_index, W1, b1, W2, b2):
    idx_all = jnp.stack([edge_index0, edge_index1]).reshape(2, 2, _NS, _HPW)
    pad = jnp.broadcast_to(
        (jnp.arange(_HPWP - _HPW, dtype=jnp.int32) % 200) + N,
        (2, 2, _NS, _HPWP - _HPW))
    idx_all = jnp.concatenate([idx_all, pad], axis=-1).reshape(
        2, 2, _NS, _HPWP // D, D)
    hist_parts = _hist(idx_all).reshape(4, _NS, _HROWS * D)
    hist = _tc_sum_tiles(hist_parts)
    deg_out0 = hist[0, :N, None]
    deg_in0 = hist[1, :N, None]
    deg_out1 = hist[2, :N, None]
    deg_in1 = hist[3, :N, None]

    src0 = edge_index0[0].reshape(_NC, _NS, _CH, _CW)
    dst0 = edge_index0[1].reshape(_NC, _NS, _CH, _CW)
    src1 = edge_index1[0].reshape(_NC, _NS, _CH, _CW)
    dst1 = edge_index1[1].reshape(_NC, _NS, _CH, _CW)

    hs1 = _tc_scale_matmul(x, W1, deg_out0)
    p1 = _conv(hs1, src0, dst0)
    hs2 = _tc_post_matmul(p1, deg_in0, b1[None, :], W2, deg_out1)
    p2 = _conv(hs2, src1, dst1)
    h2 = _tc_post(p2, deg_in1, b2[None, :])

    u = score_edge_index[0].reshape(_NC, _NS, _CH, _CW)
    v = score_edge_index[1].reshape(_NC, _NS, _CH, _CW)
    partial = _score(h2, u, v).reshape(E, 16)
    return _tc_reduce16(partial)

# --- scband reference (transcript-rebuilt; emitter-appended) ---
"""Pipeline reference for scband-gnnrank-model-33122787786914 (READ-ONLY COPY).

The authoritative reference and input builder live on the scoring server;
editing this copy changes nothing except your own understanding.
"""

import jax, jax.numpy as jnp
import numpy as np

N = 10000
E = 320000
D = 128


def _graph_conv(x, src, dst, W, b):
    # DGL GraphConv with norm='both', weight=True, bias=True, activation=ReLU
    n_edges = src.shape[0]
    ones = jnp.ones((n_edges,), dtype=jnp.float32)
    deg_out = jax.ops.segment_sum(ones, src, num_segments=N)
    deg_in = jax.ops.segment_sum(ones, dst, num_segments=N)
    norm_src = jax.lax.rsqrt(jnp.clip(deg_out, 1.0))
    norm_dst = jax.lax.rsqrt(jnp.clip(deg_in, 1.0))
    h = x @ W
    m = (h * norm_src[:, None])[src]
    agg = jax.ops.segment_sum(m, dst, num_segments=N)
    return jax.nn.relu(agg * norm_dst[:, None] + b)


def setup_inputs(seed: int = 0) -> dict:
    key = jax.random.key(seed)
    ks = jax.random.split(key, 8)
    x = jax.random.normal(ks[0], (N, D), dtype=jnp.float32)
    edge_index0 = jax.random.randint(ks[1], (2, E), 0, N, dtype=jnp.int32)
    edge_index1 = jax.random.randint(ks[2], (2, E), 0, N, dtype=jnp.int32)
    score_edge_index = jax.random.randint(ks[3], (2, E), 0, N, dtype=jnp.int32)
    W1 = jax.random.normal(ks[4], (D, D), dtype=jnp.float32) * (1.0 / np.sqrt(D))
    b1 = jnp.zeros((D,), dtype=jnp.float32)
    W2 = jax.random.normal(ks[5], (D, D), dtype=jnp.float32) * (1.0 / np.sqrt(D))
    b2 = jnp.zeros((D,), dtype=jnp.float32)
    return {"x": x, "edge_index0": edge_index0, "edge_index1": edge_index1,
            "score_edge_index": score_edge_index, "W1": W1, "b1": b1, "W2": W2, "b2": b2}


def reference(x, edge_index0, edge_index1, score_edge_index, W1, b1, W2, b2):
    # StochasticTwoLayerRGCN: two GraphConv layers over the two blocks
    h = _graph_conv(x, edge_index0[0], edge_index0[1], W1, b1)
    h = _graph_conv(h, edge_index1[0], edge_index1[1], W2, b2)
    # DotProductPredictor on edge_subgraph: u_dot_v('h','h','score')
    u = score_edge_index[0]
    v = score_edge_index[1]
    score = jnp.sum(h[u] * h[v], axis=-1, keepdims=True)
    return score

if __name__ == "__main__":
    import jax
    _d = setup_inputs()
    print(jax.jit(kernel)(*tuple(_d.values())))

</pallas_src>

<mosaic_0001>
#map = affine_map<(d0, d1) -> (0, 0)>
#map1 = affine_map<(d0, d1) -> (0, 0, 0, 0)>
#map2 = affine_map<(d0, d1) -> (0, 0, 0)>
module attributes {stable_mosaic.version = 14 : i64} {
  func.func @_conv_body(%arg0: i32, %arg1: i32, %arg2: memref<10000x128xf32, #tpu.memory_space<hbm>>, %arg3: memref<2x16x80x125xi32, #tpu.memory_space<hbm>>, %arg4: memref<2x16x80x125xi32, #tpu.memory_space<hbm>>, %arg5: memref<2x10112x128xf32, #tpu.memory_space<hbm>>, %arg6: memref<40x125xi32, #tpu.memory_space<vmem>>, %arg7: memref<40x125xi32, #tpu.memory_space<vmem>>, %arg8: memref<125x128xf32, #tpu.memory_space<vmem>>, %arg9: memref<125x128xf32, #tpu.memory_space<vmem>>, %arg10: memref<8x128xf32, #tpu.memory_space<vmem>>, %arg11: memref<10112x128xf32, #tpu.memory_space<vmem_shared>>, %arg12: memref<!tpu.dma_semaphore, #tpu.memory_space<semaphore_mem>>, %arg13: memref<!tpu.dma_semaphore, #tpu.memory_space<semaphore_mem>>) attributes {dimension_semantics = [#tpu.dimension_semantics<core_parallel>, #tpu.dimension_semantics<subcore_parallel>], iteration_bounds = array<i64: 2, 16>, scalar_prefetch = 0 : i64, scratch_operands = 8 : i64, tpu.core_type = #tpu.core_type<sc_vector_subcore>, window_params = [{transform_indices = #map}, {transform_indices = #map1}, {transform_indices = #map1}, {transform_indices = #map2}]} {
    %mul3A = arith.constant 632 : i32
    %mul3A_0 = arith.muli %arg1, %mul3A : i32
    %broadcast_in_dim3A = arith.constant 0.000000e+00 : f32
    %broadcast_in_dim3A_1 = vector.broadcast %broadcast_in_dim3A : f32 to vector<16xf32>
    %scan3A = arith.constant 0 : i32
    %scan3A_2 = arith.constant 0 : i32
    %scan3A_3 = arith.constant 8 : i32
    %scan3A_4 = arith.addi %scan3A_2, %scan3A_3 : i32
    %scan3A_5 = arith.constant 1 : i32
    scf.for %scan3A_43 = %scan3A_2 to %scan3A_4 step %scan3A_5  : i32 {
      %swap3A = arith.index_cast %scan3A_43 : i32 to index
      %swap3A_44 = arith.constant 0 : index
      %swap3A_45 = tpu.vector_load %arg10[%swap3A, %swap3A_44] {strides = array<i32>} : memref<8x128xf32, #tpu.memory_space<vmem>>, vector<1x16xf32>,
      %swap3A_46 = vector.shape_cast %swap3A_45 : vector<1x16xf32> to vector<16xf32>
      %swap3A_47 = vector.shape_cast %broadcast_in_dim3A_1 : vector<16xf32> to vector<1x16xf32>
      tpu.vector_store %arg10[%swap3A, %swap3A_44], %swap3A_47 {strides = array<i32>} : memref<8x128xf32, #tpu.memory_space<vmem>>, vector<1x16xf32>,
      %swap3A_48 = arith.index_cast %scan3A_43 : i32 to index
      %swap3A_49 = arith.constant 16 : index
      %swap3A_50 = tpu.vector_load %arg10[%swap3A_48, %swap3A_49] {strides = array<i32>} : memref<8x128xf32, #tpu.memory_space<vmem>>, vector<1x16xf32>,
      %swap3A_51 = vector.shape_cast %swap3A_50 : vector<1x16xf32> to vector<16xf32>
      %swap3A_52 = vector.shape_cast %broadcast_in_dim3A_1 : vector<16xf32> to vector<1x16xf32>
      tpu.vector_store %arg10[%swap3A_48, %swap3A_49], %swap3A_52 {strides = array<i32>} : memref<8x128xf32, #tpu.memory_space<vmem>>, vector<1x16xf32>,
      %swap3A_53 = arith.index_cast %scan3A_43 : i32 to index
      %swap3A_54 = arith.constant 32 : index
      %swap3A_55 = tpu.vector_load %arg10[%swap3A_53, %swap3A_54] {strides = array<i32>} : memref<8x128xf32, #tpu.memory_space<vmem>>, vector<1x16xf32>,
      %swap3A_56 = vector.shape_cast %swap3A_55 : vector<1x16xf32> to vector<16xf32>
      %swap3A_57 = vector.shape_cast %broadcast_in_dim3A_1 : vector<16xf32> to vector<1x16xf32>
      tpu.vector_store %arg10[%swap3A_53, %swap3A_54], %swap3A_57 {strides = array<i32>} : memref<8x128xf32, #tpu.memory_space<vmem>>, vector<1x16xf32>,
      %swap3A_58 = arith.index_cast %scan3A_43 : i32 to index
      %swap3A_59 = arith.constant 48 : index
      %swap3A_60 = tpu.vector_load %arg10[%swap3A_58, %swap3A_59] {strides = array<i32>} : memref<8x128xf32, #tpu.memory_space<vmem>>, vector<1x16xf32>,
      %swap3A_61 = vector.shape_cast %swap3A_60 : vector<1x16xf32> to vector<16xf32>
      %swap3A_62 = vector.shape_cast %broadcast_in_dim3A_1 : vector<16xf32> to vector<1x16xf32>
      tpu.vector_store %arg10[%swap3A_58, %swap3A_59], %swap3A_62 {strides = array<i32>} : memref<8x128xf32, #tpu.memory_space<vmem>>, vector<1x16xf32>,
      %swap3A_63 = arith.index_cast %scan3A_43 : i32 to index
      %swap3A_64 = arith.constant 64 : index
      %swap3A_65 = tpu.vector_load %arg10[%swap3A_63, %swap3A_64] {strides = array<i32>} : memref<8x128xf32, #tpu.memory_space<vmem>>, vector<1x16xf32>,
      %swap3A_66 = vector.shape_cast %swap3A_65 : vector<1x16xf32> to vector<16xf32>
      %swap3A_67 = vector.shape_cast %broadcast_in_dim3A_1 : vector<16xf32> to vector<1x16xf32>
      tpu.vector_store %arg10[%swap3A_63, %swap3A_64], %swap3A_67 {strides = array<i32>} : memref<8x128xf32, #tpu.memory_space<vmem>>, vector<1x16xf32>,
      %swap3A_68 = arith.index_cast %scan3A_43 : i32 to index
      %swap3A_69 = arith.constant 80 : index
      %swap3A_70 = tpu.vector_load %arg10[%swap3A_68, %swap3A_69] {strides = array<i32>} : memref<8x128xf32, #tpu.memory_space<vmem>>, vector<1x16xf32>,
      %swap3A_71 = vector.shape_cast %swap3A_70 : vector<1x16xf32> to vector<16xf32>
      %swap3A_72 = vector.shape_cast %broadcast_in_dim3A_1 : vector<16xf32> to vector<1x16xf32>
      tpu.vector_store %arg10[%swap3A_68, %swap3A_69], %swap3A_72 {strides = array<i32>} : memref<8x128xf32, #tpu.memory_space<vmem>>, vector<1x16xf32>,
      %swap3A_73 = arith.index_cast %scan3A_43 : i32 to index
      %swap3A_74 = arith.constant 96 : index
      %swap3A_75 = tpu.vector_load %arg10[%swap3A_73, %swap3A_74] {strides = array<i32>} : memref<8x128xf32, #tpu.memory_space<vmem>>, vector<1x16xf32>,
      %swap3A_76 = vector.shape_cast %swap3A_75 : vector<1x16xf32> to vector<16xf32>
      %swap3A_77 = vector.shape_cast %broadcast_in_dim3A_1 : vector<16xf32> to vector<1x16xf32>
      tpu.vector_store %arg10[%swap3A_73, %swap3A_74], %swap3A_77 {strides = array<i32>} : memref<8x128xf32, #tpu.memory_space<vmem>>, vector<1x16xf32>,
      %swap3A_78 = arith.index_cast %scan3A_43 : i32 to index
      %swap3A_79 = arith.constant 112 : index
      %swap3A_80 = tpu.vector_load %arg10[%swap3A_78, %swap3A_79] {strides = array<i32>} : memref<8x128xf32, #tpu.memory_space<vmem>>, vector<1x16xf32>,
      %swap3A_81 = vector.shape_cast %swap3A_80 : vector<1x16xf32> to vector<16xf32>
      %swap3A_82 = vector.shape_cast %broadcast_in_dim3A_1 : vector<16xf32> to vector<1x16xf32>
      tpu.vector_store %arg10[%swap3A_78, %swap3A_79], %swap3A_82 {strides = array<i32>} : memref<8x128xf32, #tpu.memory_space<vmem>>, vector<1x16xf32>,
    }
    %scan3A_6 = arith.constant 8 : i32
    %scan3A_7 = arith.constant 0 : i32
    %scan3A_8 = arith.constant 0 : i32
    %scan3A_9 = arith.constant 79 : i32
    %scan3A_10 = arith.addi %scan3A_8, %scan3A_9 : i32
    %scan3A_11 = arith.constant 1 : i32
    scf.for %scan3A_43 = %scan3A_8 to %scan3A_10 step %scan3A_11  : i32 {
      %mul3A_44 = arith.constant 8 : i32
      %mul3A_45 = arith.muli %scan3A_43, %mul3A_44 : i32
      %add3A = arith.addi %mul3A_0, %mul3A_45 : i32
      "tpu.region"() ({
        %run_scoped3A = tpu.sem_alloc : memref<!tpu.dma_semaphore, #tpu.memory_space<semaphore_mem>>
        %dma_start3A_46 = arith.constant 0 : i32
        %dma_start3A_47 = tpu.memref_slice %arg11[%add3A, %dma_start3A_46] : memref<10112x128xf32, #tpu.memory_space<vmem_shared>> -> memref<8x128xf32, #tpu.memory_space<vmem_shared>>
        %dma_start3A_48 = arith.constant 0 : i32
        %dma_start3A_49 = tpu.memref_slice %arg11[%add3A, %dma_start3A_48] : memref<10112x128xf32, #tpu.memory_space<vmem_shared>> -> memref<8x128xf32, #tpu.memory_space<vmem_shared>>
        tpu.enqueue_dma source(%arg10 : memref<8x128xf32, #tpu.memory_space<vmem>>) target(%dma_start3A_49 : memref<8x128xf32, #tpu.memory_space<vmem_shared>>) target_semaphore(%run_scoped3A : memref<!tpu.dma_semaphore, #tpu.memory_space<semaphore_mem>>)
        %dma_wait3A = arith.constant 0 : i32
        %dma_wait3A_50 = tpu.memref_slice %arg11[%add3A, %dma_wait3A] : memref<10112x128xf32, #tpu.memory_space<vmem_shared>> -> memref<8x128xf32, #tpu.memory_space<vmem_shared>>
        %dma_wait3A_51 = arith.constant 0 : i32
        %dma_wait3A_52 = tpu.memref_slice %arg11[%add3A, %dma_wait3A_51] : memref<10112x128xf32, #tpu.memory_space<vmem_shared>> -> memref<8x128xf32, #tpu.memory_space<vmem_shared>>
        tpu.wait_dma2 semaphore(%run_scoped3A : memref<!tpu.dma_semaphore, #tpu.memory_space<semaphore_mem>>) src(%arg10 : memref<8x128xf32, #tpu.memory_space<vmem>>) dst(%dma_wait3A_52 : memref<8x128xf32, #tpu.memory_space<vmem_shared>>)
        tpu.yield
      }) : () -> ()
    }
    %scan3A_12 = arith.constant 79 : i32
    %barrier3A = arith.constant 0 : index
    tpu.barrier barrier_id(%barrier3A)
    "tpu.region"() ({
      %run_scoped3A = tpu.sem_alloc : memref<!tpu.dma_semaphore, #tpu.memory_space<semaphore_mem>>
      %dma_start3A_43 = arith.constant 0 : i32
      %dma_start3A_44 = arith.constant 0 : i32
      %dma_start3A_45 = tpu.memref_slice %arg3[%arg0, %arg1, %dma_start3A_43, %dma_start3A_44] : memref<2x16x80x125xi32, #tpu.memory_space<hbm>> -> memref<1x1x40x125xi32, #tpu.memory_space<hbm>>
      %dma_start3A_46 = tpu.memref_squeeze %dma_start3A_45 : memref<1x1x40x125xi32, #tpu.memory_space<hbm>> -> memref<40x125xi32, #tpu.memory_space<hbm>>
      %dma_start3A_47 = arith.constant 0 : i32
      %dma_start3A_48 = arith.constant 0 : i32
      %dma_start3A_49 = tpu.memref_slice %arg3[%arg0, %arg1, %dma_start3A_47, %dma_start3A_48] : memref<2x16x80x125xi32, #tpu.memory_space<hbm>> -> memref<1x1x40x125xi32, #tpu.memory_space<hbm>>
      %dma_start3A_50 = tpu.memref_squeeze %dma_start3A_49 : memref<1x1x40x125xi32, #tpu.memory_space<hbm>> -> memref<40x125xi32, #tpu.memory_space<hbm>>
      tpu.enqueue_dma source(%dma_start3A_50 : memref<40x125xi32, #tpu.memory_space<hbm>>) target(%arg6 : memref<40x125xi32, #tpu.memory_space<vmem>>) target_semaphore(%run_scoped3A : memref<!tpu.dma_semaphore, #tpu.memory_space<semaphore_mem>>)
      %dma_wait3A = arith.constant 0 : i32
      %dma_wait3A_51 = arith.constant 0 : i32
      %dma_wait3A_52 = tpu.memref_slice %arg3[%arg0, %arg1, %dma_wait3A, %dma_wait3A_51] : memref<2x16x80x125xi32, #tpu.memory_space<hbm>> -> memref<1x1x40x125xi32, #tpu.memory_space<hbm>>
      %dma_wait3A_53 = tpu.memref_squeeze %dma_wait3A_52 : memref<1x1x40x125xi32, #tpu.memory_space<hbm>> -> memref<40x125xi32, #tpu.memory_space<hbm>>
      %dma_wait3A_54 = arith.constant 0 : i32
      %dma_wait3A_55 = arith.constant 0 : i32
      %dma_wait3A_56 = tpu.memref_slice %arg3[%arg0, %arg1, %dma_wait3A_54, %dma_wait3A_55] : memref<2x16x80x125xi32, #tpu.memory_space<hbm>> -> memref<1x1x40x125xi32, #tpu.memory_space<hbm>>
      %dma_wait3A_57 = tpu.memref_squeeze %dma_wait3A_56 : memref<1x1x40x125xi32, #tpu.memory_space<hbm>> -> memref<40x125xi32, #tpu.memory_space<hbm>>
      tpu.wait_dma2 semaphore(%run_scoped3A : memref<!tpu.dma_semaphore, #tpu.memory_space<semaphore_mem>>) src(%dma_wait3A_57 : memref<40x125xi32, #tpu.memory_space<hbm>>) dst(%arg6 : memref<40x125xi32, #tpu.memory_space<vmem>>)
      tpu.yield
    }) : () -> ()
    "tpu.region"() ({
      %run_scoped3A = tpu.sem_alloc : memref<!tpu.dma_semaphore, #tpu.memory_space<semaphore_mem>>
      %dma_start3A_43 = arith.constant 0 : i32
      %dma_start3A_44 = arith.constant 0 : i32
      %dma_start3A_45 = tpu.memref_slice %arg4[%arg0, %arg1, %dma_start3A_43, %dma_start3A_44] : memref<2x16x80x125xi32, #tpu.memory_space<hbm>> -> memref<1x1x40x125xi32, #tpu.memory_space<hbm>>
      %dma_start3A_46 = tpu.memref_squeeze %dma_start3A_45 : memref<1x1x40x125xi32, #tpu.memory_space<hbm>> -> memref<40x125xi32, #tpu.memory_space<hbm>>
      %dma_start3A_47 = arith.constant 0 : i32
      %dma_start3A_48 = arith.constant 0 : i32
      %dma_start3A_49 = tpu.memref_slice %arg4[%arg0, %arg1, %dma_start3A_47, %dma_start3A_48] : memref<2x16x80x125xi32, #tpu.memory_space<hbm>> -> memref<1x1x40x125xi32, #tpu.memory_space<hbm>>
      %dma_start3A_50 = tpu.memref_squeeze %dma_start3A_49 : memref<1x1x40x125xi32, #tpu.memory_space<hbm>> -> memref<40x125xi32, #tpu.memory_space<hbm>>
      tpu.enqueue_dma source(%dma_start3A_50 : memref<40x125xi32, #tpu.memory_space<hbm>>) target(%arg7 : memref<40x125xi32, #tpu.memory_space<vmem>>) target_semaphore(%run_scoped3A : memref<!tpu.dma_semaphore, #tpu.memory_space<semaphore_mem>>)
      %dma_wait3A = arith.constant 0 : i32
      %dma_wait3A_51 = arith.constant 0 : i32
      %dma_wait3A_52 = tpu.memref_slice %arg4[%arg0, %arg1, %dma_wait3A, %dma_wait3A_51] : memref<2x16x80x125xi32, #tpu.memory_space<hbm>> -> memref<1x1x40x125xi32, #tpu.memory_space<hbm>>
      %dma_wait3A_53 = tpu.memref_squeeze %dma_wait3A_52 : memref<1x1x40x125xi32, #tpu.memory_space<hbm>> -> memref<40x125xi32, #tpu.memory_space<hbm>>
      %dma_wait3A_54 = arith.constant 0 : i32
      %dma_wait3A_55 = arith.constant 0 : i32
      %dma_wait3A_56 = tpu.memref_slice %arg4[%arg0, %arg1, %dma_wait3A_54, %dma_wait3A_55] : memref<2x16x80x125xi32, #tpu.memory_space<hbm>> -> memref<1x1x40x125xi32, #tpu.memory_space<hbm>>
      %dma_wait3A_57 = tpu.memref_squeeze %dma_wait3A_56 : memref<1x1x40x125xi32, #tpu.memory_space<hbm>> -> memref<40x125xi32, #tpu.memory_space<hbm>>
      tpu.wait_dma2 semaphore(%run_scoped3A : memref<!tpu.dma_semaphore, #tpu.memory_space<semaphore_mem>>) src(%dma_wait3A_57 : memref<40x125xi32, #tpu.memory_space<hbm>>) dst(%arg7 : memref<40x125xi32, #tpu.memory_space<vmem>>)
      tpu.yield
    }) : () -> ()
    %dma_start3A = arith.constant 0 : i32
    %dma_start3A_13 = arith.constant 0 : i32
    %dma_start3A_14 = tpu.memref_slice %arg6[%dma_start3A, %dma_start3A_13] : memref<40x125xi32, #tpu.memory_space<vmem>> -> memref<1x125xi32, #tpu.memory_space<vmem>>
    %dma_start3A_15 = tpu.memref_squeeze %dma_start3A_14 : memref<1x125xi32, #tpu.memory_space<vmem>> -> memref<125xi32, #tpu.memory_space<vmem>>
    %dma_start3A_16 = arith.constant 0 : i32
    %dma_start3A_17 = arith.constant 0 : i32
    %dma_start3A_18 = tpu.memref_slice %arg2[%dma_start3A_16, %dma_start3A_17] : memref<10000x128xf32, #tpu.memory_space<hbm>> -> memref<10000x128xf32, #tpu.memory_space<hbm>>
    tpu.enqueue_indirect_dma source(%dma_start3A_18 : memref<10000x128xf32, #tpu.memory_space<hbm>>) target(%arg8 : memref<125x128xf32, #tpu.memory_space<vmem>>) offsets(%dma_start3A_15 : memref<125xi32, #tpu.memory_space<vmem>>) semaphore(%arg12 : memref<!tpu.dma_semaphore, #tpu.memory_space<semaphore_mem>>)
    %scan3A_19 = arith.constant 0 : i32
    %scan3A_20 = arith.constant 0 : i32
    %scan3A_21 = arith.constant 20 : i32
    %scan3A_22 = arith.addi %scan3A_20, %scan3A_21 : i32
    %scan3A_23 = arith.constant 1 : i32
    scf.for %scan3A_43 = %scan3A_20 to %scan3A_22 step %scan3A_23  : i32 {
      %mul3A_44 = arith.constant 2 : i32
      %mul3A_45 = arith.muli %mul3A_44, %scan3A_43 : i32
      %add3A = arith.constant 1 : i32
      %add3A_46 = arith.addi %mul3A_45, %add3A : i32
      %dma_start3A_47 = arith.constant 0 : i32
      %dma_start3A_48 = tpu.memref_slice %arg6[%add3A_46, %dma_start3A_47] : memref<40x125xi32, #tpu.memory_space<vmem>> -> memref<1x125xi32, #tpu.memory_space<vmem>>
      %dma_start3A_49 = tpu.memref_squeeze %dma_start3A_48 : memref<1x125xi32, #tpu.memory_space<vmem>> -> memref<125xi32, #tpu.memory_space<vmem>>
      %dma_start3A_50 = arith.constant 0 : i32
      %dma_start3A_51 = arith.constant 0 : i32
      %dma_start3A_52 = tpu.memref_slice %arg2[%dma_start3A_50, %dma_start3A_51] : memref<10000x128xf32, #tpu.memory_space<hbm>> -> memref<10000x128xf32, #tpu.memory_space<hbm>>
      tpu.enqueue_indirect_dma source(%dma_start3A_52 : memref<10000x128xf32, #tpu.memory_space<hbm>>) target(%arg9 : memref<125x128xf32, #tpu.memory_space<vmem>>) offsets(%dma_start3A_49 : memref<125xi32, #tpu.memory_space<vmem>>) semaphore(%arg13 : memref<!tpu.dma_semaphore, #tpu.memory_space<semaphore_mem>>)
      %dma_wait3A = arith.constant 0 : i32
      %dma_wait3A_53 = arith.constant 0 : i32
      %dma_wait3A_54 = tpu.memref_slice %arg6[%dma_wait3A, %dma_wait3A_53] : memref<40x125xi32, #tpu.memory_space<vmem>> -> memref<1x125xi32, #tpu.memory_space<vmem>>
      %dma_wait3A_55 = tpu.memref_squeeze %dma_wait3A_54 : memref<1x125xi32, #tpu.memory_space<vmem>> -> memref<125xi32, #tpu.memory_space<vmem>>
      %dma_wait3A_56 = arith.constant 0 : i32
      %dma_wait3A_57 = arith.constant 0 : i32
      %dma_wait3A_58 = tpu.memref_slice %arg2[%dma_wait3A_56, %dma_wait3A_57] : memref<10000x128xf32, #tpu.memory_space<hbm>> -> memref<10000x128xf32, #tpu.memory_space<hbm>>
      tpu.wait_indirect_dma semaphore(%arg12 : memref<!tpu.dma_semaphore, #tpu.memory_space<semaphore_mem>>) src(%dma_wait3A_58 : memref<10000x128xf32, #tpu.memory_space<hbm>>) dst(%arg8 : memref<125x128xf32, #tpu.memory_space<vmem>>)
      %mul3A_59 = arith.constant 2 : i32
      %mul3A_60 = arith.muli %mul3A_59, %scan3A_43 : i32
      "tpu.region"() ({
        %run_scoped3A = tpu.sem_alloc : memref<!tpu.dma_semaphore, #tpu.memory_space<semaphore_mem>>
        %dma_start3A_74 = arith.constant 0 : i32
        %dma_start3A_75 = tpu.memref_slice %arg7[%mul3A_60, %dma_start3A_74] : memref<40x125xi32, #tpu.memory_space<vmem>> -> memref<1x125xi32, #tpu.memory_space<vmem>>
        %dma_start3A_76 = tpu.memref_squeeze %dma_start3A_75 : memref<1x125xi32, #tpu.memory_space<vmem>> -> memref<125xi32, #tpu.memory_space<vmem>>
        %dma_start3A_77 = arith.constant 0 : i32
        %dma_start3A_78 = arith.constant 0 : i32
        %dma_start3A_79 = tpu.memref_slice %arg11[%dma_start3A_77, %dma_start3A_78] : memref<10112x128xf32, #tpu.memory_space<vmem_shared>> -> memref<10112x128xf32, #tpu.memory_space<vmem_shared>>
        tpu.enqueue_indirect_dma source(%arg8 : memref<125x128xf32, #tpu.memory_space<vmem>>) target(%dma_start3A_79 : memref<10112x128xf32, #tpu.memory_space<vmem_shared>>) offsets(%dma_start3A_76 : memref<125xi32, #tpu.memory_space<vmem>>) semaphore(%run_scoped3A : memref<!tpu.dma_semaphore, #tpu.memory_space<semaphore_mem>>) {add = true}
        %dma_wait3A_80 = arith.constant 0 : i32
        %dma_wait3A_81 = tpu.memref_slice %arg7[%mul3A_60, %dma_wait3A_80] : memref<40x125xi32, #tpu.memory_space<vmem>> -> memref<1x125xi32, #tpu.memory_space<vmem>>
        %dma_wait3A_82 = tpu.memref_squeeze %dma_wait3A_81 : memref<1x125xi32, #tpu.memory_space<vmem>> -> memref<125xi32, #tpu.memory_space<vmem>>
        %dma_wait3A_83 = arith.constant 0 : i32
        %dma_wait3A_84 = arith.constant 0 : i32
        %dma_wait3A_85 = tpu.memref_slice %arg11[%dma_wait3A_83, %dma_wait3A_84] : memref<10112x128xf32, #tpu.memory_space<vmem_shared>> -> memref<10112x128xf32, #tpu.memory_space<vmem_shared>>
        tpu.wait_indirect_dma semaphore(%run_scoped3A : memref<!tpu.dma_semaphore, #tpu.memory_space<semaphore_mem>>) src(%arg8 : memref<125x128xf32, #tpu.memory_space<vmem>>) dst(%dma_wait3A_85 : memref<10112x128xf32, #tpu.memory_space<vmem_shared>>)
        tpu.yield
      }) : () -> ()
      %lt3A = arith.constant 19 : i32
      %lt3A_61 = arith.cmpi slt, %scan3A_43, %lt3A : i32
      %convert_element_type3A = arith.extui %lt3A_61 : i1 to i32
      %cond3A = arith.constant 0 : i32
      %cond3A_62 = arith.cmpi ne, %convert_element_type3A, %cond3A : i32
      scf.if %cond3A_62 {
        %mul3A_74 = arith.constant 2 : i32
        %mul3A_75 = arith.muli %mul3A_74, %scan3A_43 : i32
        %add3A_76 = arith.constant 2 : i32
        %add3A_77 = arith.addi %mul3A_75, %add3A_76 : i32
        %dma_start3A_78 = arith.constant 0 : i32
        %dma_start3A_79 = tpu.memref_slice %arg6[%add3A_77, %dma_start3A_78] : memref<40x125xi32, #tpu.memory_space<vmem>> -> memref<1x125xi32, #tpu.memory_space<vmem>>
        %dma_start3A_80 = tpu.memref_squeeze %dma_start3A_79 : memref<1x125xi32, #tpu.memory_space<vmem>> -> memref<125xi32, #tpu.memory_space<vmem>>
        %dma_start3A_81 = arith.constant 0 : i32
        %dma_start3A_82 = arith.constant 0 : i32
        %dma_start3A_83 = tpu.memref_slice %arg2[%dma_start3A_81, %dma_start3A_82] : memref<10000x128xf32, #tpu.memory_space<hbm>> -> memref<10000x128xf32, #tpu.memory_space<hbm>>
        tpu.enqueue_indirect_dma source(%dma_start3A_83 : memref<10000x128xf32, #tpu.memory_space<hbm>>) target(%arg8 : memref<125x128xf32, #tpu.memory_space<vmem>>) offsets(%dma_start3A_80 : memref<125xi32, #tpu.memory_space<vmem>>) semaphore(%arg12 : memref<!tpu.dma_semaphore, #tpu.memory_space<semaphore_mem>>)
      } else {
      }
      %dma_wait3A_63 = arith.constant 0 : i32
      %dma_wait3A_64 = arith.constant 0 : i32
      %dma_wait3A_65 = tpu.memref_slice %arg6[%dma_wait3A_63, %dma_wait3A_64] : memref<40x125xi32, #tpu.memory_space<vmem>> -> memref<1x125xi32, #tpu.memory_space<vmem>>
      %dma_wait3A_66 = tpu.memref_squeeze %dma_wait3A_65 : memref<1x125xi32, #tpu.memory_space<vmem>> -> memref<125xi32, #tpu.memory_space<vmem>>
      %dma_wait3A_67 = arith.constant 0 : i32
      %dma_wait3A_68 = arith.constant 0 : i32
      %dma_wait3A_69 = tpu.memref_slice %arg2[%dma_wait3A_67, %dma_wait3A_68] : memref<10000x128xf32, #tpu.memory_space<hbm>> -> memref<10000x128xf32, #tpu.memory_space<hbm>>
      tpu.wait_indirect_dma semaphore(%arg13 : memref<!tpu.dma_semaphore, #tpu.memory_space<semaphore_mem>>) src(%dma_wait3A_69 : memref<10000x128xf32, #tpu.memory_space<hbm>>) dst(%arg9 : memref<125x128xf32, #tpu.memory_space<vmem>>)
      %mul3A_70 = arith.constant 2 : i32
      %mul3A_71 = arith.muli %mul3A_70, %scan3A_43 : i32
      %add3A_72 = arith.constant 1 : i32
      %add3A_73 = arith.addi %mul3A_71, %add3A_72 : i32
      "tpu.region"() ({
        %run_scoped3A = tpu.sem_alloc : memref<!tpu.dma_semaphore, #tpu.memory_space<semaphore_mem>>
        %dma_start3A_74 = arith.constant 0 : i32
        %dma_start3A_75 = tpu.memref_slice %arg7[%add3A_73, %dma_start3A_74] : memref<40x125xi32, #tpu.memory_space<vmem>> -> memref<1x125xi32, #tpu.memory_space<vmem>>
        %dma_start3A_76 = tpu.memref_squeeze %dma_start3A_75 : memref<1x125xi32, #tpu.memory_space<vmem>> -> memref<125xi32, #tpu.memory_space<vmem>>
        %dma_start3A_77 = arith.constant 0 : i32
        %dma_start3A_78 = arith.constant 0 : i32
        %dma_start3A_79 = tpu.memref_slice %arg11[%dma_start3A_77, %dma_start3A_78] : memref<10112x128xf32, #tpu.memory_space<vmem_shared>> -> memref<10112x128xf32, #tpu.memory_space<vmem_shared>>
        tpu.enqueue_indirect_dma source(%arg9 : memref<125x128xf32, #tpu.memory_space<vmem>>) target(%dma_start3A_79 : memref<10112x128xf32, #tpu.memory_space<vmem_shared>>) offsets(%dma_start3A_76 : memref<125xi32, #tpu.memory_space<vmem>>) semaphore(%run_scoped3A : memref<!tpu.dma_semaphore, #tpu.memory_space<semaphore_mem>>) {add = true}
        %dma_wait3A_80 = arith.constant 0 : i32
        %dma_wait3A_81 = tpu.memref_slice %arg7[%add3A_73, %dma_wait3A_80] : memref<40x125xi32, #tpu.memory_space<vmem>> -> memref<1x125xi32, #tpu.memory_space<vmem>>
        %dma_wait3A_82 = tpu.memref_squeeze %dma_wait3A_81 : memref<1x125xi32, #tpu.memory_space<vmem>> -> memref<125xi32, #tpu.memory_space<vmem>>
        %dma_wait3A_83 = arith.constant 0 : i32
        %dma_wait3A_84 = arith.constant 0 : i32
        %dma_wait3A_85 = tpu.memref_slice %arg11[%dma_wait3A_83, %dma_wait3A_84] : memref<10112x128xf32, #tpu.memory_space<vmem_shared>> -> memref<10112x128xf32, #tpu.memory_space<vmem_shared>>
        tpu.wait_indirect_dma semaphore(%run_scoped3A : memref<!tpu.dma_semaphore, #tpu.memory_space<semaphore_mem>>) src(%arg9 : memref<125x128xf32, #tpu.memory_space<vmem>>) dst(%dma_wait3A_85 : memref<10112x128xf32, #tpu.memory_space<vmem_shared>>)
        tpu.yield
      }) : () -> ()
    }
    %scan3A_24 = arith.constant 20 : i32
    "tpu.region"() ({
      %run_scoped3A = tpu.sem_alloc : memref<!tpu.dma_semaphore, #tpu.memory_space<semaphore_mem>>
      %dma_start3A_43 = arith.constant 40 : i32
      %dma_start3A_44 = arith.constant 0 : i32
      %dma_start3A_45 = tpu.memref_slice %arg3[%arg0, %arg1, %dma_start3A_43, %dma_start3A_44] : memref<2x16x80x125xi32, #tpu.memory_space<hbm>> -> memref<1x1x40x125xi32, #tpu.memory_space<hbm>>
      %dma_start3A_46 = tpu.memref_squeeze %dma_start3A_45 : memref<1x1x40x125xi32, #tpu.memory_space<hbm>> -> memref<40x125xi32, #tpu.memory_space<hbm>>
      %dma_start3A_47 = arith.constant 40 : i32
      %dma_start3A_48 = arith.constant 0 : i32
      %dma_start3A_49 = tpu.memref_slice %arg3[%arg0, %arg1, %dma_start3A_47, %dma_start3A_48] : memref<2x16x80x125xi32, #tpu.memory_space<hbm>> -> memref<1x1x40x125xi32, #tpu.memory_space<hbm>>
      %dma_start3A_50 = tpu.memref_squeeze %dma_start3A_49 : memref<1x1x40x125xi32, #tpu.memory_space<hbm>> -> memref<40x125xi32, #tpu.memory_space<hbm>>
      tpu.enqueue_dma source(%dma_start3A_50 : memref<40x125xi32, #tpu.memory_space<hbm>>) target(%arg6 : memref<40x125xi32, #tpu.memory_space<vmem>>) target_semaphore(%run_scoped3A : memref<!tpu.dma_semaphore, #tpu.memory_space<semaphore_mem>>)
      %dma_wait3A = arith.constant 40 : i32
      %dma_wait3A_51 = arith.constant 0 : i32
      %dma_wait3A_52 = tpu.memref_slice %arg3[%arg0, %arg1, %dma_wait3A, %dma_wait3A_51] : memref<2x16x80x125xi32, #tpu.memory_space<hbm>> -> memref<1x1x40x125xi32, #tpu.memory_space<hbm>>
      %dma_wait3A_53 = tpu.memref_squeeze %dma_wait3A_52 : memref<1x1x40x125xi32, #tpu.memory_space<hbm>> -> memref<40x125xi32, #tpu.memory_space<hbm>>
      %dma_wait3A_54 = arith.constant 40 : i32
      %dma_wait3A_55 = arith.constant 0 : i32
      %dma_wait3A_56 = tpu.memref_slice %arg3[%arg0, %arg1, %dma_wait3A_54, %dma_wait3A_55] : memref<2x16x80x125xi32, #tpu.memory_space<hbm>> -> memref<1x1x40x125xi32, #tpu.memory_space<hbm>>
      %dma_wait3A_57 = tpu.memref_squeeze %dma_wait3A_56 : memref<1x1x40x125xi32, #tpu.memory_space<hbm>> -> memref<40x125xi32, #tpu.memory_space<hbm>>
      tpu.wait_dma2 semaphore(%run_scoped3A : memref<!tpu.dma_semaphore, #tpu.memory_space<semaphore_mem>>) src(%dma_wait3A_57 : memref<40x125xi32, #tpu.memory_space<hbm>>) dst(%arg6 : memref<40x125xi32, #tpu.memory_space<vmem>>)
      tpu.yield
    }) : () -> ()
    "tpu.region"() ({
      %run_scoped3A = tpu.sem_alloc : memref<!tpu.dma_semaphore, #tpu.memory_space<semaphore_mem>>
      %dma_start3A_43 = arith.constant 40 : i32
      %dma_start3A_44 = arith.constant 0 : i32
      %dma_start3A_45 = tpu.memref_slice %arg4[%arg0, %arg1, %dma_start3A_43, %dma_start3A_44] : memref<2x16x80x125xi32, #tpu.memory_space<hbm>> -> memref<1x1x40x125xi32, #tpu.memory_space<hbm>>
      %dma_start3A_46 = tpu.memref_squeeze %dma_start3A_45 : memref<1x1x40x125xi32, #tpu.memory_space<hbm>> -> memref<40x125xi32, #tpu.memory_space<hbm>>
      %dma_start3A_47 = arith.constant 40 : i32
      %dma_start3A_48 = arith.constant 0 : i32
      %dma_start3A_49 = tpu.memref_slice %arg4[%arg0, %arg1, %dma_start3A_47, %dma_start3A_48] : memref<2x16x80x125xi32, #tpu.memory_space<hbm>> -> memref<1x1x40x125xi32, #tpu.memory_space<hbm>>
      %dma_start3A_50 = tpu.memref_squeeze %dma_start3A_49 : memref<1x1x40x125xi32, #tpu.memory_space<hbm>> -> memref<40x125xi32, #tpu.memory_space<hbm>>
      tpu.enqueue_dma source(%dma_start3A_50 : memref<40x125xi32, #tpu.memory_space<hbm>>) target(%arg7 : memref<40x125xi32, #tpu.memory_space<vmem>>) target_semaphore(%run_scoped3A : memref<!tpu.dma_semaphore, #tpu.memory_space<semaphore_mem>>)
      %dma_wait3A = arith.constant 40 : i32
      %dma_wait3A_51 = arith.constant 0 : i32
      %dma_wait3A_52 = tpu.memref_slice %arg4[%arg0, %arg1, %dma_wait3A, %dma_wait3A_51] : memref<2x16x80x125xi32, #tpu.memory_space<hbm>> -> memref<1x1x40x125xi32, #tpu.memory_space<hbm>>
      %dma_wait3A_53 = tpu.memref_squeeze %dma_wait3A_52 : memref<1x1x40x125xi32, #tpu.memory_space<hbm>> -> memref<40x125xi32, #tpu.memory_space<hbm>>
      %dma_wait3A_54 = arith.constant 40 : i32
      %dma_wait3A_55 = arith.constant 0 : i32
      %dma_wait3A_56 = tpu.memref_slice %arg4[%arg0, %arg1, %dma_wait3A_54, %dma_wait3A_55] : memref<2x16x80x125xi32, #tpu.memory_space<hbm>> -> memref<1x1x40x125xi32, #tpu.memory_space<hbm>>
      %dma_wait3A_57 = tpu.memref_squeeze %dma_wait3A_56 : memref<1x1x40x125xi32, #tpu.memory_space<hbm>> -> memref<40x125xi32, #tpu.memory_space<hbm>>
      tpu.wait_dma2 semaphore(%run_scoped3A : memref<!tpu.dma_semaphore, #tpu.memory_space<semaphore_mem>>) src(%dma_wait3A_57 : memref<40x125xi32, #tpu.memory_space<hbm>>) dst(%arg7 : memref<40x125xi32, #tpu.memory_space<vmem>>)
      tpu.yield
    }) : () -> ()
    %dma_start3A_25 = arith.constant 0 : i32
    %dma_start3A_26 = arith.constant 0 : i32
    %dma_start3A_27 = tpu.memref_slice %arg6[%dma_start3A_25, %dma_start3A_26] : memref<40x125xi32, #tpu.memory_space<vmem>> -> memref<1x125xi32, #tpu.memory_space<vmem>>
    %dma_start3A_28 = tpu.memref_squeeze %dma_start3A_27 : memref<1x125xi32, #tpu.memory_space<vmem>> -> memref<125xi32, #tpu.memory_space<vmem>>
    %dma_start3A_29 = arith.constant 0 : i32
    %dma_start3A_30 = arith.constant 0 : i32
    %dma_start3A_31 = tpu.memref_slice %arg2[%dma_start3A_29, %dma_start3A_30] : memref<10000x128xf32, #tpu.memory_space<hbm>> -> memref<10000x128xf32, #tpu.memory_space<hbm>>
    tpu.enqueue_indirect_dma source(%dma_start3A_31 : memref<10000x128xf32, #tpu.memory_space<hbm>>) target(%arg8 : memref<125x128xf32, #tpu.memory_space<vmem>>) offsets(%dma_start3A_28 : memref<125xi32, #tpu.memory_space<vmem>>) semaphore(%arg12 : memref<!tpu.dma_semaphore, #tpu.memory_space<semaphore_mem>>)
    %scan3A_32 = arith.constant 0 : i32
    %scan3A_33 = arith.constant 0 : i32
    %scan3A_34 = arith.constant 20 : i32
    %scan3A_35 = arith.addi %scan3A_33, %scan3A_34 : i32
    %scan3A_36 = arith.constant 1 : i32
    scf.for %scan3A_43 = %scan3A_33 to %scan3A_35 step %scan3A_36  : i32 {
      %mul3A_44 = arith.constant 2 : i32
      %mul3A_45 = arith.muli %mul3A_44, %scan3A_43 : i32
      %add3A = arith.constant 1 : i32
      %add3A_46 = arith.addi %mul3A_45, %add3A : i32
      %dma_start3A_47 = arith.constant 0 : i32
      %dma_start3A_48 = tpu.memref_slice %arg6[%add3A_46, %dma_start3A_47] : memref<40x125xi32, #tpu.memory_space<vmem>> -> memref<1x125xi32, #tpu.memory_space<vmem>>
      %dma_start3A_49 = tpu.memref_squeeze %dma_start3A_48 : memref<1x125xi32, #tpu.memory_space<vmem>> -> memref<125xi32, #tpu.memory_space<vmem>>
      %dma_start3A_50 = arith.constant 0 : i32
      %dma_start3A_51 = arith.constant 0 : i32
      %dma_start3A_52 = tpu.memref_slice %arg2[%dma_start3A_50, %dma_start3A_51] : memref<10000x128xf32, #tpu.memory_space<hbm>> -> memref<10000x128xf32, #tpu.memory_space<hbm>>
      tpu.enqueue_indirect_dma source(%dma_start3A_52 : memref<10000x128xf32, #tpu.memory_space<hbm>>) target(%arg9 : memref<125x128xf32, #tpu.memory_space<vmem>>) offsets(%dma_start3A_49 : memref<125xi32, #tpu.memory_space<vmem>>) semaphore(%arg13 : memref<!tpu.dma_semaphore, #tpu.memory_space<semaphore_mem>>)
      %dma_wait3A = arith.constant 0 : i32
      %dma_wait3A_53 = arith.constant 0 : i32
      %dma_wait3A_54 = tpu.memref_slice %arg6[%dma_wait3A, %dma_wait3A_53] : memref<40x125xi32, #tpu.memory_space<vmem>> -> memref<1x125xi32, #tpu.memory_space<vmem>>
      %dma_wait3A_55 = tpu.memref_squeeze %dma_wait3A_54 : memref<1x125xi32, #tpu.memory_space<vmem>> -> memref<125xi32, #tpu.memory_space<vmem>>
      %dma_wait3A_56 = arith.constant 0 : i32
      %dma_wait3A_57 = arith.constant 0 : i32
      %dma_wait3A_58 = tpu.memref_slice %arg2[%dma_wait3A_56, %dma_wait3A_57] : memref<10000x128xf32, #tpu.memory_space<hbm>> -> memref<10000x128xf32, #tpu.memory_space<hbm>>
      tpu.wait_indirect_dma semaphore(%arg12 : memref<!tpu.dma_semaphore, #tpu.memory_space<semaphore_mem>>) src(%dma_wait3A_58 : memref<10000x128xf32, #tpu.memory_space<hbm>>) dst(%arg8 : memref<125x128xf32, #tpu.memory_space<vmem>>)
      %mul3A_59 = arith.constant 2 : i32
      %mul3A_60 = arith.muli %mul3A_59, %scan3A_43 : i32
      "tpu.region"() ({
        %run_scoped3A = tpu.sem_alloc : memref<!tpu.dma_semaphore, #tpu.memory_space<semaphore_mem>>
        %dma_start3A_74 = arith.constant 0 : i32
        %dma_start3A_75 = tpu.memref_slice %arg7[%mul3A_60, %dma_start3A_74] : memref<40x125xi32, #tpu.memory_space<vmem>> -> memref<1x125xi32, #tpu.memory_space<vmem>>
        %dma_start3A_76 = tpu.memref_squeeze %dma_start3A_75 : memref<1x125xi32, #tpu.memory_space<vmem>> -> memref<125xi32, #tpu.memory_space<vmem>>
        %dma_start3A_77 = arith.constant 0 : i32
        %dma_start3A_78 = arith.constant 0 : i32
        %dma_start3A_79 = tpu.memref_slice %arg11[%dma_start3A_77, %dma_start3A_78] : memref<10112x128xf32, #tpu.memory_space<vmem_shared>> -> memref<10112x128xf32, #tpu.memory_space<vmem_shared>>
        tpu.enqueue_indirect_dma source(%arg8 : memref<125x128xf32, #tpu.memory_space<vmem>>) target(%dma_start3A_79 : memref<10112x128xf32, #tpu.memory_space<vmem_shared>>) offsets(%dma_start3A_76 : memref<125xi32, #tpu.memory_space<vmem>>) semaphore(%run_scoped3A : memref<!tpu.dma_semaphore, #tpu.memory_space<semaphore_mem>>) {add = true}
        %dma_wait3A_80 = arith.constant 0 : i32
        %dma_wait3A_81 = tpu.memref_slice %arg7[%mul3A_60, %dma_wait3A_80] : memref<40x125xi32, #tpu.memory_space<vmem>> -> memref<1x125xi32, #tpu.memory_space<vmem>>
        %dma_wait3A_82 = tpu.memref_squeeze %dma_wait3A_81 : memref<1x125xi32, #tpu.memory_space<vmem>> -> memref<125xi32, #tpu.memory_space<vmem>>
        %dma_wait3A_83 = arith.constant 0 : i32
        %dma_wait3A_84 = arith.constant 0 : i32
        %dma_wait3A_85 = tpu.memref_slice %arg11[%dma_wait3A_83, %dma_wait3A_84] : memref<10112x128xf32, #tpu.memory_space<vmem_shared>> -> memref<10112x128xf32, #tpu.memory_space<vmem_shared>>
        tpu.wait_indirect_dma semaphore(%run_scoped3A : memref<!tpu.dma_semaphore, #tpu.memory_space<semaphore_mem>>) src(%arg8 : memref<125x128xf32, #tpu.memory_space<vmem>>) dst(%dma_wait3A_85 : memref<10112x128xf32, #tpu.memory_space<vmem_shared>>)
        tpu.yield
      }) : () -> ()
      %lt3A = arith.constant 19 : i32
      %lt3A_61 = arith.cmpi slt, %scan3A_43, %lt3A : i32
      %convert_element_type3A = arith.extui %lt3A_61 : i1 to i32
      %cond3A = arith.constant 0 : i32
      %cond3A_62 = arith.cmpi ne, %convert_element_type3A, %cond3A : i32
      scf.if %cond3A_62 {
        %mul3A_74 = arith.constant 2 : i32
        %mul3A_75 = arith.muli %mul3A_74, %scan3A_43 : i32
        %add3A_76 = arith.constant 2 : i32
        %add3A_77 = arith.addi %mul3A_75, %add3A_76 : i32
        %dma_start3A_78 = arith.constant 0 : i32
        %dma_start3A_79 = tpu.memref_slice %arg6[%add3A_77, %dma_start3A_78] : memref<40x125xi32, #tpu.memory_space<vmem>> -> memref<1x125xi32, #tpu.memory_space<vmem>>
        %dma_start3A_80 = tpu.memref_squeeze %dma_start3A_79 : memref<1x125xi32, #tpu.memory_space<vmem>> -> memref<125xi32, #tpu.memory_space<vmem>>
        %dma_start3A_81 = arith.constant 0 : i32
        %dma_start3A_82 = arith.constant 0 : i32
        %dma_start3A_83 = tpu.memref_slice %arg2[%dma_start3A_81, %dma_start3A_82] : memref<10000x128xf32, #tpu.memory_space<hbm>> -> memref<10000x128xf32, #tpu.memory_space<hbm>>
        tpu.enqueue_indirect_dma source(%dma_start3A_83 : memref<10000x128xf32, #tpu.memory_space<hbm>>) target(%arg8 : memref<125x128xf32, #tpu.memory_space<vmem>>) offsets(%dma_start3A_80 : memref<125xi32, #tpu.memory_space<vmem>>) semaphore(%arg12 : memref<!tpu.dma_semaphore, #tpu.memory_space<semaphore_mem>>)
      } else {
      }
      %dma_wait3A_63 = arith.constant 0 : i32
      %dma_wait3A_64 = arith.constant 0 : i32
      %dma_wait3A_65 = tpu.memref_slice %arg6[%dma_wait3A_63, %dma_wait3A_64] : memref<40x125xi32, #tpu.memory_space<vmem>> -> memref<1x125xi32, #tpu.memory_space<vmem>>
      %dma_wait3A_66 = tpu.memref_squeeze %dma_wait3A_65 : memref<1x125xi32, #tpu.memory_space<vmem>> -> memref<125xi32, #tpu.memory_space<vmem>>
      %dma_wait3A_67 = arith.constant 0 : i32
      %dma_wait3A_68 = arith.constant 0 : i32
      %dma_wait3A_69 = tpu.memref_slice %arg2[%dma_wait3A_67, %dma_wait3A_68] : memref<10000x128xf32, #tpu.memory_space<hbm>> -> memref<10000x128xf32, #tpu.memory_space<hbm>>
      tpu.wait_indirect_dma semaphore(%arg13 : memref<!tpu.dma_semaphore, #tpu.memory_space<semaphore_mem>>) src(%dma_wait3A_69 : memref<10000x128xf32, #tpu.memory_space<hbm>>) dst(%arg9 : memref<125x128xf32, #tpu.memory_space<vmem>>)
      %mul3A_70 = arith.constant 2 : i32
      %mul3A_71 = arith.muli %mul3A_70, %scan3A_43 : i32
      %add3A_72 = arith.constant 1 : i32
      %add3A_73 = arith.addi %mul3A_71, %add3A_72 : i32
      "tpu.region"() ({
        %run_scoped3A = tpu.sem_alloc : memref<!tpu.dma_semaphore, #tpu.memory_space<semaphore_mem>>
        %dma_start3A_74 = arith.constant 0 : i32
        %dma_start3A_75 = tpu.memref_slice %arg7[%add3A_73, %dma_start3A_74] : memref<40x125xi32, #tpu.memory_space<vmem>> -> memref<1x125xi32, #tpu.memory_space<vmem>>
        %dma_start3A_76 = tpu.memref_squeeze %dma_start3A_75 : memref<1x125xi32, #tpu.memory_space<vmem>> -> memref<125xi32, #tpu.memory_space<vmem>>
        %dma_start3A_77 = arith.constant 0 : i32
        %dma_start3A_78 = arith.constant 0 : i32
        %dma_start3A_79 = tpu.memref_slice %arg11[%dma_start3A_77, %dma_start3A_78] : memref<10112x128xf32, #tpu.memory_space<vmem_shared>> -> memref<10112x128xf32, #tpu.memory_space<vmem_shared>>
        tpu.enqueue_indirect_dma source(%arg9 : memref<125x128xf32, #tpu.memory_space<vmem>>) target(%dma_start3A_79 : memref<10112x128xf32, #tpu.memory_space<vmem_shared>>) offsets(%dma_start3A_76 : memref<125xi32, #tpu.memory_space<vmem>>) semaphore(%run_scoped3A : memref<!tpu.dma_semaphore, #tpu.memory_space<semaphore_mem>>) {add = true}
        %dma_wait3A_80 = arith.constant 0 : i32
        %dma_wait3A_81 = tpu.memref_slice %arg7[%add3A_73, %dma_wait3A_80] : memref<40x125xi32, #tpu.memory_space<vmem>> -> memref<1x125xi32, #tpu.memory_space<vmem>>
        %dma_wait3A_82 = tpu.memref_squeeze %dma_wait3A_81 : memref<1x125xi32, #tpu.memory_space<vmem>> -> memref<125xi32, #tpu.memory_space<vmem>>
        %dma_wait3A_83 = arith.constant 0 : i32
        %dma_wait3A_84 = arith.constant 0 : i32
        %dma_wait3A_85 = tpu.memref_slice %arg11[%dma_wait3A_83, %dma_wait3A_84] : memref<10112x128xf32, #tpu.memory_space<vmem_shared>> -> memref<10112x128xf32, #tpu.memory_space<vmem_shared>>
        tpu.wait_indirect_dma semaphore(%run_scoped3A : memref<!tpu.dma_semaphore, #tpu.memory_space<semaphore_mem>>) src(%arg9 : memref<125x128xf32, #tpu.memory_space<vmem>>) dst(%dma_wait3A_85 : memref<10112x128xf32, #tpu.memory_space<vmem_shared>>)
        tpu.yield
      }) : () -> ()
    }
    %scan3A_37 = arith.constant 20 : i32
    %barrier3A_38 = arith.constant 0 : index
    tpu.barrier barrier_id(%barrier3A_38)
    %mul3A_39 = arith.constant 632 : i32
    %mul3A_40 = arith.muli %arg1, %mul3A_39 : i32
    %mul3A_41 = arith.constant 632 : i32
    %mul3A_42 = arith.muli %arg1, %mul3A_41 : i32
    "tpu.region"() ({
      %run_scoped3A = tpu.sem_alloc : memref<!tpu.dma_semaphore, #tpu.memory_space<semaphore_mem>>
      %dma_start3A_43 = arith.constant 0 : i32
      %dma_start3A_44 = tpu.memref_slice %arg5[%arg0, %mul3A_42, %dma_start3A_43] : memref<2x10112x128xf32, #tpu.memory_space<hbm>> -> memref<1x632x128xf32, #tpu.memory_space<hbm>>
      %dma_start3A_45 = tpu.memref_squeeze %dma_start3A_44 : memref<1x632x128xf32, #tpu.memory_space<hbm>> -> memref<632x128xf32, #tpu.memory_space<hbm>>
      %dma_start3A_46 = arith.constant 0 : i32
      %dma_start3A_47 = tpu.memref_slice %arg11[%mul3A_40, %dma_start3A_46] : memref<10112x128xf32, #tpu.memory_space<vmem_shared>> -> memref<632x128xf32, #tpu.memory_space<vmem_shared>>
      tpu.enqueue_dma source(%dma_start3A_47 : memref<632x128xf32, #tpu.memory_space<vmem_shared>>) target(%dma_start3A_45 : memref<632x128xf32, #tpu.memory_space<hbm>>) target_semaphore(%run_scoped3A : memref<!tpu.dma_semaphore, #tpu.memory_space<semaphore_mem>>)
      %dma_wait3A = arith.constant 0 : i32
      %dma_wait3A_48 = tpu.memref_slice %arg5[%arg0, %mul3A_42, %dma_wait3A] : memref<2x10112x128xf32, #tpu.memory_space<hbm>> -> memref<1x632x128xf32, #tpu.memory_space<hbm>>
      %dma_wait3A_49 = tpu.memref_squeeze %dma_wait3A_48 : memref<1x632x128xf32, #tpu.memory_space<hbm>> -> memref<632x128xf32, #tpu.memory_space<hbm>>
      %dma_wait3A_50 = arith.constant 0 : i32
      %dma_wait3A_51 = tpu.memref_slice %arg11[%mul3A_40, %dma_wait3A_50] : memref<10112x128xf32, #tpu.memory_space<vmem_shared>> -> memref<632x128xf32, #tpu.memory_space<vmem_shared>>
      tpu.wait_dma2 semaphore(%run_scoped3A : memref<!tpu.dma_semaphore, #tpu.memory_space<semaphore_mem>>) src(%dma_wait3A_51 : memref<632x128xf32, #tpu.memory_space<vmem_shared>>) dst(%dma_wait3A_49 : memref<632x128xf32, #tpu.memory_space<hbm>>)
      tpu.yield
    }) : () -> ()
    return
  }
}

#map = affine_map<(d0, d1) -> (0, 0, 0, 0, 0)>
module attributes {stable_mosaic.version = 14 : i64} {
  func.func @_hist_body(%arg0: i32, %arg1: i32, %arg2: memref<2x2x16x157x128xi32, #tpu.memory_space<hbm>>, %arg3: memref<2x2x16x80x128xf32, #tpu.memory_space<hbm>>, %arg4: memref<157x128xi32, #tpu.memory_space<vmem>>, %arg5: memref<157x128xi32, #tpu.memory_space<vmem>>, %arg6: memref<80x128xf32, #tpu.memory_space<vmem>>, %arg7: memref<80x128xf32, #tpu.memory_space<vmem>>) attributes {dimension_semantics = [#tpu.dimension_semantics<core_parallel>, #tpu.dimension_semantics<subcore_parallel>], iteration_bounds = array<i64: 2, 16>, scalar_prefetch = 0 : i64, scratch_operands = 4 : i64, tpu.core_type = #tpu.core_type<sc_vector_subcore>, window_params = [{transform_indices = #map}, {transform_indices = #map}]} {
    %run_scoped3A = arith.constant 0 : i32
    "tpu.region"() ({
      %run_scoped3A_30 = tpu.sem_alloc : memref<!tpu.dma_semaphore, #tpu.memory_space<semaphore_mem>>
      %dma_start3A = arith.constant 0 : i32
      %dma_start3A_31 = arith.constant 0 : i32
      %dma_start3A_32 = tpu.memref_slice %arg2[%arg0, %run_scoped3A, %arg1, %dma_start3A, %dma_start3A_31] : memref<2x2x16x157x128xi32, #tpu.memory_space<hbm>> -> memref<1x1x1x157x128xi32, #tpu.memory_space<hbm>>
      %dma_start3A_33 = tpu.memref_squeeze %dma_start3A_32 : memref<1x1x1x157x128xi32, #tpu.memory_space<hbm>> -> memref<157x128xi32, #tpu.memory_space<hbm>>
      %dma_start3A_34 = arith.constant 0 : i32
      %dma_start3A_35 = arith.constant 0 : i32
      %dma_start3A_36 = tpu.memref_slice %arg2[%arg0, %run_scoped3A, %arg1, %dma_start3A_34, %dma_start3A_35] : memref<2x2x16x157x128xi32, #tpu.memory_space<hbm>> -> memref<1x1x1x157x128xi32, #tpu.memory_space<hbm>>
      %dma_start3A_37 = tpu.memref_squeeze %dma_start3A_36 : memref<1x1x1x157x128xi32, #tpu.memory_space<hbm>> -> memref<157x128xi32, #tpu.memory_space<hbm>>
      tpu.enqueue_dma source(%dma_start3A_37 : memref<157x128xi32, #tpu.memory_space<hbm>>) target(%arg4 : memref<157x128xi32, #tpu.memory_space<vmem>>) target_semaphore(%run_scoped3A_30 : memref<!tpu.dma_semaphore, #tpu.memory_space<semaphore_mem>>)
      %dma_wait3A = arith.constant 0 : i32
      %dma_wait3A_38 = arith.constant 0 : i32
      %dma_wait3A_39 = tpu.memref_slice %arg2[%arg0, %run_scoped3A, %arg1, %dma_wait3A, %dma_wait3A_38] : memref<2x2x16x157x128xi32, #tpu.memory_space<hbm>> -> memref<1x1x1x157x128xi32, #tpu.memory_space<hbm>>
      %dma_wait3A_40 = tpu.memref_squeeze %dma_wait3A_39 : memref<1x1x1x157x128xi32, #tpu.memory_space<hbm>> -> memref<157x128xi32, #tpu.memory_space<hbm>>
      %dma_wait3A_41 = arith.constant 0 : i32
      %dma_wait3A_42 = arith.constant 0 : i32
      %dma_wait3A_43 = tpu.memref_slice %arg2[%arg0, %run_scoped3A, %arg1, %dma_wait3A_41, %dma_wait3A_42] : memref<2x2x16x157x128xi32, #tpu.memory_space<hbm>> -> memref<1x1x1x157x128xi32, #tpu.memory_space<hbm>>
      %dma_wait3A_44 = tpu.memref_squeeze %dma_wait3A_43 : memref<1x1x1x157x128xi32, #tpu.memory_space<hbm>> -> memref<157x128xi32, #tpu.memory_space<hbm>>
      tpu.wait_dma2 semaphore(%run_scoped3A_30 : memref<!tpu.dma_semaphore, #tpu.memory_space<semaphore_mem>>) src(%dma_wait3A_44 : memref<157x128xi32, #tpu.memory_space<hbm>>) dst(%arg4 : memref<157x128xi32, #tpu.memory_space<vmem>>)
      tpu.yield
    }) : () -> ()
    %run_scoped3A_0 = arith.constant 1 : i32
    "tpu.region"() ({
      %run_scoped3A_30 = tpu.sem_alloc : memref<!tpu.dma_semaphore, #tpu.memory_space<semaphore_mem>>
      %dma_start3A = arith.constant 0 : i32
      %dma_start3A_31 = arith.constant 0 : i32
      %dma_start3A_32 = tpu.memref_slice %arg2[%arg0, %run_scoped3A_0, %arg1, %dma_start3A, %dma_start3A_31] : memref<2x2x16x157x128xi32, #tpu.memory_space<hbm>> -> memref<1x1x1x157x128xi32, #tpu.memory_space<hbm>>
      %dma_start3A_33 = tpu.memref_squeeze %dma_start3A_32 : memref<1x1x1x157x128xi32, #tpu.memory_space<hbm>> -> memref<157x128xi32, #tpu.memory_space<hbm>>
      %dma_start3A_34 = arith.constant 0 : i32
      %dma_start3A_35 = arith.constant 0 : i32
      %dma_start3A_36 = tpu.memref_slice %arg2[%arg0, %run_scoped3A_0, %arg1, %dma_start3A_34, %dma_start3A_35] : memref<2x2x16x157x128xi32, #tpu.memory_space<hbm>> -> memref<1x1x1x157x128xi32, #tpu.memory_space<hbm>>
      %dma_start3A_37 = tpu.memref_squeeze %dma_start3A_36 : memref<1x1x1x157x128xi32, #tpu.memory_space<hbm>> -> memref<157x128xi32, #tpu.memory_space<hbm>>
      tpu.enqueue_dma source(%dma_start3A_37 : memref<157x128xi32, #tpu.memory_space<hbm>>) target(%arg5 : memref<157x128xi32, #tpu.memory_space<vmem>>) target_semaphore(%run_scoped3A_30 : memref<!tpu.dma_semaphore, #tpu.memory_space<semaphore_mem>>)
      %dma_wait3A = arith.constant 0 : i32
      %dma_wait3A_38 = arith.constant 0 : i32
      %dma_wait3A_39 = tpu.memref_slice %arg2[%arg0, %run_scoped3A_0, %arg1, %dma_wait3A, %dma_wait3A_38] : memref<2x2x16x157x128xi32, #tpu.memory_space<hbm>> -> memref<1x1x1x157x128xi32, #tpu.memory_space<hbm>>
      %dma_wait3A_40 = tpu.memref_squeeze %dma_wait3A_39 : memref<1x1x1x157x128xi32, #tpu.memory_space<hbm>> -> memref<157x128xi32, #tpu.memory_space<hbm>>
      %dma_wait3A_41 = arith.constant 0 : i32
      %dma_wait3A_42 = arith.constant 0 : i32
      %dma_wait3A_43 = tpu.memref_slice %arg2[%arg0, %run_scoped3A_0, %arg1, %dma_wait3A_41, %dma_wait3A_42] : memref<2x2x16x157x128xi32, #tpu.memory_space<hbm>> -> memref<1x1x1x157x128xi32, #tpu.memory_space<hbm>>
      %dma_wait3A_44 = tpu.memref_squeeze %dma_wait3A_43 : memref<1x1x1x157x128xi32, #tpu.memory_space<hbm>> -> memref<157x128xi32, #tpu.memory_space<hbm>>
      tpu.wait_dma2 semaphore(%run_scoped3A_30 : memref<!tpu.dma_semaphore, #tpu.memory_space<semaphore_mem>>) src(%dma_wait3A_44 : memref<157x128xi32, #tpu.memory_space<hbm>>) dst(%arg5 : memref<157x128xi32, #tpu.memory_space<vmem>>)
      tpu.yield
    }) : () -> ()
    %broadcast_in_dim3A = arith.constant 0.000000e+00 : f32
    %broadcast_in_dim3A_1 = vector.broadcast %broadcast_in_dim3A : f32 to vector<16xf32>
    %scan3A = arith.constant 0 : i32
    %scan3A_2 = arith.constant 0 : i32
    %scan3A_3 = arith.constant 80 : i32
    %scan3A_4 = arith.addi %scan3A_2, %scan3A_3 : i32
    %scan3A_5 = arith.constant 1 : i32
    scf.for %scan3A_30 = %scan3A_2 to %scan3A_4 step %scan3A_5  : i32 {
      %swap3A = arith.index_cast %scan3A_30 : i32 to index
      %swap3A_31 = arith.constant 0 : index
      %swap3A_32 = tpu.vector_load %arg6[%swap3A, %swap3A_31] {strides = array<i32>} : memref<80x128xf32, #tpu.memory_space<vmem>>, vector<16xf32>,
      tpu.vector_store %arg6[%swap3A, %swap3A_31], %broadcast_in_dim3A_1 {strides = array<i32>} : memref<80x128xf32, #tpu.memory_space<vmem>>, vector<16xf32>,
      %swap3A_33 = arith.index_cast %scan3A_30 : i32 to index
      %swap3A_34 = arith.constant 16 : index
      %swap3A_35 = tpu.vector_load %arg6[%swap3A_33, %swap3A_34] {strides = array<i32>} : memref<80x128xf32, #tpu.memory_space<vmem>>, vector<16xf32>,
      tpu.vector_store %arg6[%swap3A_33, %swap3A_34], %broadcast_in_dim3A_1 {strides = array<i32>} : memref<80x128xf32, #tpu.memory_space<vmem>>, vector<16xf32>,
      %swap3A_36 = arith.index_cast %scan3A_30 : i32 to index
      %swap3A_37 = arith.constant 32 : index
      %swap3A_38 = tpu.vector_load %arg6[%swap3A_36, %swap3A_37] {strides = array<i32>} : memref<80x128xf32, #tpu.memory_space<vmem>>, vector<16xf32>,
      tpu.vector_store %arg6[%swap3A_36, %swap3A_37], %broadcast_in_dim3A_1 {strides = array<i32>} : memref<80x128xf32, #tpu.memory_space<vmem>>, vector<16xf32>,
      %swap3A_39 = arith.index_cast %scan3A_30 : i32 to index
      %swap3A_40 = arith.constant 48 : index
      %swap3A_41 = tpu.vector_load %arg6[%swap3A_39, %swap3A_40] {strides = array<i32>} : memref<80x128xf32, #tpu.memory_space<vmem>>, vector<16xf32>,
      tpu.vector_store %arg6[%swap3A_39, %swap3A_40], %broadcast_in_dim3A_1 {strides = array<i32>} : memref<80x128xf32, #tpu.memory_space<vmem>>, vector<16xf32>,
      %swap3A_42 = arith.index_cast %scan3A_30 : i32 to index
      %swap3A_43 = arith.constant 64 : index
      %swap3A_44 = tpu.vector_load %arg6[%swap3A_42, %swap3A_43] {strides = array<i32>} : memref<80x128xf32, #tpu.memory_space<vmem>>, vector<16xf32>,
      tpu.vector_store %arg6[%swap3A_42, %swap3A_43], %broadcast_in_dim3A_1 {strides = array<i32>} : memref<80x128xf32, #tpu.memory_space<vmem>>, vector<16xf32>,
      %swap3A_45 = arith.index_cast %scan3A_30 : i32 to index
      %swap3A_46 = arith.constant 80 : index
      %swap3A_47 = tpu.vector_load %arg6[%swap3A_45, %swap3A_46] {strides = array<i32>} : memref<80x128xf32, #tpu.memory_space<vmem>>, vector<16xf32>,
      tpu.vector_store %arg6[%swap3A_45, %swap3A_46], %broadcast_in_dim3A_1 {strides = array<i32>} : memref<80x128xf32, #tpu.memory_space<vmem>>, vector<16xf32>,
      %swap3A_48 = arith.index_cast %scan3A_30 : i32 to index
      %swap3A_49 = arith.constant 96 : index
      %swap3A_50 = tpu.vector_load %arg6[%swap3A_48, %swap3A_49] {strides = array<i32>} : memref<80x128xf32, #tpu.memory_space<vmem>>, vector<16xf32>,
      tpu.vector_store %arg6[%swap3A_48, %swap3A_49], %broadcast_in_dim3A_1 {strides = array<i32>} : memref<80x128xf32, #tpu.memory_space<vmem>>, vector<16xf32>,
      %swap3A_51 = arith.index_cast %scan3A_30 : i32 to index
      %swap3A_52 = arith.constant 112 : index
      %swap3A_53 = tpu.vector_load %arg6[%swap3A_51, %swap3A_52] {strides = array<i32>} : memref<80x128xf32, #tpu.memory_space<vmem>>, vector<16xf32>,
      tpu.vector_store %arg6[%swap3A_51, %swap3A_52], %broadcast_in_dim3A_1 {strides = array<i32>} : memref<80x128xf32, #tpu.memory_space<vmem>>, vector<16xf32>,
    }
    %scan3A_6 = arith.constant 80 : i32
    %broadcast_in_dim3A_7 = arith.constant 0.000000e+00 : f32
    %broadcast_in_dim3A_8 = vector.broadcast %broadcast_in_dim3A_7 : f32 to vector<16xf32>
    %scan3A_9 = arith.constant 0 : i32
    %scan3A_10 = arith.constant 0 : i32
    %scan3A_11 = arith.constant 80 : i32
    %scan3A_12 = arith.addi %scan3A_10, %scan3A_11 : i32
    %scan3A_13 = arith.constant 1 : i32
    scf.for %scan3A_30 = %scan3A_10 to %scan3A_12 step %scan3A_13  : i32 {
      %swap3A = arith.index_cast %scan3A_30 : i32 to index
      %swap3A_31 = arith.constant 0 : index
      %swap3A_32 = tpu.vector_load %arg7[%swap3A, %swap3A_31] {strides = array<i32>} : memref<80x128xf32, #tpu.memory_space<vmem>>, vector<16xf32>,
      tpu.vector_store %arg7[%swap3A, %swap3A_31], %broadcast_in_dim3A_8 {strides = array<i32>} : memref<80x128xf32, #tpu.memory_space<vmem>>, vector<16xf32>,
      %swap3A_33 = arith.index_cast %scan3A_30 : i32 to index
      %swap3A_34 = arith.constant 16 : index
      %swap3A_35 = tpu.vector_load %arg7[%swap3A_33, %swap3A_34] {strides = array<i32>} : memref<80x128xf32, #tpu.memory_space<vmem>>, vector<16xf32>,
      tpu.vector_store %arg7[%swap3A_33, %swap3A_34], %broadcast_in_dim3A_8 {strides = array<i32>} : memref<80x128xf32, #tpu.memory_space<vmem>>, vector<16xf32>,
      %swap3A_36 = arith.index_cast %scan3A_30 : i32 to index
      %swap3A_37 = arith.constant 32 : index
      %swap3A_38 = tpu.vector_load %arg7[%swap3A_36, %swap3A_37] {strides = array<i32>} : memref<80x128xf32, #tpu.memory_space<vmem>>, vector<16xf32>,
      tpu.vector_store %arg7[%swap3A_36, %swap3A_37], %broadcast_in_dim3A_8 {strides = array<i32>} : memref<80x128xf32, #tpu.memory_space<vmem>>, vector<16xf32>,
      %swap3A_39 = arith.index_cast %scan3A_30 : i32 to index
      %swap3A_40 = arith.constant 48 : index
      %swap3A_41 = tpu.vector_load %arg7[%swap3A_39, %swap3A_40] {strides = array<i32>} : memref<80x128xf32, #tpu.memory_space<vmem>>, vector<16xf32>,
      tpu.vector_store %arg7[%swap3A_39, %swap3A_40], %broadcast_in_dim3A_8 {strides = array<i32>} : memref<80x128xf32, #tpu.memory_space<vmem>>, vector<16xf32>,
      %swap3A_42 = arith.index_cast %scan3A_30 : i32 to index
      %swap3A_43 = arith.constant 64 : index
      %swap3A_44 = tpu.vector_load %arg7[%swap3A_42, %swap3A_43] {strides = array<i32>} : memref<80x128xf32, #tpu.memory_space<vmem>>, vector<16xf32>,
      tpu.vector_store %arg7[%swap3A_42, %swap3A_43], %broadcast_in_dim3A_8 {strides = array<i32>} : memref<80x128xf32, #tpu.memory_space<vmem>>, vector<16xf32>,
      %swap3A_45 = arith.index_cast %scan3A_30 : i32 to index
      %swap3A_46 = arith.constant 80 : index
      %swap3A_47 = tpu.vector_load %arg7[%swap3A_45, %swap3A_46] {strides = array<i32>} : memref<80x128xf32, #tpu.memory_space<vmem>>, vector<16xf32>,
      tpu.vector_store %arg7[%swap3A_45, %swap3A_46], %broadcast_in_dim3A_8 {strides = array<i32>} : memref<80x128xf32, #tpu.memory_space<vmem>>, vector<16xf32>,
      %swap3A_48 = arith.index_cast %scan3A_30 : i32 to index
      %swap3A_49 = arith.constant 96 : index
      %swap3A_50 = tpu.vector_load %arg7[%swap3A_48, %swap3A_49] {strides = array<i32>} : memref<80x128xf32, #tpu.memory_space<vmem>>, vector<16xf32>,
      tpu.vector_store %arg7[%swap3A_48, %swap3A_49], %broadcast_in_dim3A_8 {strides = array<i32>} : memref<80x128xf32, #tpu.memory_space<vmem>>, vector<16xf32>,
      %swap3A_51 = arith.index_cast %scan3A_30 : i32 to index
      %swap3A_52 = arith.constant 112 : index
      %swap3A_53 = tpu.vector_load %arg7[%swap3A_51, %swap3A_52] {strides = array<i32>} : memref<80x128xf32, #tpu.memory_space<vmem>>, vector<16xf32>,
      tpu.vector_store %arg7[%swap3A_51, %swap3A_52], %broadcast_in_dim3A_8 {strides = array<i32>} : memref<80x128xf32, #tpu.memory_space<vmem>>, vector<16xf32>,
    }
    %scan3A_14 = arith.constant 80 : i32
    %iota3A = tpu.iota {dimensions = array<i32: 0>} : vector<16xi32>
    %scan3A_15 = arith.constant 0 : i32
    %scan3A_16 = arith.constant 0 : i32
    %scan3A_17 = arith.constant 157 : i32
    %scan3A_18 = arith.addi %scan3A_16, %scan3A_17 : i32
    %scan3A_19 = arith.constant 1 : i32
    scf.for %scan3A_30 = %scan3A_16 to %scan3A_18 step %scan3A_19  : i32 {
      %get3A = arith.index_cast %scan3A_30 : i32 to index
      %get3A_31 = arith.constant 0 : index
      %get3A_32 = tpu.vector_load %arg4[%get3A, %get3A_31] {strides = array<i32>} : memref<157x128xi32, #tpu.memory_space<vmem>>, vector<16xi32>,
      %masked_sort3A = arith.constant dense<true> : vector<16xi1>
      %masked_sort3A_33 = arith.constant -2147483648 : i32
      %masked_sort3A_34 = vector.broadcast %masked_sort3A_33 : i32 to vector<16xi32>
      %masked_sort3A_35 = arith.xori %get3A_32, %masked_sort3A_34 : vector<16xi32>
      %masked_sort3A_36, %masked_sort3A_37, %masked_sort3A_38 = tpu.sort %masked_sort3A_35, %get3A_32 masked %masked_sort3A : (vector<16xi32>, vector<16xi32>, vector<16xi1>) -> (vector<16xi1>, vector<16xi32>, vector<16xi32>)
      %masked_sort3A_39 = arith.xori %masked_sort3A_37, %masked_sort3A_34 : vector<16xi32>
      %sub3A = arith.constant 1 : i32
      %sub3A_40 = vector.broadcast %sub3A : i32 to vector<16xi32>
      %sub3A_41 = arith.subi %iota3A, %sub3A_40 : vector<16xi32>
      %max3A = arith.constant 0 : i32
      %max3A_42 = vector.broadcast %max3A : i32 to vector<16xi32>
      %max3A_43 = arith.maxsi %sub3A_41, %max3A_42 : vector<16xi32>
      %lt3A = arith.constant 0 : i32
      %lt3A_44 = vector.broadcast %lt3A : i32 to vector<16xi32>
      %lt3A_45 = arith.cmpi slt, %max3A_43, %lt3A_44 : vector<16xi32>
      %add3A = arith.constant 16 : i32
      %add3A_46 = vector.broadcast %add3A : i32 to vector<16xi32>
      %add3A_47 = arith.addi %max3A_43, %add3A_46 : vector<16xi32>
      %select_n3A = arith.select %lt3A_45, %add3A_47, %max3A_43 : vector<16xi1>, vector<16xi32>
      %broadcast_in_dim3A_48 = vector.shape_cast %select_n3A : vector<16xi32> to vector<16x1xi32>
      %gather3A = vector.shape_cast %broadcast_in_dim3A_48 : vector<16x1xi32> to vector<16xi32>
      %gather3A_49 = tpu.dynamic_gather %masked_sort3A_39[%gather3A] in [0] : vector<16xi32>, vector<16xi32> -> vector<16xi32>
      %add3A_50 = arith.constant 1 : i32
      %add3A_51 = vector.broadcast %add3A_50 : i32 to vector<16xi32>
      %add3A_52 = arith.addi %iota3A, %add3A_51 : vector<16xi32>
      %min3A = arith.constant 15 : i32
      %min3A_53 = vector.broadcast %min3A : i32 to vector<16xi32>
      %min3A_54 = arith.minsi %add3A_52, %min3A_53 : vector<16xi32>
      %lt3A_55 = arith.constant 0 : i32
      %lt3A_56 = vector.broadcast %lt3A_55 : i32 to vector<16xi32>
      %lt3A_57 = arith.cmpi slt, %min3A_54, %lt3A_56 : vector<16xi32>
      %add3A_58 = arith.constant 16 : i32
      %add3A_59 = vector.broadcast %add3A_58 : i32 to vector<16xi32>
      %add3A_60 = arith.addi %min3A_54, %add3A_59 : vector<16xi32>
      %select_n3A_61 = arith.select %lt3A_57, %add3A_60, %min3A_54 : vector<16xi1>, vector<16xi32>
      %broadcast_in_dim3A_62 = vector.shape_cast %select_n3A_61 : vector<16xi32> to vector<16x1xi32>
      %gather3A_63 = vector.shape_cast %broadcast_in_dim3A_62 : vector<16x1xi32> to vector<16xi32>
      %gather3A_64 = tpu.dynamic_gather %masked_sort3A_39[%gather3A_63] in [0] : vector<16xi32>, vector<16xi32> -> vector<16xi32>
      %eq3A = arith.constant 0 : i32
      %eq3A_65 = vector.broadcast %eq3A : i32 to vector<16xi32>
      %eq3A_66 = arith.cmpi eq, %iota3A, %eq3A_65 : vector<16xi32>
      %ne3A = arith.cmpi ne, %masked_sort3A_39, %gather3A_49 : vector<16xi32>
      %or3A = arith.ori %eq3A_66, %ne3A : vector<16xi1>
      %eq3A_67 = arith.constant 15 : i32
      %eq3A_68 = vector.broadcast %eq3A_67 : i32 to vector<16xi32>
      %eq3A_69 = arith.cmpi eq, %iota3A, %eq3A_68 : vector<16xi32>
      %ne3A_70 = arith.cmpi ne, %masked_sort3A_39, %gather3A_64 : vector<16xi32>
      %or3A_71 = arith.ori %eq3A_69, %ne3A_70 : vector<16xi1>
      %jit3A = arith.constant 0 : i32
      %broadcast_in_dim3A_72 = vector.broadcast %jit3A : i32 to vector<16xi32>
      %select_n3A_73 = arith.select %or3A, %iota3A, %broadcast_in_dim3A_72 : vector<16xi1>, vector<16xi32>
      %broadcast_in_dim3A_74 = arith.constant true
      %broadcast_in_dim3A_75 = vector.broadcast %broadcast_in_dim3A_74 : i1 to vector<16xi1>
      %masked_cummax3A = arith.constant -2147483648 : i32
      %masked_cummax3A_76 = vector.broadcast %masked_cummax3A : i32 to vector<16xi32>
      %masked_cummax3A_77 = arith.xori %select_n3A_73, %masked_cummax3A_76 : vector<16xi32>
      %masked_cummax3A_78 = tpu.scan <max>, %masked_cummax3A_77 masked %broadcast_in_dim3A_75 : vector<16xi32>, vector<16xi1> -> vector<16xi32>
      %masked_cummax3A_79 = arith.xori %masked_cummax3A_78, %masked_cummax3A_76 : vector<16xi32>
      %sub3A_80 = arith.subi %iota3A, %masked_cummax3A_79 : vector<16xi32>
      %add3A_81 = arith.constant 1 : i32
      %add3A_82 = vector.broadcast %add3A_81 : i32 to vector<16xi32>
      %add3A_83 = arith.addi %sub3A_80, %add3A_82 : vector<16xi32>
      %convert_element_type3A = arith.sitofp %add3A_83 : vector<16xi32> to vector<16xf32>
      %shift_right_logical3A = arith.constant 7 : i32
      %shift_right_logical3A_84 = vector.broadcast %shift_right_logical3A : i32 to vector<16xi32>
      %shift_right_logical3A_85 = arith.shrui %masked_sort3A_39, %shift_right_logical3A_84 : vector<16xi32>
      %and3A = arith.constant 127 : i32
      %and3A_86 = vector.broadcast %and3A : i32 to vector<16xi32>
      %and3A_87 = arith.andi %masked_sort3A_39, %and3A_86 : vector<16xi32>
      tpu.vector_store_idx %arg6[%shift_right_logical3A_85, %and3A_87], %convert_element_type3A masked %or3A_71 {add = true} : memref<80x128xf32, #tpu.memory_space<vmem>>[vector<16xi32>, vector<16xi32>], vector<16xf32>, vector<16xi1>
      %get3A_88 = arith.index_cast %scan3A_30 : i32 to index
      %get3A_89 = arith.constant 16 : index
      %get3A_90 = tpu.vector_load %arg4[%get3A_88, %get3A_89] {strides = array<i32>} : memref<157x128xi32, #tpu.memory_space<vmem>>, vector<16xi32>,
      %masked_sort3A_91 = arith.constant dense<true> : vector<16xi1>
      %masked_sort3A_92 = arith.constant -2147483648 : i32
      %masked_sort3A_93 = vector.broadcast %masked_sort3A_92 : i32 to vector<16xi32>
      %masked_sort3A_94 = arith.xori %get3A_90, %masked_sort3A_93 : vector<16xi32>
      %masked_sort3A_95, %masked_sort3A_96, %masked_sort3A_97 = tpu.sort %masked_sort3A_94, %get3A_90 masked %masked_sort3A_91 : (vector<16xi32>, vector<16xi32>, vector<16xi1>) -> (vector<16xi1>, vector<16xi32>, vector<16xi32>)
      %masked_sort3A_98 = arith.xori %masked_sort3A_96, %masked_sort3A_93 : vector<16xi32>
      %sub3A_99 = arith.constant 1 : i32
      %sub3A_100 = vector.broadcast %sub3A_99 : i32 to vector<16xi32>
      %sub3A_101 = arith.subi %iota3A, %sub3A_100 : vector<16xi32>
      %max3A_102 = arith.constant 0 : i32
      %max3A_103 = vector.broadcast %max3A_102 : i32 to vector<16xi32>
      %max3A_104 = arith.maxsi %sub3A_101, %max3A_103 : vector<16xi32>
      %lt3A_105 = arith.constant 0 : i32
      %lt3A_106 = vector.broadcast %lt3A_105 : i32 to vector<16xi32>
      %lt3A_107 = arith.cmpi slt, %max3A_104, %lt3A_106 : vector<16xi32>
      %add3A_108 = arith.constant 16 : i32
      %add3A_109 = vector.broadcast %add3A_108 : i32 to vector<16xi32>
      %add3A_110 = arith.addi %max3A_104, %add3A_109 : vector<16xi32>
      %select_n3A_111 = arith.select %lt3A_107, %add3A_110, %max3A_104 : vector<16xi1>, vector<16xi32>
      %broadcast_in_dim3A_112 = vector.shape_cast %select_n3A_111 : vector<16xi32> to vector<16x1xi32>
      %gather3A_113 = vector.shape_cast %broadcast_in_dim3A_112 : vector<16x1xi32> to vector<16xi32>
      %gather3A_114 = tpu.dynamic_gather %masked_sort3A_98[%gather3A_113] in [0] : vector<16xi32>, vector<16xi32> -> vector<16xi32>
      %add3A_115 = arith.constant 1 : i32
      %add3A_116 = vector.broadcast %add3A_115 : i32 to vector<16xi32>
      %add3A_117 = arith.addi %iota3A, %add3A_116 : vector<16xi32>
      %min3A_118 = arith.constant 15 : i32
      %min3A_119 = vector.broadcast %min3A_118 : i32 to vector<16xi32>
      %min3A_120 = arith.minsi %add3A_117, %min3A_119 : vector<16xi32>
      %lt3A_121 = arith.constant 0 : i32
      %lt3A_122 = vector.broadcast %lt3A_121 : i32 to vector<16xi32>
      %lt3A_123 = arith.cmpi slt, %min3A_120, %lt3A_122 : vector<16xi32>
      %add3A_124 = arith.constant 16 : i32
      %add3A_125 = vector.broadcast %add3A_124 : i32 to vector<16xi32>
      %add3A_126 = arith.addi %min3A_120, %add3A_125 : vector<16xi32>
      %select_n3A_127 = arith.select %lt3A_123, %add3A_126, %min3A_120 : vector<16xi1>, vector<16xi32>
      %broadcast_in_dim3A_128 = vector.shape_cast %select_n3A_127 : vector<16xi32> to vector<16x1xi32>
      %gather3A_129 = vector.shape_cast %broadcast_in_dim3A_128 : vector<16x1xi32> to vector<16xi32>
      %gather3A_130 = tpu.dynamic_gather %masked_sort3A_98[%gather3A_129] in [0] : vector<16xi32>, vector<16xi32> -> vector<16xi32>
      %eq3A_131 = arith.constant 0 : i32
      %eq3A_132 = vector.broadcast %eq3A_131 : i32 to vector<16xi32>
      %eq3A_133 = arith.cmpi eq, %iota3A, %eq3A_132 : vector<16xi32>
      %ne3A_134 = arith.cmpi ne, %masked_sort3A_98, %gather3A_114 : vector<16xi32>
      %or3A_135 = arith.ori %eq3A_133, %ne3A_134 : vector<16xi1>
      %eq3A_136 = arith.constant 15 : i32
      %eq3A_137 = vector.broadcast %eq3A_136 : i32 to vector<16xi32>
      %eq3A_138 = arith.cmpi eq, %iota3A, %eq3A_137 : vector<16xi32>
      %ne3A_139 = arith.cmpi ne, %masked_sort3A_98, %gather3A_130 : vector<16xi32>
      %or3A_140 = arith.ori %eq3A_138, %ne3A_139 : vector<16xi1>
      %jit3A_141 = arith.constant 0 : i32
      %broadcast_in_dim3A_142 = vector.broadcast %jit3A_141 : i32 to vector<16xi32>
      %select_n3A_143 = arith.select %or3A_135, %iota3A, %broadcast_in_dim3A_142 : vector<16xi1>, vector<16xi32>
      %broadcast_in_dim3A_144 = arith.constant true
      %broadcast_in_dim3A_145 = vector.broadcast %broadcast_in_dim3A_144 : i1 to vector<16xi1>
      %masked_cummax3A_146 = arith.constant -2147483648 : i32
      %masked_cummax3A_147 = vector.broadcast %masked_cummax3A_146 : i32 to vector<16xi32>
      %masked_cummax3A_148 = arith.xori %select_n3A_143, %masked_cummax3A_147 : vector<16xi32>
      %masked_cummax3A_149 = tpu.scan <max>, %masked_cummax3A_148 masked %broadcast_in_dim3A_145 : vector<16xi32>, vector<16xi1> -> vector<16xi32>
      %masked_cummax3A_150 = arith.xori %masked_cummax3A_149, %masked_cummax3A_147 : vector<16xi32>
      %sub3A_151 = arith.subi %iota3A, %masked_cummax3A_150 : vector<16xi32>
      %add3A_152 = arith.constant 1 : i32
      %add3A_153 = vector.broadcast %add3A_152 : i32 to vector<16xi32>
      %add3A_154 = arith.addi %sub3A_151, %add3A_153 : vector<16xi32>
      %convert_element_type3A_155 = arith.sitofp %add3A_154 : vector<16xi32> to vector<16xf32>
      %shift_right_logical3A_156 = arith.constant 7 : i32
      %shift_right_logical3A_157 = vector.broadcast %shift_right_logical3A_156 : i32 to vector<16xi32>
      %shift_right_logical3A_158 = arith.shrui %masked_sort3A_98, %shift_right_logical3A_157 : vector<16xi32>
      %and3A_159 = arith.constant 127 : i32
      %and3A_160 = vector.broadcast %and3A_159 : i32 to vector<16xi32>
      %and3A_161 = arith.andi %masked_sort3A_98, %and3A_160 : vector<16xi32>
      tpu.vector_store_idx %arg6[%shift_right_logical3A_158, %and3A_161], %convert_element_type3A_155 masked %or3A_140 {add = true} : memref<80x128xf32, #tpu.memory_space<vmem>>[vector<16xi32>, vector<16xi32>], vector<16xf32>, vector<16xi1>
      %get3A_162 = arith.index_cast %scan3A_30 : i32 to index
      %get3A_163 = arith.constant 32 : index
      %get3A_164 = tpu.vector_load %arg4[%get3A_162, %get3A_163] {strides = array<i32>} : memref<157x128xi32, #tpu.memory_space<vmem>>, vector<16xi32>,
      %masked_sort3A_165 = arith.constant dense<true> : vector<16xi1>
      %masked_sort3A_166 = arith.constant -2147483648 : i32
      %masked_sort3A_167 = vector.broadcast %masked_sort3A_166 : i32 to vector<16xi32>
      %masked_sort3A_168 = arith.xori %get3A_164, %masked_sort3A_167 : vector<16xi32>
      %masked_sort3A_169, %masked_sort3A_170, %masked_sort3A_171 = tpu.sort %masked_sort3A_168, %get3A_164 masked %masked_sort3A_165 : (vector<16xi32>, vector<16xi32>, vector<16xi1>) -> (vector<16xi1>, vector<16xi32>, vector<16xi32>)
      %masked_sort3A_172 = arith.xori %masked_sort3A_170, %masked_sort3A_167 : vector<16xi32>
      %sub3A_173 = arith.constant 1 : i32
      %sub3A_174 = vector.broadcast %sub3A_173 : i32 to vector<16xi32>
      %sub3A_175 = arith.subi %iota3A, %sub3A_174 : vector<16xi32>
      %max3A_176 = arith.constant 0 : i32
      %max3A_177 = vector.broadcast %max3A_176 : i32 to vector<16xi32>
      %max3A_178 = arith.maxsi %sub3A_175, %max3A_177 : vector<16xi32>
      %lt3A_179 = arith.constant 0 : i32
      %lt3A_180 = vector.broadcast %lt3A_179 : i32 to vector<16xi32>
      %lt3A_181 = arith.cmpi slt, %max3A_178, %lt3A_180 : vector<16xi32>
      %add3A_182 = arith.constant 16 : i32
      %add3A_183 = vector.broadcast %add3A_182 : i32 to vector<16xi32>
      %add3A_184 = arith.addi %max3A_178, %add3A_183 : vector<16xi32>
      %select_n3A_185 = arith.select %lt3A_181, %add3A_184, %max3A_178 : vector<16xi1>, vector<16xi32>
      %broadcast_in_dim3A_186 = vector.shape_cast %select_n3A_185 : vector<16xi32> to vector<16x1xi32>
      %gather3A_187 = vector.shape_cast %broadcast_in_dim3A_186 : vector<16x1xi32> to vector<16xi32>
      %gather3A_188 = tpu.dynamic_gather %masked_sort3A_172[%gather3A_187] in [0] : vector<16xi32>, vector<16xi32> -> vector<16xi32>
      %add3A_189 = arith.constant 1 : i32
      %add3A_190 = vector.broadcast %add3A_189 : i32 to vector<16xi32>
      %add3A_191 = arith.addi %iota3A, %add3A_190 : vector<16xi32>
      %min3A_192 = arith.constant 15 : i32
      %min3A_193 = vector.broadcast %min3A_192 : i32 to vector<16xi32>
      %min3A_194 = arith.minsi %add3A_191, %min3A_193 : vector<16xi32>
      %lt3A_195 = arith.constant 0 : i32
      %lt3A_196 = vector.broadcast %lt3A_195 : i32 to vector<16xi32>
      %lt3A_197 = arith.cmpi slt, %min3A_194, %lt3A_196 : vector<16xi32>
      %add3A_198 = arith.constant 16 : i32
      %add3A_199 = vector.broadcast %add3A_198 : i32 to vector<16xi32>
      %add3A_200 = arith.addi %min3A_194, %add3A_199 : vector<16xi32>
      %select_n3A_201 = arith.select %lt3A_197, %add3A_200, %min3A_194 : vector<16xi1>, vector<16xi32>
      %broadcast_in_dim3A_202 = vector.shape_cast %select_n3A_201 : vector<16xi32> to vector<16x1xi32>
      %gather3A_203 = vector.shape_cast %broadcast_in_dim3A_202 : vector<16x1xi32> to vector<16xi32>
      %gather3A_204 = tpu.dynamic_gather %masked_sort3A_172[%gather3A_203] in [0] : vector<16xi32>, vector<16xi32> -> vector<16xi32>
      %eq3A_205 = arith.constant 0 : i32
      %eq3A_206 = vector.broadcast %eq3A_205 : i32 to vector<16xi32>
      %eq3A_207 = arith.cmpi eq, %iota3A, %eq3A_206 : vector<16xi32>
      %ne3A_208 = arith.cmpi ne, %masked_sort3A_172, %gather3A_188 : vector<16xi32>
      %or3A_209 = arith.ori %eq3A_207, %ne3A_208 : vector<16xi1>
      %eq3A_210 = arith.constant 15 : i32
      %eq3A_211 = vector.broadcast %eq3A_210 : i32 to vector<16xi32>
      %eq3A_212 = arith.cmpi eq, %iota3A, %eq3A_211 : vector<16xi32>
      %ne3A_213 = arith.cmpi ne, %masked_sort3A_172, %gather3A_204 : vector<16xi32>
      %or3A_214 = arith.ori %eq3A_212, %ne3A_213 : vector<16xi1>
      %jit3A_215 = arith.constant 0 : i32
      %broadcast_in_dim3A_216 = vector.broadcast %jit3A_215 : i32 to vector<16xi32>
      %select_n3A_217 = arith.select %or3A_209, %iota3A, %broadcast_in_dim3A_216 : vector<16xi1>, vector<16xi32>
      %broadcast_in_dim3A_218 = arith.constant true
      %broadcast_in_dim3A_219 = vector.broadcast %broadcast_in_dim3A_218 : i1 to vector<16xi1>
      %masked_cummax3A_220 = arith.constant -2147483648 : i32
      %masked_cummax3A_221 = vector.broadcast %masked_cummax3A_220 : i32 to vector<16xi32>
      %masked_cummax3A_222 = arith.xori %select_n3A_217, %masked_cummax3A_221 : vector<16xi32>
      %masked_cummax3A_223 = tpu.scan <max>, %masked_cummax3A_222 masked %broadcast_in_dim3A_219 : vector<16xi32>, vector<16xi1> -> vector<16xi32>
      %masked_cummax3A_224 = arith.xori %masked_cummax3A_223, %masked_cummax3A_221 : vector<16xi32>
      %sub3A_225 = arith.subi %iota3A, %masked_cummax3A_224 : vector<16xi32>
      %add3A_226 = arith.constant 1 : i32
      %add3A_227 = vector.broadcast %add3A_226 : i32 to vector<16xi32>
      %add3A_228 = arith.addi %sub3A_225, %add3A_227 : vector<16xi32>
      %convert_element_type3A_229 = arith.sitofp %add3A_228 : vector<16xi32> to vector<16xf32>
      %shift_right_logical3A_230 = arith.constant 7 : i32
      %shift_right_logical3A_231 = vector.broadcast %shift_right_logical3A_230 : i32 to vector<16xi32>
      %shift_right_logical3A_232 = arith.shrui %masked_sort3A_172, %shift_right_logical3A_231 : vector<16xi32>
      %and3A_233 = arith.constant 127 : i32
      %and3A_234 = vector.broadcast %and3A_233 : i32 to vector<16xi32>
      %and3A_235 = arith.andi %masked_sort3A_172, %and3A_234 : vector<16xi32>
      tpu.vector_store_idx %arg6[%shift_right_logical3A_232, %and3A_235], %convert_element_type3A_229 masked %or3A_214 {add = true} : memref<80x128xf32, #tpu.memory_space<vmem>>[vector<16xi32>, vector<16xi32>], vector<16xf32>, vector<16xi1>
      %get3A_236 = arith.index_cast %scan3A_30 : i32 to index
      %get3A_237 = arith.constant 48 : index
      %get3A_238 = tpu.vector_load %arg4[%get3A_236, %get3A_237] {strides = array<i32>} : memref<157x128xi32, #tpu.memory_space<vmem>>, vector<16xi32>,
      %masked_sort3A_239 = arith.constant dense<true> : vector<16xi1>
      %masked_sort3A_240 = arith.constant -2147483648 : i32
      %masked_sort3A_241 = vector.broadcast %masked_sort3A_240 : i32 to vector<16xi32>
      %masked_sort3A_242 = arith.xori %get3A_238, %masked_sort3A_241 : vector<16xi32>
      %masked_sort3A_243, %masked_sort3A_244, %masked_sort3A_245 = tpu.sort %masked_sort3A_242, %get3A_238 masked %masked_sort3A_239 : (vector<16xi32>, vector<16xi32>, vector<16xi1>) -> (vector<16xi1>, vector<16xi32>, vector<16xi32>)
      %masked_sort3A_246 = arith.xori %masked_sort3A_244, %masked_sort3A_241 : vector<16xi32>
      %sub3A_247 = arith.constant 1 : i32
      %sub3A_248 = vector.broadcast %sub3A_247 : i32 to vector<16xi32>
      %sub3A_249 = arith.subi %iota3A, %sub3A_248 : vector<16xi32>
      %max3A_250 = arith.constant 0 : i32
      %max3A_251 = vector.broadcast %max3A_250 : i32 to vector<16xi32>
      %max3A_252 = arith.maxsi %sub3A_249, %max3A_251 : vector<16xi32>
      %lt3A_253 = arith.constant 0 : i32
      %lt3A_254 = vector.broadcast %lt3A_253 : i32 to vector<16xi32>
      %lt3A_255 = arith.cmpi slt, %max3A_252, %lt3A_254 : vector<16xi32>
      %add3A_256 = arith.constant 16 : i32
      %add3A_257 = vector.broadcast %add3A_256 : i32 to vector<16xi32>
      %add3A_258 = arith.addi %max3A_252, %add3A_257 : vector<16xi32>
      %select_n3A_259 = arith.select %lt3A_255, %add3A_258, %max3A_252 : vector<16xi1>, vector<16xi32>
      %broadcast_in_dim3A_260 = vector.shape_cast %select_n3A_259 : vector<16xi32> to vector<16x1xi32>
      %gather3A_261 = vector.shape_cast %broadcast_in_dim3A_260 : vector<16x1xi32> to vector<16xi32>
      %gather3A_262 = tpu.dynamic_gather %masked_sort3A_246[%gather3A_261] in [0] : vector<16xi32>, vector<16xi32> -> vector<16xi32>
      %add3A_263 = arith.constant 1 : i32
      %add3A_264 = vector.broadcast %add3A_263 : i32 to vector<16xi32>
      %add3A_265 = arith.addi %iota3A, %add3A_264 : vector<16xi32>
      %min3A_266 = arith.constant 15 : i32
      %min3A_267 = vector.broadcast %min3A_266 : i32 to vector<16xi32>
      %min3A_268 = arith.minsi %add3A_265, %min3A_267 : vector<16xi32>
      %lt3A_269 = arith.constant 0 : i32
      %lt3A_270 = vector.broadcast %lt3A_269 : i32 to vector<16xi32>
      %lt3A_271 = arith.cmpi slt, %min3A_268, %lt3A_270 : vector<16xi32>
      %add3A_272 = arith.constant 16 : i32
      %add3A_273 = vector.broadcast %add3A_272 : i32 to vector<16xi32>
      %add3A_274 = arith.addi %min3A_268, %add3A_273 : vector<16xi32>
      %select_n3A_275 = arith.select %lt3A_271, %add3A_274, %min3A_268 : vector<16xi1>, vector<16xi32>
      %broadcast_in_dim3A_276 = vector.shape_cast %select_n3A_275 : vector<16xi32> to vector<16x1xi32>
      %gather3A_277 = vector.shape_cast %broadcast_in_dim3A_276 : vector<16x1xi32> to vector<16xi32>
      %gather3A_278 = tpu.dynamic_gather %masked_sort3A_246[%gather3A_277] in [0] : vector<16xi32>, vector<16xi32> -> vector<16xi32>
      %eq3A_279 = arith.constant 0 : i32
      %eq3A_280 = vector.broadcast %eq3A_279 : i32 to vector<16xi32>
      %eq3A_281 = arith.cmpi eq, %iota3A, %eq3A_280 : vector<16xi32>
      %ne3A_282 = arith.cmpi ne, %masked_sort3A_246, %gather3A_262 : vector<16xi32>
      %or3A_283 = arith.ori %eq3A_281, %ne3A_282 : vector<16xi1>
      %eq3A_284 = arith.constant 15 : i32
      %eq3A_285 = vector.broadcast %eq3A_284 : i32 to vector<16xi32>
      %eq3A_286 = arith.cmpi eq, %iota3A, %eq3A_285 : vector<16xi32>
      %ne3A_287 = arith.cmpi ne, %masked_sort3A_246, %gather3A_278 : vector<16xi32>
      %or3A_288 = arith.ori %eq3A_286, %ne3A_287 : vector<16xi1>
      %jit3A_289 = arith.constant 0 : i32
      %broadcast_in_dim3A_290 = vector.broadcast %jit3A_289 : i32 to vector<16xi32>
      %select_n3A_291 = arith.select %or3A_283, %iota3A, %broadcast_in_dim3A_290 : vector<16xi1>, vector<16xi32>
      %broadcast_in_dim3A_292 = arith.constant true
      %broadcast_in_dim3A_293 = vector.broadcast %broadcast_in_dim3A_292 : i1 to vector<16xi1>
      %masked_cummax3A_294 = arith.constant -2147483648 : i32
      %masked_cummax3A_295 = vector.broadcast %masked_cummax3A_294 : i32 to vector<16xi32>
      %masked_cummax3A_296 = arith.xori %select_n3A_291, %masked_cummax3A_295 : vector<16xi32>
      %masked_cummax3A_297 = tpu.scan <max>, %masked_cummax3A_296 masked %broadcast_in_dim3A_293 : vector<16xi32>, vector<16xi1> -> vector<16xi32>
      %masked_cummax3A_298 = arith.xori %masked_cummax3A_297, %masked_cummax3A_295 : vector<16xi32>
      %sub3A_299 = arith.subi %iota3A, %masked_cummax3A_298 : vector<16xi32>
      %add3A_300 = arith.constant 1 : i32
      %add3A_301 = vector.broadcast %add3A_300 : i32 to vector<16xi32>
      %add3A_302 = arith.addi %sub3A_299, %add3A_301 : vector<16xi32>
      %convert_element_type3A_303 = arith.sitofp %add3A_302 : vector<16xi32> to vector<16xf32>
      %shift_right_logical3A_304 = arith.constant 7 : i32
      %shift_right_logical3A_305 = vector.broadcast %shift_right_logical3A_304 : i32 to vector<16xi32>
      %shift_right_logical3A_306 = arith.shrui %masked_sort3A_246, %shift_right_logical3A_305 : vector<16xi32>
      %and3A_307 = arith.constant 127 : i32
      %and3A_308 = vector.broadcast %and3A_307 : i32 to vector<16xi32>
      %and3A_309 = arith.andi %masked_sort3A_246, %and3A_308 : vector<16xi32>
      tpu.vector_store_idx %arg6[%shift_right_logical3A_306, %and3A_309], %convert_element_type3A_303 masked %or3A_288 {add = true} : memref<80x128xf32, #tpu.memory_space<vmem>>[vector<16xi32>, vector<16xi32>], vector<16xf32>, vector<16xi1>
      %get3A_310 = arith.index_cast %scan3A_30 : i32 to index
      %get3A_311 = arith.constant 64 : index
      %get3A_312 = tpu.vector_load %arg4[%get3A_310, %get3A_311] {strides = array<i32>} : memref<157x128xi32, #tpu.memory_space<vmem>>, vector<16xi32>,
      %masked_sort3A_313 = arith.constant dense<true> : vector<16xi1>
      %masked_sort3A_314 = arith.constant -2147483648 : i32
      %masked_sort3A_315 = vector.broadcast %masked_sort3A_314 : i32 to vector<16xi32>
      %masked_sort3A_316 = arith.xori %get3A_312, %masked_sort3A_315 : vector<16xi32>
      %masked_sort3A_317, %masked_sort3A_318, %masked_sort3A_319 = tpu.sort %masked_sort3A_316, %get3A_312 masked %masked_sort3A_313 : (vector<16xi32>, vector<16xi32>, vector<16xi1>) -> (vector<16xi1>, vector<16xi32>, vector<16xi32>)
      %masked_sort3A_320 = arith.xori %masked_sort3A_318, %masked_sort3A_315 : vector<16xi32>
      %sub3A_321 = arith.constant 1 : i32
      %sub3A_322 = vector.broadcast %sub3A_321 : i32 to vector<16xi32>
      %sub3A_323 = arith.subi %iota3A, %sub3A_322 : vector<16xi32>
      %max3A_324 = arith.constant 0 : i32
      %max3A_325 = vector.broadcast %max3A_324 : i32 to vector<16xi32>
      %max3A_326 = arith.maxsi %sub3A_323, %max3A_325 : vector<16xi32>
      %lt3A_327 = arith.constant 0 : i32
      %lt3A_328 = vector.broadcast %lt3A_327 : i32 to vector<16xi32>
      %lt3A_329 = arith.cmpi slt, %max3A_326, %lt3A_328 : vector<16xi32>
      %add3A_330 = arith.constant 16 : i32
      %add3A_331 = vector.broadcast %add3A_330 : i32 to vector<16xi32>
      %add3A_332 = arith.addi %max3A_326, %add3A_331 : vector<16xi32>
      %select_n3A_333 = arith.select %lt3A_329, %add3A_332, %max3A_326 : vector<16xi1>, vector<16xi32>
      %broadcast_in_dim3A_334 = vector.shape_cast %select_n3A_333 : vector<16xi32> to vector<16x1xi32>
      %gather3A_335 = vector.shape_cast %broadcast_in_dim3A_334 : vector<16x1xi32> to vector<16xi32>
      %gather3A_336 = tpu.dynamic_gather %masked_sort3A_320[%gather3A_335] in [0] : vector<16xi32>, vector<16xi32> -> vector<16xi32>
      %add3A_337 = arith.constant 1 : i32
      %add3A_338 = vector.broadcast %add3A_337 : i32 to vector<16xi32>
      %add3A_339 = arith.addi %iota3A, %add3A_338 : vector<16xi32>
      %min3A_340 = arith.constant 15 : i32
      %min3A_341 = vector.broadcast %min3A_340 : i32 to vector<16xi32>
      %min3A_342 = arith.minsi %add3A_339, %min3A_341 : vector<16xi32>
      %lt3A_343 = arith.constant 0 : i32
      %lt3A_344 = vector.broadcast %lt3A_343 : i32 to vector<16xi32>
      %lt3A_345 = arith.cmpi slt, %min3A_342, %lt3A_344 : vector<16xi32>
      %add3A_346 = arith.constant 16 : i32
      %add3A_347 = vector.broadcast %add3A_346 : i32 to vector<16xi32>
      %add3A_348 = arith.addi %min3A_342, %add3A_347 : vector<16xi32>
      %select_n3A_349 = arith.select %lt3A_345, %add3A_348, %min3A_342 : vector<16xi1>, vector<16xi32>
      %broadcast_in_dim3A_350 = vector.shape_cast %select_n3A_349 : vector<16xi32> to vector<16x1xi32>
      %gather3A_351 = vector.shape_cast %broadcast_in_dim3A_350 : vector<16x1xi32> to vector<16xi32>
      %gather3A_352 = tpu.dynamic_gather %masked_sort3A_320[%gather3A_351] in [0] : vector<16xi32>, vector<16xi32> -> vector<16xi32>
      %eq3A_353 = arith.constant 0 : i32
      %eq3A_354 = vector.broadcast %eq3A_353 : i32 to vector<16xi32>
      %eq3A_355 = arith.cmpi eq, %iota3A, %eq3A_354 : vector<16xi32>
      %ne3A_356 = arith.cmpi ne, %masked_sort3A_320, %gather3A_336 : vector<16xi32>
      %or3A_357 = arith.ori %eq3A_355, %ne3A_356 : vector<16xi1>
      %eq3A_358 = arith.constant 15 : i32
      %eq3A_359 = vector.broadcast %eq3A_358 : i32 to vector<16xi32>
      %eq3A_360 = arith.cmpi eq, %iota3A, %eq3A_359 : vector<16xi32>
      %ne3A_361 = arith.cmpi ne, %masked_sort3A_320, %gather3A_352 : vector<16xi32>
      %or3A_362 = arith.ori %eq3A_360, %ne3A_361 : vector<16xi1>
      %jit3A_363 = arith.constant 0 : i32
      %broadcast_in_dim3A_364 = vector.broadcast %jit3A_363 : i32 to vector<16xi32>
      %select_n3A_365 = arith.select %or3A_357, %iota3A, %broadcast_in_dim3A_364 : vector<16xi1>, vector<16xi32>
      %broadcast_in_dim3A_366 = arith.constant true
      %broadcast_in_dim3A_367 = vector.broadcast %broadcast_in_dim3A_366 : i1 to vector<16xi1>
      %masked_cummax3A_368 = arith.constant -2147483648 : i32
      %masked_cummax3A_369 = vector.broadcast %masked_cummax3A_368 : i32 to vector<16xi32>
      %masked_cummax3A_370 = arith.xori %select_n3A_365, %masked_cummax3A_369 : vector<16xi32>
      %masked_cummax3A_371 = tpu.scan <max>, %masked_cummax3A_370 masked %broadcast_in_dim3A_367 : vector<16xi32>, vector<16xi1> -> vector<16xi32>
      %masked_cummax3A_372 = arith.xori %masked_cummax3A_371, %masked_cummax3A_369 : vector<16xi32>
      %sub3A_373 = arith.subi %iota3A, %masked_cummax3A_372 : vector<16xi32>
      %add3A_374 = arith.constant 1 : i32
      %add3A_375 = vector.broadcast %add3A_374 : i32 to vector<16xi32>
      %add3A_376 = arith.addi %sub3A_373, %add3A_375 : vector<16xi32>
      %convert_element_type3A_377 = arith.sitofp %add3A_376 : vector<16xi32> to vector<16xf32>
      %shift_right_logical3A_378 = arith.constant 7 : i32
      %shift_right_logical3A_379 = vector.broadcast %shift_right_logical3A_378 : i32 to vector<16xi32>
      %shift_right_logical3A_380 = arith.shrui %masked_sort3A_320, %shift_right_logical3A_379 : vector<16xi32>
      %and3A_381 = arith.constant 127 : i32
      %and3A_382 = vector.broadcast %and3A_381 : i32 to vector<16xi32>
      %and3A_383 = arith.andi %masked_sort3A_320, %and3A_382 : vector<16xi32>
      tpu.vector_store_idx %arg6[%shift_right_logical3A_380, %and3A_383], %convert_element_type3A_377 masked %or3A_362 {add = true} : memref<80x128xf32, #tpu.memory_space<vmem>>[vector<16xi32>, vector<16xi32>], vector<16xf32>, vector<16xi1>
      %get3A_384 = arith.index_cast %scan3A_30 : i32 to index
      %get3A_385 = arith.constant 80 : index
      %get3A_386 = tpu.vector_load %arg4[%get3A_384, %get3A_385] {strides = array<i32>} : memref<157x128xi32, #tpu.memory_space<vmem>>, vector<16xi32>,
      %masked_sort3A_387 = arith.constant dense<true> : vector<16xi1>
      %masked_sort3A_388 = arith.constant -2147483648 : i32
      %masked_sort3A_389 = vector.broadcast %masked_sort3A_388 : i32 to vector<16xi32>
      %masked_sort3A_390 = arith.xori %get3A_386, %masked_sort3A_389 : vector<16xi32>
      %masked_sort3A_391, %masked_sort3A_392, %masked_sort3A_393 = tpu.sort %masked_sort3A_390, %get3A_386 masked %masked_sort3A_387 : (vector<16xi32>, vector<16xi32>, vector<16xi1>) -> (vector<16xi1>, vector<16xi32>, vector<16xi32>)
      %masked_sort3A_394 = arith.xori %masked_sort3A_392, %masked_sort3A_389 : vector<16xi32>
      %sub3A_395 = arith.constant 1 : i32
      %sub3A_396 = vector.broadcast %sub3A_395 : i32 to vector<16xi32>
      %sub3A_397 = arith.subi %iota3A, %sub3A_396 : vector<16xi32>
      %max3A_398 = arith.constant 0 : i32
      %max3A_399 = vector.broadcast %max3A_398 : i32 to vector<16xi32>
      %max3A_400 = arith.maxsi %sub3A_397, %max3A_399 : vector<16xi32>
      %lt3A_401 = arith.constant 0 : i32
      %lt3A_402 = vector.broadcast %lt3A_401 : i32 to vector<16xi32>
      %lt3A_403 = arith.cmpi slt, %max3A_400, %lt3A_402 : vector<16xi32>
      %add3A_404 = arith.constant 16 : i32
      %add3A_405 = vector.broadcast %add3A_404 : i32 to vector<16xi32>
      %add3A_406 = arith.addi %max3A_400, %add3A_405 : vector<16xi32>
      %select_n3A_407 = arith.select %lt3A_403, %add3A_406, %max3A_400 : vector<16xi1>, vector<16xi32>
      %broadcast_in_dim3A_408 = vector.shape_cast %select_n3A_407 : vector<16xi32> to vector<16x1xi32>
      %gather3A_409 = vector.shape_cast %broadcast_in_dim3A_408 : vector<16x1xi32> to vector<16xi32>
      %gather3A_410 = tpu.dynamic_gather %masked_sort3A_394[%gather3A_409] in [0] : vector<16xi32>, vector<16xi32> -> vector<16xi32>
      %add3A_411 = arith.constant 1 : i32
      %add3A_412 = vector.broadcast %add3A_411 : i32 to vector<16xi32>
      %add3A_413 = arith.addi %iota3A, %add3A_412 : vector<16xi32>
      %min3A_414 = arith.constant 15 : i32
      %min3A_415 = vector.broadcast %min3A_414 : i32 to vector<16xi32>
      %min3A_416 = arith.minsi %add3A_413, %min3A_415 : vector<16xi32>
      %lt3A_417 = arith.constant 0 : i32
      %lt3A_418 = vector.broadcast %lt3A_417 : i32 to vector<16xi32>
      %lt3A_419 = arith.cmpi slt, %min3A_416, %lt3A_418 : vector<16xi32>
      %add3A_420 = arith.constant 16 : i32
      %add3A_421 = vector.broadcast %add3A_420 : i32 to vector<16xi32>
      %add3A_422 = arith.addi %min3A_416, %add3A_421 : vector<16xi32>
      %select_n3A_423 = arith.select %lt3A_419, %add3A_422, %min3A_416 : vector<16xi1>, vector<16xi32>
      %broadcast_in_dim3A_424 = vector.shape_cast %select_n3A_423 : vector<16xi32> to vector<16x1xi32>
      %gather3A_425 = vector.shape_cast %broadcast_in_dim3A_424 : vector<16x1xi32> to vector<16xi32>
      %gather3A_426 = tpu.dynamic_gather %masked_sort3A_394[%gather3A_425] in [0] : vector<16xi32>, vector<16xi32> -> vector<16xi32>
      %eq3A_427 = arith.constant 0 : i32
      %eq3A_428 = vector.broadcast %eq3A_427 : i32 to vector<16xi32>
      %eq3A_429 = arith.cmpi eq, %iota3A, %eq3A_428 : vector<16xi32>
      %ne3A_430 = arith.cmpi ne, %masked_sort3A_394, %gather3A_410 : vector<16xi32>
      %or3A_431 = arith.ori %eq3A_429, %ne3A_430 : vector<16xi1>
      %eq3A_432 = arith.constant 15 : i32
      %eq3A_433 = vector.broadcast %eq3A_432 : i32 to vector<16xi32>
      %eq3A_434 = arith.cmpi eq, %iota3A, %eq3A_433 : vector<16xi32>
      %ne3A_435 = arith.cmpi ne, %masked_sort3A_394, %gather3A_426 : vector<16xi32>
      %or3A_436 = arith.ori %eq3A_434, %ne3A_435 : vector<16xi1>
      %jit3A_437 = arith.constant 0 : i32
      %broadcast_in_dim3A_438 = vector.broadcast %jit3A_437 : i32 to vector<16xi32>
      %select_n3A_439 = arith.select %or3A_431, %iota3A, %broadcast_in_dim3A_438 : vector<16xi1>, vector<16xi32>
      %broadcast_in_dim3A_440 = arith.constant true
      %broadcast_in_dim3A_441 = vector.broadcast %broadcast_in_dim3A_440 : i1 to vector<16xi1>
      %masked_cummax3A_442 = arith.constant -2147483648 : i32
      %masked_cummax3A_443 = vector.broadcast %masked_cummax3A_442 : i32 to vector<16xi32>
      %masked_cummax3A_444 = arith.xori %select_n3A_439, %masked_cummax3A_443 : vector<16xi32>
      %masked_cummax3A_445 = tpu.scan <max>, %masked_cummax3A_444 masked %broadcast_in_dim3A_441 : vector<16xi32>, vector<16xi1> -> vector<16xi32>
      %masked_cummax3A_446 = arith.xori %masked_cummax3A_445, %masked_cummax3A_443 : vector<16xi32>
      %sub3A_447 = arith.subi %iota3A, %masked_cummax3A_446 : vector<16xi32>
      %add3A_448 = arith.constant 1 : i32
      %add3A_449 = vector.broadcast %add3A_448 : i32 to vector<16xi32>
      %add3A_450 = arith.addi %sub3A_447, %add3A_449 : vector<16xi32>
      %convert_element_type3A_451 = arith.sitofp %add3A_450 : vector<16xi32> to vector<16xf32>
      %shift_right_logical3A_452 = arith.constant 7 : i32
      %shift_right_logical3A_453 = vector.broadcast %shift_right_logical3A_452 : i32 to vector<16xi32>
      %shift_right_logical3A_454 = arith.shrui %masked_sort3A_394, %shift_right_logical3A_453 : vector<16xi32>
      %and3A_455 = arith.constant 127 : i32
      %and3A_456 = vector.broadcast %and3A_455 : i32 to vector<16xi32>
      %and3A_457 = arith.andi %masked_sort3A_394, %and3A_456 : vector<16xi32>
      tpu.vector_store_idx %arg6[%shift_right_logical3A_454, %and3A_457], %convert_element_type3A_451 masked %or3A_436 {add = true} : memref<80x128xf32, #tpu.memory_space<vmem>>[vector<16xi32>, vector<16xi32>], vector<16xf32>, vector<16xi1>
      %get3A_458 = arith.index_cast %scan3A_30 : i32 to index
      %get3A_459 = arith.constant 96 : index
      %get3A_460 = tpu.vector_load %arg4[%get3A_458, %get3A_459] {strides = array<i32>} : memref<157x128xi32, #tpu.memory_space<vmem>>, vector<16xi32>,
      %masked_sort3A_461 = arith.constant dense<true> : vector<16xi1>
      %masked_sort3A_462 = arith.constant -2147483648 : i32
      %masked_sort3A_463 = vector.broadcast %masked_sort3A_462 : i32 to vector<16xi32>
      %masked_sort3A_464 = arith.xori %get3A_460, %masked_sort3A_463 : vector<16xi32>
      %masked_sort3A_465, %masked_sort3A_466, %masked_sort3A_467 = tpu.sort %masked_sort3A_464, %get3A_460 masked %masked_sort3A_461 : (vector<16xi32>, vector<16xi32>, vector<16xi1>) -> (vector<16xi1>, vector<16xi32>, vector<16xi32>)
      %masked_sort3A_468 = arith.xori %masked_sort3A_466, %masked_sort3A_463 : vector<16xi32>
      %sub3A_469 = arith.constant 1 : i32
      %sub3A_470 = vector.broadcast %sub3A_469 : i32 to vector<16xi32>
      %sub3A_471 = arith.subi %iota3A, %sub3A_470 : vector<16xi32>
      %max3A_472 = arith.constant 0 : i32
      %max3A_473 = vector.broadcast %max3A_472 : i32 to vector<16xi32>
      %max3A_474 = arith.maxsi %sub3A_471, %max3A_473 : vector<16xi32>
      %lt3A_475 = arith.constant 0 : i32
      %lt3A_476 = vector.broadcast %lt3A_475 : i32 to vector<16xi32>
      %lt3A_477 = arith.cmpi slt, %max3A_474, %lt3A_476 : vector<16xi32>
      %add3A_478 = arith.constant 16 : i32
      %add3A_479 = vector.broadcast %add3A_478 : i32 to vector<16xi32>
      %add3A_480 = arith.addi %max3A_474, %add3A_479 : vector<16xi32>
      %select_n3A_481 = arith.select %lt3A_477, %add3A_480, %max3A_474 : vector<16xi1>, vector<16xi32>
      %broadcast_in_dim3A_482 = vector.shape_cast %select_n3A_481 : vector<16xi32> to vector<16x1xi32>
      %gather3A_483 = vector.shape_cast %broadcast_in_dim3A_482 : vector<16x1xi32> to vector<16xi32>
      %gather3A_484 = tpu.dynamic_gather %masked_sort3A_468[%gather3A_483] in [0] : vector<16xi32>, vector<16xi32> -> vector<16xi32>
      %add3A_485 = arith.constant 1 : i32
      %add3A_486 = vector.broadcast %add3A_485 : i32 to vector<16xi32>
      %add3A_487 = arith.addi %iota3A, %add3A_486 : vector<16xi32>
      %min3A_488 = arith.constant 15 : i32
      %min3A_489 = vector.broadcast %min3A_488 : i32 to vector<16xi32>
      %min3A_490 = arith.minsi %add3A_487, %min3A_489 : vector<16xi32>
      %lt3A_491 = arith.constant 0 : i32
      %lt3A_492 = vector.broadcast %lt3A_491 : i32 to vector<16xi32>
      %lt3A_493 = arith.cmpi slt, %min3A_490, %lt3A_492 : vector<16xi32>
      %add3A_494 = arith.constant 16 : i32
      %add3A_495 = vector.broadcast %add3A_494 : i32 to vector<16xi32>
      %add3A_496 = arith.addi %min3A_490, %add3A_495 : vector<16xi32>
      %select_n3A_497 = arith.select %lt3A_493, %add3A_496, %min3A_490 : vector<16xi1>, vector<16xi32>
      %broadcast_in_dim3A_498 = vector.shape_cast %select_n3A_497 : vector<16xi32> to vector<16x1xi32>
      %gather3A_499 = vector.shape_cast %broadcast_in_dim3A_498 : vector<16x1xi32> to vector<16xi32>
      %gather3A_500 = tpu.dynamic_gather %masked_sort3A_468[%gather3A_499] in [0] : vector<16xi32>, vector<16xi32> -> vector<16xi32>
      %eq3A_501 = arith.constant 0 : i32
      %eq3A_502 = vector.broadcast %eq3A_501 : i32 to vector<16xi32>
      %eq3A_503 = arith.cmpi eq, %iota3A, %eq3A_502 : vector<16xi32>
      %ne3A_504 = arith.cmpi ne, %masked_sort3A_468, %gather3A_484 : vector<16xi32>
      %or3A_505 = arith.ori %eq3A_503, %ne3A_504 : vector<16xi1>
      %eq3A_506 = arith.constant 15 : i32
      %eq3A_507 = vector.broadcast %eq3A_506 : i32 to vector<16xi32>
      %eq3A_508 = arith.cmpi eq, %iota3A, %eq3A_507 : vector<16xi32>
      %ne3A_509 = arith.cmpi ne, %masked_sort3A_468, %gather3A_500 : vector<16xi32>
      %or3A_510 = arith.ori %eq3A_508, %ne3A_509 : vector<16xi1>
      %jit3A_511 = arith.constant 0 : i32
      %broadcast_in_dim3A_512 = vector.broadcast %jit3A_511 : i32 to vector<16xi32>
      %select_n3A_513 = arith.select %or3A_505, %iota3A, %broadcast_in_dim3A_512 : vector<16xi1>, vector<16xi32>
      %broadcast_in_dim3A_514 = arith.constant true
      %broadcast_in_dim3A_515 = vector.broadcast %broadcast_in_dim3A_514 : i1 to vector<16xi1>
      %masked_cummax3A_516 = arith.constant -2147483648 : i32
      %masked_cummax3A_517 = vector.broadcast %masked_cummax3A_516 : i32 to vector<16xi32>
      %masked_cummax3A_518 = arith.xori %select_n3A_513, %masked_cummax3A_517 : vector<16xi32>
      %masked_cummax3A_519 = tpu.scan <max>, %masked_cummax3A_518 masked %broadcast_in_dim3A_515 : vector<16xi32>, vector<16xi1> -> vector<16xi32>
      %masked_cummax3A_520 = arith.xori %masked_cummax3A_519, %masked_cummax3A_517 : vector<16xi32>
      %sub3A_521 = arith.subi %iota3A, %masked_cummax3A_520 : vector<16xi32>
      %add3A_522 = arith.constant 1 : i32
      %add3A_523 = vector.broadcast %add3A_522 : i32 to vector<16xi32>
      %add3A_524 = arith.addi %sub3A_521, %add3A_523 : vector<16xi32>
      %convert_element_type3A_525 = arith.sitofp %add3A_524 : vector<16xi32> to vector<16xf32>
      %shift_right_logical3A_526 = arith.constant 7 : i32
      %shift_right_logical3A_527 = vector.broadcast %shift_right_logical3A_526 : i32 to vector<16xi32>
      %shift_right_logical3A_528 = arith.shrui %masked_sort3A_468, %shift_right_logical3A_527 : vector<16xi32>
      %and3A_529 = arith.constant 127 : i32
      %and3A_530 = vector.broadcast %and3A_529 : i32 to vector<16xi32>
      %and3A_531 = arith.andi %masked_sort3A_468, %and3A_530 : vector<16xi32>
      tpu.vector_store_idx %arg6[%shift_right_logical3A_528, %and3A_531], %convert_element_type3A_525 masked %or3A_510 {add = true} : memref<80x128xf32, #tpu.memory_space<vmem>>[vector<16xi32>, vector<16xi32>], vector<16xf32>, vector<16xi1>
      %get3A_532 = arith.index_cast %scan3A_30 : i32 to index
      %get3A_533 = arith.constant 112 : index
      %get3A_534 = tpu.vector_load %arg4[%get3A_532, %get3A_533] {strides = array<i32>} : memref<157x128xi32, #tpu.memory_space<vmem>>, vector<16xi32>,
      %masked_sort3A_535 = arith.constant dense<true> : vector<16xi1>
      %masked_sort3A_536 = arith.constant -2147483648 : i32
      %masked_sort3A_537 = vector.broadcast %masked_sort3A_536 : i32 to vector<16xi32>
      %masked_sort3A_538 = arith.xori %get3A_534, %masked_sort3A_537 : vector<16xi32>
      %masked_sort3A_539, %masked_sort3A_540, %masked_sort3A_541 = tpu.sort %masked_sort3A_538, %get3A_534 masked %masked_sort3A_535 : (vector<16xi32>, vector<16xi32>, vector<16xi1>) -> (vector<16xi1>, vector<16xi32>, vector<16xi32>)
      %masked_sort3A_542 = arith.xori %masked_sort3A_540, %masked_sort3A_537 : vector<16xi32>
      %sub3A_543 = arith.constant 1 : i32
      %sub3A_544 = vector.broadcast %sub3A_543 : i32 to vector<16xi32>
      %sub3A_545 = arith.subi %iota3A, %sub3A_544 : vector<16xi32>
      %max3A_546 = arith.constant 0 : i32
      %max3A_547 = vector.broadcast %max3A_546 : i32 to vector<16xi32>
      %max3A_548 = arith.maxsi %sub3A_545, %max3A_547 : vector<16xi32>
      %lt3A_549 = arith.constant 0 : i32
      %lt3A_550 = vector.broadcast %lt3A_549 : i32 to vector<16xi32>
      %lt3A_551 = arith.cmpi slt, %max3A_548, %lt3A_550 : vector<16xi32>
      %add3A_552 = arith.constant 16 : i32
      %add3A_553 = vector.broadcast %add3A_552 : i32 to vector<16xi32>
      %add3A_554 = arith.addi %max3A_548, %add3A_553 : vector<16xi32>
      %select_n3A_555 = arith.select %lt3A_551, %add3A_554, %max3A_548 : vector<16xi1>, vector<16xi32>
      %broadcast_in_dim3A_556 = vector.shape_cast %select_n3A_555 : vector<16xi32> to vector<16x1xi32>
      %gather3A_557 = vector.shape_cast %broadcast_in_dim3A_556 : vector<16x1xi32> to vector<16xi32>
      %gather3A_558 = tpu.dynamic_gather %masked_sort3A_542[%gather3A_557] in [0] : vector<16xi32>, vector<16xi32> -> vector<16xi32>
      %add3A_559 = arith.constant 1 : i32
      %add3A_560 = vector.broadcast %add3A_559 : i32 to vector<16xi32>
      %add3A_561 = arith.addi %iota3A, %add3A_560 : vector<16xi32>
      %min3A_562 = arith.constant 15 : i32
      %min3A_563 = vector.broadcast %min3A_562 : i32 to vector<16xi32>
      %min3A_564 = arith.minsi %add3A_561, %min3A_563 : vector<16xi32>
      %lt3A_565 = arith.constant 0 : i32
      %lt3A_566 = vector.broadcast %lt3A_565 : i32 to vector<16xi32>
      %lt3A_567 = arith.cmpi slt, %min3A_564, %lt3A_566 : vector<16xi32>
      %add3A_568 = arith.constant 16 : i32
      %add3A_569 = vector.broadcast %add3A_568 : i32 to vector<16xi32>
      %add3A_570 = arith.addi %min3A_564, %add3A_569 : vector<16xi32>
      %select_n3A_571 = arith.select %lt3A_567, %add3A_570, %min3A_564 : vector<16xi1>, vector<16xi32>
      %broadcast_in_dim3A_572 = vector.shape_cast %select_n3A_571 : vector<16xi32> to vector<16x1xi32>
      %gather3A_573 = vector.shape_cast %broadcast_in_dim3A_572 : vector<16x1xi32> to vector<16xi32>
      %gather3A_574 = tpu.dynamic_gather %masked_sort3A_542[%gather3A_573] in [0] : vector<16xi32>, vector<16xi32> -> vector<16xi32>
      %eq3A_575 = arith.constant 0 : i32
      %eq3A_576 = vector.broadcast %eq3A_575 : i32 to vector<16xi32>
      %eq3A_577 = arith.cmpi eq, %iota3A, %eq3A_576 : vector<16xi32>
      %ne3A_578 = arith.cmpi ne, %masked_sort3A_542, %gather3A_558 : vector<16xi32>
      %or3A_579 = arith.ori %eq3A_577, %ne3A_578 : vector<16xi1>
      %eq3A_580 = arith.constant 15 : i32
      %eq3A_581 = vector.broadcast %eq3A_580 : i32 to vector<16xi32>
      %eq3A_582 = arith.cmpi eq, %iota3A, %eq3A_581 : vector<16xi32>
      %ne3A_583 = arith.cmpi ne, %masked_sort3A_542, %gather3A_574 : vector<16xi32>
      %or3A_584 = arith.ori %eq3A_582, %ne3A_583 : vector<16xi1>
      %jit3A_585 = arith.constant 0 : i32
      %broadcast_in_dim3A_586 = vector.broadcast %jit3A_585 : i32 to vector<16xi32>
      %select_n3A_587 = arith.select %or3A_579, %iota3A, %broadcast_in_dim3A_586 : vector<16xi1>, vector<16xi32>
      %broadcast_in_dim3A_588 = arith.constant true
      %broadcast_in_dim3A_589 = vector.broadcast %broadcast_in_dim3A_588 : i1 to vector<16xi1>
      %masked_cummax3A_590 = arith.constant -2147483648 : i32
      %masked_cummax3A_591 = vector.broadcast %masked_cummax3A_590 : i32 to vector<16xi32>
      %masked_cummax3A_592 = arith.xori %select_n3A_587, %masked_cummax3A_591 : vector<16xi32>
      %masked_cummax3A_593 = tpu.scan <max>, %masked_cummax3A_592 masked %broadcast_in_dim3A_589 : vector<16xi32>, vector<16xi1> -> vector<16xi32>
      %masked_cummax3A_594 = arith.xori %masked_cummax3A_593, %masked_cummax3A_591 : vector<16xi32>
      %sub3A_595 = arith.subi %iota3A, %masked_cummax3A_594 : vector<16xi32>
      %add3A_596 = arith.constant 1 : i32
      %add3A_597 = vector.broadcast %add3A_596 : i32 to vector<16xi32>
      %add3A_598 = arith.addi %sub3A_595, %add3A_597 : vector<16xi32>
      %convert_element_type3A_599 = arith.sitofp %add3A_598 : vector<16xi32> to vector<16xf32>
      %shift_right_logical3A_600 = arith.constant 7 : i32
      %shift_right_logical3A_601 = vector.broadcast %shift_right_logical3A_600 : i32 to vector<16xi32>
      %shift_right_logical3A_602 = arith.shrui %masked_sort3A_542, %shift_right_logical3A_601 : vector<16xi32>
      %and3A_603 = arith.constant 127 : i32
      %and3A_604 = vector.broadcast %and3A_603 : i32 to vector<16xi32>
      %and3A_605 = arith.andi %masked_sort3A_542, %and3A_604 : vector<16xi32>
      tpu.vector_store_idx %arg6[%shift_right_logical3A_602, %and3A_605], %convert_element_type3A_599 masked %or3A_584 {add = true} : memref<80x128xf32, #tpu.memory_space<vmem>>[vector<16xi32>, vector<16xi32>], vector<16xf32>, vector<16xi1>
    }
    %scan3A_20 = arith.constant 157 : i32
    %iota3A_21 = tpu.iota {dimensions = array<i32: 0>} : vector<16xi32>
    %scan3A_22 = arith.constant 0 : i32
    %scan3A_23 = arith.constant 0 : i32
    %scan3A_24 = arith.constant 157 : i32
    %scan3A_25 = arith.addi %scan3A_23, %scan3A_24 : i32
    %scan3A_26 = arith.constant 1 : i32
    scf.for %scan3A_30 = %scan3A_23 to %scan3A_25 step %scan3A_26  : i32 {
      %get3A = arith.index_cast %scan3A_30 : i32 to index
      %get3A_31 = arith.constant 0 : index
      %get3A_32 = tpu.vector_load %arg5[%get3A, %get3A_31] {strides = array<i32>} : memref<157x128xi32, #tpu.memory_space<vmem>>, vector<16xi32>,
      %masked_sort3A = arith.constant dense<true> : vector<16xi1>
      %masked_sort3A_33 = arith.constant -2147483648 : i32
      %masked_sort3A_34 = vector.broadcast %masked_sort3A_33 : i32 to vector<16xi32>
      %masked_sort3A_35 = arith.xori %get3A_32, %masked_sort3A_34 : vector<16xi32>
      %masked_sort3A_36, %masked_sort3A_37, %masked_sort3A_38 = tpu.sort %masked_sort3A_35, %get3A_32 masked %masked_sort3A : (vector<16xi32>, vector<16xi32>, vector<16xi1>) -> (vector<16xi1>, vector<16xi32>, vector<16xi32>)
      %masked_sort3A_39 = arith.xori %masked_sort3A_37, %masked_sort3A_34 : vector<16xi32>
      %sub3A = arith.constant 1 : i32
      %sub3A_40 = vector.broadcast %sub3A : i32 to vector<16xi32>
      %sub3A_41 = arith.subi %iota3A_21, %sub3A_40 : vector<16xi32>
      %max3A = arith.constant 0 : i32
      %max3A_42 = vector.broadcast %max3A : i32 to vector<16xi32>
      %max3A_43 = arith.maxsi %sub3A_41, %max3A_42 : vector<16xi32>
      %lt3A = arith.constant 0 : i32
      %lt3A_44 = vector.broadcast %lt3A : i32 to vector<16xi32>
      %lt3A_45 = arith.cmpi slt, %max3A_43, %lt3A_44 : vector<16xi32>
      %add3A = arith.constant 16 : i32
      %add3A_46 = vector.broadcast %add3A : i32 to vector<16xi32>
      %add3A_47 = arith.addi %max3A_43, %add3A_46 : vector<16xi32>
      %select_n3A = arith.select %lt3A_45, %add3A_47, %max3A_43 : vector<16xi1>, vector<16xi32>
      %broadcast_in_dim3A_48 = vector.shape_cast %select_n3A : vector<16xi32> to vector<16x1xi32>
      %gather3A = vector.shape_cast %broadcast_in_dim3A_48 : vector<16x1xi32> to vector<16xi32>
      %gather3A_49 = tpu.dynamic_gather %masked_sort3A_39[%gather3A] in [0] : vector<16xi32>, vector<16xi32> -> vector<16xi32>
      %add3A_50 = arith.constant 1 : i32
      %add3A_51 = vector.broadcast %add3A_50 : i32 to vector<16xi32>
      %add3A_52 = arith.addi %iota3A_21, %add3A_51 : vector<16xi32>
      %min3A = arith.constant 15 : i32
      %min3A_53 = vector.broadcast %min3A : i32 to vector<16xi32>
      %min3A_54 = arith.minsi %add3A_52, %min3A_53 : vector<16xi32>
      %lt3A_55 = arith.constant 0 : i32
      %lt3A_56 = vector.broadcast %lt3A_55 : i32 to vector<16xi32>
      %lt3A_57 = arith.cmpi slt, %min3A_54, %lt3A_56 : vector<16xi32>
      %add3A_58 = arith.constant 16 : i32
      %add3A_59 = vector.broadcast %add3A_58 : i32 to vector<16xi32>
      %add3A_60 = arith.addi %min3A_54, %add3A_59 : vector<16xi32>
      %select_n3A_61 = arith.select %lt3A_57, %add3A_60, %min3A_54 : vector<16xi1>, vector<16xi32>
      %broadcast_in_dim3A_62 = vector.shape_cast %select_n3A_61 : vector<16xi32> to vector<16x1xi32>
      %gather3A_63 = vector.shape_cast %broadcast_in_dim3A_62 : vector<16x1xi32> to vector<16xi32>
      %gather3A_64 = tpu.dynamic_gather %masked_sort3A_39[%gather3A_63] in [0] : vector<16xi32>, vector<16xi32> -> vector<16xi32>
      %eq3A = arith.constant 0 : i32
      %eq3A_65 = vector.broadcast %eq3A : i32 to vector<16xi32>
      %eq3A_66 = arith.cmpi eq, %iota3A_21, %eq3A_65 : vector<16xi32>
      %ne3A = arith.cmpi ne, %masked_sort3A_39, %gather3A_49 : vector<16xi32>
      %or3A = arith.ori %eq3A_66, %ne3A : vector<16xi1>
      %eq3A_67 = arith.constant 15 : i32
      %eq3A_68 = vector.broadcast %eq3A_67 : i32 to vector<16xi32>
      %eq3A_69 = arith.cmpi eq, %iota3A_21, %eq3A_68 : vector<16xi32>
      %ne3A_70 = arith.cmpi ne, %masked_sort3A_39, %gather3A_64 : vector<16xi32>
      %or3A_71 = arith.ori %eq3A_69, %ne3A_70 : vector<16xi1>
      %jit3A = arith.constant 0 : i32
      %broadcast_in_dim3A_72 = vector.broadcast %jit3A : i32 to vector<16xi32>
      %select_n3A_73 = arith.select %or3A, %iota3A_21, %broadcast_in_dim3A_72 : vector<16xi1>, vector<16xi32>
      %broadcast_in_dim3A_74 = arith.constant true
      %broadcast_in_dim3A_75 = vector.broadcast %broadcast_in_dim3A_74 : i1 to vector<16xi1>
      %masked_cummax3A = arith.constant -2147483648 : i32
      %masked_cummax3A_76 = vector.broadcast %masked_cummax3A : i32 to vector<16xi32>
      %masked_cummax3A_77 = arith.xori %select_n3A_73, %masked_cummax3A_76 : vector<16xi32>
      %masked_cummax3A_78 = tpu.scan <max>, %masked_cummax3A_77 masked %broadcast_in_dim3A_75 : vector<16xi32>, vector<16xi1> -> vector<16xi32>
      %masked_cummax3A_79 = arith.xori %masked_cummax3A_78, %masked_cummax3A_76 : vector<16xi32>
      %sub3A_80 = arith.subi %iota3A_21, %masked_cummax3A_79 : vector<16xi32>
      %add3A_81 = arith.constant 1 : i32
      %add3A_82 = vector.broadcast %add3A_81 : i32 to vector<16xi32>
      %add3A_83 = arith.addi %sub3A_80, %add3A_82 : vector<16xi32>
      %convert_element_type3A = arith.sitofp %add3A_83 : vector<16xi32> to vector<16xf32>
      %shift_right_logical3A = arith.constant 7 : i32
      %shift_right_logical3A_84 = vector.broadcast %shift_right_logical3A : i32 to vector<16xi32>
      %shift_right_logical3A_85 = arith.shrui %masked_sort3A_39, %shift_right_logical3A_84 : vector<16xi32>
      %and3A = arith.constant 127 : i32
      %and3A_86 = vector.broadcast %and3A : i32 to vector<16xi32>
      %and3A_87 = arith.andi %masked_sort3A_39, %and3A_86 : vector<16xi32>
      tpu.vector_store_idx %arg7[%shift_right_logical3A_85, %and3A_87], %convert_element_type3A masked %or3A_71 {add = true} : memref<80x128xf32, #tpu.memory_space<vmem>>[vector<16xi32>, vector<16xi32>], vector<16xf32>, vector<16xi1>
      %get3A_88 = arith.index_cast %scan3A_30 : i32 to index
      %get3A_89 = arith.constant 16 : index
      %get3A_90 = tpu.vector_load %arg5[%get3A_88, %get3A_89] {strides = array<i32>} : memref<157x128xi32, #tpu.memory_space<vmem>>, vector<16xi32>,
      %masked_sort3A_91 = arith.constant dense<true> : vector<16xi1>
      %masked_sort3A_92 = arith.constant -2147483648 : i32
      %masked_sort3A_93 = vector.broadcast %masked_sort3A_92 : i32 to vector<16xi32>
      %masked_sort3A_94 = arith.xori %get3A_90, %masked_sort3A_93 : vector<16xi32>
      %masked_sort3A_95, %masked_sort3A_96, %masked_sort3A_97 = tpu.sort %masked_sort3A_94, %get3A_90 masked %masked_sort3A_91 : (vector<16xi32>, vector<16xi32>, vector<16xi1>) -> (vector<16xi1>, vector<16xi32>, vector<16xi32>)
      %masked_sort3A_98 = arith.xori %masked_sort3A_96, %masked_sort3A_93 : vector<16xi32>
      %sub3A_99 = arith.constant 1 : i32
      %sub3A_100 = vector.broadcast %sub3A_99 : i32 to vector<16xi32>
      %sub3A_101 = arith.subi %iota3A_21, %sub3A_100 : vector<16xi32>
      %max3A_102 = arith.constant 0 : i32
      %max3A_103 = vector.broadcast %max3A_102 : i32 to vector<16xi32>
      %max3A_104 = arith.maxsi %sub3A_101, %max3A_103 : vector<16xi32>
      %lt3A_105 = arith.constant 0 : i32
      %lt3A_106 = vector.broadcast %lt3A_105 : i32 to vector<16xi32>
      %lt3A_107 = arith.cmpi slt, %max3A_104, %lt3A_106 : vector<16xi32>
      %add3A_108 = arith.constant 16 : i32
      %add3A_109 = vector.broadcast %add3A_108 : i32 to vector<16xi32>
      %add3A_110 = arith.addi %max3A_104, %add3A_109 : vector<16xi32>
      %select_n3A_111 = arith.select %lt3A_107, %add3A_110, %max3A_104 : vector<16xi1>, vector<16xi32>
      %broadcast_in_dim3A_112 = vector.shape_cast %select_n3A_111 : vector<16xi32> to vector<16x1xi32>
      %gather3A_113 = vector.shape_cast %broadcast_in_dim3A_112 : vector<16x1xi32> to vector<16xi32>
      %gather3A_114 = tpu.dynamic_gather %masked_sort3A_98[%gather3A_113] in [0] : vector<16xi32>, vector<16xi32> -> vector<16xi32>
      %add3A_115 = arith.constant 1 : i32
      %add3A_116 = vector.broadcast %add3A_115 : i32 to vector<16xi32>
      %add3A_117 = arith.addi %iota3A_21, %add3A_116 : vector<16xi32>
      %min3A_118 = arith.constant 15 : i32
      %min3A_119 = vector.broadcast %min3A_118 : i32 to vector<16xi32>
      %min3A_120 = arith.minsi %add3A_117, %min3A_119 : vector<16xi32>
      %lt3A_121 = arith.constant 0 : i32
      %lt3A_122 = vector.broadcast %lt3A_121 : i32 to vector<16xi32>
      %lt3A_123 = arith.cmpi slt, %min3A_120, %lt3A_122 : vector<16xi32>
      %add3A_124 = arith.constant 16 : i32
      %add3A_125 = vector.broadcast %add3A_124 : i32 to vector<16xi32>
      %add3A_126 = arith.addi %min3A_120, %add3A_125 : vector<16xi32>
      %select_n3A_127 = arith.select %lt3A_123, %add3A_126, %min3A_120 : vector<16xi1>, vector<16xi32>
      %broadcast_in_dim3A_128 = vector.shape_cast %select_n3A_127 : vector<16xi32> to vector<16x1xi32>
      %gather3A_129 = vector.shape_cast %broadcast_in_dim3A_128 : vector<16x1xi32> to vector<16xi32>
      %gather3A_130 = tpu.dynamic_gather %masked_sort3A_98[%gather3A_129] in [0] : vector<16xi32>, vector<16xi32> -> vector<16xi32>
      %eq3A_131 = arith.constant 0 : i32
      %eq3A_132 = vector.broadcast %eq3A_131 : i32 to vector<16xi32>
      %eq3A_133 = arith.cmpi eq, %iota3A_21, %eq3A_132 : vector<16xi32>
      %ne3A_134 = arith.cmpi ne, %masked_sort3A_98, %gather3A_114 : vector<16xi32>
      %or3A_135 = arith.ori %eq3A_133, %ne3A_134 : vector<16xi1>
      %eq3A_136 = arith.constant 15 : i32
      %eq3A_137 = vector.broadcast %eq3A_136 : i32 to vector<16xi32>
      %eq3A_138 = arith.cmpi eq, %iota3A_21, %eq3A_137 : vector<16xi32>
      %ne3A_139 = arith.cmpi ne, %masked_sort3A_98, %gather3A_130 : vector<16xi32>
      %or3A_140 = arith.ori %eq3A_138, %ne3A_139 : vector<16xi1>
      %jit3A_141 = arith.constant 0 : i32
      %broadcast_in_dim3A_142 = vector.broadcast %jit3A_141 : i32 to vector<16xi32>
      %select_n3A_143 = arith.select %or3A_135, %iota3A_21, %broadcast_in_dim3A_142 : vector<16xi1>, vector<16xi32>
      %broadcast_in_dim3A_144 = arith.constant true
      %broadcast_in_dim3A_145 = vector.broadcast %broadcast_in_dim3A_144 : i1 to vector<16xi1>
      %masked_cummax3A_146 = arith.constant -2147483648 : i32
      %masked_cummax3A_147 = vector.broadcast %masked_cummax3A_146 : i32 to vector<16xi32>
      %masked_cummax3A_148 = arith.xori %select_n3A_143, %masked_cummax3A_147 : vector<16xi32>
      %masked_cummax3A_149 = tpu.scan <max>, %masked_cummax3A_148 masked %broadcast_in_dim3A_145 : vector<16xi32>, vector<16xi1> -> vector<16xi32>
      %masked_cummax3A_150 = arith.xori %masked_cummax3A_149, %masked_cummax3A_147 : vector<16xi32>
      %sub3A_151 = arith.subi %iota3A_21, %masked_cummax3A_150 : vector<16xi32>
      %add3A_152 = arith.constant 1 : i32
      %add3A_153 = vector.broadcast %add3A_152 : i32 to vector<16xi32>
      %add3A_154 = arith.addi %sub3A_151, %add3A_153 : vector<16xi32>
      %convert_element_type3A_155 = arith.sitofp %add3A_154 : vector<16xi32> to vector<16xf32>
      %shift_right_logical3A_156 = arith.constant 7 : i32
      %shift_right_logical3A_157 = vector.broadcast %shift_right_logical3A_156 : i32 to vector<16xi32>
      %shift_right_logical3A_158 = arith.shrui %masked_sort3A_98, %shift_right_logical3A_157 : vector<16xi32>
      %and3A_159 = arith.constant 127 : i32
      %and3A_160 = vector.broadcast %and3A_159 : i32 to vector<16xi32>
      %and3A_161 = arith.andi %masked_sort3A_98, %and3A_160 : vector<16xi32>
      tpu.vector_store_idx %arg7[%shift_right_logical3A_158, %and3A_161], %convert_element_type3A_155 masked %or3A_140 {add = true} : memref<80x128xf32, #tpu.memory_space<vmem>>[vector<16xi32>, vector<16xi32>], vector<16xf32>, vector<16xi1>
      %get3A_162 = arith.index_cast %scan3A_30 : i32 to index
      %get3A_163 = arith.constant 32 : index
      %get3A_164 = tpu.vector_load %arg5[%get3A_162, %get3A_163] {strides = array<i32>} : memref<157x128xi32, #tpu.memory_space<vmem>>, vector<16xi32>,
      %masked_sort3A_165 = arith.constant dense<true> : vector<16xi1>
      %masked_sort3A_166 = arith.constant -2147483648 : i32
      %masked_sort3A_167 = vector.broadcast %masked_sort3A_166 : i32 to vector<16xi32>
      %masked_sort3A_168 = arith.xori %get3A_164, %masked_sort3A_167 : vector<16xi32>
      %masked_sort3A_169, %masked_sort3A_170, %masked_sort3A_171 = tpu.sort %masked_sort3A_168, %get3A_164 masked %masked_sort3A_165 : (vector<16xi32>, vector<16xi32>, vector<16xi1>) -> (vector<16xi1>, vector<16xi32>, vector<16xi32>)
      %masked_sort3A_172 = arith.xori %masked_sort3A_170, %masked_sort3A_167 : vector<16xi32>
      %sub3A_173 = arith.constant 1 : i32
      %sub3A_174 = vector.broadcast %sub3A_173 : i32 to vector<16xi32>
      %sub3A_175 = arith.subi %iota3A_21, %sub3A_174 : vector<16xi32>
      %max3A_176 = arith.constant 0 : i32
      %max3A_177 = vector.broadcast %max3A_176 : i32 to vector<16xi32>
      %max3A_178 = arith.maxsi %sub3A_175, %max3A_177 : vector<16xi32>
      %lt3A_179 = arith.constant 0 : i32
      %lt3A_180 = vector.broadcast %lt3A_179 : i32 to vector<16xi32>
      %lt3A_181 = arith.cmpi slt, %max3A_178, %lt3A_180 : vector<16xi32>
      %add3A_182 = arith.constant 16 : i32
      %add3A_183 = vector.broadcast %add3A_182 : i32 to vector<16xi32>
      %add3A_184 = arith.addi %max3A_178, %add3A_183 : vector<16xi32>
      %select_n3A_185 = arith.select %lt3A_181, %add3A_184, %max3A_178 : vector<16xi1>, vector<16xi32>
      %broadcast_in_dim3A_186 = vector.shape_cast %select_n3A_185 : vector<16xi32> to vector<16x1xi32>
      %gather3A_187 = vector.shape_cast %broadcast_in_dim3A_186 : vector<16x1xi32> to vector<16xi32>
      %gather3A_188 = tpu.dynamic_gather %masked_sort3A_172[%gather3A_187] in [0] : vector<16xi32>, vector<16xi32> -> vector<16xi32>
      %add3A_189 = arith.constant 1 : i32
      %add3A_190 = vector.broadcast %add3A_189 : i32 to vector<16xi32>
      %add3A_191 = arith.addi %iota3A_21, %add3A_190 : vector<16xi32>
      %min3A_192 = arith.constant 15 : i32
      %min3A_193 = vector.broadcast %min3A_192 : i32 to vector<16xi32>
      %min3A_194 = arith.minsi %add3A_191, %min3A_193 : vector<16xi32>
      %lt3A_195 = arith.constant 0 : i32
      %lt3A_196 = vector.broadcast %lt3A_195 : i32 to vector<16xi32>
      %lt3A_197 = arith.cmpi slt, %min3A_194, %lt3A_196 : vector<16xi32>
      %add3A_198 = arith.constant 16 : i32
      %add3A_199 = vector.broadcast %add3A_198 : i32 to vector<16xi32>
      %add3A_200 = arith.addi %min3A_194, %add3A_199 : vector<16xi32>
      %select_n3A_201 = arith.select %lt3A_197, %add3A_200, %min3A_194 : vector<16xi1>, vector<16xi32>
      %broadcast_in_dim3A_202 = vector.shape_cast %select_n3A_201 : vector<16xi32> to vector<16x1xi32>
      %gather3A_203 = vector.shape_cast %broadcast_in_dim3A_202 : vector<16x1xi32> to vector<16xi32>
      %gather3A_204 = tpu.dynamic_gather %masked_sort3A_172[%gather3A_203] in [0] : vector<16xi32>, vector<16xi32> -> vector<16xi32>
      %eq3A_205 = arith.constant 0 : i32
      %eq3A_206 = vector.broadcast %eq3A_205 : i32 to vector<16xi32>
      %eq3A_207 = arith.cmpi eq, %iota3A_21, %eq3A_206 : vector<16xi32>
      %ne3A_208 = arith.cmpi ne, %masked_sort3A_172, %gather3A_188 : vector<16xi32>
      %or3A_209 = arith.ori %eq3A_207, %ne3A_208 : vector<16xi1>
      %eq3A_210 = arith.constant 15 : i32
      %eq3A_211 = vector.broadcast %eq3A_210 : i32 to vector<16xi32>
      %eq3A_212 = arith.cmpi eq, %iota3A_21, %eq3A_211 : vector<16xi32>
      %ne3A_213 = arith.cmpi ne, %masked_sort3A_172, %gather3A_204 : vector<16xi32>
      %or3A_214 = arith.ori %eq3A_212, %ne3A_213 : vector<16xi1>
      %jit3A_215 = arith.constant 0 : i32
      %broadcast_in_dim3A_216 = vector.broadcast %jit3A_215 : i32 to vector<16xi32>
      %select_n3A_217 = arith.select %or3A_209, %iota3A_21, %broadcast_in_dim3A_216 : vector<16xi1>, vector<16xi32>
      %broadcast_in_dim3A_218 = arith.constant true
      %broadcast_in_dim3A_219 = vector.broadcast %broadcast_in_dim3A_218 : i1 to vector<16xi1>
      %masked_cummax3A_220 = arith.constant -2147483648 : i32
      %masked_cummax3A_221 = vector.broadcast %masked_cummax3A_220 : i32 to vector<16xi32>
      %masked_cummax3A_222 = arith.xori %select_n3A_217, %masked_cummax3A_221 : vector<16xi32>
      %masked_cummax3A_223 = tpu.scan <max>, %masked_cummax3A_222 masked %broadcast_in_dim3A_219 : vector<16xi32>, vector<16xi1> -> vector<16xi32>
      %masked_cummax3A_224 = arith.xori %masked_cummax3A_223, %masked_cummax3A_221 : vector<16xi32>
      %sub3A_225 = arith.subi %iota3A_21, %masked_cummax3A_224 : vector<16xi32>
      %add3A_226 = arith.constant 1 : i32
      %add3A_227 = vector.broadcast %add3A_226 : i32 to vector<16xi32>
      %add3A_228 = arith.addi %sub3A_225, %add3A_227 : vector<16xi32>
      %convert_element_type3A_229 = arith.sitofp %add3A_228 : vector<16xi32> to vector<16xf32>
      %shift_right_logical3A_230 = arith.constant 7 : i32
      %shift_right_logical3A_231 = vector.broadcast %shift_right_logical3A_230 : i32 to vector<16xi32>
      %shift_right_logical3A_232 = arith.shrui %masked_sort3A_172, %shift_right_logical3A_231 : vector<16xi32>
      %and3A_233 = arith.constant 127 : i32
      %and3A_234 = vector.broadcast %and3A_233 : i32 to vector<16xi32>
      %and3A_235 = arith.andi %masked_sort3A_172, %and3A_234 : vector<16xi32>
      tpu.vector_store_idx %arg7[%shift_right_logical3A_232, %and3A_235], %convert_element_type3A_229 masked %or3A_214 {add = true} : memref<80x128xf32, #tpu.memory_space<vmem>>[vector<16xi32>, vector<16xi32>], vector<16xf32>, vector<16xi1>
      %get3A_236 = arith.index_cast %scan3A_30 : i32 to index
      %get3A_237 = arith.constant 48 : index
      %get3A_238 = tpu.vector_load %arg5[%get3A_236, %get3A_237] {strides = array<i32>} : memref<157x128xi32, #tpu.memory_space<vmem>>, vector<16xi32>,
      %masked_sort3A_239 = arith.constant dense<true> : vector<16xi1>
      %masked_sort3A_240 = arith.constant -2147483648 : i32
      %masked_sort3A_241 = vector.broadcast %masked_sort3A_240 : i32 to vector<16xi32>
      %masked_sort3A_242 = arith.xori %get3A_238, %masked_sort3A_241 : vector<16xi32>
      %masked_sort3A_243, %masked_sort3A_244, %masked_sort3A_245 = tpu.sort %masked_sort3A_242, %get3A_238 masked %masked_sort3A_239 : (vector<16xi32>, vector<16xi32>, vector<16xi1>) -> (vector<16xi1>, vector<16xi32>, vector<16xi32>)
      %masked_sort3A_246 = arith.xori %masked_sort3A_244, %masked_sort3A_241 : vector<16xi32>
      %sub3A_247 = arith.constant 1 : i32
      %sub3A_248 = vector.broadcast %sub3A_247 : i32 to vector<16xi32>
      %sub3A_249 = arith.subi %iota3A_21, %sub3A_248 : vector<16xi32>
      %max3A_250 = arith.constant 0 : i32
      %max3A_251 = vector.broadcast %max3A_250 : i32 to vector<16xi32>
      %max3A_252 = arith.maxsi %sub3A_249, %max3A_251 : vector<16xi32>
      %lt3A_253 = arith.constant 0 : i32
      %lt3A_254 = vector.broadcast %lt3A_253 : i32 to vector<16xi32>
      %lt3A_255 = arith.cmpi slt, %max3A_252, %lt3A_254 : vector<16xi32>
      %add3A_256 = arith.constant 16 : i32
      %add3A_257 = vector.broadcast %add3A_256 : i32 to vector<16xi32>
      %add3A_258 = arith.addi %max3A_252, %add3A_257 : vector<16xi32>
      %select_n3A_259 = arith.select %lt3A_255, %add3A_258, %max3A_252 : vector<16xi1>, vector<16xi32>
      %broadcast_in_dim3A_260 = vector.shape_cast %select_n3A_259 : vector<16xi32> to vector<16x1xi32>
      %gather3A_261 = vector.shape_cast %broadcast_in_dim3A_260 : vector<16x1xi32> to vector<16xi32>
      %gather3A_262 = tpu.dynamic_gather %masked_sort3A_246[%gather3A_261] in [0] : vector<16xi32>, vector<16xi32> -> vector<16xi32>
      %add3A_263 = arith.constant 1 : i32
      %add3A_264 = vector.broadcast %add3A_263 : i32 to vector<16xi32>
      %add3A_265 = arith.addi %iota3A_21, %add3A_264 : vector<16xi32>
      %min3A_266 = arith.constant 15 : i32
      %min3A_267 = vector.broadcast %min3A_266 : i32 to vector<16xi32>
      %min3A_268 = arith.minsi %add3A_265, %min3A_267 : vector<16xi32>
      %lt3A_269 = arith.constant 0 : i32
      %lt3A_270 = vector.broadcast %lt3A_269 : i32 to vector<16xi32>
      %lt3A_271 = arith.cmpi slt, %min3A_268, %lt3A_270 : vector<16xi32>
      %add3A_272 = arith.constant 16 : i32
      %add3A_273 = vector.broadcast %add3A_272 : i32 to vector<16xi32>
      %add3A_274 = arith.addi %min3A_268, %add3A_273 : vector<16xi32>
      %select_n3A_275 = arith.select %lt3A_271, %add3A_274, %min3A_268 : vector<16xi1>, vector<16xi32>
      %broadcast_in_dim3A_276 = vector.shape_cast %select_n3A_275 : vector<16xi32> to vector<16x1xi32>
      %gather3A_277 = vector.shape_cast %broadcast_in_dim3A_276 : vector<16x1xi32> to vector<16xi32>
      %gather3A_278 = tpu.dynamic_gather %masked_sort3A_246[%gather3A_277] in [0] : vector<16xi32>, vector<16xi32> -> vector<16xi32>
      %eq3A_279 = arith.constant 0 : i32
      %eq3A_280 = vector.broadcast %eq3A_279 : i32 to vector<16xi32>
      %eq3A_281 = arith.cmpi eq, %iota3A_21, %eq3A_280 : vector<16xi32>
      %ne3A_282 = arith.cmpi ne, %masked_sort3A_246, %gather3A_262 : vector<16xi32>
      %or3A_283 = arith.ori %eq3A_281, %ne3A_282 : vector<16xi1>
      %eq3A_284 = arith.constant 15 : i32
      %eq3A_285 = vector.broadcast %eq3A_284 : i32 to vector<16xi32>
      %eq3A_286 = arith.cmpi eq, %iota3A_21, %eq3A_285 : vector<16xi32>
      %ne3A_287 = arith.cmpi ne, %masked_sort3A_246, %gather3A_278 : vector<16xi32>
      %or3A_288 = arith.ori %eq3A_286, %ne3A_287 : vector<16xi1>
      %jit3A_289 = arith.constant 0 : i32
      %broadcast_in_dim3A_290 = vector.broadcast %jit3A_289 : i32 to vector<16xi32>
      %select_n3A_291 = arith.select %or3A_283, %iota3A_21, %broadcast_in_dim3A_290 : vector<16xi1>, vector<16xi32>
      %broadcast_in_dim3A_292 = arith.constant true
      %broadcast_in_dim3A_293 = vector.broadcast %broadcast_in_dim3A_292 : i1 to vector<16xi1>
      %masked_cummax3A_294 = arith.constant -2147483648 : i32
      %masked_cummax3A_295 = vector.broadcast %masked_cummax3A_294 : i32 to vector<16xi32>
      %masked_cummax3A_296 = arith.xori %select_n3A_291, %masked_cummax3A_295 : vector<16xi32>
      %masked_cummax3A_297 = tpu.scan <max>, %masked_cummax3A_296 masked %broadcast_in_dim3A_293 : vector<16xi32>, vector<16xi1> -> vector<16xi32>
      %masked_cummax3A_298 = arith.xori %masked_cummax3A_297, %masked_cummax3A_295 : vector<16xi32>
      %sub3A_299 = arith.subi %iota3A_21, %masked_cummax3A_298 : vector<16xi32>
      %add3A_300 = arith.constant 1 : i32
      %add3A_301 = vector.broadcast %add3A_300 : i32 to vector<16xi32>
      %add3A_302 = arith.addi %sub3A_299, %add3A_301 : vector<16xi32>
      %convert_element_type3A_303 = arith.sitofp %add3A_302 : vector<16xi32> to vector<16xf32>
      %shift_right_logical3A_304 = arith.constant 7 : i32
      %shift_right_logical3A_305 = vector.broadcast %shift_right_logical3A_304 : i32 to vector<16xi32>
      %shift_right_logical3A_306 = arith.shrui %masked_sort3A_246, %shift_right_logical3A_305 : vector<16xi32>
      %and3A_307 = arith.constant 127 : i32
      %and3A_308 = vector.broadcast %and3A_307 : i32 to vector<16xi32>
      %and3A_309 = arith.andi %masked_sort3A_246, %and3A_308 : vector<16xi32>
      tpu.vector_store_idx %arg7[%shift_right_logical3A_306, %and3A_309], %convert_element_type3A_303 masked %or3A_288 {add = true} : memref<80x128xf32, #tpu.memory_space<vmem>>[vector<16xi32>, vector<16xi32>], vector<16xf32>, vector<16xi1>
      %get3A_310 = arith.index_cast %scan3A_30 : i32 to index
      %get3A_311 = arith.constant 64 : index
      %get3A_312 = tpu.vector_load %arg5[%get3A_310, %get3A_311] {strides = array<i32>} : memref<157x128xi32, #tpu.memory_space<vmem>>, vector<16xi32>,
      %masked_sort3A_313 = arith.constant dense<true> : vector<16xi1>
      %masked_sort3A_314 = arith.constant -2147483648 : i32
      %masked_sort3A_315 = vector.broadcast %masked_sort3A_314 : i32 to vector<16xi32>
      %masked_sort3A_316 = arith.xori %get3A_312, %masked_sort3A_315 : vector<16xi32>
      %masked_sort3A_317, %masked_sort3A_318, %masked_sort3A_319 = tpu.sort %masked_sort3A_316, %get3A_312 masked %masked_sort3A_313 : (vector<16xi32>, vector<16xi32>, vector<16xi1>) -> (vector<16xi1>, vector<16xi32>, vector<16xi32>)
      %masked_sort3A_320 = arith.xori %masked_sort3A_318, %masked_sort3A_315 : vector<16xi32>
      %sub3A_321 = arith.constant 1 : i32
      %sub3A_322 = vector.broadcast %sub3A_321 : i32 to vector<16xi32>
      %sub3A_323 = arith.subi %iota3A_21, %sub3A_322 : vector<16xi32>
      %max3A_324 = arith.constant 0 : i32
      %max3A_325 = vector.broadcast %max3A_324 : i32 to vector<16xi32>
      %max3A_326 = arith.maxsi %sub3A_323, %max3A_325 : vector<16xi32>
      %lt3A_327 = arith.constant 0 : i32
      %lt3A_328 = vector.broadcast %lt3A_327 : i32 to vector<16xi32>
      %lt3A_329 = arith.cmpi slt, %max3A_326, %lt3A_328 : vector<16xi32>
      %add3A_330 = arith.constant 16 : i32
      %add3A_331 = vector.broadcast %add3A_330 : i32 to vector<16xi32>
      %add3A_332 = arith.addi %max3A_326, %add3A_331 : vector<16xi32>
      %select_n3A_333 = arith.select %lt3A_329, %add3A_332, %max3A_326 : vector<16xi1>, vector<16xi32>
      %broadcast_in_dim3A_334 = vector.shape_cast %select_n3A_333 : vector<16xi32> to vector<16x1xi32>
      %gather3A_335 = vector.shape_cast %broadcast_in_dim3A_334 : vector<16x1xi32> to vector<16xi32>
      %gather3A_336 = tpu.dynamic_gather %masked_sort3A_320[%gather3A_335] in [0] : vector<16xi32>, vector<16xi32> -> vector<16xi32>
      %add3A_337 = arith.constant 1 : i32
      %add3A_338 = vector.broadcast %add3A_337 : i32 to vector<16xi32>
      %add3A_339 = arith.addi %iota3A_21, %add3A_338 : vector<16xi32>
      %min3A_340 = arith.constant 15 : i32
      %min3A_341 = vector.broadcast %min3A_340 : i32 to vector<16xi32>
      %min3A_342 = arith.minsi %add3A_339, %min3A_341 : vector<16xi32>
      %lt3A_343 = arith.constant 0 : i32
      %lt3A_344 = vector.broadcast %lt3A_343 : i32 to vector<16xi32>
      %lt3A_345 = arith.cmpi slt, %min3A_342, %lt3A_344 : vector<16xi32>
      %add3A_346 = arith.constant 16 : i32
      %add3A_347 = vector.broadcast %add3A_346 : i32 to vector<16xi32>
      %add3A_348 = arith.addi %min3A_342, %add3A_347 : vector<16xi32>
      %select_n3A_349 = arith.select %lt3A_345, %add3A_348, %min3A_342 : vector<16xi1>, vector<16xi32>
      %broadcast_in_dim3A_350 = vector.shape_cast %select_n3A_349 : vector<16xi32> to vector<16x1xi32>
      %gather3A_351 = vector.shape_cast %broadcast_in_dim3A_350 : vector<16x1xi32> to vector<16xi32>
      %gather3A_352 = tpu.dynamic_gather %masked_sort3A_320[%gather3A_351] in [0] : vector<16xi32>, vector<16xi32> -> vector<16xi32>
      %eq3A_353 = arith.constant 0 : i32
      %eq3A_354 = vector.broadcast %eq3A_353 : i32 to vector<16xi32>
      %eq3A_355 = arith.cmpi eq, %iota3A_21, %eq3A_354 : vector<16xi32>
      %ne3A_356 = arith.cmpi ne, %masked_sort3A_320, %gather3A_336 : vector<16xi32>
      %or3A_357 = arith.ori %eq3A_355, %ne3A_356 : vector<16xi1>
      %eq3A_358 = arith.constant 15 : i32
      %eq3A_359 = vector.broadcast %eq3A_358 : i32 to vector<16xi32>
      %eq3A_360 = arith.cmpi eq, %iota3A_21, %eq3A_359 : vector<16xi32>
      %ne3A_361 = arith.cmpi ne, %masked_sort3A_320, %gather3A_352 : vector<16xi32>
      %or3A_362 = arith.ori %eq3A_360, %ne3A_361 : vector<16xi1>
      %jit3A_363 = arith.constant 0 : i32
      %broadcast_in_dim3A_364 = vector.broadcast %jit3A_363 : i32 to vector<16xi32>
      %select_n3A_365 = arith.select %or3A_357, %iota3A_21, %broadcast_in_dim3A_364 : vector<16xi1>, vector<16xi32>
      %broadcast_in_dim3A_366 = arith.constant true
      %broadcast_in_dim3A_367 = vector.broadcast %broadcast_in_dim3A_366 : i1 to vector<16xi1>
      %masked_cummax3A_368 = arith.constant -2147483648 : i32
      %masked_cummax3A_369 = vector.broadcast %masked_cummax3A_368 : i32 to vector<16xi32>
      %masked_cummax3A_370 = arith.xori %select_n3A_365, %masked_cummax3A_369 : vector<16xi32>
      %masked_cummax3A_371 = tpu.scan <max>, %masked_cummax3A_370 masked %broadcast_in_dim3A_367 : vector<16xi32>, vector<16xi1> -> vector<16xi32>
      %masked_cummax3A_372 = arith.xori %masked_cummax3A_371, %masked_cummax3A_369 : vector<16xi32>
      %sub3A_373 = arith.subi %iota3A_21, %masked_cummax3A_372 : vector<16xi32>
      %add3A_374 = arith.constant 1 : i32
      %add3A_375 = vector.broadcast %add3A_374 : i32 to vector<16xi32>
      %add3A_376 = arith.addi %sub3A_373, %add3A_375 : vector<16xi32>
      %convert_element_type3A_377 = arith.sitofp %add3A_376 : vector<16xi32> to vector<16xf32>
      %shift_right_logical3A_378 = arith.constant 7 : i32
      %shift_right_logical3A_379 = vector.broadcast %shift_right_logical3A_378 : i32 to vector<16xi32>
      %shift_right_logical3A_380 = arith.shrui %masked_sort3A_320, %shift_right_logical3A_379 : vector<16xi32>
      %and3A_381 = arith.constant 127 : i32
      %and3A_382 = vector.broadcast %and3A_381 : i32 to vector<16xi32>
      %and3A_383 = arith.andi %masked_sort3A_320, %and3A_382 : vector<16xi32>
      tpu.vector_store_idx %arg7[%shift_right_logical3A_380, %and3A_383], %convert_element_type3A_377 masked %or3A_362 {add = true} : memref<80x128xf32, #tpu.memory_space<vmem>>[vector<16xi32>, vector<16xi32>], vector<16xf32>, vector<16xi1>
      %get3A_384 = arith.index_cast %scan3A_30 : i32 to index
      %get3A_385 = arith.constant 80 : index
      %get3A_386 = tpu.vector_load %arg5[%get3A_384, %get3A_385] {strides = array<i32>} : memref<157x128xi32, #tpu.memory_space<vmem>>, vector<16xi32>,
      %masked_sort3A_387 = arith.constant dense<true> : vector<16xi1>
      %masked_sort3A_388 = arith.constant -2147483648 : i32
      %masked_sort3A_389 = vector.broadcast %masked_sort3A_388 : i32 to vector<16xi32>
      %masked_sort3A_390 = arith.xori %get3A_386, %masked_sort3A_389 : vector<16xi32>
      %masked_sort3A_391, %masked_sort3A_392, %masked_sort3A_393 = tpu.sort %masked_sort3A_390, %get3A_386 masked %masked_sort3A_387 : (vector<16xi32>, vector<16xi32>, vector<16xi1>) -> (vector<16xi1>, vector<16xi32>, vector<16xi32>)
      %masked_sort3A_394 = arith.xori %masked_sort3A_392, %masked_sort3A_389 : vector<16xi32>
      %sub3A_395 = arith.constant 1 : i32
      %sub3A_396 = vector.broadcast %sub3A_395 : i32 to vector<16xi32>
      %sub3A_397 = arith.subi %iota3A_21, %sub3A_396 : vector<16xi32>
      %max3A_398 = arith.constant 0 : i32
      %max3A_399 = vector.broadcast %max3A_398 : i32 to vector<16xi32>
      %max3A_400 = arith.maxsi %sub3A_397, %max3A_399 : vector<16xi32>
      %lt3A_401 = arith.constant 0 : i32
      %lt3A_402 = vector.broadcast %lt3A_401 : i32 to vector<16xi32>
      %lt3A_403 = arith.cmpi slt, %max3A_400, %lt3A_402 : vector<16xi32>
      %add3A_404 = arith.constant 16 : i32
      %add3A_405 = vector.broadcast %add3A_404 : i32 to vector<16xi32>
      %add3A_406 = arith.addi %max3A_400, %add3A_405 : vector<16xi32>
      %select_n3A_407 = arith.select %lt3A_403, %add3A_406, %max3A_400 : vector<16xi1>, vector<16xi32>
      %broadcast_in_dim3A_408 = vector.shape_cast %select_n3A_407 : vector<16xi32> to vector<16x1xi32>
      %gather3A_409 = vector.shape_cast %broadcast_in_dim3A_408 : vector<16x1xi32> to vector<16xi32>
      %gather3A_410 = tpu.dynamic_gather %masked_sort3A_394[%gather3A_409] in [0] : vector<16xi32>, vector<16xi32> -> vector<16xi32>
      %add3A_411 = arith.constant 1 : i32
      %add3A_412 = vector.broadcast %add3A_411 : i32 to vector<16xi32>
      %add3A_413 = arith.addi %iota3A_21, %add3A_412 : vector<16xi32>
      %min3A_414 = arith.constant 15 : i32
      %min3A_415 = vector.broadcast %min3A_414 : i32 to vector<16xi32>
      %min3A_416 = arith.minsi %add3A_413, %min3A_415 : vector<16xi32>
      %lt3A_417 = arith.constant 0 : i32
      %lt3A_418 = vector.broadcast %lt3A_417 : i32 to vector<16xi32>
      %lt3A_419 = arith.cmpi slt, %min3A_416, %lt3A_418 : vector<16xi32>
      %add3A_420 = arith.constant 16 : i32
      %add3A_421 = vector.broadcast %add3A_420 : i32 to vector<16xi32>
      %add3A_422 = arith.addi %min3A_416, %add3A_421 : vector<16xi32>
      %select_n3A_423 = arith.select %lt3A_419, %add3A_422, %min3A_416 : vector<16xi1>, vector<16xi32>
      %broadcast_in_dim3A_424 = vector.shape_cast %select_n3A_423 : vector<16xi32> to vector<16x1xi32>
      %gather3A_425 = vector.shape_cast %broadcast_in_dim3A_424 : vector<16x1xi32> to vector<16xi32>
      %gather3A_426 = tpu.dynamic_gather %masked_sort3A_394[%gather3A_425] in [0] : vector<16xi32>, vector<16xi32> -> vector<16xi32>
      %eq3A_427 = arith.constant 0 : i32
      %eq3A_428 = vector.broadcast %eq3A_427 : i32 to vector<16xi32>
      %eq3A_429 = arith.cmpi eq, %iota3A_21, %eq3A_428 : vector<16xi32>
      %ne3A_430 = arith.cmpi ne, %masked_sort3A_394, %gather3A_410 : vector<16xi32>
      %or3A_431 = arith.ori %eq3A_429, %ne3A_430 : vector<16xi1>
      %eq3A_432 = arith.constant 15 : i32
      %eq3A_433 = vector.broadcast %eq3A_432 : i32 to vector<16xi32>
      %eq3A_434 = arith.cmpi eq, %iota3A_21, %eq3A_433 : vector<16xi32>
      %ne3A_435 = arith.cmpi ne, %masked_sort3A_394, %gather3A_426 : vector<16xi32>
      %or3A_436 = arith.ori %eq3A_434, %ne3A_435 : vector<16xi1>
      %jit3A_437 = arith.constant 0 : i32
      %broadcast_in_dim3A_438 = vector.broadcast %jit3A_437 : i32 to vector<16xi32>
      %select_n3A_439 = arith.select %or3A_431, %iota3A_21, %broadcast_in_dim3A_438 : vector<16xi1>, vector<16xi32>
      %broadcast_in_dim3A_440 = arith.constant true
      %broadcast_in_dim3A_441 = vector.broadcast %broadcast_in_dim3A_440 : i1 to vector<16xi1>
      %masked_cummax3A_442 = arith.constant -2147483648 : i32
      %masked_cummax3A_443 = vector.broadcast %masked_cummax3A_442 : i32 to vector<16xi32>
      %masked_cummax3A_444 = arith.xori %select_n3A_439, %masked_cummax3A_443 : vector<16xi32>
      %masked_cummax3A_445 = tpu.scan <max>, %masked_cummax3A_444 masked %broadcast_in_dim3A_441 : vector<16xi32>, vector<16xi1> -> vector<16xi32>
      %masked_cummax3A_446 = arith.xori %masked_cummax3A_445, %masked_cummax3A_443 : vector<16xi32>
      %sub3A_447 = arith.subi %iota3A_21, %masked_cummax3A_446 : vector<16xi32>
      %add3A_448 = arith.constant 1 : i32
      %add3A_449 = vector.broadcast %add3A_448 : i32 to vector<16xi32>
      %add3A_450 = arith.addi %sub3A_447, %add3A_449 : vector<16xi32>
      %convert_element_type3A_451 = arith.sitofp %add3A_450 : vector<16xi32> to vector<16xf32>
      %shift_right_logical3A_452 = arith.constant 7 : i32
      %shift_right_logical3A_453 = vector.broadcast %shift_right_logical3A_452 : i32 to vector<16xi32>
      %shift_right_logical3A_454 = arith.shrui %masked_sort3A_394, %shift_right_logical3A_453 : vector<16xi32>
      %and3A_455 = arith.constant 127 : i32
      %and3A_456 = vector.broadcast %and3A_455 : i32 to vector<16xi32>
      %and3A_457 = arith.andi %masked_sort3A_394, %and3A_456 : vector<16xi32>
      tpu.vector_store_idx %arg7[%shift_right_logical3A_454, %and3A_457], %convert_element_type3A_451 masked %or3A_436 {add = true} : memref<80x128xf32, #tpu.memory_space<vmem>>[vector<16xi32>, vector<16xi32>], vector<16xf32>, vector<16xi1>
      %get3A_458 = arith.index_cast %scan3A_30 : i32 to index
      %get3A_459 = arith.constant 96 : index
      %get3A_460 = tpu.vector_load %arg5[%get3A_458, %get3A_459] {strides = array<i32>} : memref<157x128xi32, #tpu.memory_space<vmem>>, vector<16xi32>,
      %masked_sort3A_461 = arith.constant dense<true> : vector<16xi1>
      %masked_sort3A_462 = arith.constant -2147483648 : i32
      %masked_sort3A_463 = vector.broadcast %masked_sort3A_462 : i32 to vector<16xi32>
      %masked_sort3A_464 = arith.xori %get3A_460, %masked_sort3A_463 : vector<16xi32>
      %masked_sort3A_465, %masked_sort3A_466, %masked_sort3A_467 = tpu.sort %masked_sort3A_464, %get3A_460 masked %masked_sort3A_461 : (vector<16xi32>, vector<16xi32>, vector<16xi1>) -> (vector<16xi1>, vector<16xi32>, vector<16xi32>)
      %masked_sort3A_468 = arith.xori %masked_sort3A_466, %masked_sort3A_463 : vector<16xi32>
      %sub3A_469 = arith.constant 1 : i32
      %sub3A_470 = vector.broadcast %sub3A_469 : i32 to vector<16xi32>
      %sub3A_471 = arith.subi %iota3A_21, %sub3A_470 : vector<16xi32>
      %max3A_472 = arith.constant 0 : i32
      %max3A_473 = vector.broadcast %max3A_472 : i32 to vector<16xi32>
      %max3A_474 = arith.maxsi %sub3A_471, %max3A_473 : vector<16xi32>
      %lt3A_475 = arith.constant 0 : i32
      %lt3A_476 = vector.broadcast %lt3A_475 : i32 to vector<16xi32>
      %lt3A_477 = arith.cmpi slt, %max3A_474, %lt3A_476 : vector<16xi32>
      %add3A_478 = arith.constant 16 : i32
      %add3A_479 = vector.broadcast %add3A_478 : i32 to vector<16xi32>
      %add3A_480 = arith.addi %max3A_474, %add3A_479 : vector<16xi32>
      %select_n3A_481 = arith.select %lt3A_477, %add3A_480, %max3A_474 : vector<16xi1>, vector<16xi32>
      %broadcast_in_dim3A_482 = vector.shape_cast %select_n3A_481 : vector<16xi32> to vector<16x1xi32>
      %gather3A_483 = vector.shape_cast %broadcast_in_dim3A_482 : vector<16x1xi32> to vector<16xi32>
      %gather3A_484 = tpu.dynamic_gather %masked_sort3A_468[%gather3A_483] in [0] : vector<16xi32>, vector<16xi32> -> vector<16xi32>
      %add3A_485 = arith.constant 1 : i32
      %add3A_486 = vector.broadcast %add3A_485 : i32 to vector<16xi32>
      %add3A_487 = arith.addi %iota3A_21, %add3A_486 : vector<16xi32>
      %min3A_488 = arith.constant 15 : i32
      %min3A_489 = vector.broadcast %min3A_488 : i32 to vector<16xi32>
      %min3A_490 = arith.minsi %add3A_487, %min3A_489 : vector<16xi32>
      %lt3A_491 = arith.constant 0 : i32
      %lt3A_492 = vector.broadcast %lt3A_491 : i32 to vector<16xi32>
      %lt3A_493 = arith.cmpi slt, %min3A_490, %lt3A_492 : vector<16xi32>
      %add3A_494 = arith.constant 16 : i32
      %add3A_495 = vector.broadcast %add3A_494 : i32 to vector<16xi32>
      %add3A_496 = arith.addi %min3A_490, %add3A_495 : vector<16xi32>
      %select_n3A_497 = arith.select %lt3A_493, %add3A_496, %min3A_490 : vector<16xi1>, vector<16xi32>
      %broadcast_in_dim3A_498 = vector.shape_cast %select_n3A_497 : vector<16xi32> to vector<16x1xi32>
      %gather3A_499 = vector.shape_cast %broadcast_in_dim3A_498 : vector<16x1xi32> to vector<16xi32>
      %gather3A_500 = tpu.dynamic_gather %masked_sort3A_468[%gather3A_499] in [0] : vector<16xi32>, vector<16xi32> -> vector<16xi32>
      %eq3A_501 = arith.constant 0 : i32
      %eq3A_502 = vector.broadcast %eq3A_501 : i32 to vector<16xi32>
      %eq3A_503 = arith.cmpi eq, %iota3A_21, %eq3A_502 : vector<16xi32>
      %ne3A_504 = arith.cmpi ne, %masked_sort3A_468, %gather3A_484 : vector<16xi32>
      %or3A_505 = arith.ori %eq3A_503, %ne3A_504 : vector<16xi1>
      %eq3A_506 = arith.constant 15 : i32
      %eq3A_507 = vector.broadcast %eq3A_506 : i32 to vector<16xi32>
      %eq3A_508 = arith.cmpi eq, %iota3A_21, %eq3A_507 : vector<16xi32>
      %ne3A_509 = arith.cmpi ne, %masked_sort3A_468, %gather3A_500 : vector<16xi32>
      %or3A_510 = arith.ori %eq3A_508, %ne3A_509 : vector<16xi1>
      %jit3A_511 = arith.constant 0 : i32
      %broadcast_in_dim3A_512 = vector.broadcast %jit3A_511 : i32 to vector<16xi32>
      %select_n3A_513 = arith.select %or3A_505, %iota3A_21, %broadcast_in_dim3A_512 : vector<16xi1>, vector<16xi32>
      %broadcast_in_dim3A_514 = arith.constant true
      %broadcast_in_dim3A_515 = vector.broadcast %broadcast_in_dim3A_514 : i1 to vector<16xi1>
      %masked_cummax3A_516 = arith.constant -2147483648 : i32
      %masked_cummax3A_517 = vector.broadcast %masked_cummax3A_516 : i32 to vector<16xi32>
      %masked_cummax3A_518 = arith.xori %select_n3A_513, %masked_cummax3A_517 : vector<16xi32>
      %masked_cummax3A_519 = tpu.scan <max>, %masked_cummax3A_518 masked %broadcast_in_dim3A_515 : vector<16xi32>, vector<16xi1> -> vector<16xi32>
      %masked_cummax3A_520 = arith.xori %masked_cummax3A_519, %masked_cummax3A_517 : vector<16xi32>
      %sub3A_521 = arith.subi %iota3A_21, %masked_cummax3A_520 : vector<16xi32>
      %add3A_522 = arith.constant 1 : i32
      %add3A_523 = vector.broadcast %add3A_522 : i32 to vector<16xi32>
      %add3A_524 = arith.addi %sub3A_521, %add3A_523 : vector<16xi32>
      %convert_element_type3A_525 = arith.sitofp %add3A_524 : vector<16xi32> to vector<16xf32>
      %shift_right_logical3A_526 = arith.constant 7 : i32
      %shift_right_logical3A_527 = vector.broadcast %shift_right_logical3A_526 : i32 to vector<16xi32>
      %shift_right_logical3A_528 = arith.shrui %masked_sort3A_468, %shift_right_logical3A_527 : vector<16xi32>
      %and3A_529 = arith.constant 127 : i32
      %and3A_530 = vector.broadcast %and3A_529 : i32 to vector<16xi32>
      %and3A_531 = arith.andi %masked_sort3A_468, %and3A_530 : vector<16xi32>
      tpu.vector_store_idx %arg7[%shift_right_logical3A_528, %and3A_531], %convert_element_type3A_525 masked %or3A_510 {add = true} : memref<80x128xf32, #tpu.memory_space<vmem>>[vector<16xi32>, vector<16xi32>], vector<16xf32>, vector<16xi1>
      %get3A_532 = arith.index_cast %scan3A_30 : i32 to index
      %get3A_533 = arith.constant 112 : index
      %get3A_534 = tpu.vector_load %arg5[%get3A_532, %get3A_533] {strides = array<i32>} : memref<157x128xi32, #tpu.memory_space<vmem>>, vector<16xi32>,
      %masked_sort3A_535 = arith.constant dense<true> : vector<16xi1>
      %masked_sort3A_536 = arith.constant -2147483648 : i32
      %masked_sort3A_537 = vector.broadcast %masked_sort3A_536 : i32 to vector<16xi32>
      %masked_sort3A_538 = arith.xori %get3A_534, %masked_sort3A_537 : vector<16xi32>
      %masked_sort3A_539, %masked_sort3A_540, %masked_sort3A_541 = tpu.sort %masked_sort3A_538, %get3A_534 masked %masked_sort3A_535 : (vector<16xi32>, vector<16xi32>, vector<16xi1>) -> (vector<16xi1>, vector<16xi32>, vector<16xi32>)
      %masked_sort3A_542 = arith.xori %masked_sort3A_540, %masked_sort3A_537 : vector<16xi32>
      %sub3A_543 = arith.constant 1 : i32
      %sub3A_544 = vector.broadcast %sub3A_543 : i32 to vector<16xi32>
      %sub3A_545 = arith.subi %iota3A_21, %sub3A_544 : vector<16xi32>
      %max3A_546 = arith.constant 0 : i32
      %max3A_547 = vector.broadcast %max3A_546 : i32 to vector<16xi32>
      %max3A_548 = arith.maxsi %sub3A_545, %max3A_547 : vector<16xi32>
      %lt3A_549 = arith.constant 0 : i32
      %lt3A_550 = vector.broadcast %lt3A_549 : i32 to vector<16xi32>
      %lt3A_551 = arith.cmpi slt, %max3A_548, %lt3A_550 : vector<16xi32>
      %add3A_552 = arith.constant 16 : i32
      %add3A_553 = vector.broadcast %add3A_552 : i32 to vector<16xi32>
      %add3A_554 = arith.addi %max3A_548, %add3A_553 : vector<16xi32>
      %select_n3A_555 = arith.select %lt3A_551, %add3A_554, %max3A_548 : vector<16xi1>, vector<16xi32>
      %broadcast_in_dim3A_556 = vector.shape_cast %select_n3A_555 : vector<16xi32> to vector<16x1xi32>
      %gather3A_557 = vector.shape_cast %broadcast_in_dim3A_556 : vector<16x1xi32> to vector<16xi32>
      %gather3A_558 = tpu.dynamic_gather %masked_sort3A_542[%gather3A_557] in [0] : vector<16xi32>, vector<16xi32> -> vector<16xi32>
      %add3A_559 = arith.constant 1 : i32
      %add3A_560 = vector.broadcast %add3A_559 : i32 to vector<16xi32>
      %add3A_561 = arith.addi %iota3A_21, %add3A_560 : vector<16xi32>
      %min3A_562 = arith.constant 15 : i32
      %min3A_563 = vector.broadcast %min3A_562 : i32 to vector<16xi32>
      %min3A_564 = arith.minsi %add3A_561, %min3A_563 : vector<16xi32>
      %lt3A_565 = arith.constant 0 : i32
      %lt3A_566 = vector.broadcast %lt3A_565 : i32 to vector<16xi32>
      %lt3A_567 = arith.cmpi slt, %min3A_564, %lt3A_566 : vector<16xi32>
      %add3A_568 = arith.constant 16 : i32
      %add3A_569 = vector.broadcast %add3A_568 : i32 to vector<16xi32>
      %add3A_570 = arith.addi %min3A_564, %add3A_569 : vector<16xi32>
      %select_n3A_571 = arith.select %lt3A_567, %add3A_570, %min3A_564 : vector<16xi1>, vector<16xi32>
      %broadcast_in_dim3A_572 = vector.shape_cast %select_n3A_571 : vector<16xi32> to vector<16x1xi32>
      %gather3A_573 = vector.shape_cast %broadcast_in_dim3A_572 : vector<16x1xi32> to vector<16xi32>
      %gather3A_574 = tpu.dynamic_gather %masked_sort3A_542[%gather3A_573] in [0] : vector<16xi32>, vector<16xi32> -> vector<16xi32>
      %eq3A_575 = arith.constant 0 : i32
      %eq3A_576 = vector.broadcast %eq3A_575 : i32 to vector<16xi32>
      %eq3A_577 = arith.cmpi eq, %iota3A_21, %eq3A_576 : vector<16xi32>
      %ne3A_578 = arith.cmpi ne, %masked_sort3A_542, %gather3A_558 : vector<16xi32>
      %or3A_579 = arith.ori %eq3A_577, %ne3A_578 : vector<16xi1>
      %eq3A_580 = arith.constant 15 : i32
      %eq3A_581 = vector.broadcast %eq3A_580 : i32 to vector<16xi32>
      %eq3A_582 = arith.cmpi eq, %iota3A_21, %eq3A_581 : vector<16xi32>
      %ne3A_583 = arith.cmpi ne, %masked_sort3A_542, %gather3A_574 : vector<16xi32>
      %or3A_584 = arith.ori %eq3A_582, %ne3A_583 : vector<16xi1>
      %jit3A_585 = arith.constant 0 : i32
      %broadcast_in_dim3A_586 = vector.broadcast %jit3A_585 : i32 to vector<16xi32>
      %select_n3A_587 = arith.select %or3A_579, %iota3A_21, %broadcast_in_dim3A_586 : vector<16xi1>, vector<16xi32>
      %broadcast_in_dim3A_588 = arith.constant true
      %broadcast_in_dim3A_589 = vector.broadcast %broadcast_in_dim3A_588 : i1 to vector<16xi1>
      %masked_cummax3A_590 = arith.constant -2147483648 : i32
      %masked_cummax3A_591 = vector.broadcast %masked_cummax3A_590 : i32 to vector<16xi32>
      %masked_cummax3A_592 = arith.xori %select_n3A_587, %masked_cummax3A_591 : vector<16xi32>
      %masked_cummax3A_593 = tpu.scan <max>, %masked_cummax3A_592 masked %broadcast_in_dim3A_589 : vector<16xi32>, vector<16xi1> -> vector<16xi32>
      %masked_cummax3A_594 = arith.xori %masked_cummax3A_593, %masked_cummax3A_591 : vector<16xi32>
      %sub3A_595 = arith.subi %iota3A_21, %masked_cummax3A_594 : vector<16xi32>
      %add3A_596 = arith.constant 1 : i32
      %add3A_597 = vector.broadcast %add3A_596 : i32 to vector<16xi32>
      %add3A_598 = arith.addi %sub3A_595, %add3A_597 : vector<16xi32>
      %convert_element_type3A_599 = arith.sitofp %add3A_598 : vector<16xi32> to vector<16xf32>
      %shift_right_logical3A_600 = arith.constant 7 : i32
      %shift_right_logical3A_601 = vector.broadcast %shift_right_logical3A_600 : i32 to vector<16xi32>
      %shift_right_logical3A_602 = arith.shrui %masked_sort3A_542, %shift_right_logical3A_601 : vector<16xi32>
      %and3A_603 = arith.constant 127 : i32
      %and3A_604 = vector.broadcast %and3A_603 : i32 to vector<16xi32>
      %and3A_605 = arith.andi %masked_sort3A_542, %and3A_604 : vector<16xi32>
      tpu.vector_store_idx %arg7[%shift_right_logical3A_602, %and3A_605], %convert_element_type3A_599 masked %or3A_584 {add = true} : memref<80x128xf32, #tpu.memory_space<vmem>>[vector<16xi32>, vector<16xi32>], vector<16xf32>, vector<16xi1>
    }
    %scan3A_27 = arith.constant 157 : i32
    %run_scoped3A_28 = arith.constant 0 : i32
    "tpu.region"() ({
      %run_scoped3A_30 = tpu.sem_alloc : memref<!tpu.dma_semaphore, #tpu.memory_space<semaphore_mem>>
      %dma_start3A = arith.constant 0 : i32
      %dma_start3A_31 = arith.constant 0 : i32
      %dma_start3A_32 = tpu.memref_slice %arg3[%arg0, %run_scoped3A_28, %arg1, %dma_start3A, %dma_start3A_31] : memref<2x2x16x80x128xf32, #tpu.memory_space<hbm>> -> memref<1x1x1x80x128xf32, #tpu.memory_space<hbm>>
      %dma_start3A_33 = tpu.memref_squeeze %dma_start3A_32 : memref<1x1x1x80x128xf32, #tpu.memory_space<hbm>> -> memref<80x128xf32, #tpu.memory_space<hbm>>
      %dma_start3A_34 = arith.constant 0 : i32
      %dma_start3A_35 = arith.constant 0 : i32
      %dma_start3A_36 = tpu.memref_slice %arg3[%arg0, %run_scoped3A_28, %arg1, %dma_start3A_34, %dma_start3A_35] : memref<2x2x16x80x128xf32, #tpu.memory_space<hbm>> -> memref<1x1x1x80x128xf32, #tpu.memory_space<hbm>>
      %dma_start3A_37 = tpu.memref_squeeze %dma_start3A_36 : memref<1x1x1x80x128xf32, #tpu.memory_space<hbm>> -> memref<80x128xf32, #tpu.memory_space<hbm>>
      tpu.enqueue_dma source(%arg6 : memref<80x128xf32, #tpu.memory_space<vmem>>) target(%dma_start3A_37 : memref<80x128xf32, #tpu.memory_space<hbm>>) target_semaphore(%run_scoped3A_30 : memref<!tpu.dma_semaphore, #tpu.memory_space<semaphore_mem>>)
      %dma_wait3A = arith.constant 0 : i32
      %dma_wait3A_38 = arith.constant 0 : i32
      %dma_wait3A_39 = tpu.memref_slice %arg3[%arg0, %run_scoped3A_28, %arg1, %dma_wait3A, %dma_wait3A_38] : memref<2x2x16x80x128xf32, #tpu.memory_space<hbm>> -> memref<1x1x1x80x128xf32, #tpu.memory_space<hbm>>
      %dma_wait3A_40 = tpu.memref_squeeze %dma_wait3A_39 : memref<1x1x1x80x128xf32, #tpu.memory_space<hbm>> -> memref<80x128xf32, #tpu.memory_space<hbm>>
      %dma_wait3A_41 = arith.constant 0 : i32
      %dma_wait3A_42 = arith.constant 0 : i32
      %dma_wait3A_43 = tpu.memref_slice %arg3[%arg0, %run_scoped3A_28, %arg1, %dma_wait3A_41, %dma_wait3A_42] : memref<2x2x16x80x128xf32, #tpu.memory_space<hbm>> -> memref<1x1x1x80x128xf32, #tpu.memory_space<hbm>>
      %dma_wait3A_44 = tpu.memref_squeeze %dma_wait3A_43 : memref<1x1x1x80x128xf32, #tpu.memory_space<hbm>> -> memref<80x128xf32, #tpu.memory_space<hbm>>
      tpu.wait_dma2 semaphore(%run_scoped3A_30 : memref<!tpu.dma_semaphore, #tpu.memory_space<semaphore_mem>>) src(%arg6 : memref<80x128xf32, #tpu.memory_space<vmem>>) dst(%dma_wait3A_44 : memref<80x128xf32, #tpu.memory_space<hbm>>)
      tpu.yield
    }) : () -> ()
    %run_scoped3A_29 = arith.constant 1 : i32
    "tpu.region"() ({
      %run_scoped3A_30 = tpu.sem_alloc : memref<!tpu.dma_semaphore, #tpu.memory_space<semaphore_mem>>
      %dma_start3A = arith.constant 0 : i32
      %dma_start3A_31 = arith.constant 0 : i32
      %dma_start3A_32 = tpu.memref_slice %arg3[%arg0, %run_scoped3A_29, %arg1, %dma_start3A, %dma_start3A_31] : memref<2x2x16x80x128xf32, #tpu.memory_space<hbm>> -> memref<1x1x1x80x128xf32, #tpu.memory_space<hbm>>
      %dma_start3A_33 = tpu.memref_squeeze %dma_start3A_32 : memref<1x1x1x80x128xf32, #tpu.memory_space<hbm>> -> memref<80x128xf32, #tpu.memory_space<hbm>>
      %dma_start3A_34 = arith.constant 0 : i32
      %dma_start3A_35 = arith.constant 0 : i32
      %dma_start3A_36 = tpu.memref_slice %arg3[%arg0, %run_scoped3A_29, %arg1, %dma_start3A_34, %dma_start3A_35] : memref<2x2x16x80x128xf32, #tpu.memory_space<hbm>> -> memref<1x1x1x80x128xf32, #tpu.memory_space<hbm>>
      %dma_start3A_37 = tpu.memref_squeeze %dma_start3A_36 : memref<1x1x1x80x128xf32, #tpu.memory_space<hbm>> -> memref<80x128xf32, #tpu.memory_space<hbm>>
      tpu.enqueue_dma source(%arg7 : memref<80x128xf32, #tpu.memory_space<vmem>>) target(%dma_start3A_37 : memref<80x128xf32, #tpu.memory_space<hbm>>) target_semaphore(%run_scoped3A_30 : memref<!tpu.dma_semaphore, #tpu.memory_space<semaphore_mem>>)
      %dma_wait3A = arith.constant 0 : i32
      %dma_wait3A_38 = arith.constant 0 : i32
      %dma_wait3A_39 = tpu.memref_slice %arg3[%arg0, %run_scoped3A_29, %arg1, %dma_wait3A, %dma_wait3A_38] : memref<2x2x16x80x128xf32, #tpu.memory_space<hbm>> -> memref<1x1x1x80x128xf32, #tpu.memory_space<hbm>>
      %dma_wait3A_40 = tpu.memref_squeeze %dma_wait3A_39 : memref<1x1x1x80x128xf32, #tpu.memory_space<hbm>> -> memref<80x128xf32, #tpu.memory_space<hbm>>
      %dma_wait3A_41 = arith.constant 0 : i32
      %dma_wait3A_42 = arith.constant 0 : i32
      %dma_wait3A_43 = tpu.memref_slice %arg3[%arg0, %run_scoped3A_29, %arg1, %dma_wait3A_41, %dma_wait3A_42] : memref<2x2x16x80x128xf32, #tpu.memory_space<hbm>> -> memref<1x1x1x80x128xf32, #tpu.memory_space<hbm>>
      %dma_wait3A_44 = tpu.memref_squeeze %dma_wait3A_43 : memref<1x1x1x80x128xf32, #tpu.memory_space<hbm>> -> memref<80x128xf32, #tpu.memory_space<hbm>>
      tpu.wait_dma2 semaphore(%run_scoped3A_30 : memref<!tpu.dma_semaphore, #tpu.memory_space<semaphore_mem>>) src(%arg7 : memref<80x128xf32, #tpu.memory_space<vmem>>) dst(%dma_wait3A_44 : memref<80x128xf32, #tpu.memory_space<hbm>>)
      tpu.yield
    }) : () -> ()
    return
  }
}

#map = affine_map<(d0, d1) -> (0, 0)>
#map1 = affine_map<(d0, d1) -> (0, 0, 0, 0)>
#map2 = affine_map<(d0, d1) -> (0, 0, 0, 0, 0)>
module attributes {stable_mosaic.version = 14 : i64} {
  func.func @_score_body(%arg0: i32, %arg1: i32, %arg2: memref<10000x128xf32, #tpu.memory_space<hbm>>, %arg3: memref<2x16x80x125xi32, #tpu.memory_space<hbm>>, %arg4: memref<2x16x80x125xi32, #tpu.memory_space<hbm>>, %arg5: memref<2x16x80x125x16xf32, #tpu.memory_space<hbm>>, %arg6: memref<80x125xi32, #tpu.memory_space<vmem>>, %arg7: memref<80x125xi32, #tpu.memory_space<vmem>>, %arg8: memref<125x128xf32, #tpu.memory_space<vmem>>, %arg9: memref<125x128xf32, #tpu.memory_space<vmem>>, %arg10: memref<125x128xf32, #tpu.memory_space<vmem>>, %arg11: memref<125x128xf32, #tpu.memory_space<vmem>>, %arg12: memref<125x16xf32, #tpu.memory_space<vmem>>, %arg13: memref<!tpu.dma_semaphore, #tpu.memory_space<semaphore_mem>>, %arg14: memref<!tpu.dma_semaphore, #tpu.memory_space<semaphore_mem>>, %arg15: memref<!tpu.dma_semaphore, #tpu.memory_space<semaphore_mem>>, %arg16: memref<!tpu.dma_semaphore, #tpu.memory_space<semaphore_mem>>) attributes {dimension_semantics = [#tpu.dimension_semantics<core_parallel>, #tpu.dimension_semantics<subcore_parallel>], iteration_bounds = array<i64: 2, 16>, scalar_prefetch = 0 : i64, scratch_operands = 11 : i64, tpu.core_type = #tpu.core_type<sc_vector_subcore>, window_params = [{transform_indices = #map}, {transform_indices = #map1}, {transform_indices = #map1}, {transform_indices = #map2}]} {
    "tpu.region"() ({
      %run_scoped3A = tpu.sem_alloc : memref<!tpu.dma_semaphore, #tpu.memory_space<semaphore_mem>>
      %dma_start3A_18 = arith.constant 0 : i32
      %dma_start3A_19 = arith.constant 0 : i32
      %dma_start3A_20 = tpu.memref_slice %arg3[%arg0, %arg1, %dma_start3A_18, %dma_start3A_19] : memref<2x16x80x125xi32, #tpu.memory_space<hbm>> -> memref<1x1x80x125xi32, #tpu.memory_space<hbm>>
      %dma_start3A_21 = tpu.memref_squeeze %dma_start3A_20 : memref<1x1x80x125xi32, #tpu.memory_space<hbm>> -> memref<80x125xi32, #tpu.memory_space<hbm>>
      %dma_start3A_22 = arith.constant 0 : i32
      %dma_start3A_23 = arith.constant 0 : i32
      %dma_start3A_24 = tpu.memref_slice %arg3[%arg0, %arg1, %dma_start3A_22, %dma_start3A_23] : memref<2x16x80x125xi32, #tpu.memory_space<hbm>> -> memref<1x1x80x125xi32, #tpu.memory_space<hbm>>
      %dma_start3A_25 = tpu.memref_squeeze %dma_start3A_24 : memref<1x1x80x125xi32, #tpu.memory_space<hbm>> -> memref<80x125xi32, #tpu.memory_space<hbm>>
      tpu.enqueue_dma source(%dma_start3A_25 : memref<80x125xi32, #tpu.memory_space<hbm>>) target(%arg6 : memref<80x125xi32, #tpu.memory_space<vmem>>) target_semaphore(%run_scoped3A : memref<!tpu.dma_semaphore, #tpu.memory_space<semaphore_mem>>)
      %dma_wait3A = arith.constant 0 : i32
      %dma_wait3A_26 = arith.constant 0 : i32
      %dma_wait3A_27 = tpu.memref_slice %arg3[%arg0, %arg1, %dma_wait3A, %dma_wait3A_26] : memref<2x16x80x125xi32, #tpu.memory_space<hbm>> -> memref<1x1x80x125xi32, #tpu.memory_space<hbm>>
      %dma_wait3A_28 = tpu.memref_squeeze %dma_wait3A_27 : memref<1x1x80x125xi32, #tpu.memory_space<hbm>> -> memref<80x125xi32, #tpu.memory_space<hbm>>
      %dma_wait3A_29 = arith.constant 0 : i32
      %dma_wait3A_30 = arith.constant 0 : i32
      %dma_wait3A_31 = tpu.memref_slice %arg3[%arg0, %arg1, %dma_wait3A_29, %dma_wait3A_30] : memref<2x16x80x125xi32, #tpu.memory_space<hbm>> -> memref<1x1x80x125xi32, #tpu.memory_space<hbm>>
      %dma_wait3A_32 = tpu.memref_squeeze %dma_wait3A_31 : memref<1x1x80x125xi32, #tpu.memory_space<hbm>> -> memref<80x125xi32, #tpu.memory_space<hbm>>
      tpu.wait_dma2 semaphore(%run_scoped3A : memref<!tpu.dma_semaphore, #tpu.memory_space<semaphore_mem>>) src(%dma_wait3A_32 : memref<80x125xi32, #tpu.memory_space<hbm>>) dst(%arg6 : memref<80x125xi32, #tpu.memory_space<vmem>>)
      tpu.yield
    }) : () -> ()
    "tpu.region"() ({
      %run_scoped3A = tpu.sem_alloc : memref<!tpu.dma_semaphore, #tpu.memory_space<semaphore_mem>>
      %dma_start3A_18 = arith.constant 0 : i32
      %dma_start3A_19 = arith.constant 0 : i32
      %dma_start3A_20 = tpu.memref_slice %arg4[%arg0, %arg1, %dma_start3A_18, %dma_start3A_19] : memref<2x16x80x125xi32, #tpu.memory_space<hbm>> -> memref<1x1x80x125xi32, #tpu.memory_space<hbm>>
      %dma_start3A_21 = tpu.memref_squeeze %dma_start3A_20 : memref<1x1x80x125xi32, #tpu.memory_space<hbm>> -> memref<80x125xi32, #tpu.memory_space<hbm>>
      %dma_start3A_22 = arith.constant 0 : i32
      %dma_start3A_23 = arith.constant 0 : i32
      %dma_start3A_24 = tpu.memref_slice %arg4[%arg0, %arg1, %dma_start3A_22, %dma_start3A_23] : memref<2x16x80x125xi32, #tpu.memory_space<hbm>> -> memref<1x1x80x125xi32, #tpu.memory_space<hbm>>
      %dma_start3A_25 = tpu.memref_squeeze %dma_start3A_24 : memref<1x1x80x125xi32, #tpu.memory_space<hbm>> -> memref<80x125xi32, #tpu.memory_space<hbm>>
      tpu.enqueue_dma source(%dma_start3A_25 : memref<80x125xi32, #tpu.memory_space<hbm>>) target(%arg7 : memref<80x125xi32, #tpu.memory_space<vmem>>) target_semaphore(%run_scoped3A : memref<!tpu.dma_semaphore, #tpu.memory_space<semaphore_mem>>)
      %dma_wait3A = arith.constant 0 : i32
      %dma_wait3A_26 = arith.constant 0 : i32
      %dma_wait3A_27 = tpu.memref_slice %arg4[%arg0, %arg1, %dma_wait3A, %dma_wait3A_26] : memref<2x16x80x125xi32, #tpu.memory_space<hbm>> -> memref<1x1x80x125xi32, #tpu.memory_space<hbm>>
      %dma_wait3A_28 = tpu.memref_squeeze %dma_wait3A_27 : memref<1x1x80x125xi32, #tpu.memory_space<hbm>> -> memref<80x125xi32, #tpu.memory_space<hbm>>
      %dma_wait3A_29 = arith.constant 0 : i32
      %dma_wait3A_30 = arith.constant 0 : i32
      %dma_wait3A_31 = tpu.memref_slice %arg4[%arg0, %arg1, %dma_wait3A_29, %dma_wait3A_30] : memref<2x16x80x125xi32, #tpu.memory_space<hbm>> -> memref<1x1x80x125xi32, #tpu.memory_space<hbm>>
      %dma_wait3A_32 = tpu.memref_squeeze %dma_wait3A_31 : memref<1x1x80x125xi32, #tpu.memory_space<hbm>> -> memref<80x125xi32, #tpu.memory_space<hbm>>
      tpu.wait_dma2 semaphore(%run_scoped3A : memref<!tpu.dma_semaphore, #tpu.memory_space<semaphore_mem>>) src(%dma_wait3A_32 : memref<80x125xi32, #tpu.memory_space<hbm>>) dst(%arg7 : memref<80x125xi32, #tpu.memory_space<vmem>>)
      tpu.yield
    }) : () -> ()
    %dma_start3A = arith.constant 0 : i32
    %dma_start3A_0 = arith.constant 0 : i32
    %dma_start3A_1 = tpu.memref_slice %arg6[%dma_start3A, %dma_start3A_0] : memref<80x125xi32, #tpu.memory_space<vmem>> -> memref<1x125xi32, #tpu.memory_space<vmem>>
    %dma_start3A_2 = tpu.memref_squeeze %dma_start3A_1 : memref<1x125xi32, #tpu.memory_space<vmem>> -> memref<125xi32, #tpu.memory_space<vmem>>
    %dma_start3A_3 = arith.constant 0 : i32
    %dma_start3A_4 = arith.constant 0 : i32
    %dma_start3A_5 = tpu.memref_slice %arg2[%dma_start3A_3, %dma_start3A_4] : memref<10000x128xf32, #tpu.memory_space<hbm>> -> memref<10000x128xf32, #tpu.memory_space<hbm>>
    tpu.enqueue_indirect_dma source(%dma_start3A_5 : memref<10000x128xf32, #tpu.memory_space<hbm>>) target(%arg8 : memref<125x128xf32, #tpu.memory_space<vmem>>) offsets(%dma_start3A_2 : memref<125xi32, #tpu.memory_space<vmem>>) semaphore(%arg13 : memref<!tpu.dma_semaphore, #tpu.memory_space<semaphore_mem>>)
    %dma_start3A_6 = arith.constant 0 : i32
    %dma_start3A_7 = arith.constant 0 : i32
    %dma_start3A_8 = tpu.memref_slice %arg7[%dma_start3A_6, %dma_start3A_7] : memref<80x125xi32, #tpu.memory_space<vmem>> -> memref<1x125xi32, #tpu.memory_space<vmem>>
    %dma_start3A_9 = tpu.memref_squeeze %dma_start3A_8 : memref<1x125xi32, #tpu.memory_space<vmem>> -> memref<125xi32, #tpu.memory_space<vmem>>
    %dma_start3A_10 = arith.constant 0 : i32
    %dma_start3A_11 = arith.constant 0 : i32
    %dma_start3A_12 = tpu.memref_slice %arg2[%dma_start3A_10, %dma_start3A_11] : memref<10000x128xf32, #tpu.memory_space<hbm>> -> memref<10000x128xf32, #tpu.memory_space<hbm>>
    tpu.enqueue_indirect_dma source(%dma_start3A_12 : memref<10000x128xf32, #tpu.memory_space<hbm>>) target(%arg9 : memref<125x128xf32, #tpu.memory_space<vmem>>) offsets(%dma_start3A_9 : memref<125xi32, #tpu.memory_space<vmem>>) semaphore(%arg14 : memref<!tpu.dma_semaphore, #tpu.memory_space<semaphore_mem>>)
    %scan3A = arith.constant 0 : i32
    %scan3A_13 = arith.constant 0 : i32
    %scan3A_14 = arith.constant 40 : i32
    %scan3A_15 = arith.addi %scan3A_13, %scan3A_14 : i32
    %scan3A_16 = arith.constant 1 : i32
    scf.for %scan3A_18 = %scan3A_13 to %scan3A_15 step %scan3A_16  : i32 {
      %mul3A = arith.constant 2 : i32
      %mul3A_19 = arith.muli %mul3A, %scan3A_18 : i32
      %add3A = arith.constant 1 : i32
      %add3A_20 = arith.addi %mul3A_19, %add3A : i32
      %dma_start3A_21 = arith.constant 0 : i32
      %dma_start3A_22 = tpu.memref_slice %arg6[%add3A_20, %dma_start3A_21] : memref<80x125xi32, #tpu.memory_space<vmem>> -> memref<1x125xi32, #tpu.memory_space<vmem>>
      %dma_start3A_23 = tpu.memref_squeeze %dma_start3A_22 : memref<1x125xi32, #tpu.memory_space<vmem>> -> memref<125xi32, #tpu.memory_space<vmem>>
      %dma_start3A_24 = arith.constant 0 : i32
      %dma_start3A_25 = arith.constant 0 : i32
      %dma_start3A_26 = tpu.memref_slice %arg2[%dma_start3A_24, %dma_start3A_25] : memref<10000x128xf32, #tpu.memory_space<hbm>> -> memref<10000x128xf32, #tpu.memory_space<hbm>>
      tpu.enqueue_indirect_dma source(%dma_start3A_26 : memref<10000x128xf32, #tpu.memory_space<hbm>>) target(%arg10 : memref<125x128xf32, #tpu.memory_space<vmem>>) offsets(%dma_start3A_23 : memref<125xi32, #tpu.memory_space<vmem>>) semaphore(%arg15 : memref<!tpu.dma_semaphore, #tpu.memory_space<semaphore_mem>>)
      %dma_start3A_27 = arith.constant 0 : i32
      %dma_start3A_28 = tpu.memref_slice %arg7[%add3A_20, %dma_start3A_27] : memref<80x125xi32, #tpu.memory_space<vmem>> -> memref<1x125xi32, #tpu.memory_space<vmem>>
      %dma_start3A_29 = tpu.memref_squeeze %dma_start3A_28 : memref<1x125xi32, #tpu.memory_space<vmem>> -> memref<125xi32, #tpu.memory_space<vmem>>
      %dma_start3A_30 = arith.constant 0 : i32
      %dma_start3A_31 = arith.constant 0 : i32
      %dma_start3A_32 = tpu.memref_slice %arg2[%dma_start3A_30, %dma_start3A_31] : memref<10000x128xf32, #tpu.memory_space<hbm>> -> memref<10000x128xf32, #tpu.memory_space<hbm>>
      tpu.enqueue_indirect_dma source(%dma_start3A_32 : memref<10000x128xf32, #tpu.memory_space<hbm>>) target(%arg11 : memref<125x128xf32, #tpu.memory_space<vmem>>) offsets(%dma_start3A_29 : memref<125xi32, #tpu.memory_space<vmem>>) semaphore(%arg16 : memref<!tpu.dma_semaphore, #tpu.memory_space<semaphore_mem>>)
      %dma_wait3A = arith.constant 0 : i32
      %dma_wait3A_33 = arith.constant 0 : i32
      %dma_wait3A_34 = tpu.memref_slice %arg6[%dma_wait3A, %dma_wait3A_33] : memref<80x125xi32, #tpu.memory_space<vmem>> -> memref<1x125xi32, #tpu.memory_space<vmem>>
      %dma_wait3A_35 = tpu.memref_squeeze %dma_wait3A_34 : memref<1x125xi32, #tpu.memory_space<vmem>> -> memref<125xi32, #tpu.memory_space<vmem>>
      %dma_wait3A_36 = arith.constant 0 : i32
      %dma_wait3A_37 = arith.constant 0 : i32
      %dma_wait3A_38 = tpu.memref_slice %arg2[%dma_wait3A_36, %dma_wait3A_37] : memref<10000x128xf32, #tpu.memory_space<hbm>> -> memref<10000x128xf32, #tpu.memory_space<hbm>>
      tpu.wait_indirect_dma semaphore(%arg13 : memref<!tpu.dma_semaphore, #tpu.memory_space<semaphore_mem>>) src(%dma_wait3A_38 : memref<10000x128xf32, #tpu.memory_space<hbm>>) dst(%arg8 : memref<125x128xf32, #tpu.memory_space<vmem>>)
      %dma_wait3A_39 = arith.constant 0 : i32
      %dma_wait3A_40 = arith.constant 0 : i32
      %dma_wait3A_41 = tpu.memref_slice %arg7[%dma_wait3A_39, %dma_wait3A_40] : memref<80x125xi32, #tpu.memory_space<vmem>> -> memref<1x125xi32, #tpu.memory_space<vmem>>
      %dma_wait3A_42 = tpu.memref_squeeze %dma_wait3A_41 : memref<1x125xi32, #tpu.memory_space<vmem>> -> memref<125xi32, #tpu.memory_space<vmem>>
      %dma_wait3A_43 = arith.constant 0 : i32
      %dma_wait3A_44 = arith.constant 0 : i32
      %dma_wait3A_45 = tpu.memref_slice %arg2[%dma_wait3A_43, %dma_wait3A_44] : memref<10000x128xf32, #tpu.memory_space<hbm>> -> memref<10000x128xf32, #tpu.memory_space<hbm>>
      tpu.wait_indirect_dma semaphore(%arg14 : memref<!tpu.dma_semaphore, #tpu.memory_space<semaphore_mem>>) src(%dma_wait3A_45 : memref<10000x128xf32, #tpu.memory_space<hbm>>) dst(%arg9 : memref<125x128xf32, #tpu.memory_space<vmem>>)
      %mul3A_46 = arith.constant 2 : i32
      %mul3A_47 = arith.muli %mul3A_46, %scan3A_18 : i32
      %scan3A_48 = arith.constant 0 : i32
      %scan3A_49 = arith.constant 0 : i32
      %scan3A_50 = arith.constant 25 : i32
      %scan3A_51 = arith.addi %scan3A_49, %scan3A_50 : i32
      %scan3A_52 = arith.constant 1 : i32
      scf.for %scan3A_80 = %scan3A_49 to %scan3A_51 step %scan3A_52  : i32 {
        %mul3A_81 = arith.constant 5 : i32
        %mul3A_82 = arith.muli %scan3A_80, %mul3A_81 : i32
        %add3A_83 = arith.constant 0 : i32
        %add3A_84 = arith.addi %mul3A_82, %add3A_83 : i32
        %get3A = arith.index_cast %add3A_84 : i32 to index
        %get3A_85 = arith.constant 0 : index
        %get3A_86 = tpu.vector_load %arg8[%get3A, %get3A_85] {strides = array<i32>} : memref<125x128xf32, #tpu.memory_space<vmem>>, vector<1x16xf32>,
        %get3A_87 = vector.shape_cast %get3A_86 : vector<1x16xf32> to vector<16xf32>
        %get3A_88 = arith.index_cast %add3A_84 : i32 to index
        %get3A_89 = arith.constant 0 : index
        %get3A_90 = tpu.vector_load %arg9[%get3A_88, %get3A_89] {strides = array<i32>} : memref<125x128xf32, #tpu.memory_space<vmem>>, vector<1x16xf32>,
        %get3A_91 = vector.shape_cast %get3A_90 : vector<1x16xf32> to vector<16xf32>
        %mul3A_92 = arith.mulf %get3A_87, %get3A_91 : vector<16xf32>
        %get3A_93 = arith.index_cast %add3A_84 : i32 to index
        %get3A_94 = arith.constant 16 : index
        %get3A_95 = tpu.vector_load %arg8[%get3A_93, %get3A_94] {strides = array<i32>} : memref<125x128xf32, #tpu.memory_space<vmem>>, vector<1x16xf32>,
        %get3A_96 = vector.shape_cast %get3A_95 : vector<1x16xf32> to vector<16xf32>
        %get3A_97 = arith.index_cast %add3A_84 : i32 to index
        %get3A_98 = arith.constant 16 : index
        %get3A_99 = tpu.vector_load %arg9[%get3A_97, %get3A_98] {strides = array<i32>} : memref<125x128xf32, #tpu.memory_space<vmem>>, vector<1x16xf32>,
        %get3A_100 = vector.shape_cast %get3A_99 : vector<1x16xf32> to vector<16xf32>
        %mul3A_101 = arith.mulf %get3A_96, %get3A_100 : vector<16xf32>
        %add3A_102 = arith.addf %mul3A_92, %mul3A_101 : vector<16xf32>
        %get3A_103 = arith.index_cast %add3A_84 : i32 to index
        %get3A_104 = arith.constant 32 : index
        %get3A_105 = tpu.vector_load %arg8[%get3A_103, %get3A_104] {strides = array<i32>} : memref<125x128xf32, #tpu.memory_space<vmem>>, vector<1x16xf32>,
        %get3A_106 = vector.shape_cast %get3A_105 : vector<1x16xf32> to vector<16xf32>
        %get3A_107 = arith.index_cast %add3A_84 : i32 to index
        %get3A_108 = arith.constant 32 : index
        %get3A_109 = tpu.vector_load %arg9[%get3A_107, %get3A_108] {strides = array<i32>} : memref<125x128xf32, #tpu.memory_space<vmem>>, vector<1x16xf32>,
        %get3A_110 = vector.shape_cast %get3A_109 : vector<1x16xf32> to vector<16xf32>
        %mul3A_111 = arith.mulf %get3A_106, %get3A_110 : vector<16xf32>
        %add3A_112 = arith.addf %add3A_102, %mul3A_111 : vector<16xf32>
        %get3A_113 = arith.index_cast %add3A_84 : i32 to index
        %get3A_114 = arith.constant 48 : index
        %get3A_115 = tpu.vector_load %arg8[%get3A_113, %get3A_114] {strides = array<i32>} : memref<125x128xf32, #tpu.memory_space<vmem>>, vector<1x16xf32>,
        %get3A_116 = vector.shape_cast %get3A_115 : vector<1x16xf32> to vector<16xf32>
        %get3A_117 = arith.index_cast %add3A_84 : i32 to index
        %get3A_118 = arith.constant 48 : index
        %get3A_119 = tpu.vector_load %arg9[%get3A_117, %get3A_118] {strides = array<i32>} : memref<125x128xf32, #tpu.memory_space<vmem>>, vector<1x16xf32>,
        %get3A_120 = vector.shape_cast %get3A_119 : vector<1x16xf32> to vector<16xf32>
        %mul3A_121 = arith.mulf %get3A_116, %get3A_120 : vector<16xf32>
        %add3A_122 = arith.addf %add3A_112, %mul3A_121 : vector<16xf32>
        %get3A_123 = arith.index_cast %add3A_84 : i32 to index
        %get3A_124 = arith.constant 64 : index
        %get3A_125 = tpu.vector_load %arg8[%get3A_123, %get3A_124] {strides = array<i32>} : memref<125x128xf32, #tpu.memory_space<vmem>>, vector<1x16xf32>,
        %get3A_126 = vector.shape_cast %get3A_125 : vector<1x16xf32> to vector<16xf32>
        %get3A_127 = arith.index_cast %add3A_84 : i32 to index
        %get3A_128 = arith.constant 64 : index
        %get3A_129 = tpu.vector_load %arg9[%get3A_127, %get3A_128] {strides = array<i32>} : memref<125x128xf32, #tpu.memory_space<vmem>>, vector<1x16xf32>,
        %get3A_130 = vector.shape_cast %get3A_129 : vector<1x16xf32> to vector<16xf32>
        %mul3A_131 = arith.mulf %get3A_126, %get3A_130 : vector<16xf32>
        %add3A_132 = arith.addf %add3A_122, %mul3A_131 : vector<16xf32>
        %get3A_133 = arith.index_cast %add3A_84 : i32 to index
        %get3A_134 = arith.constant 80 : index
        %get3A_135 = tpu.vector_load %arg8[%get3A_133, %get3A_134] {strides = array<i32>} : memref<125x128xf32, #tpu.memory_space<vmem>>, vector<1x16xf32>,
        %get3A_136 = vector.shape_cast %get3A_135 : vector<1x16xf32> to vector<16xf32>
        %get3A_137 = arith.index_cast %add3A_84 : i32 to index
        %get3A_138 = arith.constant 80 : index
        %get3A_139 = tpu.vector_load %arg9[%get3A_137, %get3A_138] {strides = array<i32>} : memref<125x128xf32, #tpu.memory_space<vmem>>, vector<1x16xf32>,
        %get3A_140 = vector.shape_cast %get3A_139 : vector<1x16xf32> to vector<16xf32>
        %mul3A_141 = arith.mulf %get3A_136, %get3A_140 : vector<16xf32>
        %add3A_142 = arith.addf %add3A_132, %mul3A_141 : vector<16xf32>
        %get3A_143 = arith.index_cast %add3A_84 : i32 to index
        %get3A_144 = arith.constant 96 : index
        %get3A_145 = tpu.vector_load %arg8[%get3A_143, %get3A_144] {strides = array<i32>} : memref<125x128xf32, #tpu.memory_space<vmem>>, vector<1x16xf32>,
        %get3A_146 = vector.shape_cast %get3A_145 : vector<1x16xf32> to vector<16xf32>
        %get3A_147 = arith.index_cast %add3A_84 : i32 to index
        %get3A_148 = arith.constant 96 : index
        %get3A_149 = tpu.vector_load %arg9[%get3A_147, %get3A_148] {strides = array<i32>} : memref<125x128xf32, #tpu.memory_space<vmem>>, vector<1x16xf32>,
        %get3A_150 = vector.shape_cast %get3A_149 : vector<1x16xf32> to vector<16xf32>
        %mul3A_151 = arith.mulf %get3A_146, %get3A_150 : vector<16xf32>
        %add3A_152 = arith.addf %add3A_142, %mul3A_151 : vector<16xf32>
        %get3A_153 = arith.index_cast %add3A_84 : i32 to index
        %get3A_154 = arith.constant 112 : index
        %get3A_155 = tpu.vector_load %arg8[%get3A_153, %get3A_154] {strides = array<i32>} : memref<125x128xf32, #tpu.memory_space<vmem>>, vector<1x16xf32>,
        %get3A_156 = vector.shape_cast %get3A_155 : vector<1x16xf32> to vector<16xf32>
        %get3A_157 = arith.index_cast %add3A_84 : i32 to index
        %get3A_158 = arith.constant 112 : index
        %get3A_159 = tpu.vector_load %arg9[%get3A_157, %get3A_158] {strides = array<i32>} : memref<125x128xf32, #tpu.memory_space<vmem>>, vector<1x16xf32>,
        %get3A_160 = vector.shape_cast %get3A_159 : vector<1x16xf32> to vector<16xf32>
        %mul3A_161 = arith.mulf %get3A_156, %get3A_160 : vector<16xf32>
        %add3A_162 = arith.addf %add3A_152, %mul3A_161 : vector<16xf32>
        %swap3A = arith.index_cast %add3A_84 : i32 to index
        %swap3A_163 = arith.constant 0 : index
        %swap3A_164 = tpu.vector_load %arg12[%swap3A, %swap3A_163] {strides = array<i32>} : memref<125x16xf32, #tpu.memory_space<vmem>>, vector<1x16xf32>,
        %swap3A_165 = vector.shape_cast %swap3A_164 : vector<1x16xf32> to vector<16xf32>
        %swap3A_166 = vector.shape_cast %add3A_162 : vector<16xf32> to vector<1x16xf32>
        tpu.vector_store %arg12[%swap3A, %swap3A_163], %swap3A_166 {strides = array<i32>} : memref<125x16xf32, #tpu.memory_space<vmem>>, vector<1x16xf32>,
        %mul3A_167 = arith.constant 5 : i32
        %mul3A_168 = arith.muli %scan3A_80, %mul3A_167 : i32
        %add3A_169 = arith.constant 1 : i32
        %add3A_170 = arith.addi %mul3A_168, %add3A_169 : i32
        %get3A_171 = arith.index_cast %add3A_170 : i32 to index
        %get3A_172 = arith.constant 0 : index
        %get3A_173 = tpu.vector_load %arg8[%get3A_171, %get3A_172] {strides = array<i32>} : memref<125x128xf32, #tpu.memory_space<vmem>>, vector<1x16xf32>,
        %get3A_174 = vector.shape_cast %get3A_173 : vector<1x16xf32> to vector<16xf32>
        %get3A_175 = arith.index_cast %add3A_170 : i32 to index
        %get3A_176 = arith.constant 0 : index
        %get3A_177 = tpu.vector_load %arg9[%get3A_175, %get3A_176] {strides = array<i32>} : memref<125x128xf32, #tpu.memory_space<vmem>>, vector<1x16xf32>,
        %get3A_178 = vector.shape_cast %get3A_177 : vector<1x16xf32> to vector<16xf32>
        %mul3A_179 = arith.mulf %get3A_174, %get3A_178 : vector<16xf32>
        %get3A_180 = arith.index_cast %add3A_170 : i32 to index
        %get3A_181 = arith.constant 16 : index
        %get3A_182 = tpu.vector_load %arg8[%get3A_180, %get3A_181] {strides = array<i32>} : memref<125x128xf32, #tpu.memory_space<vmem>>, vector<1x16xf32>,
        %get3A_183 = vector.shape_cast %get3A_182 : vector<1x16xf32> to vector<16xf32>
        %get3A_184 = arith.index_cast %add3A_170 : i32 to index
        %get3A_185 = arith.constant 16 : index
        %get3A_186 = tpu.vector_load %arg9[%get3A_184, %get3A_185] {strides = array<i32>} : memref<125x128xf32, #tpu.memory_space<vmem>>, vector<1x16xf32>,
        %get3A_187 = vector.shape_cast %get3A_186 : vector<1x16xf32> to vector<16xf32>
        %mul3A_188 = arith.mulf %get3A_183, %get3A_187 : vector<16xf32>
        %add3A_189 = arith.addf %mul3A_179, %mul3A_188 : vector<16xf32>
        %get3A_190 = arith.index_cast %add3A_170 : i32 to index
        %get3A_191 = arith.constant 32 : index
        %get3A_192 = tpu.vector_load %arg8[%get3A_190, %get3A_191] {strides = array<i32>} : memref<125x128xf32, #tpu.memory_space<vmem>>, vector<1x16xf32>,
        %get3A_193 = vector.shape_cast %get3A_192 : vector<1x16xf32> to vector<16xf32>
        %get3A_194 = arith.index_cast %add3A_170 : i32 to index
        %get3A_195 = arith.constant 32 : index
        %get3A_196 = tpu.vector_load %arg9[%get3A_194, %get3A_195] {strides = array<i32>} : memref<125x128xf32, #tpu.memory_space<vmem>>, vector<1x16xf32>,
        %get3A_197 = vector.shape_cast %get3A_196 : vector<1x16xf32> to vector<16xf32>
        %mul3A_198 = arith.mulf %get3A_193, %get3A_197 : vector<16xf32>
        %add3A_199 = arith.addf %add3A_189, %mul3A_198 : vector<16xf32>
        %get3A_200 = arith.index_cast %add3A_170 : i32 to index
        %get3A_201 = arith.constant 48 : index
        %get3A_202 = tpu.vector_load %arg8[%get3A_200, %get3A_201] {strides = array<i32>} : memref<125x128xf32, #tpu.memory_space<vmem>>, vector<1x16xf32>,
        %get3A_203 = vector.shape_cast %get3A_202 : vector<1x16xf32> to vector<16xf32>
        %get3A_204 = arith.index_cast %add3A_170 : i32 to index
        %get3A_205 = arith.constant 48 : index
        %get3A_206 = tpu.vector_load %arg9[%get3A_204, %get3A_205] {strides = array<i32>} : memref<125x128xf32, #tpu.memory_space<vmem>>, vector<1x16xf32>,
        %get3A_207 = vector.shape_cast %get3A_206 : vector<1x16xf32> to vector<16xf32>
        %mul3A_208 = arith.mulf %get3A_203, %get3A_207 : vector<16xf32>
        %add3A_209 = arith.addf %add3A_199, %mul3A_208 : vector<16xf32>
        %get3A_210 = arith.index_cast %add3A_170 : i32 to index
        %get3A_211 = arith.constant 64 : index
        %get3A_212 = tpu.vector_load %arg8[%get3A_210, %get3A_211] {strides = array<i32>} : memref<125x128xf32, #tpu.memory_space<vmem>>, vector<1x16xf32>,
        %get3A_213 = vector.shape_cast %get3A_212 : vector<1x16xf32> to vector<16xf32>
        %get3A_214 = arith.index_cast %add3A_170 : i32 to index
        %get3A_215 = arith.constant 64 : index
        %get3A_216 = tpu.vector_load %arg9[%get3A_214, %get3A_215] {strides = array<i32>} : memref<125x128xf32, #tpu.memory_space<vmem>>, vector<1x16xf32>,
        %get3A_217 = vector.shape_cast %get3A_216 : vector<1x16xf32> to vector<16xf32>
        %mul3A_218 = arith.mulf %get3A_213, %get3A_217 : vector<16xf32>
        %add3A_219 = arith.addf %add3A_209, %mul3A_218 : vector<16xf32>
        %get3A_220 = arith.index_cast %add3A_170 : i32 to index
        %get3A_221 = arith.constant 80 : index
        %get3A_222 = tpu.vector_load %arg8[%get3A_220, %get3A_221] {strides = array<i32>} : memref<125x128xf32, #tpu.memory_space<vmem>>, vector<1x16xf32>,
        %get3A_223 = vector.shape_cast %get3A_222 : vector<1x16xf32> to vector<16xf32>
        %get3A_224 = arith.index_cast %add3A_170 : i32 to index
        %get3A_225 = arith.constant 80 : index
        %get3A_226 = tpu.vector_load %arg9[%get3A_224, %get3A_225] {strides = array<i32>} : memref<125x128xf32, #tpu.memory_space<vmem>>, vector<1x16xf32>,
        %get3A_227 = vector.shape_cast %get3A_226 : vector<1x16xf32> to vector<16xf32>
        %mul3A_228 = arith.mulf %get3A_223, %get3A_227 : vector<16xf32>
        %add3A_229 = arith.addf %add3A_219, %mul3A_228 : vector<16xf32>
        %get3A_230 = arith.index_cast %add3A_170 : i32 to index
        %get3A_231 = arith.constant 96 : index
        %get3A_232 = tpu.vector_load %arg8[%get3A_230, %get3A_231] {strides = array<i32>} : memref<125x128xf32, #tpu.memory_space<vmem>>, vector<1x16xf32>,
        %get3A_233 = vector.shape_cast %get3A_232 : vector<1x16xf32> to vector<16xf32>
        %get3A_234 = arith.index_cast %add3A_170 : i32 to index
        %get3A_235 = arith.constant 96 : index
        %get3A_236 = tpu.vector_load %arg9[%get3A_234, %get3A_235] {strides = array<i32>} : memref<125x128xf32, #tpu.memory_space<vmem>>, vector<1x16xf32>,
        %get3A_237 = vector.shape_cast %get3A_236 : vector<1x16xf32> to vector<16xf32>
        %mul3A_238 = arith.mulf %get3A_233, %get3A_237 : vector<16xf32>
        %add3A_239 = arith.addf %add3A_229, %mul3A_238 : vector<16xf32>
        %get3A_240 = arith.index_cast %add3A_170 : i32 to index
        %get3A_241 = arith.constant 112 : index
        %get3A_242 = tpu.vector_load %arg8[%get3A_240, %get3A_241] {strides = array<i32>} : memref<125x128xf32, #tpu.memory_space<vmem>>, vector<1x16xf32>,
        %get3A_243 = vector.shape_cast %get3A_242 : vector<1x16xf32> to vector<16xf32>
        %get3A_244 = arith.index_cast %add3A_170 : i32 to index
        %get3A_245 = arith.constant 112 : index
        %get3A_246 = tpu.vector_load %arg9[%get3A_244, %get3A_245] {strides = array<i32>} : memref<125x128xf32, #tpu.memory_space<vmem>>, vector<1x16xf32>,
        %get3A_247 = vector.shape_cast %get3A_246 : vector<1x16xf32> to vector<16xf32>
        %mul3A_248 = arith.mulf %get3A_243, %get3A_247 : vector<16xf32>
        %add3A_249 = arith.addf %add3A_239, %mul3A_248 : vector<16xf32>
        %swap3A_250 = arith.index_cast %add3A_170 : i32 to index
        %swap3A_251 = arith.constant 0 : index
        %swap3A_252 = tpu.vector_load %arg12[%swap3A_250, %swap3A_251] {strides = array<i32>} : memref<125x16xf32, #tpu.memory_space<vmem>>, vector<1x16xf32>,
        %swap3A_253 = vector.shape_cast %swap3A_252 : vector<1x16xf32> to vector<16xf32>
        %swap3A_254 = vector.shape_cast %add3A_249 : vector<16xf32> to vector<1x16xf32>
        tpu.vector_store %arg12[%swap3A_250, %swap3A_251], %swap3A_254 {strides = array<i32>} : memref<125x16xf32, #tpu.memory_space<vmem>>, vector<1x16xf32>,
        %mul3A_255 = arith.constant 5 : i32
        %mul3A_256 = arith.muli %scan3A_80, %mul3A_255 : i32
        %add3A_257 = arith.constant 2 : i32
        %add3A_258 = arith.addi %mul3A_256, %add3A_257 : i32
        %get3A_259 = arith.index_cast %add3A_258 : i32 to index
        %get3A_260 = arith.constant 0 : index
        %get3A_261 = tpu.vector_load %arg8[%get3A_259, %get3A_260] {strides = array<i32>} : memref<125x128xf32, #tpu.memory_space<vmem>>, vector<1x16xf32>,
        %get3A_262 = vector.shape_cast %get3A_261 : vector<1x16xf32> to vector<16xf32>
        %get3A_263 = arith.index_cast %add3A_258 : i32 to index
        %get3A_264 = arith.constant 0 : index
        %get3A_265 = tpu.vector_load %arg9[%get3A_263, %get3A_264] {strides = array<i32>} : memref<125x128xf32, #tpu.memory_space<vmem>>, vector<1x16xf32>,
        %get3A_266 = vector.shape_cast %get3A_265 : vector<1x16xf32> to vector<16xf32>
        %mul3A_267 = arith.mulf %get3A_262, %get3A_266 : vector<16xf32>
        %get3A_268 = arith.index_cast %add3A_258 : i32 to index
        %get3A_269 = arith.constant 16 : index
        %get3A_270 = tpu.vector_load %arg8[%get3A_268, %get3A_269] {strides = array<i32>} : memref<125x128xf32, #tpu.memory_space<vmem>>, vector<1x16xf32>,
        %get3A_271 = vector.shape_cast %get3A_270 : vector<1x16xf32> to vector<16xf32>
        %get3A_272 = arith.index_cast %add3A_258 : i32 to index
        %get3A_273 = arith.constant 16 : index
        %get3A_274 = tpu.vector_load %arg9[%get3A_272, %get3A_273] {strides = array<i32>} : memref<125x128xf32, #tpu.memory_space<vmem>>, vector<1x16xf32>,
        %get3A_275 = vector.shape_cast %get3A_274 : vector<1x16xf32> to vector<16xf32>
        %mul3A_276 = arith.mulf %get3A_271, %get3A_275 : vector<16xf32>
        %add3A_277 = arith.addf %mul3A_267, %mul3A_276 : vector<16xf32>
        %get3A_278 = arith.index_cast %add3A_258 : i32 to index
        %get3A_279 = arith.constant 32 : index
        %get3A_280 = tpu.vector_load %arg8[%get3A_278, %get3A_279] {strides = array<i32>} : memref<125x128xf32, #tpu.memory_space<vmem>>, vector<1x16xf32>,
        %get3A_281 = vector.shape_cast %get3A_280 : vector<1x16xf32> to vector<16xf32>
        %get3A_282 = arith.index_cast %add3A_258 : i32 to index
        %get3A_283 = arith.constant 32 : index
        %get3A_284 = tpu.vector_load %arg9[%get3A_282, %get3A_283] {strides = array<i32>} : memref<125x128xf32, #tpu.memory_space<vmem>>, vector<1x16xf32>,
        %get3A_285 = vector.shape_cast %get3A_284 : vector<1x16xf32> to vector<16xf32>
        %mul3A_286 = arith.mulf %get3A_281, %get3A_285 : vector<16xf32>
        %add3A_287 = arith.addf %add3A_277, %mul3A_286 : vector<16xf32>
        %get3A_288 = arith.index_cast %add3A_258 : i32 to index
        %get3A_289 = arith.constant 48 : index
        %get3A_290 = tpu.vector_load %arg8[%get3A_288, %get3A_289] {strides = array<i32>} : memref<125x128xf32, #tpu.memory_space<vmem>>, vector<1x16xf32>,
        %get3A_291 = vector.shape_cast %get3A_290 : vector<1x16xf32> to vector<16xf32>
        %get3A_292 = arith.index_cast %add3A_258 : i32 to index
        %get3A_293 = arith.constant 48 : index
        %get3A_294 = tpu.vector_load %arg9[%get3A_292, %get3A_293] {strides = array<i32>} : memref<125x128xf32, #tpu.memory_space<vmem>>, vector<1x16xf32>,
        %get3A_295 = vector.shape_cast %get3A_294 : vector<1x16xf32> to vector<16xf32>
        %mul3A_296 = arith.mulf %get3A_291, %get3A_295 : vector<16xf32>
        %add3A_297 = arith.addf %add3A_287, %mul3A_296 : vector<16xf32>
        %get3A_298 = arith.index_cast %add3A_258 : i32 to index
        %get3A_299 = arith.constant 64 : index
        %get3A_300 = tpu.vector_load %arg8[%get3A_298, %get3A_299] {strides = array<i32>} : memref<125x128xf32, #tpu.memory_space<vmem>>, vector<1x16xf32>,
        %get3A_301 = vector.shape_cast %get3A_300 : vector<1x16xf32> to vector<16xf32>
        %get3A_302 = arith.index_cast %add3A_258 : i32 to index
        %get3A_303 = arith.constant 64 : index
        %get3A_304 = tpu.vector_load %arg9[%get3A_302, %get3A_303] {strides = array<i32>} : memref<125x128xf32, #tpu.memory_space<vmem>>, vector<1x16xf32>,
        %get3A_305 = vector.shape_cast %get3A_304 : vector<1x16xf32> to vector<16xf32>
        %mul3A_306 = arith.mulf %get3A_301, %get3A_305 : vector<16xf32>
        %add3A_307 = arith.addf %add3A_297, %mul3A_306 : vector<16xf32>
        %get3A_308 = arith.index_cast %add3A_258 : i32 to index
        %get3A_309 = arith.constant 80 : index
        %get3A_310 = tpu.vector_load %arg8[%get3A_308, %get3A_309] {strides = array<i32>} : memref<125x128xf32, #tpu.memory_space<vmem>>, vector<1x16xf32>,
        %get3A_311 = vector.shape_cast %get3A_310 : vector<1x16xf32> to vector<16xf32>
        %get3A_312 = arith.index_cast %add3A_258 : i32 to index
        %get3A_313 = arith.constant 80 : index
        %get3A_314 = tpu.vector_load %arg9[%get3A_312, %get3A_313] {strides = array<i32>} : memref<125x128xf32, #tpu.memory_space<vmem>>, vector<1x16xf32>,
        %get3A_315 = vector.shape_cast %get3A_314 : vector<1x16xf32> to vector<16xf32>
        %mul3A_316 = arith.mulf %get3A_311, %get3A_315 : vector<16xf32>
        %add3A_317 = arith.addf %add3A_307, %mul3A_316 : vector<16xf32>
        %get3A_318 = arith.index_cast %add3A_258 : i32 to index
        %get3A_319 = arith.constant 96 : index
        %get3A_320 = tpu.vector_load %arg8[%get3A_318, %get3A_319] {strides = array<i32>} : memref<125x128xf32, #tpu.memory_space<vmem>>, vector<1x16xf32>,
        %get3A_321 = vector.shape_cast %get3A_320 : vector<1x16xf32> to vector<16xf32>
        %get3A_322 = arith.index_cast %add3A_258 : i32 to index
        %get3A_323 = arith.constant 96 : index
        %get3A_324 = tpu.vector_load %arg9[%get3A_322, %get3A_323] {strides = array<i32>} : memref<125x128xf32, #tpu.memory_space<vmem>>, vector<1x16xf32>,
        %get3A_325 = vector.shape_cast %get3A_324 : vector<1x16xf32> to vector<16xf32>
        %mul3A_326 = arith.mulf %get3A_321, %get3A_325 : vector<16xf32>
        %add3A_327 = arith.addf %add3A_317, %mul3A_326 : vector<16xf32>
        %get3A_328 = arith.index_cast %add3A_258 : i32 to index
        %get3A_329 = arith.constant 112 : index
        %get3A_330 = tpu.vector_load %arg8[%get3A_328, %get3A_329] {strides = array<i32>} : memref<125x128xf32, #tpu.memory_space<vmem>>, vector<1x16xf32>,
        %get3A_331 = vector.shape_cast %get3A_330 : vector<1x16xf32> to vector<16xf32>
        %get3A_332 = arith.index_cast %add3A_258 : i32 to index
        %get3A_333 = arith.constant 112 : index
        %get3A_334 = tpu.vector_load %arg9[%get3A_332, %get3A_333] {strides = array<i32>} : memref<125x128xf32, #tpu.memory_space<vmem>>, vector<1x16xf32>,
        %get3A_335 = vector.shape_cast %get3A_334 : vector<1x16xf32> to vector<16xf32>
        %mul3A_336 = arith.mulf %get3A_331, %get3A_335 : vector<16xf32>
        %add3A_337 = arith.addf %add3A_327, %mul3A_336 : vector<16xf32>
        %swap3A_338 = arith.index_cast %add3A_258 : i32 to index
        %swap3A_339 = arith.constant 0 : index
        %swap3A_340 = tpu.vector_load %arg12[%swap3A_338, %swap3A_339] {strides = array<i32>} : memref<125x16xf32, #tpu.memory_space<vmem>>, vector<1x16xf32>,
        %swap3A_341 = vector.shape_cast %swap3A_340 : vector<1x16xf32> to vector<16xf32>
        %swap3A_342 = vector.shape_cast %add3A_337 : vector<16xf32> to vector<1x16xf32>
        tpu.vector_store %arg12[%swap3A_338, %swap3A_339], %swap3A_342 {strides = array<i32>} : memref<125x16xf32, #tpu.memory_space<vmem>>, vector<1x16xf32>,
        %mul3A_343 = arith.constant 5 : i32
        %mul3A_344 = arith.muli %scan3A_80, %mul3A_343 : i32
        %add3A_345 = arith.constant 3 : i32
        %add3A_346 = arith.addi %mul3A_344, %add3A_345 : i32
        %get3A_347 = arith.index_cast %add3A_346 : i32 to index
        %get3A_348 = arith.constant 0 : index
        %get3A_349 = tpu.vector_load %arg8[%get3A_347, %get3A_348] {strides = array<i32>} : memref<125x128xf32, #tpu.memory_space<vmem>>, vector<1x16xf32>,
        %get3A_350 = vector.shape_cast %get3A_349 : vector<1x16xf32> to vector<16xf32>
        %get3A_351 = arith.index_cast %add3A_346 : i32 to index
        %get3A_352 = arith.constant 0 : index
        %get3A_353 = tpu.vector_load %arg9[%get3A_351, %get3A_352] {strides = array<i32>} : memref<125x128xf32, #tpu.memory_space<vmem>>, vector<1x16xf32>,
        %get3A_354 = vector.shape_cast %get3A_353 : vector<1x16xf32> to vector<16xf32>
        %mul3A_355 = arith.mulf %get3A_350, %get3A_354 : vector<16xf32>
        %get3A_356 = arith.index_cast %add3A_346 : i32 to index
        %get3A_357 = arith.constant 16 : index
        %get3A_358 = tpu.vector_load %arg8[%get3A_356, %get3A_357] {strides = array<i32>} : memref<125x128xf32, #tpu.memory_space<vmem>>, vector<1x16xf32>,
        %get3A_359 = vector.shape_cast %get3A_358 : vector<1x16xf32> to vector<16xf32>
        %get3A_360 = arith.index_cast %add3A_346 : i32 to index
        %get3A_361 = arith.constant 16 : index
        %get3A_362 = tpu.vector_load %arg9[%get3A_360, %get3A_361] {strides = array<i32>} : memref<125x128xf32, #tpu.memory_space<vmem>>, vector<1x16xf32>,
        %get3A_363 = vector.shape_cast %get3A_362 : vector<1x16xf32> to vector<16xf32>
        %mul3A_364 = arith.mulf %get3A_359, %get3A_363 : vector<16xf32>
        %add3A_365 = arith.addf %mul3A_355, %mul3A_364 : vector<16xf32>
        %get3A_366 = arith.index_cast %add3A_346 : i32 to index
        %get3A_367 = arith.constant 32 : index
        %get3A_368 = tpu.vector_load %arg8[%get3A_366, %get3A_367] {strides = array<i32>} : memref<125x128xf32, #tpu.memory_space<vmem>>, vector<1x16xf32>,
        %get3A_369 = vector.shape_cast %get3A_368 : vector<1x16xf32> to vector<16xf32>
        %get3A_370 = arith.index_cast %add3A_346 : i32 to index
        %get3A_371 = arith.constant 32 : index
        %get3A_372 = tpu.vector_load %arg9[%get3A_370, %get3A_371] {strides = array<i32>} : memref<125x128xf32, #tpu.memory_space<vmem>>, vector<1x16xf32>,
        %get3A_373 = vector.shape_cast %get3A_372 : vector<1x16xf32> to vector<16xf32>
        %mul3A_374 = arith.mulf %get3A_369, %get3A_373 : vector<16xf32>
        %add3A_375 = arith.addf %add3A_365, %mul3A_374 : vector<16xf32>
        %get3A_376 = arith.index_cast %add3A_346 : i32 to index
        %get3A_377 = arith.constant 48 : index
        %get3A_378 = tpu.vector_load %arg8[%get3A_376, %get3A_377] {strides = array<i32>} : memref<125x128xf32, #tpu.memory_space<vmem>>, vector<1x16xf32>,
        %get3A_379 = vector.shape_cast %get3A_378 : vector<1x16xf32> to vector<16xf32>
        %get3A_380 = arith.index_cast %add3A_346 : i32 to index
        %get3A_381 = arith.constant 48 : index
        %get3A_382 = tpu.vector_load %arg9[%get3A_380, %get3A_381] {strides = array<i32>} : memref<125x128xf32, #tpu.memory_space<vmem>>, vector<1x16xf32>,
        %get3A_383 = vector.shape_cast %get3A_382 : vector<1x16xf32> to vector<16xf32>
        %mul3A_384 = arith.mulf %get3A_379, %get3A_383 : vector<16xf32>
        %add3A_385 = arith.addf %add3A_375, %mul3A_384 : vector<16xf32>
        %get3A_386 = arith.index_cast %add3A_346 : i32 to index
        %get3A_387 = arith.constant 64 : index
        %get3A_388 = tpu.vector_load %arg8[%get3A_386, %get3A_387] {strides = array<i32>} : memref<125x128xf32, #tpu.memory_space<vmem>>, vector<1x16xf32>,
        %get3A_389 = vector.shape_cast %get3A_388 : vector<1x16xf32> to vector<16xf32>
        %get3A_390 = arith.index_cast %add3A_346 : i32 to index
        %get3A_391 = arith.constant 64 : index
        %get3A_392 = tpu.vector_load %arg9[%get3A_390, %get3A_391] {strides = array<i32>} : memref<125x128xf32, #tpu.memory_space<vmem>>, vector<1x16xf32>,
        %get3A_393 = vector.shape_cast %get3A_392 : vector<1x16xf32> to vector<16xf32>
        %mul3A_394 = arith.mulf %get3A_389, %get3A_393 : vector<16xf32>
        %add3A_395 = arith.addf %add3A_385, %mul3A_394 : vector<16xf32>
        %get3A_396 = arith.index_cast %add3A_346 : i32 to index
        %get3A_397 = arith.constant 80 : index
        %get3A_398 = tpu.vector_load %arg8[%get3A_396, %get3A_397] {strides = array<i32>} : memref<125x128xf32, #tpu.memory_space<vmem>>, vector<1x16xf32>,
        %get3A_399 = vector.shape_cast %get3A_398 : vector<1x16xf32> to vector<16xf32>
        %get3A_400 = arith.index_cast %add3A_346 : i32 to index
        %get3A_401 = arith.constant 80 : index
        %get3A_402 = tpu.vector_load %arg9[%get3A_400, %get3A_401] {strides = array<i32>} : memref<125x128xf32, #tpu.memory_space<vmem>>, vector<1x16xf32>,
        %get3A_403 = vector.shape_cast %get3A_402 : vector<1x16xf32> to vector<16xf32>
        %mul3A_404 = arith.mulf %get3A_399, %get3A_403 : vector<16xf32>
        %add3A_405 = arith.addf %add3A_395, %mul3A_404 : vector<16xf32>
        %get3A_406 = arith.index_cast %add3A_346 : i32 to index
        %get3A_407 = arith.constant 96 : index
        %get3A_408 = tpu.vector_load %arg8[%get3A_406, %get3A_407] {strides = array<i32>} : memref<125x128xf32, #tpu.memory_space<vmem>>, vector<1x16xf32>,
        %get3A_409 = vector.shape_cast %get3A_408 : vector<1x16xf32> to vector<16xf32>
        %get3A_410 = arith.index_cast %add3A_346 : i32 to index
        %get3A_411 = arith.constant 96 : index
        %get3A_412 = tpu.vector_load %arg9[%get3A_410, %get3A_411] {strides = array<i32>} : memref<125x128xf32, #tpu.memory_space<vmem>>, vector<1x16xf32>,
        %get3A_413 = vector.shape_cast %get3A_412 : vector<1x16xf32> to vector<16xf32>
        %mul3A_414 = arith.mulf %get3A_409, %get3A_413 : vector<16xf32>
        %add3A_415 = arith.addf %add3A_405, %mul3A_414 : vector<16xf32>
        %get3A_416 = arith.index_cast %add3A_346 : i32 to index
        %get3A_417 = arith.constant 112 : index
        %get3A_418 = tpu.vector_load %arg8[%get3A_416, %get3A_417] {strides = array<i32>} : memref<125x128xf32, #tpu.memory_space<vmem>>, vector<1x16xf32>,
        %get3A_419 = vector.shape_cast %get3A_418 : vector<1x16xf32> to vector<16xf32>
        %get3A_420 = arith.index_cast %add3A_346 : i32 to index
        %get3A_421 = arith.constant 112 : index
        %get3A_422 = tpu.vector_load %arg9[%get3A_420, %get3A_421] {strides = array<i32>} : memref<125x128xf32, #tpu.memory_space<vmem>>, vector<1x16xf32>,
        %get3A_423 = vector.shape_cast %get3A_422 : vector<1x16xf32> to vector<16xf32>
        %mul3A_424 = arith.mulf %get3A_419, %get3A_423 : vector<16xf32>
        %add3A_425 = arith.addf %add3A_415, %mul3A_424 : vector<16xf32>
        %swap3A_426 = arith.index_cast %add3A_346 : i32 to index
        %swap3A_427 = arith.constant 0 : index
        %swap3A_428 = tpu.vector_load %arg12[%swap3A_426, %swap3A_427] {strides = array<i32>} : memref<125x16xf32, #tpu.memory_space<vmem>>, vector<1x16xf32>,
        %swap3A_429 = vector.shape_cast %swap3A_428 : vector<1x16xf32> to vector<16xf32>
        %swap3A_430 = vector.shape_cast %add3A_425 : vector<16xf32> to vector<1x16xf32>
        tpu.vector_store %arg12[%swap3A_426, %swap3A_427], %swap3A_430 {strides = array<i32>} : memref<125x16xf32, #tpu.memory_space<vmem>>, vector<1x16xf32>,
        %mul3A_431 = arith.constant 5 : i32
        %mul3A_432 = arith.muli %scan3A_80, %mul3A_431 : i32
        %add3A_433 = arith.constant 4 : i32
        %add3A_434 = arith.addi %mul3A_432, %add3A_433 : i32
        %get3A_435 = arith.index_cast %add3A_434 : i32 to index
        %get3A_436 = arith.constant 0 : index
        %get3A_437 = tpu.vector_load %arg8[%get3A_435, %get3A_436] {strides = array<i32>} : memref<125x128xf32, #tpu.memory_space<vmem>>, vector<1x16xf32>,
        %get3A_438 = vector.shape_cast %get3A_437 : vector<1x16xf32> to vector<16xf32>
        %get3A_439 = arith.index_cast %add3A_434 : i32 to index
        %get3A_440 = arith.constant 0 : index
        %get3A_441 = tpu.vector_load %arg9[%get3A_439, %get3A_440] {strides = array<i32>} : memref<125x128xf32, #tpu.memory_space<vmem>>, vector<1x16xf32>,
        %get3A_442 = vector.shape_cast %get3A_441 : vector<1x16xf32> to vector<16xf32>
        %mul3A_443 = arith.mulf %get3A_438, %get3A_442 : vector<16xf32>
        %get3A_444 = arith.index_cast %add3A_434 : i32 to index
        %get3A_445 = arith.constant 16 : index
        %get3A_446 = tpu.vector_load %arg8[%get3A_444, %get3A_445] {strides = array<i32>} : memref<125x128xf32, #tpu.memory_space<vmem>>, vector<1x16xf32>,
        %get3A_447 = vector.shape_cast %get3A_446 : vector<1x16xf32> to vector<16xf32>
        %get3A_448 = arith.index_cast %add3A_434 : i32 to index
        %get3A_449 = arith.constant 16 : index
        %get3A_450 = tpu.vector_load %arg9[%get3A_448, %get3A_449] {strides = array<i32>} : memref<125x128xf32, #tpu.memory_space<vmem>>, vector<1x16xf32>,
        %get3A_451 = vector.shape_cast %get3A_450 : vector<1x16xf32> to vector<16xf32>
        %mul3A_452 = arith.mulf %get3A_447, %get3A_451 : vector<16xf32>
        %add3A_453 = arith.addf %mul3A_443, %mul3A_452 : vector<16xf32>
        %get3A_454 = arith.index_cast %add3A_434 : i32 to index
        %get3A_455 = arith.constant 32 : index
        %get3A_456 = tpu.vector_load %arg8[%get3A_454, %get3A_455] {strides = array<i32>} : memref<125x128xf32, #tpu.memory_space<vmem>>, vector<1x16xf32>,
        %get3A_457 = vector.shape_cast %get3A_456 : vector<1x16xf32> to vector<16xf32>
        %get3A_458 = arith.index_cast %add3A_434 : i32 to index
        %get3A_459 = arith.constant 32 : index
        %get3A_460 = tpu.vector_load %arg9[%get3A_458, %get3A_459] {strides = array<i32>} : memref<125x128xf32, #tpu.memory_space<vmem>>, vector<1x16xf32>,
        %get3A_461 = vector.shape_cast %get3A_460 : vector<1x16xf32> to vector<16xf32>
        %mul3A_462 = arith.mulf %get3A_457, %get3A_461 : vector<16xf32>
        %add3A_463 = arith.addf %add3A_453, %mul3A_462 : vector<16xf32>
        %get3A_464 = arith.index_cast %add3A_434 : i32 to index
        %get3A_465 = arith.constant 48 : index
        %get3A_466 = tpu.vector_load %arg8[%get3A_464, %get3A_465] {strides = array<i32>} : memref<125x128xf32, #tpu.memory_space<vmem>>, vector<1x16xf32>,
        %get3A_467 = vector.shape_cast %get3A_466 : vector<1x16xf32> to vector<16xf32>
        %get3A_468 = arith.index_cast %add3A_434 : i32 to index
        %get3A_469 = arith.constant 48 : index
        %get3A_470 = tpu.vector_load %arg9[%get3A_468, %get3A_469] {strides = array<i32>} : memref<125x128xf32, #tpu.memory_space<vmem>>, vector<1x16xf32>,
        %get3A_471 = vector.shape_cast %get3A_470 : vector<1x16xf32> to vector<16xf32>
        %mul3A_472 = arith.mulf %get3A_467, %get3A_471 : vector<16xf32>
        %add3A_473 = arith.addf %add3A_463, %mul3A_472 : vector<16xf32>
        %get3A_474 = arith.index_cast %add3A_434 : i32 to index
        %get3A_475 = arith.constant 64 : index
        %get3A_476 = tpu.vector_load %arg8[%get3A_474, %get3A_475] {strides = array<i32>} : memref<125x128xf32, #tpu.memory_space<vmem>>, vector<1x16xf32>,
        %get3A_477 = vector.shape_cast %get3A_476 : vector<1x16xf32> to vector<16xf32>
        %get3A_478 = arith.index_cast %add3A_434 : i32 to index
        %get3A_479 = arith.constant 64 : index
        %get3A_480 = tpu.vector_load %arg9[%get3A_478, %get3A_479] {strides = array<i32>} : memref<125x128xf32, #tpu.memory_space<vmem>>, vector<1x16xf32>,
        %get3A_481 = vector.shape_cast %get3A_480 : vector<1x16xf32> to vector<16xf32>
        %mul3A_482 = arith.mulf %get3A_477, %get3A_481 : vector<16xf32>
        %add3A_483 = arith.addf %add3A_473, %mul3A_482 : vector<16xf32>
        %get3A_484 = arith.index_cast %add3A_434 : i32 to index
        %get3A_485 = arith.constant 80 : index
        %get3A_486 = tpu.vector_load %arg8[%get3A_484, %get3A_485] {strides = array<i32>} : memref<125x128xf32, #tpu.memory_space<vmem>>, vector<1x16xf32>,
        %get3A_487 = vector.shape_cast %get3A_486 : vector<1x16xf32> to vector<16xf32>
        %get3A_488 = arith.index_cast %add3A_434 : i32 to index
        %get3A_489 = arith.constant 80 : index
        %get3A_490 = tpu.vector_load %arg9[%get3A_488, %get3A_489] {strides = array<i32>} : memref<125x128xf32, #tpu.memory_space<vmem>>, vector<1x16xf32>,
        %get3A_491 = vector.shape_cast %get3A_490 : vector<1x16xf32> to vector<16xf32>
        %mul3A_492 = arith.mulf %get3A_487, %get3A_491 : vector<16xf32>
        %add3A_493 = arith.addf %add3A_483, %mul3A_492 : vector<16xf32>
        %get3A_494 = arith.index_cast %add3A_434 : i32 to index
        %get3A_495 = arith.constant 96 : index
        %get3A_496 = tpu.vector_load %arg8[%get3A_494, %get3A_495] {strides = array<i32>} : memref<125x128xf32, #tpu.memory_space<vmem>>, vector<1x16xf32>,
        %get3A_497 = vector.shape_cast %get3A_496 : vector<1x16xf32> to vector<16xf32>
        %get3A_498 = arith.index_cast %add3A_434 : i32 to index
        %get3A_499 = arith.constant 96 : index
        %get3A_500 = tpu.vector_load %arg9[%get3A_498, %get3A_499] {strides = array<i32>} : memref<125x128xf32, #tpu.memory_space<vmem>>, vector<1x16xf32>,
        %get3A_501 = vector.shape_cast %get3A_500 : vector<1x16xf32> to vector<16xf32>
        %mul3A_502 = arith.mulf %get3A_497, %get3A_501 : vector<16xf32>
        %add3A_503 = arith.addf %add3A_493, %mul3A_502 : vector<16xf32>
        %get3A_504 = arith.index_cast %add3A_434 : i32 to index
        %get3A_505 = arith.constant 112 : index
        %get3A_506 = tpu.vector_load %arg8[%get3A_504, %get3A_505] {strides = array<i32>} : memref<125x128xf32, #tpu.memory_space<vmem>>, vector<1x16xf32>,
        %get3A_507 = vector.shape_cast %get3A_506 : vector<1x16xf32> to vector<16xf32>
        %get3A_508 = arith.index_cast %add3A_434 : i32 to index
        %get3A_509 = arith.constant 112 : index
        %get3A_510 = tpu.vector_load %arg9[%get3A_508, %get3A_509] {strides = array<i32>} : memref<125x128xf32, #tpu.memory_space<vmem>>, vector<1x16xf32>,
        %get3A_511 = vector.shape_cast %get3A_510 : vector<1x16xf32> to vector<16xf32>
        %mul3A_512 = arith.mulf %get3A_507, %get3A_511 : vector<16xf32>
        %add3A_513 = arith.addf %add3A_503, %mul3A_512 : vector<16xf32>
        %swap3A_514 = arith.index_cast %add3A_434 : i32 to index
        %swap3A_515 = arith.constant 0 : index
        %swap3A_516 = tpu.vector_load %arg12[%swap3A_514, %swap3A_515] {strides = array<i32>} : memref<125x16xf32, #tpu.memory_space<vmem>>, vector<1x16xf32>,
        %swap3A_517 = vector.shape_cast %swap3A_516 : vector<1x16xf32> to vector<16xf32>
        %swap3A_518 = vector.shape_cast %add3A_513 : vector<16xf32> to vector<1x16xf32>
        tpu.vector_store %arg12[%swap3A_514, %swap3A_515], %swap3A_518 {strides = array<i32>} : memref<125x16xf32, #tpu.memory_space<vmem>>, vector<1x16xf32>,
      }
      %scan3A_53 = arith.constant 25 : i32
      "tpu.region"() ({
        %run_scoped3A = tpu.sem_alloc : memref<!tpu.dma_semaphore, #tpu.memory_space<semaphore_mem>>
        %dma_start3A_80 = arith.constant 0 : i32
        %dma_start3A_81 = arith.constant 0 : i32
        %dma_start3A_82 = tpu.memref_slice %arg5[%arg0, %arg1, %mul3A_47, %dma_start3A_80, %dma_start3A_81] : memref<2x16x80x125x16xf32, #tpu.memory_space<hbm>> -> memref<1x1x1x125x16xf32, #tpu.memory_space<hbm>>
        %dma_start3A_83 = tpu.memref_squeeze %dma_start3A_82 : memref<1x1x1x125x16xf32, #tpu.memory_space<hbm>> -> memref<125x16xf32, #tpu.memory_space<hbm>>
        %dma_start3A_84 = arith.constant 0 : i32
        %dma_start3A_85 = arith.constant 0 : i32
        %dma_start3A_86 = tpu.memref_slice %arg5[%arg0, %arg1, %mul3A_47, %dma_start3A_84, %dma_start3A_85] : memref<2x16x80x125x16xf32, #tpu.memory_space<hbm>> -> memref<1x1x1x125x16xf32, #tpu.memory_space<hbm>>
        %dma_start3A_87 = tpu.memref_squeeze %dma_start3A_86 : memref<1x1x1x125x16xf32, #tpu.memory_space<hbm>> -> memref<125x16xf32, #tpu.memory_space<hbm>>
        tpu.enqueue_dma source(%arg12 : memref<125x16xf32, #tpu.memory_space<vmem>>) target(%dma_start3A_87 : memref<125x16xf32, #tpu.memory_space<hbm>>) target_semaphore(%run_scoped3A : memref<!tpu.dma_semaphore, #tpu.memory_space<semaphore_mem>>)
        %dma_wait3A_88 = arith.constant 0 : i32
        %dma_wait3A_89 = arith.constant 0 : i32
        %dma_wait3A_90 = tpu.memref_slice %arg5[%arg0, %arg1, %mul3A_47, %dma_wait3A_88, %dma_wait3A_89] : memref<2x16x80x125x16xf32, #tpu.memory_space<hbm>> -> memref<1x1x1x125x16xf32, #tpu.memory_space<hbm>>
        %dma_wait3A_91 = tpu.memref_squeeze %dma_wait3A_90 : memref<1x1x1x125x16xf32, #tpu.memory_space<hbm>> -> memref<125x16xf32, #tpu.memory_space<hbm>>
        %dma_wait3A_92 = arith.constant 0 : i32
        %dma_wait3A_93 = arith.constant 0 : i32
        %dma_wait3A_94 = tpu.memref_slice %arg5[%arg0, %arg1, %mul3A_47, %dma_wait3A_92, %dma_wait3A_93] : memref<2x16x80x125x16xf32, #tpu.memory_space<hbm>> -> memref<1x1x1x125x16xf32, #tpu.memory_space<hbm>>
        %dma_wait3A_95 = tpu.memref_squeeze %dma_wait3A_94 : memref<1x1x1x125x16xf32, #tpu.memory_space<hbm>> -> memref<125x16xf32, #tpu.memory_space<hbm>>
        tpu.wait_dma2 semaphore(%run_scoped3A : memref<!tpu.dma_semaphore, #tpu.memory_space<semaphore_mem>>) src(%arg12 : memref<125x16xf32, #tpu.memory_space<vmem>>) dst(%dma_wait3A_95 : memref<125x16xf32, #tpu.memory_space<hbm>>)
        tpu.yield
      }) : () -> ()
      %lt3A = arith.constant 39 : i32
      %lt3A_54 = arith.cmpi slt, %scan3A_18, %lt3A : i32
      %convert_element_type3A = arith.extui %lt3A_54 : i1 to i32
      %cond3A = arith.constant 0 : i32
      %cond3A_55 = arith.cmpi ne, %convert_element_type3A, %cond3A : i32
      scf.if %cond3A_55 {
        %mul3A_80 = arith.constant 2 : i32
        %mul3A_81 = arith.muli %mul3A_80, %scan3A_18 : i32
        %add3A_82 = arith.constant 2 : i32
        %add3A_83 = arith.addi %mul3A_81, %add3A_82 : i32
        %dma_start3A_84 = arith.constant 0 : i32
        %dma_start3A_85 = tpu.memref_slice %arg6[%add3A_83, %dma_start3A_84] : memref<80x125xi32, #tpu.memory_space<vmem>> -> memref<1x125xi32, #tpu.memory_space<vmem>>
        %dma_start3A_86 = tpu.memref_squeeze %dma_start3A_85 : memref<1x125xi32, #tpu.memory_space<vmem>> -> memref<125xi32, #tpu.memory_space<vmem>>
        %dma_start3A_87 = arith.constant 0 : i32
        %dma_start3A_88 = arith.constant 0 : i32
        %dma_start3A_89 = tpu.memref_slice %arg2[%dma_start3A_87, %dma_start3A_88] : memref<10000x128xf32, #tpu.memory_space<hbm>> -> memref<10000x128xf32, #tpu.memory_space<hbm>>
        tpu.enqueue_indirect_dma source(%dma_start3A_89 : memref<10000x128xf32, #tpu.memory_space<hbm>>) target(%arg8 : memref<125x128xf32, #tpu.memory_space<vmem>>) offsets(%dma_start3A_86 : memref<125xi32, #tpu.memory_space<vmem>>) semaphore(%arg13 : memref<!tpu.dma_semaphore, #tpu.memory_space<semaphore_mem>>)
        %dma_start3A_90 = arith.constant 0 : i32
        %dma_start3A_91 = tpu.memref_slice %arg7[%add3A_83, %dma_start3A_90] : memref<80x125xi32, #tpu.memory_space<vmem>> -> memref<1x125xi32, #tpu.memory_space<vmem>>
        %dma_start3A_92 = tpu.memref_squeeze %dma_start3A_91 : memref<1x125xi32, #tpu.memory_space<vmem>> -> memref<125xi32, #tpu.memory_space<vmem>>
        %dma_start3A_93 = arith.constant 0 : i32
        %dma_start3A_94 = arith.constant 0 : i32
        %dma_start3A_95 = tpu.memref_slice %arg2[%dma_start3A_93, %dma_start3A_94] : memref<10000x128xf32, #tpu.memory_space<hbm>> -> memref<10000x128xf32, #tpu.memory_space<hbm>>
        tpu.enqueue_indirect_dma source(%dma_start3A_95 : memref<10000x128xf32, #tpu.memory_space<hbm>>) target(%arg9 : memref<125x128xf32, #tpu.memory_space<vmem>>) offsets(%dma_start3A_92 : memref<125xi32, #tpu.memory_space<vmem>>) semaphore(%arg14 : memref<!tpu.dma_semaphore, #tpu.memory_space<semaphore_mem>>)
      } else {
      }
      %dma_wait3A_56 = arith.constant 0 : i32
      %dma_wait3A_57 = arith.constant 0 : i32
      %dma_wait3A_58 = tpu.memref_slice %arg6[%dma_wait3A_56, %dma_wait3A_57] : memref<80x125xi32, #tpu.memory_space<vmem>> -> memref<1x125xi32, #tpu.memory_space<vmem>>
      %dma_wait3A_59 = tpu.memref_squeeze %dma_wait3A_58 : memref<1x125xi32, #tpu.memory_space<vmem>> -> memref<125xi32, #tpu.memory_space<vmem>>
      %dma_wait3A_60 = arith.constant 0 : i32
      %dma_wait3A_61 = arith.constant 0 : i32
      %dma_wait3A_62 = tpu.memref_slice %arg2[%dma_wait3A_60, %dma_wait3A_61] : memref<10000x128xf32, #tpu.memory_space<hbm>> -> memref<10000x128xf32, #tpu.memory_space<hbm>>
      tpu.wait_indirect_dma semaphore(%arg15 : memref<!tpu.dma_semaphore, #tpu.memory_space<semaphore_mem>>) src(%dma_wait3A_62 : memref<10000x128xf32, #tpu.memory_space<hbm>>) dst(%arg10 : memref<125x128xf32, #tpu.memory_space<vmem>>)
      %dma_wait3A_63 = arith.constant 0 : i32
      %dma_wait3A_64 = arith.constant 0 : i32
      %dma_wait3A_65 = tpu.memref_slice %arg7[%dma_wait3A_63, %dma_wait3A_64] : memref<80x125xi32, #tpu.memory_space<vmem>> -> memref<1x125xi32, #tpu.memory_space<vmem>>
      %dma_wait3A_66 = tpu.memref_squeeze %dma_wait3A_65 : memref<1x125xi32, #tpu.memory_space<vmem>> -> memref<125xi32, #tpu.memory_space<vmem>>
      %dma_wait3A_67 = arith.constant 0 : i32
      %dma_wait3A_68 = arith.constant 0 : i32
      %dma_wait3A_69 = tpu.memref_slice %arg2[%dma_wait3A_67, %dma_wait3A_68] : memref<10000x128xf32, #tpu.memory_space<hbm>> -> memref<10000x128xf32, #tpu.memory_space<hbm>>
      tpu.wait_indirect_dma semaphore(%arg16 : memref<!tpu.dma_semaphore, #tpu.memory_space<semaphore_mem>>) src(%dma_wait3A_69 : memref<10000x128xf32, #tpu.memory_space<hbm>>) dst(%arg11 : memref<125x128xf32, #tpu.memory_space<vmem>>)
      %mul3A_70 = arith.constant 2 : i32
      %mul3A_71 = arith.muli %mul3A_70, %scan3A_18 : i32
      %add3A_72 = arith.constant 1 : i32
      %add3A_73 = arith.addi %mul3A_71, %add3A_72 : i32
      %scan3A_74 = arith.constant 0 : i32
      %scan3A_75 = arith.constant 0 : i32
      %scan3A_76 = arith.constant 25 : i32
      %scan3A_77 = arith.addi %scan3A_75, %scan3A_76 : i32
      %scan3A_78 = arith.constant 1 : i32
      scf.for %scan3A_80 = %scan3A_75 to %scan3A_77 step %scan3A_78  : i32 {
        %mul3A_81 = arith.constant 5 : i32
        %mul3A_82 = arith.muli %scan3A_80, %mul3A_81 : i32
        %add3A_83 = arith.constant 0 : i32
        %add3A_84 = arith.addi %mul3A_82, %add3A_83 : i32
        %get3A = arith.index_cast %add3A_84 : i32 to index
        %get3A_85 = arith.constant 0 : index
        %get3A_86 = tpu.vector_load %arg10[%get3A, %get3A_85] {strides = array<i32>} : memref<125x128xf32, #tpu.memory_space<vmem>>, vector<1x16xf32>,
        %get3A_87 = vector.shape_cast %get3A_86 : vector<1x16xf32> to vector<16xf32>
        %get3A_88 = arith.index_cast %add3A_84 : i32 to index
        %get3A_89 = arith.constant 0 : index
        %get3A_90 = tpu.vector_load %arg11[%get3A_88, %get3A_89] {strides = array<i32>} : memref<125x128xf32, #tpu.memory_space<vmem>>, vector<1x16xf32>,
        %get3A_91 = vector.shape_cast %get3A_90 : vector<1x16xf32> to vector<16xf32>
        %mul3A_92 = arith.mulf %get3A_87, %get3A_91 : vector<16xf32>
        %get3A_93 = arith.index_cast %add3A_84 : i32 to index
        %get3A_94 = arith.constant 16 : index
        %get3A_95 = tpu.vector_load %arg10[%get3A_93, %get3A_94] {strides = array<i32>} : memref<125x128xf32, #tpu.memory_space<vmem>>, vector<1x16xf32>,
        %get3A_96 = vector.shape_cast %get3A_95 : vector<1x16xf32> to vector<16xf32>
        %get3A_97 = arith.index_cast %add3A_84 : i32 to index
        %get3A_98 = arith.constant 16 : index
        %get3A_99 = tpu.vector_load %arg11[%get3A_97, %get3A_98] {strides = array<i32>} : memref<125x128xf32, #tpu.memory_space<vmem>>, vector<1x16xf32>,
        %get3A_100 = vector.shape_cast %get3A_99 : vector<1x16xf32> to vector<16xf32>
        %mul3A_101 = arith.mulf %get3A_96, %get3A_100 : vector<16xf32>
        %add3A_102 = arith.addf %mul3A_92, %mul3A_101 : vector<16xf32>
        %get3A_103 = arith.index_cast %add3A_84 : i32 to index
        %get3A_104 = arith.constant 32 : index
        %get3A_105 = tpu.vector_load %arg10[%get3A_103, %get3A_104] {strides = array<i32>} : memref<125x128xf32, #tpu.memory_space<vmem>>, vector<1x16xf32>,
        %get3A_106 = vector.shape_cast %get3A_105 : vector<1x16xf32> to vector<16xf32>
        %get3A_107 = arith.index_cast %add3A_84 : i32 to index
        %get3A_108 = arith.constant 32 : index
        %get3A_109 = tpu.vector_load %arg11[%get3A_107, %get3A_108] {strides = array<i32>} : memref<125x128xf32, #tpu.memory_space<vmem>>, vector<1x16xf32>,
        %get3A_110 = vector.shape_cast %get3A_109 : vector<1x16xf32> to vector<16xf32>
        %mul3A_111 = arith.mulf %get3A_106, %get3A_110 : vector<16xf32>
        %add3A_112 = arith.addf %add3A_102, %mul3A_111 : vector<16xf32>
        %get3A_113 = arith.index_cast %add3A_84 : i32 to index
        %get3A_114 = arith.constant 48 : index
        %get3A_115 = tpu.vector_load %arg10[%get3A_113, %get3A_114] {strides = array<i32>} : memref<125x128xf32, #tpu.memory_space<vmem>>, vector<1x16xf32>,
        %get3A_116 = vector.shape_cast %get3A_115 : vector<1x16xf32> to vector<16xf32>
        %get3A_117 = arith.index_cast %add3A_84 : i32 to index
        %get3A_118 = arith.constant 48 : index
        %get3A_119 = tpu.vector_load %arg11[%get3A_117, %get3A_118] {strides = array<i32>} : memref<125x128xf32, #tpu.memory_space<vmem>>, vector<1x16xf32>,
        %get3A_120 = vector.shape_cast %get3A_119 : vector<1x16xf32> to vector<16xf32>
        %mul3A_121 = arith.mulf %get3A_116, %get3A_120 : vector<16xf32>
        %add3A_122 = arith.addf %add3A_112, %mul3A_121 : vector<16xf32>
        %get3A_123 = arith.index_cast %add3A_84 : i32 to index
        %get3A_124 = arith.constant 64 : index
        %get3A_125 = tpu.vector_load %arg10[%get3A_123, %get3A_124] {strides = array<i32>} : memref<125x128xf32, #tpu.memory_space<vmem>>, vector<1x16xf32>,
        %get3A_126 = vector.shape_cast %get3A_125 : vector<1x16xf32> to vector<16xf32>
        %get3A_127 = arith.index_cast %add3A_84 : i32 to index
        %get3A_128 = arith.constant 64 : index
        %get3A_129 = tpu.vector_load %arg11[%get3A_127, %get3A_128] {strides = array<i32>} : memref<125x128xf32, #tpu.memory_space<vmem>>, vector<1x16xf32>,
        %get3A_130 = vector.shape_cast %get3A_129 : vector<1x16xf32> to vector<16xf32>
        %mul3A_131 = arith.mulf %get3A_126, %get3A_130 : vector<16xf32>
        %add3A_132 = arith.addf %add3A_122, %mul3A_131 : vector<16xf32>
        %get3A_133 = arith.index_cast %add3A_84 : i32 to index
        %get3A_134 = arith.constant 80 : index
        %get3A_135 = tpu.vector_load %arg10[%get3A_133, %get3A_134] {strides = array<i32>} : memref<125x128xf32, #tpu.memory_space<vmem>>, vector<1x16xf32>,
        %get3A_136 = vector.shape_cast %get3A_135 : vector<1x16xf32> to vector<16xf32>
        %get3A_137 = arith.index_cast %add3A_84 : i32 to index
        %get3A_138 = arith.constant 80 : index
        %get3A_139 = tpu.vector_load %arg11[%get3A_137, %get3A_138] {strides = array<i32>} : memref<125x128xf32, #tpu.memory_space<vmem>>, vector<1x16xf32>,
        %get3A_140 = vector.shape_cast %get3A_139 : vector<1x16xf32> to vector<16xf32>
        %mul3A_141 = arith.mulf %get3A_136, %get3A_140 : vector<16xf32>
        %add3A_142 = arith.addf %add3A_132, %mul3A_141 : vector<16xf32>
        %get3A_143 = arith.index_cast %add3A_84 : i32 to index
        %get3A_144 = arith.constant 96 : index
        %get3A_145 = tpu.vector_load %arg10[%get3A_143, %get3A_144] {strides = array<i32>} : memref<125x128xf32, #tpu.memory_space<vmem>>, vector<1x16xf32>,
        %get3A_146 = vector.shape_cast %get3A_145 : vector<1x16xf32> to vector<16xf32>
        %get3A_147 = arith.index_cast %add3A_84 : i32 to index
        %get3A_148 = arith.constant 96 : index
        %get3A_149 = tpu.vector_load %arg11[%get3A_147, %get3A_148] {strides = array<i32>} : memref<125x128xf32, #tpu.memory_space<vmem>>, vector<1x16xf32>,
        %get3A_150 = vector.shape_cast %get3A_149 : vector<1x16xf32> to vector<16xf32>
        %mul3A_151 = arith.mulf %get3A_146, %get3A_150 : vector<16xf32>
        %add3A_152 = arith.addf %add3A_142, %mul3A_151 : vector<16xf32>
        %get3A_153 = arith.index_cast %add3A_84 : i32 to index
        %get3A_154 = arith.constant 112 : index
        %get3A_155 = tpu.vector_load %arg10[%get3A_153, %get3A_154] {strides = array<i32>} : memref<125x128xf32, #tpu.memory_space<vmem>>, vector<1x16xf32>,
        %get3A_156 = vector.shape_cast %get3A_155 : vector<1x16xf32> to vector<16xf32>
        %get3A_157 = arith.index_cast %add3A_84 : i32 to index
        %get3A_158 = arith.constant 112 : index
        %get3A_159 = tpu.vector_load %arg11[%get3A_157, %get3A_158] {strides = array<i32>} : memref<125x128xf32, #tpu.memory_space<vmem>>, vector<1x16xf32>,
        %get3A_160 = vector.shape_cast %get3A_159 : vector<1x16xf32> to vector<16xf32>
        %mul3A_161 = arith.mulf %get3A_156, %get3A_160 : vector<16xf32>
        %add3A_162 = arith.addf %add3A_152, %mul3A_161 : vector<16xf32>
        %swap3A = arith.index_cast %add3A_84 : i32 to index
        %swap3A_163 = arith.constant 0 : index
        %swap3A_164 = tpu.vector_load %arg12[%swap3A, %swap3A_163] {strides = array<i32>} : memref<125x16xf32, #tpu.memory_space<vmem>>, vector<1x16xf32>,
        %swap3A_165 = vector.shape_cast %swap3A_164 : vector<1x16xf32> to vector<16xf32>
        %swap3A_166 = vector.shape_cast %add3A_162 : vector<16xf32> to vector<1x16xf32>
        tpu.vector_store %arg12[%swap3A, %swap3A_163], %swap3A_166 {strides = array<i32>} : memref<125x16xf32, #tpu.memory_space<vmem>>, vector<1x16xf32>,
        %mul3A_167 = arith.constant 5 : i32
        %mul3A_168 = arith.muli %scan3A_80, %mul3A_167 : i32
        %add3A_169 = arith.constant 1 : i32
        %add3A_170 = arith.addi %mul3A_168, %add3A_169 : i32
        %get3A_171 = arith.index_cast %add3A_170 : i32 to index
        %get3A_172 = arith.constant 0 : index
        %get3A_173 = tpu.vector_load %arg10[%get3A_171, %get3A_172] {strides = array<i32>} : memref<125x128xf32, #tpu.memory_space<vmem>>, vector<1x16xf32>,
        %get3A_174 = vector.shape_cast %get3A_173 : vector<1x16xf32> to vector<16xf32>
        %get3A_175 = arith.index_cast %add3A_170 : i32 to index
        %get3A_176 = arith.constant 0 : index
        %get3A_177 = tpu.vector_load %arg11[%get3A_175, %get3A_176] {strides = array<i32>} : memref<125x128xf32, #tpu.memory_space<vmem>>, vector<1x16xf32>,
        %get3A_178 = vector.shape_cast %get3A_177 : vector<1x16xf32> to vector<16xf32>
        %mul3A_179 = arith.mulf %get3A_174, %get3A_178 : vector<16xf32>
        %get3A_180 = arith.index_cast %add3A_170 : i32 to index
        %get3A_181 = arith.constant 16 : index
        %get3A_182 = tpu.vector_load %arg10[%get3A_180, %get3A_181] {strides = array<i32>} : memref<125x128xf32, #tpu.memory_space<vmem>>, vector<1x16xf32>,
        %get3A_183 = vector.shape_cast %get3A_182 : vector<1x16xf32> to vector<16xf32>
        %get3A_184 = arith.index_cast %add3A_170 : i32 to index
        %get3A_185 = arith.constant 16 : index
        %get3A_186 = tpu.vector_load %arg11[%get3A_184, %get3A_185] {strides = array<i32>} : memref<125x128xf32, #tpu.memory_space<vmem>>, vector<1x16xf32>,
        %get3A_187 = vector.shape_cast %get3A_186 : vector<1x16xf32> to vector<16xf32>
        %mul3A_188 = arith.mulf %get3A_183, %get3A_187 : vector<16xf32>
        %add3A_189 = arith.addf %mul3A_179, %mul3A_188 : vector<16xf32>
        %get3A_190 = arith.index_cast %add3A_170 : i32 to index
        %get3A_191 = arith.constant 32 : index
        %get3A_192 = tpu.vector_load %arg10[%get3A_190, %get3A_191] {strides = array<i32>} : memref<125x128xf32, #tpu.memory_space<vmem>>, vector<1x16xf32>,
        %get3A_193 = vector.shape_cast %get3A_192 : vector<1x16xf32> to vector<16xf32>
        %get3A_194 = arith.index_cast %add3A_170 : i32 to index
        %get3A_195 = arith.constant 32 : index
        %get3A_196 = tpu.vector_load %arg11[%get3A_194, %get3A_195] {strides = array<i32>} : memref<125x128xf32, #tpu.memory_space<vmem>>, vector<1x16xf32>,
        %get3A_197 = vector.shape_cast %get3A_196 : vector<1x16xf32> to vector<16xf32>
        %mul3A_198 = arith.mulf %get3A_193, %get3A_197 : vector<16xf32>
        %add3A_199 = arith.addf %add3A_189, %mul3A_198 : vector<16xf32>
        %get3A_200 = arith.index_cast %add3A_170 : i32 to index
        %get3A_201 = arith.constant 48 : index
        %get3A_202 = tpu.vector_load %arg10[%get3A_200, %get3A_201] {strides = array<i32>} : memref<125x128xf32, #tpu.memory_space<vmem>>, vector<1x16xf32>,
        %get3A_203 = vector.shape_cast %get3A_202 : vector<1x16xf32> to vector<16xf32>
        %get3A_204 = arith.index_cast %add3A_170 : i32 to index
        %get3A_205 = arith.constant 48 : index
        %get3A_206 = tpu.vector_load %arg11[%get3A_204, %get3A_205] {strides = array<i32>} : memref<125x128xf32, #tpu.memory_space<vmem>>, vector<1x16xf32>,
        %get3A_207 = vector.shape_cast %get3A_206 : vector<1x16xf32> to vector<16xf32>
        %mul3A_208 = arith.mulf %get3A_203, %get3A_207 : vector<16xf32>
        %add3A_209 = arith.addf %add3A_199, %mul3A_208 : vector<16xf32>
        %get3A_210 = arith.index_cast %add3A_170 : i32 to index
        %get3A_211 = arith.constant 64 : index
        %get3A_212 = tpu.vector_load %arg10[%get3A_210, %get3A_211] {strides = array<i32>} : memref<125x128xf32, #tpu.memory_space<vmem>>, vector<1x16xf32>,
        %get3A_213 = vector.shape_cast %get3A_212 : vector<1x16xf32> to vector<16xf32>
        %get3A_214 = arith.index_cast %add3A_170 : i32 to index
        %get3A_215 = arith.constant 64 : index
        %get3A_216 = tpu.vector_load %arg11[%get3A_214, %get3A_215] {strides = array<i32>} : memref<125x128xf32, #tpu.memory_space<vmem>>, vector<1x16xf32>,
        %get3A_217 = vector.shape_cast %get3A_216 : vector<1x16xf32> to vector<16xf32>
        %mul3A_218 = arith.mulf %get3A_213, %get3A_217 : vector<16xf32>
        %add3A_219 = arith.addf %add3A_209, %mul3A_218 : vector<16xf32>
        %get3A_220 = arith.index_cast %add3A_170 : i32 to index
        %get3A_221 = arith.constant 80 : index
        %get3A_222 = tpu.vector_load %arg10[%get3A_220, %get3A_221] {strides = array<i32>} : memref<125x128xf32, #tpu.memory_space<vmem>>, vector<1x16xf32>,
        %get3A_223 = vector.shape_cast %get3A_222 : vector<1x16xf32> to vector<16xf32>
        %get3A_224 = arith.index_cast %add3A_170 : i32 to index
        %get3A_225 = arith.constant 80 : index
        %get3A_226 = tpu.vector_load %arg11[%get3A_224, %get3A_225] {strides = array<i32>} : memref<125x128xf32, #tpu.memory_space<vmem>>, vector<1x16xf32>,
        %get3A_227 = vector.shape_cast %get3A_226 : vector<1x16xf32> to vector<16xf32>
        %mul3A_228 = arith.mulf %get3A_223, %get3A_227 : vector<16xf32>
        %add3A_229 = arith.addf %add3A_219, %mul3A_228 : vector<16xf32>
        %get3A_230 = arith.index_cast %add3A_170 : i32 to index
        %get3A_231 = arith.constant 96 : index
        %get3A_232 = tpu.vector_load %arg10[%get3A_230, %get3A_231] {strides = array<i32>} : memref<125x128xf32, #tpu.memory_space<vmem>>, vector<1x16xf32>,
        %get3A_233 = vector.shape_cast %get3A_232 : vector<1x16xf32> to vector<16xf32>
        %get3A_234 = arith.index_cast %add3A_170 : i32 to index
        %get3A_235 = arith.constant 96 : index
        %get3A_236 = tpu.vector_load %arg11[%get3A_234, %get3A_235] {strides = array<i32>} : memref<125x128xf32, #tpu.memory_space<vmem>>, vector<1x16xf32>,
        %get3A_237 = vector.shape_cast %get3A_236 : vector<1x16xf32> to vector<16xf32>
        %mul3A_238 = arith.mulf %get3A_233, %get3A_237 : vector<16xf32>
        %add3A_239 = arith.addf %add3A_229, %mul3A_238 : vector<16xf32>
        %get3A_240 = arith.index_cast %add3A_170 : i32 to index
        %get3A_241 = arith.constant 112 : index
        %get3A_242 = tpu.vector_load %arg10[%get3A_240, %get3A_241] {strides = array<i32>} : memref<125x128xf32, #tpu.memory_space<vmem>>, vector<1x16xf32>,
        %get3A_243 = vector.shape_cast %get3A_242 : vector<1x16xf32> to vector<16xf32>
        %get3A_244 = arith.index_cast %add3A_170 : i32 to index
        %get3A_245 = arith.constant 112 : index
        %get3A_246 = tpu.vector_load %arg11[%get3A_244, %get3A_245] {strides = array<i32>} : memref<125x128xf32, #tpu.memory_space<vmem>>, vector<1x16xf32>,
        %get3A_247 = vector.shape_cast %get3A_246 : vector<1x16xf32> to vector<16xf32>
        %mul3A_248 = arith.mulf %get3A_243, %get3A_247 : vector<16xf32>
        %add3A_249 = arith.addf %add3A_239, %mul3A_248 : vector<16xf32>
        %swap3A_250 = arith.index_cast %add3A_170 : i32 to index
        %swap3A_251 = arith.constant 0 : index
        %swap3A_252 = tpu.vector_load %arg12[%swap3A_250, %swap3A_251] {strides = array<i32>} : memref<125x16xf32, #tpu.memory_space<vmem>>, vector<1x16xf32>,
        %swap3A_253 = vector.shape_cast %swap3A_252 : vector<1x16xf32> to vector<16xf32>
        %swap3A_254 = vector.shape_cast %add3A_249 : vector<16xf32> to vector<1x16xf32>
        tpu.vector_store %arg12[%swap3A_250, %swap3A_251], %swap3A_254 {strides = array<i32>} : memref<125x16xf32, #tpu.memory_space<vmem>>, vector<1x16xf32>,
        %mul3A_255 = arith.constant 5 : i32
        %mul3A_256 = arith.muli %scan3A_80, %mul3A_255 : i32
        %add3A_257 = arith.constant 2 : i32
        %add3A_258 = arith.addi %mul3A_256, %add3A_257 : i32
        %get3A_259 = arith.index_cast %add3A_258 : i32 to index
        %get3A_260 = arith.constant 0 : index
        %get3A_261 = tpu.vector_load %arg10[%get3A_259, %get3A_260] {strides = array<i32>} : memref<125x128xf32, #tpu.memory_space<vmem>>, vector<1x16xf32>,
        %get3A_262 = vector.shape_cast %get3A_261 : vector<1x16xf32> to vector<16xf32>
        %get3A_263 = arith.index_cast %add3A_258 : i32 to index
        %get3A_264 = arith.constant 0 : index
        %get3A_265 = tpu.vector_load %arg11[%get3A_263, %get3A_264] {strides = array<i32>} : memref<125x128xf32, #tpu.memory_space<vmem>>, vector<1x16xf32>,
        %get3A_266 = vector.shape_cast %get3A_265 : vector<1x16xf32> to vector<16xf32>
        %mul3A_267 = arith.mulf %get3A_262, %get3A_266 : vector<16xf32>
        %get3A_268 = arith.index_cast %add3A_258 : i32 to index
        %get3A_269 = arith.constant 16 : index
        %get3A_270 = tpu.vector_load %arg10[%get3A_268, %get3A_269] {strides = array<i32>} : memref<125x128xf32, #tpu.memory_space<vmem>>, vector<1x16xf32>,
        %get3A_271 = vector.shape_cast %get3A_270 : vector<1x16xf32> to vector<16xf32>
        %get3A_272 = arith.index_cast %add3A_258 : i32 to index
        %get3A_273 = arith.constant 16 : index
        %get3A_274 = tpu.vector_load %arg11[%get3A_272, %get3A_273] {strides = array<i32>} : memref<125x128xf32, #tpu.memory_space<vmem>>, vector<1x16xf32>,
        %get3A_275 = vector.shape_cast %get3A_274 : vector<1x16xf32> to vector<16xf32>
        %mul3A_276 = arith.mulf %get3A_271, %get3A_275 : vector<16xf32>
        %add3A_277 = arith.addf %mul3A_267, %mul3A_276 : vector<16xf32>
        %get3A_278 = arith.index_cast %add3A_258 : i32 to index
        %get3A_279 = arith.constant 32 : index
        %get3A_280 = tpu.vector_load %arg10[%get3A_278, %get3A_279] {strides = array<i32>} : memref<125x128xf32, #tpu.memory_space<vmem>>, vector<1x16xf32>,
        %get3A_281 = vector.shape_cast %get3A_280 : vector<1x16xf32> to vector<16xf32>
        %get3A_282 = arith.index_cast %add3A_258 : i32 to index
        %get3A_283 = arith.constant 32 : index
        %get3A_284 = tpu.vector_load %arg11[%get3A_282, %get3A_283] {strides = array<i32>} : memref<125x128xf32, #tpu.memory_space<vmem>>, vector<1x16xf32>,
        %get3A_285 = vector.shape_cast %get3A_284 : vector<1x16xf32> to vector<16xf32>
        %mul3A_286 = arith.mulf %get3A_281, %get3A_285 : vector<16xf32>
        %add3A_287 = arith.addf %add3A_277, %mul3A_286 : vector<16xf32>
        %get3A_288 = arith.index_cast %add3A_258 : i32 to index
        %get3A_289 = arith.constant 48 : index
        %get3A_290 = tpu.vector_load %arg10[%get3A_288, %get3A_289] {strides = array<i32>} : memref<125x128xf32, #tpu.memory_space<vmem>>, vector<1x16xf32>,
        %get3A_291 = vector.shape_cast %get3A_290 : vector<1x16xf32> to vector<16xf32>
        %get3A_292 = arith.index_cast %add3A_258 : i32 to index
        %get3A_293 = arith.constant 48 : index
        %get3A_294 = tpu.vector_load %arg11[%get3A_292, %get3A_293] {strides = array<i32>} : memref<125x128xf32, #tpu.memory_space<vmem>>, vector<1x16xf32>,
        %get3A_295 = vector.shape_cast %get3A_294 : vector<1x16xf32> to vector<16xf32>
        %mul3A_296 = arith.mulf %get3A_291, %get3A_295 : vector<16xf32>
        %add3A_297 = arith.addf %add3A_287, %mul3A_296 : vector<16xf32>
        %get3A_298 = arith.index_cast %add3A_258 : i32 to index
        %get3A_299 = arith.constant 64 : index
        %get3A_300 = tpu.vector_load %arg10[%get3A_298, %get3A_299] {strides = array<i32>} : memref<125x128xf32, #tpu.memory_space<vmem>>, vector<1x16xf32>,
        %get3A_301 = vector.shape_cast %get3A_300 : vector<1x16xf32> to vector<16xf32>
        %get3A_302 = arith.index_cast %add3A_258 : i32 to index
        %get3A_303 = arith.constant 64 : index
        %get3A_304 = tpu.vector_load %arg11[%get3A_302, %get3A_303] {strides = array<i32>} : memref<125x128xf32, #tpu.memory_space<vmem>>, vector<1x16xf32>,
        %get3A_305 = vector.shape_cast %get3A_304 : vector<1x16xf32> to vector<16xf32>
        %mul3A_306 = arith.mulf %get3A_301, %get3A_305 : vector<16xf32>
        %add3A_307 = arith.addf %add3A_297, %mul3A_306 : vector<16xf32>
        %get3A_308 = arith.index_cast %add3A_258 : i32 to index
        %get3A_309 = arith.constant 80 : index
        %get3A_310 = tpu.vector_load %arg10[%get3A_308, %get3A_309] {strides = array<i32>} : memref<125x128xf32, #tpu.memory_space<vmem>>, vector<1x16xf32>,
        %get3A_311 = vector.shape_cast %get3A_310 : vector<1x16xf32> to vector<16xf32>
        %get3A_312 = arith.index_cast %add3A_258 : i32 to index
        %get3A_313 = arith.constant 80 : index
        %get3A_314 = tpu.vector_load %arg11[%get3A_312, %get3A_313] {strides = array<i32>} : memref<125x128xf32, #tpu.memory_space<vmem>>, vector<1x16xf32>,
        %get3A_315 = vector.shape_cast %get3A_314 : vector<1x16xf32> to vector<16xf32>
        %mul3A_316 = arith.mulf %get3A_311, %get3A_315 : vector<16xf32>
        %add3A_317 = arith.addf %add3A_307, %mul3A_316 : vector<16xf32>
        %get3A_318 = arith.index_cast %add3A_258 : i32 to index
        %get3A_319 = arith.constant 96 : index
        %get3A_320 = tpu.vector_load %arg10[%get3A_318, %get3A_319] {strides = array<i32>} : memref<125x128xf32, #tpu.memory_space<vmem>>, vector<1x16xf32>,
        %get3A_321 = vector.shape_cast %get3A_320 : vector<1x16xf32> to vector<16xf32>
        %get3A_322 = arith.index_cast %add3A_258 : i32 to index
        %get3A_323 = arith.constant 96 : index
        %get3A_324 = tpu.vector_load %arg11[%get3A_322, %get3A_323] {strides = array<i32>} : memref<125x128xf32, #tpu.memory_space<vmem>>, vector<1x16xf32>,
        %get3A_325 = vector.shape_cast %get3A_324 : vector<1x16xf32> to vector<16xf32>
        %mul3A_326 = arith.mulf %get3A_321, %get3A_325 : vector<16xf32>
        %add3A_327 = arith.addf %add3A_317, %mul3A_326 : vector<16xf32>
        %get3A_328 = arith.index_cast %add3A_258 : i32 to index
        %get3A_329 = arith.constant 112 : index
        %get3A_330 = tpu.vector_load %arg10[%get3A_328, %get3A_329] {strides = array<i32>} : memref<125x128xf32, #tpu.memory_space<vmem>>, vector<1x16xf32>,
        %get3A_331 = vector.shape_cast %get3A_330 : vector<1x16xf32> to vector<16xf32>
        %get3A_332 = arith.index_cast %add3A_258 : i32 to index
        %get3A_333 = arith.constant 112 : index
        %get3A_334 = tpu.vector_load %arg11[%get3A_332, %get3A_333] {strides = array<i32>} : memref<125x128xf32, #tpu.memory_space<vmem>>, vector<1x16xf32>,
        %get3A_335 = vector.shape_cast %get3A_334 : vector<1x16xf32> to vector<16xf32>
        %mul3A_336 = arith.mulf %get3A_331, %get3A_335 : vector<16xf32>
        %add3A_337 = arith.addf %add3A_327, %mul3A_336 : vector<16xf32>
        %swap3A_338 = arith.index_cast %add3A_258 : i32 to index
        %swap3A_339 = arith.constant 0 : index
        %swap3A_340 = tpu.vector_load %arg12[%swap3A_338, %swap3A_339] {strides = array<i32>} : memref<125x16xf32, #tpu.memory_space<vmem>>, vector<1x16xf32>,
        %swap3A_341 = vector.shape_cast %swap3A_340 : vector<1x16xf32> to vector<16xf32>
        %swap3A_342 = vector.shape_cast %add3A_337 : vector<16xf32> to vector<1x16xf32>
        tpu.vector_store %arg12[%swap3A_338, %swap3A_339], %swap3A_342 {strides = array<i32>} : memref<125x16xf32, #tpu.memory_space<vmem>>, vector<1x16xf32>,
        %mul3A_343 = arith.constant 5 : i32
        %mul3A_344 = arith.muli %scan3A_80, %mul3A_343 : i32
        %add3A_345 = arith.constant 3 : i32
        %add3A_346 = arith.addi %mul3A_344, %add3A_345 : i32
        %get3A_347 = arith.index_cast %add3A_346 : i32 to index
        %get3A_348 = arith.constant 0 : index
        %get3A_349 = tpu.vector_load %arg10[%get3A_347, %get3A_348] {strides = array<i32>} : memref<125x128xf32, #tpu.memory_space<vmem>>, vector<1x16xf32>,
        %get3A_350 = vector.shape_cast %get3A_349 : vector<1x16xf32> to vector<16xf32>
        %get3A_351 = arith.index_cast %add3A_346 : i32 to index
        %get3A_352 = arith.constant 0 : index
        %get3A_353 = tpu.vector_load %arg11[%get3A_351, %get3A_352] {strides = array<i32>} : memref<125x128xf32, #tpu.memory_space<vmem>>, vector<1x16xf32>,
        %get3A_354 = vector.shape_cast %get3A_353 : vector<1x16xf32> to vector<16xf32>
        %mul3A_355 = arith.mulf %get3A_350, %get3A_354 : vector<16xf32>
        %get3A_356 = arith.index_cast %add3A_346 : i32 to index
        %get3A_357 = arith.constant 16 : index
        %get3A_358 = tpu.vector_load %arg10[%get3A_356, %get3A_357] {strides = array<i32>} : memref<125x128xf32, #tpu.memory_space<vmem>>, vector<1x16xf32>,
        %get3A_359 = vector.shape_cast %get3A_358 : vector<1x16xf32> to vector<16xf32>
        %get3A_360 = arith.index_cast %add3A_346 : i32 to index
        %get3A_361 = arith.constant 16 : index
        %get3A_362 = tpu.vector_load %arg11[%get3A_360, %get3A_361] {strides = array<i32>} : memref<125x128xf32, #tpu.memory_space<vmem>>, vector<1x16xf32>,
        %get3A_363 = vector.shape_cast %get3A_362 : vector<1x16xf32> to vector<16xf32>
        %mul3A_364 = arith.mulf %get3A_359, %get3A_363 : vector<16xf32>
        %add3A_365 = arith.addf %mul3A_355, %mul3A_364 : vector<16xf32>
        %get3A_366 = arith.index_cast %add3A_346 : i32 to index
        %get3A_367 = arith.constant 32 : index
        %get3A_368 = tpu.vector_load %arg10[%get3A_366, %get3A_367] {strides = array<i32>} : memref<125x128xf32, #tpu.memory_space<vmem>>, vector<1x16xf32>,
        %get3A_369 = vector.shape_cast %get3A_368 : vector<1x16xf32> to vector<16xf32>
        %get3A_370 = arith.index_cast %add3A_346 : i32 to index
        %get3A_371 = arith.constant 32 : index
        %get3A_372 = tpu.vector_load %arg11[%get3A_370, %get3A_371] {strides = array<i32>} : memref<125x128xf32, #tpu.memory_space<vmem>>, vector<1x16xf32>,
        %get3A_373 = vector.shape_cast %get3A_372 : vector<1x16xf32> to vector<16xf32>
        %mul3A_374 = arith.mulf %get3A_369, %get3A_373 : vector<16xf32>
        %add3A_375 = arith.addf %add3A_365, %mul3A_374 : vector<16xf32>
        %get3A_376 = arith.index_cast %add3A_346 : i32 to index
        %get3A_377 = arith.constant 48 : index
        %get3A_378 = tpu.vector_load %arg10[%get3A_376, %get3A_377] {strides = array<i32>} : memref<125x128xf32, #tpu.memory_space<vmem>>, vector<1x16xf32>,
        %get3A_379 = vector.shape_cast %get3A_378 : vector<1x16xf32> to vector<16xf32>
        %get3A_380 = arith.index_cast %add3A_346 : i32 to index
        %get3A_381 = arith.constant 48 : index
        %get3A_382 = tpu.vector_load %arg11[%get3A_380, %get3A_381] {strides = array<i32>} : memref<125x128xf32, #tpu.memory_space<vmem>>, vector<1x16xf32>,
        %get3A_383 = vector.shape_cast %get3A_382 : vector<1x16xf32> to vector<16xf32>
        %mul3A_384 = arith.mulf %get3A_379, %get3A_383 : vector<16xf32>
        %add3A_385 = arith.addf %add3A_375, %mul3A_384 : vector<16xf32>
        %get3A_386 = arith.index_cast %add3A_346 : i32 to index
        %get3A_387 = arith.constant 64 : index
        %get3A_388 = tpu.vector_load %arg10[%get3A_386, %get3A_387] {strides = array<i32>} : memref<125x128xf32, #tpu.memory_space<vmem>>, vector<1x16xf32>,
        %get3A_389 = vector.shape_cast %get3A_388 : vector<1x16xf32> to vector<16xf32>
        %get3A_390 = arith.index_cast %add3A_346 : i32 to index
        %get3A_391 = arith.constant 64 : index
        %get3A_392 = tpu.vector_load %arg11[%get3A_390, %get3A_391] {strides = array<i32>} : memref<125x128xf32, #tpu.memory_space<vmem>>, vector<1x16xf32>,
        %get3A_393 = vector.shape_cast %get3A_392 : vector<1x16xf32> to vector<16xf32>
        %mul3A_394 = arith.mulf %get3A_389, %get3A_393 : vector<16xf32>
        %add3A_395 = arith.addf %add3A_385, %mul3A_394 : vector<16xf32>
        %get3A_396 = arith.index_cast %add3A_346 : i32 to index
        %get3A_397 = arith.constant 80 : index
        %get3A_398 = tpu.vector_load %arg10[%get3A_396, %get3A_397] {strides = array<i32>} : memref<125x128xf32, #tpu.memory_space<vmem>>, vector<1x16xf32>,
        %get3A_399 = vector.shape_cast %get3A_398 : vector<1x16xf32> to vector<16xf32>
        %get3A_400 = arith.index_cast %add3A_346 : i32 to index
        %get3A_401 = arith.constant 80 : index
        %get3A_402 = tpu.vector_load %arg11[%get3A_400, %get3A_401] {strides = array<i32>} : memref<125x128xf32, #tpu.memory_space<vmem>>, vector<1x16xf32>,
        %get3A_403 = vector.shape_cast %get3A_402 : vector<1x16xf32> to vector<16xf32>
        %mul3A_404 = arith.mulf %get3A_399, %get3A_403 : vector<16xf32>
        %add3A_405 = arith.addf %add3A_395, %mul3A_404 : vector<16xf32>
        %get3A_406 = arith.index_cast %add3A_346 : i32 to index
        %get3A_407 = arith.constant 96 : index
        %get3A_408 = tpu.vector_load %arg10[%get3A_406, %get3A_407] {strides = array<i32>} : memref<125x128xf32, #tpu.memory_space<vmem>>, vector<1x16xf32>,
        %get3A_409 = vector.shape_cast %get3A_408 : vector<1x16xf32> to vector<16xf32>
        %get3A_410 = arith.index_cast %add3A_346 : i32 to index
        %get3A_411 = arith.constant 96 : index
        %get3A_412 = tpu.vector_load %arg11[%get3A_410, %get3A_411] {strides = array<i32>} : memref<125x128xf32, #tpu.memory_space<vmem>>, vector<1x16xf32>,
        %get3A_413 = vector.shape_cast %get3A_412 : vector<1x16xf32> to vector<16xf32>
        %mul3A_414 = arith.mulf %get3A_409, %get3A_413 : vector<16xf32>
        %add3A_415 = arith.addf %add3A_405, %mul3A_414 : vector<16xf32>
        %get3A_416 = arith.index_cast %add3A_346 : i32 to index
        %get3A_417 = arith.constant 112 : index
        %get3A_418 = tpu.vector_load %arg10[%get3A_416, %get3A_417] {strides = array<i32>} : memref<125x128xf32, #tpu.memory_space<vmem>>, vector<1x16xf32>,
        %get3A_419 = vector.shape_cast %get3A_418 : vector<1x16xf32> to vector<16xf32>
        %get3A_420 = arith.index_cast %add3A_346 : i32 to index
        %get3A_421 = arith.constant 112 : index
        %get3A_422 = tpu.vector_load %arg11[%get3A_420, %get3A_421] {strides = array<i32>} : memref<125x128xf32, #tpu.memory_space<vmem>>, vector<1x16xf32>,
        %get3A_423 = vector.shape_cast %get3A_422 : vector<1x16xf32> to vector<16xf32>
        %mul3A_424 = arith.mulf %get3A_419, %get3A_423 : vector<16xf32>
        %add3A_425 = arith.addf %add3A_415, %mul3A_424 : vector<16xf32>
        %swap3A_426 = arith.index_cast %add3A_346 : i32 to index
        %swap3A_427 = arith.constant 0 : index
        %swap3A_428 = tpu.vector_load %arg12[%swap3A_426, %swap3A_427] {strides = array<i32>} : memref<125x16xf32, #tpu.memory_space<vmem>>, vector<1x16xf32>,
        %swap3A_429 = vector.shape_cast %swap3A_428 : vector<1x16xf32> to vector<16xf32>
        %swap3A_430 = vector.shape_cast %add3A_425 : vector<16xf32> to vector<1x16xf32>
        tpu.vector_store %arg12[%swap3A_426, %swap3A_427], %swap3A_430 {strides = array<i32>} : memref<125x16xf32, #tpu.memory_space<vmem>>, vector<1x16xf32>,
        %mul3A_431 = arith.constant 5 : i32
        %mul3A_432 = arith.muli %scan3A_80, %mul3A_431 : i32
        %add3A_433 = arith.constant 4 : i32
        %add3A_434 = arith.addi %mul3A_432, %add3A_433 : i32
        %get3A_435 = arith.index_cast %add3A_434 : i32 to index
        %get3A_436 = arith.constant 0 : index
        %get3A_437 = tpu.vector_load %arg10[%get3A_435, %get3A_436] {strides = array<i32>} : memref<125x128xf32, #tpu.memory_space<vmem>>, vector<1x16xf32>,
        %get3A_438 = vector.shape_cast %get3A_437 : vector<1x16xf32> to vector<16xf32>
        %get3A_439 = arith.index_cast %add3A_434 : i32 to index
        %get3A_440 = arith.constant 0 : index
        %get3A_441 = tpu.vector_load %arg11[%get3A_439, %get3A_440] {strides = array<i32>} : memref<125x128xf32, #tpu.memory_space<vmem>>, vector<1x16xf32>,
        %get3A_442 = vector.shape_cast %get3A_441 : vector<1x16xf32> to vector<16xf32>
        %mul3A_443 = arith.mulf %get3A_438, %get3A_442 : vector<16xf32>
        %get3A_444 = arith.index_cast %add3A_434 : i32 to index
        %get3A_445 = arith.constant 16 : index
        %get3A_446 = tpu.vector_load %arg10[%get3A_444, %get3A_445] {strides = array<i32>} : memref<125x128xf32, #tpu.memory_space<vmem>>, vector<1x16xf32>,
        %get3A_447 = vector.shape_cast %get3A_446 : vector<1x16xf32> to vector<16xf32>
        %get3A_448 = arith.index_cast %add3A_434 : i32 to index
        %get3A_449 = arith.constant 16 : index
        %get3A_450 = tpu.vector_load %arg11[%get3A_448, %get3A_449] {strides = array<i32>} : memref<125x128xf32, #tpu.memory_space<vmem>>, vector<1x16xf32>,
        %get3A_451 = vector.shape_cast %get3A_450 : vector<1x16xf32> to vector<16xf32>
        %mul3A_452 = arith.mulf %get3A_447, %get3A_451 : vector<16xf32>
        %add3A_453 = arith.addf %mul3A_443, %mul3A_452 : vector<16xf32>
        %get3A_454 = arith.index_cast %add3A_434 : i32 to index
        %get3A_455 = arith.constant 32 : index
        %get3A_456 = tpu.vector_load %arg10[%get3A_454, %get3A_455] {strides = array<i32>} : memref<125x128xf32, #tpu.memory_space<vmem>>, vector<1x16xf32>,
        %get3A_457 = vector.shape_cast %get3A_456 : vector<1x16xf32> to vector<16xf32>
        %get3A_458 = arith.index_cast %add3A_434 : i32 to index
        %get3A_459 = arith.constant 32 : index
        %get3A_460 = tpu.vector_load %arg11[%get3A_458, %get3A_459] {strides = array<i32>} : memref<125x128xf32, #tpu.memory_space<vmem>>, vector<1x16xf32>,
        %get3A_461 = vector.shape_cast %get3A_460 : vector<1x16xf32> to vector<16xf32>
        %mul3A_462 = arith.mulf %get3A_457, %get3A_461 : vector<16xf32>
        %add3A_463 = arith.addf %add3A_453, %mul3A_462 : vector<16xf32>
        %get3A_464 = arith.index_cast %add3A_434 : i32 to index
        %get3A_465 = arith.constant 48 : index
        %get3A_466 = tpu.vector_load %arg10[%get3A_464, %get3A_465] {strides = array<i32>} : memref<125x128xf32, #tpu.memory_space<vmem>>, vector<1x16xf32>,
        %get3A_467 = vector.shape_cast %get3A_466 : vector<1x16xf32> to vector<16xf32>
        %get3A_468 = arith.index_cast %add3A_434 : i32 to index
        %get3A_469 = arith.constant 48 : index
        %get3A_470 = tpu.vector_load %arg11[%get3A_468, %get3A_469] {strides = array<i32>} : memref<125x128xf32, #tpu.memory_space<vmem>>, vector<1x16xf32>,
        %get3A_471 = vector.shape_cast %get3A_470 : vector<1x16xf32> to vector<16xf32>
        %mul3A_472 = arith.mulf %get3A_467, %get3A_471 : vector<16xf32>
        %add3A_473 = arith.addf %add3A_463, %mul3A_472 : vector<16xf32>
        %get3A_474 = arith.index_cast %add3A_434 : i32 to index
        %get3A_475 = arith.constant 64 : index
        %get3A_476 = tpu.vector_load %arg10[%get3A_474, %get3A_475] {strides = array<i32>} : memref<125x128xf32, #tpu.memory_space<vmem>>, vector<1x16xf32>,
        %get3A_477 = vector.shape_cast %get3A_476 : vector<1x16xf32> to vector<16xf32>
        %get3A_478 = arith.index_cast %add3A_434 : i32 to index
        %get3A_479 = arith.constant 64 : index
        %get3A_480 = tpu.vector_load %arg11[%get3A_478, %get3A_479] {strides = array<i32>} : memref<125x128xf32, #tpu.memory_space<vmem>>, vector<1x16xf32>,
        %get3A_481 = vector.shape_cast %get3A_480 : vector<1x16xf32> to vector<16xf32>
        %mul3A_482 = arith.mulf %get3A_477, %get3A_481 : vector<16xf32>
        %add3A_483 = arith.addf %add3A_473, %mul3A_482 : vector<16xf32>
        %get3A_484 = arith.index_cast %add3A_434 : i32 to index
        %get3A_485 = arith.constant 80 : index
        %get3A_486 = tpu.vector_load %arg10[%get3A_484, %get3A_485] {strides = array<i32>} : memref<125x128xf32, #tpu.memory_space<vmem>>, vector<1x16xf32>,
        %get3A_487 = vector.shape_cast %get3A_486 : vector<1x16xf32> to vector<16xf32>
        %get3A_488 = arith.index_cast %add3A_434 : i32 to index
        %get3A_489 = arith.constant 80 : index
        %get3A_490 = tpu.vector_load %arg11[%get3A_488, %get3A_489] {strides = array<i32>} : memref<125x128xf32, #tpu.memory_space<vmem>>, vector<1x16xf32>,
        %get3A_491 = vector.shape_cast %get3A_490 : vector<1x16xf32> to vector<16xf32>
        %mul3A_492 = arith.mulf %get3A_487, %get3A_491 : vector<16xf32>
        %add3A_493 = arith.addf %add3A_483, %mul3A_492 : vector<16xf32>
        %get3A_494 = arith.index_cast %add3A_434 : i32 to index
        %get3A_495 = arith.constant 96 : index
        %get3A_496 = tpu.vector_load %arg10[%get3A_494, %get3A_495] {strides = array<i32>} : memref<125x128xf32, #tpu.memory_space<vmem>>, vector<1x16xf32>,
        %get3A_497 = vector.shape_cast %get3A_496 : vector<1x16xf32> to vector<16xf32>
        %get3A_498 = arith.index_cast %add3A_434 : i32 to index
        %get3A_499 = arith.constant 96 : index
        %get3A_500 = tpu.vector_load %arg11[%get3A_498, %get3A_499] {strides = array<i32>} : memref<125x128xf32, #tpu.memory_space<vmem>>, vector<1x16xf32>,
        %get3A_501 = vector.shape_cast %get3A_500 : vector<1x16xf32> to vector<16xf32>
        %mul3A_502 = arith.mulf %get3A_497, %get3A_501 : vector<16xf32>
        %add3A_503 = arith.addf %add3A_493, %mul3A_502 : vector<16xf32>
        %get3A_504 = arith.index_cast %add3A_434 : i32 to index
        %get3A_505 = arith.constant 112 : index
        %get3A_506 = tpu.vector_load %arg10[%get3A_504, %get3A_505] {strides = array<i32>} : memref<125x128xf32, #tpu.memory_space<vmem>>, vector<1x16xf32>,
        %get3A_507 = vector.shape_cast %get3A_506 : vector<1x16xf32> to vector<16xf32>
        %get3A_508 = arith.index_cast %add3A_434 : i32 to index
        %get3A_509 = arith.constant 112 : index
        %get3A_510 = tpu.vector_load %arg11[%get3A_508, %get3A_509] {strides = array<i32>} : memref<125x128xf32, #tpu.memory_space<vmem>>, vector<1x16xf32>,
        %get3A_511 = vector.shape_cast %get3A_510 : vector<1x16xf32> to vector<16xf32>
        %mul3A_512 = arith.mulf %get3A_507, %get3A_511 : vector<16xf32>
        %add3A_513 = arith.addf %add3A_503, %mul3A_512 : vector<16xf32>
        %swap3A_514 = arith.index_cast %add3A_434 : i32 to index
        %swap3A_515 = arith.constant 0 : index
        %swap3A_516 = tpu.vector_load %arg12[%swap3A_514, %swap3A_515] {strides = array<i32>} : memref<125x16xf32, #tpu.memory_space<vmem>>, vector<1x16xf32>,
        %swap3A_517 = vector.shape_cast %swap3A_516 : vector<1x16xf32> to vector<16xf32>
        %swap3A_518 = vector.shape_cast %add3A_513 : vector<16xf32> to vector<1x16xf32>
        tpu.vector_store %arg12[%swap3A_514, %swap3A_515], %swap3A_518 {strides = array<i32>} : memref<125x16xf32, #tpu.memory_space<vmem>>, vector<1x16xf32>,
      }
      %scan3A_79 = arith.constant 25 : i32
      "tpu.region"() ({
        %run_scoped3A = tpu.sem_alloc : memref<!tpu.dma_semaphore, #tpu.memory_space<semaphore_mem>>
        %dma_start3A_80 = arith.constant 0 : i32
        %dma_start3A_81 = arith.constant 0 : i32
        %dma_start3A_82 = tpu.memref_slice %arg5[%arg0, %arg1, %add3A_73, %dma_start3A_80, %dma_start3A_81] : memref<2x16x80x125x16xf32, #tpu.memory_space<hbm>> -> memref<1x1x1x125x16xf32, #tpu.memory_space<hbm>>
        %dma_start3A_83 = tpu.memref_squeeze %dma_start3A_82 : memref<1x1x1x125x16xf32, #tpu.memory_space<hbm>> -> memref<125x16xf32, #tpu.memory_space<hbm>>
        %dma_start3A_84 = arith.constant 0 : i32
        %dma_start3A_85 = arith.constant 0 : i32
        %dma_start3A_86 = tpu.memref_slice %arg5[%arg0, %arg1, %add3A_73, %dma_start3A_84, %dma_start3A_85] : memref<2x16x80x125x16xf32, #tpu.memory_space<hbm>> -> memref<1x1x1x125x16xf32, #tpu.memory_space<hbm>>
        %dma_start3A_87 = tpu.memref_squeeze %dma_start3A_86 : memref<1x1x1x125x16xf32, #tpu.memory_space<hbm>> -> memref<125x16xf32, #tpu.memory_space<hbm>>
        tpu.enqueue_dma source(%arg12 : memref<125x16xf32, #tpu.memory_space<vmem>>) target(%dma_start3A_87 : memref<125x16xf32, #tpu.memory_space<hbm>>) target_semaphore(%run_scoped3A : memref<!tpu.dma_semaphore, #tpu.memory_space<semaphore_mem>>)
        %dma_wait3A_88 = arith.constant 0 : i32
        %dma_wait3A_89 = arith.constant 0 : i32
        %dma_wait3A_90 = tpu.memref_slice %arg5[%arg0, %arg1, %add3A_73, %dma_wait3A_88, %dma_wait3A_89] : memref<2x16x80x125x16xf32, #tpu.memory_space<hbm>> -> memref<1x1x1x125x16xf32, #tpu.memory_space<hbm>>
        %dma_wait3A_91 = tpu.memref_squeeze %dma_wait3A_90 : memref<1x1x1x125x16xf32, #tpu.memory_space<hbm>> -> memref<125x16xf32, #tpu.memory_space<hbm>>
        %dma_wait3A_92 = arith.constant 0 : i32
        %dma_wait3A_93 = arith.constant 0 : i32
        %dma_wait3A_94 = tpu.memref_slice %arg5[%arg0, %arg1, %add3A_73, %dma_wait3A_92, %dma_wait3A_93] : memref<2x16x80x125x16xf32, #tpu.memory_space<hbm>> -> memref<1x1x1x125x16xf32, #tpu.memory_space<hbm>>
        %dma_wait3A_95 = tpu.memref_squeeze %dma_wait3A_94 : memref<1x1x1x125x16xf32, #tpu.memory_space<hbm>> -> memref<125x16xf32, #tpu.memory_space<hbm>>
        tpu.wait_dma2 semaphore(%run_scoped3A : memref<!tpu.dma_semaphore, #tpu.memory_space<semaphore_mem>>) src(%arg12 : memref<125x16xf32, #tpu.memory_space<vmem>>) dst(%dma_wait3A_95 : memref<125x16xf32, #tpu.memory_space<hbm>>)
        tpu.yield
      }) : () -> ()
    }
    %scan3A_17 = arith.constant 40 : i32
    return
  }
}

#map = affine_map<(d0, d1) -> (0, 0)>
#map1 = affine_map<(d0, d1) -> (0, 0, 0, 0)>
#map2 = affine_map<(d0, d1) -> (0, 0, 0)>
module attributes {stable_mosaic.version = 14 : i64} {
  func.func @_conv_body(%arg0: i32, %arg1: i32, %arg2: memref<10000x128xf32, #tpu.memory_space<hbm>>, %arg3: memref<2x16x80x125xi32, #tpu.memory_space<hbm>>, %arg4: memref<2x16x80x125xi32, #tpu.memory_space<hbm>>, %arg5: memref<2x10112x128xf32, #tpu.memory_space<hbm>>, %arg6: memref<40x125xi32, #tpu.memory_space<vmem>>, %arg7: memref<40x125xi32, #tpu.memory_space<vmem>>, %arg8: memref<125x128xf32, #tpu.memory_space<vmem>>, %arg9: memref<125x128xf32, #tpu.memory_space<vmem>>, %arg10: memref<8x128xf32, #tpu.memory_space<vmem>>, %arg11: memref<10112x128xf32, #tpu.memory_space<vmem_shared>>, %arg12: memref<!tpu.dma_semaphore, #tpu.memory_space<semaphore_mem>>, %arg13: memref<!tpu.dma_semaphore, #tpu.memory_space<semaphore_mem>>) attributes {dimension_semantics = [#tpu.dimension_semantics<core_parallel>, #tpu.dimension_semantics<subcore_parallel>], iteration_bounds = array<i64: 2, 16>, scalar_prefetch = 0 : i64, scratch_operands = 8 : i64, tpu.core_type = #tpu.core_type<sc_vector_subcore>, window_params = [{transform_indices = #map}, {transform_indices = #map1}, {transform_indices = #map1}, {transform_indices = #map2}]} {
    %mul3A = arith.constant 632 : i32
    %mul3A_0 = arith.muli %arg1, %mul3A : i32
    %broadcast_in_dim3A = arith.constant 0.000000e+00 : f32
    %broadcast_in_dim3A_1 = vector.broadcast %broadcast_in_dim3A : f32 to vector<16xf32>
    %scan3A = arith.constant 0 : i32
    %scan3A_2 = arith.constant 0 : i32
    %scan3A_3 = arith.constant 8 : i32
    %scan3A_4 = arith.addi %scan3A_2, %scan3A_3 : i32
    %scan3A_5 = arith.constant 1 : i32
    scf.for %scan3A_43 = %scan3A_2 to %scan3A_4 step %scan3A_5  : i32 {
      %swap3A = arith.index_cast %scan3A_43 : i32 to index
      %swap3A_44 = arith.constant 0 : index
      %swap3A_45 = tpu.vector_load %arg10[%swap3A, %swap3A_44] {strides = array<i32>} : memref<8x128xf32, #tpu.memory_space<vmem>>, vector<1x16xf32>,
      %swap3A_46 = vector.shape_cast %swap3A_45 : vector<1x16xf32> to vector<16xf32>
      %swap3A_47 = vector.shape_cast %broadcast_in_dim3A_1 : vector<16xf32> to vector<1x16xf32>
      tpu.vector_store %arg10[%swap3A, %swap3A_44], %swap3A_47 {strides = array<i32>} : memref<8x128xf32, #tpu.memory_space<vmem>>, vector<1x16xf32>,
      %swap3A_48 = arith.index_cast %scan3A_43 : i32 to index
      %swap3A_49 = arith.constant 16 : index
      %swap3A_50 = tpu.vector_load %arg10[%swap3A_48, %swap3A_49] {strides = array<i32>} : memref<8x128xf32, #tpu.memory_space<vmem>>, vector<1x16xf32>,
      %swap3A_51 = vector.shape_cast %swap3A_50 : vector<1x16xf32> to vector<16xf32>
      %swap3A_52 = vector.shape_cast %broadcast_in_dim3A_1 : vector<16xf32> to vector<1x16xf32>
      tpu.vector_store %arg10[%swap3A_48, %swap3A_49], %swap3A_52 {strides = array<i32>} : memref<8x128xf32, #tpu.memory_space<vmem>>, vector<1x16xf32>,
      %swap3A_53 = arith.index_cast %scan3A_43 : i32 to index
      %swap3A_54 = arith.constant 32 : index
      %swap3A_55 = tpu.vector_load %arg10[%swap3A_53, %swap3A_54] {strides = array<i32>} : memref<8x128xf32, #tpu.memory_space<vmem>>, vector<1x16xf32>,
      %swap3A_56 = vector.shape_cast %swap3A_55 : vector<1x16xf32> to vector<16xf32>
      %swap3A_57 = vector.shape_cast %broadcast_in_dim3A_1 : vector<16xf32> to vector<1x16xf32>
      tpu.vector_store %arg10[%swap3A_53, %swap3A_54], %swap3A_57 {strides = array<i32>} : memref<8x128xf32, #tpu.memory_space<vmem>>, vector<1x16xf32>,
      %swap3A_58 = arith.index_cast %scan3A_43 : i32 to index
      %swap3A_59 = arith.constant 48 : index
      %swap3A_60 = tpu.vector_load %arg10[%swap3A_58, %swap3A_59] {strides = array<i32>} : memref<8x128xf32, #tpu.memory_space<vmem>>, vector<1x16xf32>,
      %swap3A_61 = vector.shape_cast %swap3A_60 : vector<1x16xf32> to vector<16xf32>
      %swap3A_62 = vector.shape_cast %broadcast_in_dim3A_1 : vector<16xf32> to vector<1x16xf32>
      tpu.vector_store %arg10[%swap3A_58, %swap3A_59], %swap3A_62 {strides = array<i32>} : memref<8x128xf32, #tpu.memory_space<vmem>>, vector<1x16xf32>,
      %swap3A_63 = arith.index_cast %scan3A_43 : i32 to index
      %swap3A_64 = arith.constant 64 : index
      %swap3A_65 = tpu.vector_load %arg10[%swap3A_63, %swap3A_64] {strides = array<i32>} : memref<8x128xf32, #tpu.memory_space<vmem>>, vector<1x16xf32>,
      %swap3A_66 = vector.shape_cast %swap3A_65 : vector<1x16xf32> to vector<16xf32>
      %swap3A_67 = vector.shape_cast %broadcast_in_dim3A_1 : vector<16xf32> to vector<1x16xf32>
      tpu.vector_store %arg10[%swap3A_63, %swap3A_64], %swap3A_67 {strides = array<i32>} : memref<8x128xf32, #tpu.memory_space<vmem>>, vector<1x16xf32>,
      %swap3A_68 = arith.index_cast %scan3A_43 : i32 to index
      %swap3A_69 = arith.constant 80 : index
      %swap3A_70 = tpu.vector_load %arg10[%swap3A_68, %swap3A_69] {strides = array<i32>} : memref<8x128xf32, #tpu.memory_space<vmem>>, vector<1x16xf32>,
      %swap3A_71 = vector.shape_cast %swap3A_70 : vector<1x16xf32> to vector<16xf32>
      %swap3A_72 = vector.shape_cast %broadcast_in_dim3A_1 : vector<16xf32> to vector<1x16xf32>
      tpu.vector_store %arg10[%swap3A_68, %swap3A_69], %swap3A_72 {strides = array<i32>} : memref<8x128xf32, #tpu.memory_space<vmem>>, vector<1x16xf32>,
      %swap3A_73 = arith.index_cast %scan3A_43 : i32 to index
      %swap3A_74 = arith.constant 96 : index
      %swap3A_75 = tpu.vector_load %arg10[%swap3A_73, %swap3A_74] {strides = array<i32>} : memref<8x128xf32, #tpu.memory_space<vmem>>, vector<1x16xf32>,
      %swap3A_76 = vector.shape_cast %swap3A_75 : vector<1x16xf32> to vector<16xf32>
      %swap3A_77 = vector.shape_cast %broadcast_in_dim3A_1 : vector<16xf32> to vector<1x16xf32>
      tpu.vector_store %arg10[%swap3A_73, %swap3A_74], %swap3A_77 {strides = array<i32>} : memref<8x128xf32, #tpu.memory_space<vmem>>, vector<1x16xf32>,
      %swap3A_78 = arith.index_cast %scan3A_43 : i32 to index
      %swap3A_79 = arith.constant 112 : index
      %swap3A_80 = tpu.vector_load %arg10[%swap3A_78, %swap3A_79] {strides = array<i32>} : memref<8x128xf32, #tpu.memory_space<vmem>>, vector<1x16xf32>,
      %swap3A_81 = vector.shape_cast %swap3A_80 : vector<1x16xf32> to vector<16xf32>
      %swap3A_82 = vector.shape_cast %broadcast_in_dim3A_1 : vector<16xf32> to vector<1x16xf32>
      tpu.vector_store %arg10[%swap3A_78, %swap3A_79], %swap3A_82 {strides = array<i32>} : memref<8x128xf32, #tpu.memory_space<vmem>>, vector<1x16xf32>,
    }
    %scan3A_6 = arith.constant 8 : i32
    %scan3A_7 = arith.constant 0 : i32
    %scan3A_8 = arith.constant 0 : i32
    %scan3A_9 = arith.constant 79 : i32
    %scan3A_10 = arith.addi %scan3A_8, %scan3A_9 : i32
    %scan3A_11 = arith.constant 1 : i32
    scf.for %scan3A_43 = %scan3A_8 to %scan3A_10 step %scan3A_11  : i32 {
      %mul3A_44 = arith.constant 8 : i32
      %mul3A_45 = arith.muli %scan3A_43, %mul3A_44 : i32
      %add3A = arith.addi %mul3A_0, %mul3A_45 : i32
      "tpu.region"() ({
        %run_scoped3A = tpu.sem_alloc : memref<!tpu.dma_semaphore, #tpu.memory_space<semaphore_mem>>
        %dma_start3A_46 = arith.constant 0 : i32
        %dma_start3A_47 = tpu.memref_slice %arg11[%add3A, %dma_start3A_46] : memref<10112x128xf32, #tpu.memory_space<vmem_shared>> -> memref<8x128xf32, #tpu.memory_space<vmem_shared>>
        %dma_start3A_48 = arith.constant 0 : i32
        %dma_start3A_49 = tpu.memref_slice %arg11[%add3A, %dma_start3A_48] : memref<10112x128xf32, #tpu.memory_space<vmem_shared>> -> memref<8x128xf32, #tpu.memory_space<vmem_shared>>
        tpu.enqueue_dma source(%arg10 : memref<8x128xf32, #tpu.memory_space<vmem>>) target(%dma_start3A_49 : memref<8x128xf32, #tpu.memory_space<vmem_shared>>) target_semaphore(%run_scoped3A : memref<!tpu.dma_semaphore, #tpu.memory_space<semaphore_mem>>)
        %dma_wait3A = arith.constant 0 : i32
        %dma_wait3A_50 = tpu.memref_slice %arg11[%add3A, %dma_wait3A] : memref<10112x128xf32, #tpu.memory_space<vmem_shared>> -> memref<8x128xf32, #tpu.memory_space<vmem_shared>>
        %dma_wait3A_51 = arith.constant 0 : i32
        %dma_wait3A_52 = tpu.memref_slice %arg11[%add3A, %dma_wait3A_51] : memref<10112x128xf32, #tpu.memory_space<vmem_shared>> -> memref<8x128xf32, #tpu.memory_space<vmem_shared>>
        tpu.wait_dma2 semaphore(%run_scoped3A : memref<!tpu.dma_semaphore, #tpu.memory_space<semaphore_mem>>) src(%arg10 : memref<8x128xf32, #tpu.memory_space<vmem>>) dst(%dma_wait3A_52 : memref<8x128xf32, #tpu.memory_space<vmem_shared>>)
        tpu.yield
      }) : () -> ()
    }
    %scan3A_12 = arith.constant 79 : i32
    %barrier3A = arith.constant 0 : index
    tpu.barrier barrier_id(%barrier3A)
    "tpu.region"() ({
      %run_scoped3A = tpu.sem_alloc : memref<!tpu.dma_semaphore, #tpu.memory_space<semaphore_mem>>
      %dma_start3A_43 = arith.constant 0 : i32
      %dma_start3A_44 = arith.constant 0 : i32
      %dma_start3A_45 = tpu.memref_slice %arg3[%arg0, %arg1, %dma_start3A_43, %dma_start3A_44] : memref<2x16x80x125xi32, #tpu.memory_space<hbm>> -> memref<1x1x40x125xi32, #tpu.memory_space<hbm>>
      %dma_start3A_46 = tpu.memref_squeeze %dma_start3A_45 : memref<1x1x40x125xi32, #tpu.memory_space<hbm>> -> memref<40x125xi32, #tpu.memory_space<hbm>>
      %dma_start3A_47 = arith.constant 0 : i32
      %dma_start3A_48 = arith.constant 0 : i32
      %dma_start3A_49 = tpu.memref_slice %arg3[%arg0, %arg1, %dma_start3A_47, %dma_start3A_48] : memref<2x16x80x125xi32, #tpu.memory_space<hbm>> -> memref<1x1x40x125xi32, #tpu.memory_space<hbm>>
      %dma_start3A_50 = tpu.memref_squeeze %dma_start3A_49 : memref<1x1x40x125xi32, #tpu.memory_space<hbm>> -> memref<40x125xi32, #tpu.memory_space<hbm>>
      tpu.enqueue_dma source(%dma_start3A_50 : memref<40x125xi32, #tpu.memory_space<hbm>>) target(%arg6 : memref<40x125xi32, #tpu.memory_space<vmem>>) target_semaphore(%run_scoped3A : memref<!tpu.dma_semaphore, #tpu.memory_space<semaphore_mem>>)
      %dma_wait3A = arith.constant 0 : i32
      %dma_wait3A_51 = arith.constant 0 : i32
      %dma_wait3A_52 = tpu.memref_slice %arg3[%arg0, %arg1, %dma_wait3A, %dma_wait3A_51] : memref<2x16x80x125xi32, #tpu.memory_space<hbm>> -> memref<1x1x40x125xi32, #tpu.memory_space<hbm>>
      %dma_wait3A_53 = tpu.memref_squeeze %dma_wait3A_52 : memref<1x1x40x125xi32, #tpu.memory_space<hbm>> -> memref<40x125xi32, #tpu.memory_space<hbm>>
      %dma_wait3A_54 = arith.constant 0 : i32
      %dma_wait3A_55 = arith.constant 0 : i32
      %dma_wait3A_56 = tpu.memref_slice %arg3[%arg0, %arg1, %dma_wait3A_54, %dma_wait3A_55] : memref<2x16x80x125xi32, #tpu.memory_space<hbm>> -> memref<1x1x40x125xi32, #tpu.memory_space<hbm>>
      %dma_wait3A_57 = tpu.memref_squeeze %dma_wait3A_56 : memref<1x1x40x125xi32, #tpu.memory_space<hbm>> -> memref<40x125xi32, #tpu.memory_space<hbm>>
      tpu.wait_dma2 semaphore(%run_scoped3A : memref<!tpu.dma_semaphore, #tpu.memory_space<semaphore_mem>>) src(%dma_wait3A_57 : memref<40x125xi32, #tpu.memory_space<hbm>>) dst(%arg6 : memref<40x125xi32, #tpu.memory_space<vmem>>)
      tpu.yield
    }) : () -> ()
    "tpu.region"() ({
      %run_scoped3A = tpu.sem_alloc : memref<!tpu.dma_semaphore, #tpu.memory_space<semaphore_mem>>
      %dma_start3A_43 = arith.constant 0 : i32
      %dma_start3A_44 = arith.constant 0 : i32
      %dma_start3A_45 = tpu.memref_slice %arg4[%arg0, %arg1, %dma_start3A_43, %dma_start3A_44] : memref<2x16x80x125xi32, #tpu.memory_space<hbm>> -> memref<1x1x40x125xi32, #tpu.memory_space<hbm>>
      %dma_start3A_46 = tpu.memref_squeeze %dma_start3A_45 : memref<1x1x40x125xi32, #tpu.memory_space<hbm>> -> memref<40x125xi32, #tpu.memory_space<hbm>>
      %dma_start3A_47 = arith.constant 0 : i32
      %dma_start3A_48 = arith.constant 0 : i32
      %dma_start3A_49 = tpu.memref_slice %arg4[%arg0, %arg1, %dma_start3A_47, %dma_start3A_48] : memref<2x16x80x125xi32, #tpu.memory_space<hbm>> -> memref<1x1x40x125xi32, #tpu.memory_space<hbm>>
      %dma_start3A_50 = tpu.memref_squeeze %dma_start3A_49 : memref<1x1x40x125xi32, #tpu.memory_space<hbm>> -> memref<40x125xi32, #tpu.memory_space<hbm>>
      tpu.enqueue_dma source(%dma_start3A_50 : memref<40x125xi32, #tpu.memory_space<hbm>>) target(%arg7 : memref<40x125xi32, #tpu.memory_space<vmem>>) target_semaphore(%run_scoped3A : memref<!tpu.dma_semaphore, #tpu.memory_space<semaphore_mem>>)
      %dma_wait3A = arith.constant 0 : i32
      %dma_wait3A_51 = arith.constant 0 : i32
      %dma_wait3A_52 = tpu.memref_slice %arg4[%arg0, %arg1, %dma_wait3A, %dma_wait3A_51] : memref<2x16x80x125xi32, #tpu.memory_space<hbm>> -> memref<1x1x40x125xi32, #tpu.memory_space<hbm>>
      %dma_wait3A_53 = tpu.memref_squeeze %dma_wait3A_52 : memref<1x1x40x125xi32, #tpu.memory_space<hbm>> -> memref<40x125xi32, #tpu.memory_space<hbm>>
      %dma_wait3A_54 = arith.constant 0 : i32
      %dma_wait3A_55 = arith.constant 0 : i32
      %dma_wait3A_56 = tpu.memref_slice %arg4[%arg0, %arg1, %dma_wait3A_54, %dma_wait3A_55] : memref<2x16x80x125xi32, #tpu.memory_space<hbm>> -> memref<1x1x40x125xi32, #tpu.memory_space<hbm>>
      %dma_wait3A_57 = tpu.memref_squeeze %dma_wait3A_56 : memref<1x1x40x125xi32, #tpu.memory_space<hbm>> -> memref<40x125xi32, #tpu.memory_space<hbm>>
      tpu.wait_dma2 semaphore(%run_scoped3A : memref<!tpu.dma_semaphore, #tpu.memory_space<semaphore_mem>>) src(%dma_wait3A_57 : memref<40x125xi32, #tpu.memory_space<hbm>>) dst(%arg7 : memref<40x125xi32, #tpu.memory_space<vmem>>)
      tpu.yield
    }) : () -> ()
    %dma_start3A = arith.constant 0 : i32
    %dma_start3A_13 = arith.constant 0 : i32
    %dma_start3A_14 = tpu.memref_slice %arg6[%dma_start3A, %dma_start3A_13] : memref<40x125xi32, #tpu.memory_space<vmem>> -> memref<1x125xi32, #tpu.memory_space<vmem>>
    %dma_start3A_15 = tpu.memref_squeeze %dma_start3A_14 : memref<1x125xi32, #tpu.memory_space<vmem>> -> memref<125xi32, #tpu.memory_space<vmem>>
    %dma_start3A_16 = arith.constant 0 : i32
    %dma_start3A_17 = arith.constant 0 : i32
    %dma_start3A_18 = tpu.memref_slice %arg2[%dma_start3A_16, %dma_start3A_17] : memref<10000x128xf32, #tpu.memory_space<hbm>> -> memref<10000x128xf32, #tpu.memory_space<hbm>>
    tpu.enqueue_indirect_dma source(%dma_start3A_18 : memref<10000x128xf32, #tpu.memory_space<hbm>>) target(%arg8 : memref<125x128xf32, #tpu.memory_space<vmem>>) offsets(%dma_start3A_15 : memref<125xi32, #tpu.memory_space<vmem>>) semaphore(%arg12 : memref<!tpu.dma_semaphore, #tpu.memory_space<semaphore_mem>>)
    %scan3A_19 = arith.constant 0 : i32
    %scan3A_20 = arith.constant 0 : i32
    %scan3A_21 = arith.constant 20 : i32
    %scan3A_22 = arith.addi %scan3A_20, %scan3A_21 : i32
    %scan3A_23 = arith.constant 1 : i32
    scf.for %scan3A_43 = %scan3A_20 to %scan3A_22 step %scan3A_23  : i32 {
      %mul3A_44 = arith.constant 2 : i32
      %mul3A_45 = arith.muli %mul3A_44, %scan3A_43 : i32
      %add3A = arith.constant 1 : i32
      %add3A_46 = arith.addi %mul3A_45, %add3A : i32
      %dma_start3A_47 = arith.constant 0 : i32
      %dma_start3A_48 = tpu.memref_slice %arg6[%add3A_46, %dma_start3A_47] : memref<40x125xi32, #tpu.memory_space<vmem>> -> memref<1x125xi32, #tpu.memory_space<vmem>>
      %dma_start3A_49 = tpu.memref_squeeze %dma_start3A_48 : memref<1x125xi32, #tpu.memory_space<vmem>> -> memref<125xi32, #tpu.memory_space<vmem>>
      %dma_start3A_50 = arith.constant 0 : i32
      %dma_start3A_51 = arith.constant 0 : i32
      %dma_start3A_52 = tpu.memref_slice %arg2[%dma_start3A_50, %dma_start3A_51] : memref<10000x128xf32, #tpu.memory_space<hbm>> -> memref<10000x128xf32, #tpu.memory_space<hbm>>
      tpu.enqueue_indirect_dma source(%dma_start3A_52 : memref<10000x128xf32, #tpu.memory_space<hbm>>) target(%arg9 : memref<125x128xf32, #tpu.memory_space<vmem>>) offsets(%dma_start3A_49 : memref<125xi32, #tpu.memory_space<vmem>>) semaphore(%arg13 : memref<!tpu.dma_semaphore, #tpu.memory_space<semaphore_mem>>)
      %dma_wait3A = arith.constant 0 : i32
      %dma_wait3A_53 = arith.constant 0 : i32
      %dma_wait3A_54 = tpu.memref_slice %arg6[%dma_wait3A, %dma_wait3A_53] : memref<40x125xi32, #tpu.memory_space<vmem>> -> memref<1x125xi32, #tpu.memory_space<vmem>>
      %dma_wait3A_55 = tpu.memref_squeeze %dma_wait3A_54 : memref<1x125xi32, #tpu.memory_space<vmem>> -> memref<125xi32, #tpu.memory_space<vmem>>
      %dma_wait3A_56 = arith.constant 0 : i32
      %dma_wait3A_57 = arith.constant 0 : i32
      %dma_wait3A_58 = tpu.memref_slice %arg2[%dma_wait3A_56, %dma_wait3A_57] : memref<10000x128xf32, #tpu.memory_space<hbm>> -> memref<10000x128xf32, #tpu.memory_space<hbm>>
      tpu.wait_indirect_dma semaphore(%arg12 : memref<!tpu.dma_semaphore, #tpu.memory_space<semaphore_mem>>) src(%dma_wait3A_58 : memref<10000x128xf32, #tpu.memory_space<hbm>>) dst(%arg8 : memref<125x128xf32, #tpu.memory_space<vmem>>)
      %mul3A_59 = arith.constant 2 : i32
      %mul3A_60 = arith.muli %mul3A_59, %scan3A_43 : i32
      "tpu.region"() ({
        %run_scoped3A = tpu.sem_alloc : memref<!tpu.dma_semaphore, #tpu.memory_space<semaphore_mem>>
        %dma_start3A_74 = arith.constant 0 : i32
        %dma_start3A_75 = tpu.memref_slice %arg7[%mul3A_60, %dma_start3A_74] : memref<40x125xi32, #tpu.memory_space<vmem>> -> memref<1x125xi32, #tpu.memory_space<vmem>>
        %dma_start3A_76 = tpu.memref_squeeze %dma_start3A_75 : memref<1x125xi32, #tpu.memory_space<vmem>> -> memref<125xi32, #tpu.memory_space<vmem>>
        %dma_start3A_77 = arith.constant 0 : i32
        %dma_start3A_78 = arith.constant 0 : i32
        %dma_start3A_79 = tpu.memref_slice %arg11[%dma_start3A_77, %dma_start3A_78] : memref<10112x128xf32, #tpu.memory_space<vmem_shared>> -> memref<10112x128xf32, #tpu.memory_space<vmem_shared>>
        tpu.enqueue_indirect_dma source(%arg8 : memref<125x128xf32, #tpu.memory_space<vmem>>) target(%dma_start3A_79 : memref<10112x128xf32, #tpu.memory_space<vmem_shared>>) offsets(%dma_start3A_76 : memref<125xi32, #tpu.memory_space<vmem>>) semaphore(%run_scoped3A : memref<!tpu.dma_semaphore, #tpu.memory_space<semaphore_mem>>) {add = true}
        %dma_wait3A_80 = arith.constant 0 : i32
        %dma_wait3A_81 = tpu.memref_slice %arg7[%mul3A_60, %dma_wait3A_80] : memref<40x125xi32, #tpu.memory_space<vmem>> -> memref<1x125xi32, #tpu.memory_space<vmem>>
        %dma_wait3A_82 = tpu.memref_squeeze %dma_wait3A_81 : memref<1x125xi32, #tpu.memory_space<vmem>> -> memref<125xi32, #tpu.memory_space<vmem>>
        %dma_wait3A_83 = arith.constant 0 : i32
        %dma_wait3A_84 = arith.constant 0 : i32
        %dma_wait3A_85 = tpu.memref_slice %arg11[%dma_wait3A_83, %dma_wait3A_84] : memref<10112x128xf32, #tpu.memory_space<vmem_shared>> -> memref<10112x128xf32, #tpu.memory_space<vmem_shared>>
        tpu.wait_indirect_dma semaphore(%run_scoped3A : memref<!tpu.dma_semaphore, #tpu.memory_space<semaphore_mem>>) src(%arg8 : memref<125x128xf32, #tpu.memory_space<vmem>>) dst(%dma_wait3A_85 : memref<10112x128xf32, #tpu.memory_space<vmem_shared>>)
        tpu.yield
      }) : () -> ()
      %lt3A = arith.constant 19 : i32
      %lt3A_61 = arith.cmpi slt, %scan3A_43, %lt3A : i32
      %convert_element_type3A = arith.extui %lt3A_61 : i1 to i32
      %cond3A = arith.constant 0 : i32
      %cond3A_62 = arith.cmpi ne, %convert_element_type3A, %cond3A : i32
      scf.if %cond3A_62 {
        %mul3A_74 = arith.constant 2 : i32
        %mul3A_75 = arith.muli %mul3A_74, %scan3A_43 : i32
        %add3A_76 = arith.constant 2 : i32
        %add3A_77 = arith.addi %mul3A_75, %add3A_76 : i32
        %dma_start3A_78 = arith.constant 0 : i32
        %dma_start3A_79 = tpu.memref_slice %arg6[%add3A_77, %dma_start3A_78] : memref<40x125xi32, #tpu.memory_space<vmem>> -> memref<1x125xi32, #tpu.memory_space<vmem>>
        %dma_start3A_80 = tpu.memref_squeeze %dma_start3A_79 : memref<1x125xi32, #tpu.memory_space<vmem>> -> memref<125xi32, #tpu.memory_space<vmem>>
        %dma_start3A_81 = arith.constant 0 : i32
        %dma_start3A_82 = arith.constant 0 : i32
        %dma_start3A_83 = tpu.memref_slice %arg2[%dma_start3A_81, %dma_start3A_82] : memref<10000x128xf32, #tpu.memory_space<hbm>> -> memref<10000x128xf32, #tpu.memory_space<hbm>>
        tpu.enqueue_indirect_dma source(%dma_start3A_83 : memref<10000x128xf32, #tpu.memory_space<hbm>>) target(%arg8 : memref<125x128xf32, #tpu.memory_space<vmem>>) offsets(%dma_start3A_80 : memref<125xi32, #tpu.memory_space<vmem>>) semaphore(%arg12 : memref<!tpu.dma_semaphore, #tpu.memory_space<semaphore_mem>>)
      } else {
      }
      %dma_wait3A_63 = arith.constant 0 : i32
      %dma_wait3A_64 = arith.constant 0 : i32
      %dma_wait3A_65 = tpu.memref_slice %arg6[%dma_wait3A_63, %dma_wait3A_64] : memref<40x125xi32, #tpu.memory_space<vmem>> -> memref<1x125xi32, #tpu.memory_space<vmem>>
      %dma_wait3A_66 = tpu.memref_squeeze %dma_wait3A_65 : memref<1x125xi32, #tpu.memory_space<vmem>> -> memref<125xi32, #tpu.memory_space<vmem>>
      %dma_wait3A_67 = arith.constant 0 : i32
      %dma_wait3A_68 = arith.constant 0 : i32
      %dma_wait3A_69 = tpu.memref_slice %arg2[%dma_wait3A_67, %dma_wait3A_68] : memref<10000x128xf32, #tpu.memory_space<hbm>> -> memref<10000x128xf32, #tpu.memory_space<hbm>>
      tpu.wait_indirect_dma semaphore(%arg13 : memref<!tpu.dma_semaphore, #tpu.memory_space<semaphore_mem>>) src(%dma_wait3A_69 : memref<10000x128xf32, #tpu.memory_space<hbm>>) dst(%arg9 : memref<125x128xf32, #tpu.memory_space<vmem>>)
      %mul3A_70 = arith.constant 2 : i32
      %mul3A_71 = arith.muli %mul3A_70, %scan3A_43 : i32
      %add3A_72 = arith.constant 1 : i32
      %add3A_73 = arith.addi %mul3A_71, %add3A_72 : i32
      "tpu.region"() ({
        %run_scoped3A = tpu.sem_alloc : memref<!tpu.dma_semaphore, #tpu.memory_space<semaphore_mem>>
        %dma_start3A_74 = arith.constant 0 : i32
        %dma_start3A_75 = tpu.memref_slice %arg7[%add3A_73, %dma_start3A_74] : memref<40x125xi32, #tpu.memory_space<vmem>> -> memref<1x125xi32, #tpu.memory_space<vmem>>
        %dma_start3A_76 = tpu.memref_squeeze %dma_start3A_75 : memref<1x125xi32, #tpu.memory_space<vmem>> -> memref<125xi32, #tpu.memory_space<vmem>>
        %dma_start3A_77 = arith.constant 0 : i32
        %dma_start3A_78 = arith.constant 0 : i32
        %dma_start3A_79 = tpu.memref_slice %arg11[%dma_start3A_77, %dma_start3A_78] : memref<10112x128xf32, #tpu.memory_space<vmem_shared>> -> memref<10112x128xf32, #tpu.memory_space<vmem_shared>>
        tpu.enqueue_indirect_dma source(%arg9 : memref<125x128xf32, #tpu.memory_space<vmem>>) target(%dma_start3A_79 : memref<10112x128xf32, #tpu.memory_space<vmem_shared>>) offsets(%dma_start3A_76 : memref<125xi32, #tpu.memory_space<vmem>>) semaphore(%run_scoped3A : memref<!tpu.dma_semaphore, #tpu.memory_space<semaphore_mem>>) {add = true}
        %dma_wait3A_80 = arith.constant 0 : i32
        %dma_wait3A_81 = tpu.memref_slice %arg7[%add3A_73, %dma_wait3A_80] : memref<40x125xi32, #tpu.memory_space<vmem>> -> memref<1x125xi32, #tpu.memory_space<vmem>>
        %dma_wait3A_82 = tpu.memref_squeeze %dma_wait3A_81 : memref<1x125xi32, #tpu.memory_space<vmem>> -> memref<125xi32, #tpu.memory_space<vmem>>
        %dma_wait3A_83 = arith.constant 0 : i32
        %dma_wait3A_84 = arith.constant 0 : i32
        %dma_wait3A_85 = tpu.memref_slice %arg11[%dma_wait3A_83, %dma_wait3A_84] : memref<10112x128xf32, #tpu.memory_space<vmem_shared>> -> memref<10112x128xf32, #tpu.memory_space<vmem_shared>>
        tpu.wait_indirect_dma semaphore(%run_scoped3A : memref<!tpu.dma_semaphore, #tpu.memory_space<semaphore_mem>>) src(%arg9 : memref<125x128xf32, #tpu.memory_space<vmem>>) dst(%dma_wait3A_85 : memref<10112x128xf32, #tpu.memory_space<vmem_shared>>)
        tpu.yield
      }) : () -> ()
    }
    %scan3A_24 = arith.constant 20 : i32
    "tpu.region"() ({
      %run_scoped3A = tpu.sem_alloc : memref<!tpu.dma_semaphore, #tpu.memory_space<semaphore_mem>>
      %dma_start3A_43 = arith.constant 40 : i32
      %dma_start3A_44 = arith.constant 0 : i32
      %dma_start3A_45 = tpu.memref_slice %arg3[%arg0, %arg1, %dma_start3A_43, %dma_start3A_44] : memref<2x16x80x125xi32, #tpu.memory_space<hbm>> -> memref<1x1x40x125xi32, #tpu.memory_space<hbm>>
      %dma_start3A_46 = tpu.memref_squeeze %dma_start3A_45 : memref<1x1x40x125xi32, #tpu.memory_space<hbm>> -> memref<40x125xi32, #tpu.memory_space<hbm>>
      %dma_start3A_47 = arith.constant 40 : i32
      %dma_start3A_48 = arith.constant 0 : i32
      %dma_start3A_49 = tpu.memref_slice %arg3[%arg0, %arg1, %dma_start3A_47, %dma_start3A_48] : memref<2x16x80x125xi32, #tpu.memory_space<hbm>> -> memref<1x1x40x125xi32, #tpu.memory_space<hbm>>
      %dma_start3A_50 = tpu.memref_squeeze %dma_start3A_49 : memref<1x1x40x125xi32, #tpu.memory_space<hbm>> -> memref<40x125xi32, #tpu.memory_space<hbm>>
      tpu.enqueue_dma source(%dma_start3A_50 : memref<40x125xi32, #tpu.memory_space<hbm>>) target(%arg6 : memref<40x125xi32, #tpu.memory_space<vmem>>) target_semaphore(%run_scoped3A : memref<!tpu.dma_semaphore, #tpu.memory_space<semaphore_mem>>)
      %dma_wait3A = arith.constant 40 : i32
      %dma_wait3A_51 = arith.constant 0 : i32
      %dma_wait3A_52 = tpu.memref_slice %arg3[%arg0, %arg1, %dma_wait3A, %dma_wait3A_51] : memref<2x16x80x125xi32, #tpu.memory_space<hbm>> -> memref<1x1x40x125xi32, #tpu.memory_space<hbm>>
      %dma_wait3A_53 = tpu.memref_squeeze %dma_wait3A_52 : memref<1x1x40x125xi32, #tpu.memory_space<hbm>> -> memref<40x125xi32, #tpu.memory_space<hbm>>
      %dma_wait3A_54 = arith.constant 40 : i32
      %dma_wait3A_55 = arith.constant 0 : i32
      %dma_wait3A_56 = tpu.memref_slice %arg3[%arg0, %arg1, %dma_wait3A_54, %dma_wait3A_55] : memref<2x16x80x125xi32, #tpu.memory_space<hbm>> -> memref<1x1x40x125xi32, #tpu.memory_space<hbm>>
      %dma_wait3A_57 = tpu.memref_squeeze %dma_wait3A_56 : memref<1x1x40x125xi32, #tpu.memory_space<hbm>> -> memref<40x125xi32, #tpu.memory_space<hbm>>
      tpu.wait_dma2 semaphore(%run_scoped3A : memref<!tpu.dma_semaphore, #tpu.memory_space<semaphore_mem>>) src(%dma_wait3A_57 : memref<40x125xi32, #tpu.memory_space<hbm>>) dst(%arg6 : memref<40x125xi32, #tpu.memory_space<vmem>>)
      tpu.yield
    }) : () -> ()
    "tpu.region"() ({
      %run_scoped3A = tpu.sem_alloc : memref<!tpu.dma_semaphore, #tpu.memory_space<semaphore_mem>>
      %dma_start3A_43 = arith.constant 40 : i32
      %dma_start3A_44 = arith.constant 0 : i32
      %dma_start3A_45 = tpu.memref_slice %arg4[%arg0, %arg1, %dma_start3A_43, %dma_start3A_44] : memref<2x16x80x125xi32, #tpu.memory_space<hbm>> -> memref<1x1x40x125xi32, #tpu.memory_space<hbm>>
      %dma_start3A_46 = tpu.memref_squeeze %dma_start3A_45 : memref<1x1x40x125xi32, #tpu.memory_space<hbm>> -> memref<40x125xi32, #tpu.memory_space<hbm>>
      %dma_start3A_47 = arith.constant 40 : i32
      %dma_start3A_48 = arith.constant 0 : i32
      %dma_start3A_49 = tpu.memref_slice %arg4[%arg0, %arg1, %dma_start3A_47, %dma_start3A_48] : memref<2x16x80x125xi32, #tpu.memory_space<hbm>> -> memref<1x1x40x125xi32, #tpu.memory_space<hbm>>
      %dma_start3A_50 = tpu.memref_squeeze %dma_start3A_49 : memref<1x1x40x125xi32, #tpu.memory_space<hbm>> -> memref<40x125xi32, #tpu.memory_space<hbm>>
      tpu.enqueue_dma source(%dma_start3A_50 : memref<40x125xi32, #tpu.memory_space<hbm>>) target(%arg7 : memref<40x125xi32, #tpu.memory_space<vmem>>) target_semaphore(%run_scoped3A : memref<!tpu.dma_semaphore, #tpu.memory_space<semaphore_mem>>)
      %dma_wait3A = arith.constant 40 : i32
      %dma_wait3A_51 = arith.constant 0 : i32
      %dma_wait3A_52 = tpu.memref_slice %arg4[%arg0, %arg1, %dma_wait3A, %dma_wait3A_51] : memref<2x16x80x125xi32, #tpu.memory_space<hbm>> -> memref<1x1x40x125xi32, #tpu.memory_space<hbm>>
      %dma_wait3A_53 = tpu.memref_squeeze %dma_wait3A_52 : memref<1x1x40x125xi32, #tpu.memory_space<hbm>> -> memref<40x125xi32, #tpu.memory_space<hbm>>
      %dma_wait3A_54 = arith.constant 40 : i32
      %dma_wait3A_55 = arith.constant 0 : i32
      %dma_wait3A_56 = tpu.memref_slice %arg4[%arg0, %arg1, %dma_wait3A_54, %dma_wait3A_55] : memref<2x16x80x125xi32, #tpu.memory_space<hbm>> -> memref<1x1x40x125xi32, #tpu.memory_space<hbm>>
      %dma_wait3A_57 = tpu.memref_squeeze %dma_wait3A_56 : memref<1x1x40x125xi32, #tpu.memory_space<hbm>> -> memref<40x125xi32, #tpu.memory_space<hbm>>
      tpu.wait_dma2 semaphore(%run_scoped3A : memref<!tpu.dma_semaphore, #tpu.memory_space<semaphore_mem>>) src(%dma_wait3A_57 : memref<40x125xi32, #tpu.memory_space<hbm>>) dst(%arg7 : memref<40x125xi32, #tpu.memory_space<vmem>>)
      tpu.yield
    }) : () -> ()
    %dma_start3A_25 = arith.constant 0 : i32
    %dma_start3A_26 = arith.constant 0 : i32
    %dma_start3A_27 = tpu.memref_slice %arg6[%dma_start3A_25, %dma_start3A_26] : memref<40x125xi32, #tpu.memory_space<vmem>> -> memref<1x125xi32, #tpu.memory_space<vmem>>
    %dma_start3A_28 = tpu.memref_squeeze %dma_start3A_27 : memref<1x125xi32, #tpu.memory_space<vmem>> -> memref<125xi32, #tpu.memory_space<vmem>>
    %dma_start3A_29 = arith.constant 0 : i32
    %dma_start3A_30 = arith.constant 0 : i32
    %dma_start3A_31 = tpu.memref_slice %arg2[%dma_start3A_29, %dma_start3A_30] : memref<10000x128xf32, #tpu.memory_space<hbm>> -> memref<10000x128xf32, #tpu.memory_space<hbm>>
    tpu.enqueue_indirect_dma source(%dma_start3A_31 : memref<10000x128xf32, #tpu.memory_space<hbm>>) target(%arg8 : memref<125x128xf32, #tpu.memory_space<vmem>>) offsets(%dma_start3A_28 : memref<125xi32, #tpu.memory_space<vmem>>) semaphore(%arg12 : memref<!tpu.dma_semaphore, #tpu.memory_space<semaphore_mem>>)
    %scan3A_32 = arith.constant 0 : i32
    %scan3A_33 = arith.constant 0 : i32
    %scan3A_34 = arith.constant 20 : i32
    %scan3A_35 = arith.addi %scan3A_33, %scan3A_34 : i32
    %scan3A_36 = arith.constant 1 : i32
    scf.for %scan3A_43 = %scan3A_33 to %scan3A_35 step %scan3A_36  : i32 {
      %mul3A_44 = arith.constant 2 : i32
      %mul3A_45 = arith.muli %mul3A_44, %scan3A_43 : i32
      %add3A = arith.constant 1 : i32
      %add3A_46 = arith.addi %mul3A_45, %add3A : i32
      %dma_start3A_47 = arith.constant 0 : i32
      %dma_start3A_48 = tpu.memref_slice %arg6[%add3A_46, %dma_start3A_47] : memref<40x125xi32, #tpu.memory_space<vmem>> -> memref<1x125xi32, #tpu.memory_space<vmem>>
      %dma_start3A_49 = tpu.memref_squeeze %dma_start3A_48 : memref<1x125xi32, #tpu.memory_space<vmem>> -> memref<125xi32, #tpu.memory_space<vmem>>
      %dma_start3A_50 = arith.constant 0 : i32
      %dma_start3A_51 = arith.constant 0 : i32
      %dma_start3A_52 = tpu.memref_slice %arg2[%dma_start3A_50, %dma_start3A_51] : memref<10000x128xf32, #tpu.memory_space<hbm>> -> memref<10000x128xf32, #tpu.memory_space<hbm>>
      tpu.enqueue_indirect_dma source(%dma_start3A_52 : memref<10000x128xf32, #tpu.memory_space<hbm>>) target(%arg9 : memref<125x128xf32, #tpu.memory_space<vmem>>) offsets(%dma_start3A_49 : memref<125xi32, #tpu.memory_space<vmem>>) semaphore(%arg13 : memref<!tpu.dma_semaphore, #tpu.memory_space<semaphore_mem>>)
      %dma_wait3A = arith.constant 0 : i32
      %dma_wait3A_53 = arith.constant 0 : i32
      %dma_wait3A_54 = tpu.memref_slice %arg6[%dma_wait3A, %dma_wait3A_53] : memref<40x125xi32, #tpu.memory_space<vmem>> -> memref<1x125xi32, #tpu.memory_space<vmem>>
      %dma_wait3A_55 = tpu.memref_squeeze %dma_wait3A_54 : memref<1x125xi32, #tpu.memory_space<vmem>> -> memref<125xi32, #tpu.memory_space<vmem>>
      %dma_wait3A_56 = arith.constant 0 : i32
      %dma_wait3A_57 = arith.constant 0 : i32
      %dma_wait3A_58 = tpu.memref_slice %arg2[%dma_wait3A_56, %dma_wait3A_57] : memref<10000x128xf32, #tpu.memory_space<hbm>> -> memref<10000x128xf32, #tpu.memory_space<hbm>>
      tpu.wait_indirect_dma semaphore(%arg12 : memref<!tpu.dma_semaphore, #tpu.memory_space<semaphore_mem>>) src(%dma_wait3A_58 : memref<10000x128xf32, #tpu.memory_space<hbm>>) dst(%arg8 : memref<125x128xf32, #tpu.memory_space<vmem>>)
      %mul3A_59 = arith.constant 2 : i32
      %mul3A_60 = arith.muli %mul3A_59, %scan3A_43 : i32
      "tpu.region"() ({
        %run_scoped3A = tpu.sem_alloc : memref<!tpu.dma_semaphore, #tpu.memory_space<semaphore_mem>>
        %dma_start3A_74 = arith.constant 0 : i32
        %dma_start3A_75 = tpu.memref_slice %arg7[%mul3A_60, %dma_start3A_74] : memref<40x125xi32, #tpu.memory_space<vmem>> -> memref<1x125xi32, #tpu.memory_space<vmem>>
        %dma_start3A_76 = tpu.memref_squeeze %dma_start3A_75 : memref<1x125xi32, #tpu.memory_space<vmem>> -> memref<125xi32, #tpu.memory_space<vmem>>
        %dma_start3A_77 = arith.constant 0 : i32
        %dma_start3A_78 = arith.constant 0 : i32
        %dma_start3A_79 = tpu.memref_slice %arg11[%dma_start3A_77, %dma_start3A_78] : memref<10112x128xf32, #tpu.memory_space<vmem_shared>> -> memref<10112x128xf32, #tpu.memory_space<vmem_shared>>
        tpu.enqueue_indirect_dma source(%arg8 : memref<125x128xf32, #tpu.memory_space<vmem>>) target(%dma_start3A_79 : memref<10112x128xf32, #tpu.memory_space<vmem_shared>>) offsets(%dma_start3A_76 : memref<125xi32, #tpu.memory_space<vmem>>) semaphore(%run_scoped3A : memref<!tpu.dma_semaphore, #tpu.memory_space<semaphore_mem>>) {add = true}
        %dma_wait3A_80 = arith.constant 0 : i32
        %dma_wait3A_81 = tpu.memref_slice %arg7[%mul3A_60, %dma_wait3A_80] : memref<40x125xi32, #tpu.memory_space<vmem>> -> memref<1x125xi32, #tpu.memory_space<vmem>>
        %dma_wait3A_82 = tpu.memref_squeeze %dma_wait3A_81 : memref<1x125xi32, #tpu.memory_space<vmem>> -> memref<125xi32, #tpu.memory_space<vmem>>
        %dma_wait3A_83 = arith.constant 0 : i32
        %dma_wait3A_84 = arith.constant 0 : i32
        %dma_wait3A_85 = tpu.memref_slice %arg11[%dma_wait3A_83, %dma_wait3A_84] : memref<10112x128xf32, #tpu.memory_space<vmem_shared>> -> memref<10112x128xf32, #tpu.memory_space<vmem_shared>>
        tpu.wait_indirect_dma semaphore(%run_scoped3A : memref<!tpu.dma_semaphore, #tpu.memory_space<semaphore_mem>>) src(%arg8 : memref<125x128xf32, #tpu.memory_space<vmem>>) dst(%dma_wait3A_85 : memref<10112x128xf32, #tpu.memory_space<vmem_shared>>)
        tpu.yield
      }) : () -> ()
      %lt3A = arith.constant 19 : i32
      %lt3A_61 = arith.cmpi slt, %scan3A_43, %lt3A : i32
      %convert_element_type3A = arith.extui %lt3A_61 : i1 to i32
      %cond3A = arith.constant 0 : i32
      %cond3A_62 = arith.cmpi ne, %convert_element_type3A, %cond3A : i32
      scf.if %cond3A_62 {
        %mul3A_74 = arith.constant 2 : i32
        %mul3A_75 = arith.muli %mul3A_74, %scan3A_43 : i32
        %add3A_76 = arith.constant 2 : i32
        %add3A_77 = arith.addi %mul3A_75, %add3A_76 : i32
        %dma_start3A_78 = arith.constant 0 : i32
        %dma_start3A_79 = tpu.memref_slice %arg6[%add3A_77, %dma_start3A_78] : memref<40x125xi32, #tpu.memory_space<vmem>> -> memref<1x125xi32, #tpu.memory_space<vmem>>
        %dma_start3A_80 = tpu.memref_squeeze %dma_start3A_79 : memref<1x125xi32, #tpu.memory_space<vmem>> -> memref<125xi32, #tpu.memory_space<vmem>>
        %dma_start3A_81 = arith.constant 0 : i32
        %dma_start3A_82 = arith.constant 0 : i32
        %dma_start3A_83 = tpu.memref_slice %arg2[%dma_start3A_81, %dma_start3A_82] : memref<10000x128xf32, #tpu.memory_space<hbm>> -> memref<10000x128xf32, #tpu.memory_space<hbm>>
        tpu.enqueue_indirect_dma source(%dma_start3A_83 : memref<10000x128xf32, #tpu.memory_space<hbm>>) target(%arg8 : memref<125x128xf32, #tpu.memory_space<vmem>>) offsets(%dma_start3A_80 : memref<125xi32, #tpu.memory_space<vmem>>) semaphore(%arg12 : memref<!tpu.dma_semaphore, #tpu.memory_space<semaphore_mem>>)
      } else {
      }
      %dma_wait3A_63 = arith.constant 0 : i32
      %dma_wait3A_64 = arith.constant 0 : i32
      %dma_wait3A_65 = tpu.memref_slice %arg6[%dma_wait3A_63, %dma_wait3A_64] : memref<40x125xi32, #tpu.memory_space<vmem>> -> memref<1x125xi32, #tpu.memory_space<vmem>>
      %dma_wait3A_66 = tpu.memref_squeeze %dma_wait3A_65 : memref<1x125xi32, #tpu.memory_space<vmem>> -> memref<125xi32, #tpu.memory_space<vmem>>
      %dma_wait3A_67 = arith.constant 0 : i32
      %dma_wait3A_68 = arith.constant 0 : i32
      %dma_wait3A_69 = tpu.memref_slice %arg2[%dma_wait3A_67, %dma_wait3A_68] : memref<10000x128xf32, #tpu.memory_space<hbm>> -> memref<10000x128xf32, #tpu.memory_space<hbm>>
      tpu.wait_indirect_dma semaphore(%arg13 : memref<!tpu.dma_semaphore, #tpu.memory_space<semaphore_mem>>) src(%dma_wait3A_69 : memref<10000x128xf32, #tpu.memory_space<hbm>>) dst(%arg9 : memref<125x128xf32, #tpu.memory_space<vmem>>)
      %mul3A_70 = arith.constant 2 : i32
      %mul3A_71 = arith.muli %mul3A_70, %scan3A_43 : i32
      %add3A_72 = arith.constant 1 : i32
      %add3A_73 = arith.addi %mul3A_71, %add3A_72 : i32
      "tpu.region"() ({
        %run_scoped3A = tpu.sem_alloc : memref<!tpu.dma_semaphore, #tpu.memory_space<semaphore_mem>>
        %dma_start3A_74 = arith.constant 0 : i32
        %dma_start3A_75 = tpu.memref_slice %arg7[%add3A_73, %dma_start3A_74] : memref<40x125xi32, #tpu.memory_space<vmem>> -> memref<1x125xi32, #tpu.memory_space<vmem>>
        %dma_start3A_76 = tpu.memref_squeeze %dma_start3A_75 : memref<1x125xi32, #tpu.memory_space<vmem>> -> memref<125xi32, #tpu.memory_space<vmem>>
        %dma_start3A_77 = arith.constant 0 : i32
        %dma_start3A_78 = arith.constant 0 : i32
        %dma_start3A_79 = tpu.memref_slice %arg11[%dma_start3A_77, %dma_start3A_78] : memref<10112x128xf32, #tpu.memory_space<vmem_shared>> -> memref<10112x128xf32, #tpu.memory_space<vmem_shared>>
        tpu.enqueue_indirect_dma source(%arg9 : memref<125x128xf32, #tpu.memory_space<vmem>>) target(%dma_start3A_79 : memref<10112x128xf32, #tpu.memory_space<vmem_shared>>) offsets(%dma_start3A_76 : memref<125xi32, #tpu.memory_space<vmem>>) semaphore(%run_scoped3A : memref<!tpu.dma_semaphore, #tpu.memory_space<semaphore_mem>>) {add = true}
        %dma_wait3A_80 = arith.constant 0 : i32
        %dma_wait3A_81 = tpu.memref_slice %arg7[%add3A_73, %dma_wait3A_80] : memref<40x125xi32, #tpu.memory_space<vmem>> -> memref<1x125xi32, #tpu.memory_space<vmem>>
        %dma_wait3A_82 = tpu.memref_squeeze %dma_wait3A_81 : memref<1x125xi32, #tpu.memory_space<vmem>> -> memref<125xi32, #tpu.memory_space<vmem>>
        %dma_wait3A_83 = arith.constant 0 : i32
        %dma_wait3A_84 = arith.constant 0 : i32
        %dma_wait3A_85 = tpu.memref_slice %arg11[%dma_wait3A_83, %dma_wait3A_84] : memref<10112x128xf32, #tpu.memory_space<vmem_shared>> -> memref<10112x128xf32, #tpu.memory_space<vmem_shared>>
        tpu.wait_indirect_dma semaphore(%run_scoped3A : memref<!tpu.dma_semaphore, #tpu.memory_space<semaphore_mem>>) src(%arg9 : memref<125x128xf32, #tpu.memory_space<vmem>>) dst(%dma_wait3A_85 : memref<10112x128xf32, #tpu.memory_space<vmem_shared>>)
        tpu.yield
      }) : () -> ()
    }
    %scan3A_37 = arith.constant 20 : i32
    %barrier3A_38 = arith.constant 0 : index
    tpu.barrier barrier_id(%barrier3A_38)
    %mul3A_39 = arith.constant 632 : i32
    %mul3A_40 = arith.muli %arg1, %mul3A_39 : i32
    %mul3A_41 = arith.constant 632 : i32
    %mul3A_42 = arith.muli %arg1, %mul3A_41 : i32
    "tpu.region"() ({
      %run_scoped3A = tpu.sem_alloc : memref<!tpu.dma_semaphore, #tpu.memory_space<semaphore_mem>>
      %dma_start3A_43 = arith.constant 0 : i32
      %dma_start3A_44 = tpu.memref_slice %arg5[%arg0, %mul3A_42, %dma_start3A_43] : memref<2x10112x128xf32, #tpu.memory_space<hbm>> -> memref<1x632x128xf32, #tpu.memory_space<hbm>>
      %dma_start3A_45 = tpu.memref_squeeze %dma_start3A_44 : memref<1x632x128xf32, #tpu.memory_space<hbm>> -> memref<632x128xf32, #tpu.memory_space<hbm>>
      %dma_start3A_46 = arith.constant 0 : i32
      %dma_start3A_47 = tpu.memref_slice %arg11[%mul3A_40, %dma_start3A_46] : memref<10112x128xf32, #tpu.memory_space<vmem_shared>> -> memref<632x128xf32, #tpu.memory_space<vmem_shared>>
      tpu.enqueue_dma source(%dma_start3A_47 : memref<632x128xf32, #tpu.memory_space<vmem_shared>>) target(%dma_start3A_45 : memref<632x128xf32, #tpu.memory_space<hbm>>) target_semaphore(%run_scoped3A : memref<!tpu.dma_semaphore, #tpu.memory_space<semaphore_mem>>)
      %dma_wait3A = arith.constant 0 : i32
      %dma_wait3A_48 = tpu.memref_slice %arg5[%arg0, %mul3A_42, %dma_wait3A] : memref<2x10112x128xf32, #tpu.memory_space<hbm>> -> memref<1x632x128xf32, #tpu.memory_space<hbm>>
      %dma_wait3A_49 = tpu.memref_squeeze %dma_wait3A_48 : memref<1x632x128xf32, #tpu.memory_space<hbm>> -> memref<632x128xf32, #tpu.memory_space<hbm>>
      %dma_wait3A_50 = arith.constant 0 : i32
      %dma_wait3A_51 = tpu.memref_slice %arg11[%mul3A_40, %dma_wait3A_50] : memref<10112x128xf32, #tpu.memory_space<vmem_shared>> -> memref<632x128xf32, #tpu.memory_space<vmem_shared>>
      tpu.wait_dma2 semaphore(%run_scoped3A : memref<!tpu.dma_semaphore, #tpu.memory_space<semaphore_mem>>) src(%dma_wait3A_51 : memref<632x128xf32, #tpu.memory_space<vmem_shared>>) dst(%dma_wait3A_49 : memref<632x128xf32, #tpu.memory_space<hbm>>)
      tpu.yield
    }) : () -> ()
    return
  }
}

module attributes {stable_mosaic.version = 14 : i64} {
  func.func @_sum_tiles_body(%arg0: memref<4x16x10240xf32, #tpu.memory_space<vmem>>, %arg1: memref<4x10240xf32, #tpu.memory_space<vmem>>) attributes {dimension_semantics = [], scalar_prefetch = 0 : i64, scratch_operands = 0 : i64, tpu.core_type = #tpu.core_type<tc>} {
    %get3A = arith.constant 0 : index
    %get3A_0 = arith.constant 0 : index
    %get3A_1 = arith.constant 0 : index
    %get3A_2 = vector.load %arg0[%get3A, %get3A_0, %get3A_1] : memref<4x16x10240xf32, #tpu.memory_space<vmem>>, vector<4x16x10240xf32>
    %reduce_sum3A = arith.constant dense<0.000000e+00> : vector<4x10240xf32>
    %reduce_sum3A_3 = vector.multi_reduction <add>, %get3A_2, %reduce_sum3A [1] : vector<4x16x10240xf32> to vector<4x10240xf32>
    %swap3A = arith.constant 0 : index
    %swap3A_4 = arith.constant 0 : index
    %swap3A_5 = vector.load %arg1[%swap3A, %swap3A_4] : memref<4x10240xf32, #tpu.memory_space<vmem>>, vector<4x10240xf32>
    tpu.vector_store %arg1[%swap3A, %swap3A_4], %reduce_sum3A_3 {strides = array<i32>} : memref<4x10240xf32, #tpu.memory_space<vmem>>, vector<4x10240xf32>,
    return
  }
}

module attributes {stable_mosaic.version = 14 : i64} {
  func.func @_scale_matmul_body(%arg0: i32, %arg1: memref<1000x128xf32, #tpu.memory_space<vmem>>, %arg2: memref<128x128xf32, #tpu.memory_space<vmem>>, %arg3: memref<1000x1xf32, #tpu.memory_space<vmem>>, %arg4: memref<1000x128xf32, #tpu.memory_space<vmem>>) attributes {dimension_semantics = [#tpu.dimension_semantics<arbitrary>], iteration_bounds = array<i64: 10>, scalar_prefetch = 0 : i64, scratch_operands = 0 : i64, tpu.core_type = #tpu.core_type<tc>, window_params = [{transform_indices = @transform_0, window_bounds = array<i64: 1000, 128>}, {pipeline_mode = #tpu.pipeline_mode<synchronous>, transform_indices = @transform_1, window_bounds = array<i64: 128, 128>}, {transform_indices = @transform_2, window_bounds = array<i64: 1000, 1>}, {transform_indices = @transform_3, window_bounds = array<i64: 1000, 128>}]} {
    %get3A = arith.constant 0 : index
    %get3A_0 = arith.constant 0 : index
    %get3A_1 = vector.load %arg1[%get3A, %get3A_0] : memref<1000x128xf32, #tpu.memory_space<vmem>>, vector<1000x128xf32>
    %get3A_2 = arith.constant 0 : index
    %get3A_3 = arith.constant 0 : index
    %get3A_4 = vector.load %arg2[%get3A_2, %get3A_3] : memref<128x128xf32, #tpu.memory_space<vmem>>, vector<128x128xf32>
    %dot_general3A = arith.constant dense<0.000000e+00> : vector<1000x128xf32>
    %dot_general3A_5 = tpu.matmul %get3A_1, %get3A_4, %dot_general3A {dimension_numbers = #tpu.dot_dimension_numbers<[1], [0], [0], [1], [0, 0, 1, 1], [], []>, transpose_lhs_hint = false} : vector<1000x128xf32>, vector<128x128xf32>, vector<1000x128xf32> -> vector<1000x128xf32>
    %get3A_6 = arith.constant 0 : index
    %get3A_7 = arith.constant 0 : index
    %get3A_8 = vector.load %arg3[%get3A_6, %get3A_7] : memref<1000x1xf32, #tpu.memory_space<vmem>>, vector<1000x1xf32>
    %jit3A = arith.constant 1.000000e+00 : f32
    %max3A = vector.broadcast %jit3A : f32 to vector<1000x1xf32>
    %max3A_9 = arith.maximumf %max3A, %get3A_8 : vector<1000x1xf32>
    %rsqrt3A = math.rsqrt %max3A_9 : vector<1000x1xf32>
    %mul3A = vector.broadcast %rsqrt3A : vector<1000x1xf32> to vector<1000x128xf32>
    %mul3A_10 = arith.mulf %dot_general3A_5, %mul3A : vector<1000x128xf32>
    %swap3A = arith.constant 0 : index
    %swap3A_11 = arith.constant 0 : index
    %swap3A_12 = vector.load %arg4[%swap3A, %swap3A_11] : memref<1000x128xf32, #tpu.memory_space<vmem>>, vector<1000x128xf32>
    tpu.vector_store %arg4[%swap3A, %swap3A_11], %mul3A_10 {strides = array<i32>} : memref<1000x128xf32, #tpu.memory_space<vmem>>, vector<1000x128xf32>,
    return
  }
  func.func @transform_0(%arg0: i32) -> (i32, i32) {
    %c0_i32 = arith.constant 0 : i32
    %c0_i32_0 = arith.constant 0 : i32
    return %arg0, %c0_i32 : i32, i32
  }
  func.func @transform_1(%arg0: i32) -> (i32, i32) {
    %c0_i32 = arith.constant 0 : i32
    %c0_i32_0 = arith.constant 0 : i32
    %c0_i32_1 = arith.constant 0 : i32
    return %c0_i32, %c0_i32_0 : i32, i32
  }
  func.func @transform_2(%arg0: i32) -> (i32, i32) {
    %c0_i32 = arith.constant 0 : i32
    %c0_i32_0 = arith.constant 0 : i32
    return %arg0, %c0_i32 : i32, i32
  }
  func.func @transform_3(%arg0: i32) -> (i32, i32) {
    %c0_i32 = arith.constant 0 : i32
    %c0_i32_0 = arith.constant 0 : i32
    return %arg0, %c0_i32 : i32, i32
  }
}

module attributes {stable_mosaic.version = 14 : i64} {
  func.func @_post_matmul_body(%arg0: i32, %arg1: memref<1x1000x128xf32, #tpu.memory_space<vmem>>, %arg2: memref<1x1000x128xf32, #tpu.memory_space<vmem>>, %arg3: memref<1000x1xf32, #tpu.memory_space<vmem>>, %arg4: memref<1x128xf32, #tpu.memory_space<vmem>>, %arg5: memref<128x128xf32, #tpu.memory_space<vmem>>, %arg6: memref<1000x1xf32, #tpu.memory_space<vmem>>, %arg7: memref<1000x128xf32, #tpu.memory_space<vmem>>) attributes {dimension_semantics = [#tpu.dimension_semantics<arbitrary>], iteration_bounds = array<i64: 10>, scalar_prefetch = 0 : i64, scratch_operands = 0 : i64, tpu.core_type = #tpu.core_type<tc>, window_params = [{transform_indices = @transform_0, window_bounds = array<i64: 1, 1000, 128>}, {transform_indices = @transform_1, window_bounds = array<i64: 1, 1000, 128>}, {transform_indices = @transform_2, window_bounds = array<i64: 1000, 1>}, {pipeline_mode = #tpu.pipeline_mode<synchronous>, transform_indices = @transform_3, window_bounds = array<i64: 1, 128>}, {pipeline_mode = #tpu.pipeline_mode<synchronous>, transform_indices = @transform_4, window_bounds = array<i64: 128, 128>}, {transform_indices = @transform_5, window_bounds = array<i64: 1000, 1>}, {transform_indices = @transform_6, window_bounds = array<i64: 1000, 128>}]} {
    %get3A = arith.constant 0 : index
    %get3A_0 = arith.constant 0 : index
    %get3A_1 = vector.load %arg3[%get3A, %get3A_0] : memref<1000x1xf32, #tpu.memory_space<vmem>>, vector<1000x1xf32>
    %jit3A = arith.constant 1.000000e+00 : f32
    %max3A = vector.broadcast %jit3A : f32 to vector<1000x1xf32>
    %max3A_2 = arith.maximumf %max3A, %get3A_1 : vector<1000x1xf32>
    %rsqrt3A = math.rsqrt %max3A_2 : vector<1000x1xf32>
    %get3A_3 = arith.constant 0 : index
    %get3A_4 = arith.constant 0 : index
    %get3A_5 = arith.constant 0 : index
    %get3A_6 = vector.load %arg1[%get3A_3, %get3A_4, %get3A_5] : memref<1x1000x128xf32, #tpu.memory_space<vmem>>, vector<1x1000x128xf32>
    %get3A_7 = vector.shape_cast %get3A_6 : vector<1x1000x128xf32> to vector<1000x128xf32>
    %get3A_8 = arith.constant 0 : index
    %get3A_9 = arith.constant 0 : index
    %get3A_10 = arith.constant 0 : index
    %get3A_11 = vector.load %arg2[%get3A_8, %get3A_9, %get3A_10] : memref<1x1000x128xf32, #tpu.memory_space<vmem>>, vector<1x1000x128xf32>
    %get3A_12 = vector.shape_cast %get3A_11 : vector<1x1000x128xf32> to vector<1000x128xf32>
    %add3A = arith.addf %get3A_7, %get3A_12 : vector<1000x128xf32>
    %mul3A = vector.broadcast %rsqrt3A : vector<1000x1xf32> to vector<1000x128xf32>
    %mul3A_13 = arith.mulf %add3A, %mul3A : vector<1000x128xf32>
    %get3A_14 = arith.constant 0 : index
    %get3A_15 = arith.constant 0 : index
    %get3A_16 = vector.load %arg4[%get3A_14, %get3A_15] : memref<1x128xf32, #tpu.memory_space<vmem>>, vector<1x128xf32>
    %add3A_17 = vector.broadcast %get3A_16 : vector<1x128xf32> to vector<1000x128xf32>
    %add3A_18 = arith.addf %mul3A_13, %add3A_17 : vector<1000x128xf32>
    %max3A_19 = arith.constant 0.000000e+00 : f32
    %max3A_20 = vector.broadcast %max3A_19 : f32 to vector<1000x128xf32>
    %max3A_21 = arith.maximumf %add3A_18, %max3A_20 : vector<1000x128xf32>
    %get3A_22 = arith.constant 0 : index
    %get3A_23 = arith.constant 0 : index
    %get3A_24 = vector.load %arg6[%get3A_22, %get3A_23] : memref<1000x1xf32, #tpu.memory_space<vmem>>, vector<1000x1xf32>
    %jit3A_25 = arith.constant 1.000000e+00 : f32
    %max3A_26 = vector.broadcast %jit3A_25 : f32 to vector<1000x1xf32>
    %max3A_27 = arith.maximumf %max3A_26, %get3A_24 : vector<1000x1xf32>
    %rsqrt3A_28 = math.rsqrt %max3A_27 : vector<1000x1xf32>
    %get3A_29 = arith.constant 0 : index
    %get3A_30 = arith.constant 0 : index
    %get3A_31 = vector.load %arg5[%get3A_29, %get3A_30] : memref<128x128xf32, #tpu.memory_space<vmem>>, vector<128x128xf32>
    %dot_general3A = arith.constant dense<0.000000e+00> : vector<1000x128xf32>
    %dot_general3A_32 = tpu.matmul %max3A_21, %get3A_31, %dot_general3A {dimension_numbers = #tpu.dot_dimension_numbers<[1], [0], [0], [1], [0, 0, 1, 1], [], []>, transpose_lhs_hint = false} : vector<1000x128xf32>, vector<128x128xf32>, vector<1000x128xf32> -> vector<1000x128xf32>
    %mul3A_33 = vector.broadcast %rsqrt3A_28 : vector<1000x1xf32> to vector<1000x128xf32>
    %mul3A_34 = arith.mulf %dot_general3A_32, %mul3A_33 : vector<1000x128xf32>
    %swap3A = arith.constant 0 : index
    %swap3A_35 = arith.constant 0 : index
    %swap3A_36 = vector.load %arg7[%swap3A, %swap3A_35] : memref<1000x128xf32, #tpu.memory_space<vmem>>, vector<1000x128xf32>
    tpu.vector_store %arg7[%swap3A, %swap3A_35], %mul3A_34 {strides = array<i32>} : memref<1000x128xf32, #tpu.memory_space<vmem>>, vector<1000x128xf32>,
    return
  }
  func.func @transform_0(%arg0: i32) -> (i32, i32, i32) {
    %c0_i32 = arith.constant 0 : i32
    %c0_i32_0 = arith.constant 0 : i32
    %c0_i32_1 = arith.constant 0 : i32
    return %c0_i32, %arg0, %c0_i32_0 : i32, i32, i32
  }
  func.func @transform_1(%arg0: i32) -> (i32, i32, i32) {
    %c1_i32 = arith.constant 1 : i32
    %c0_i32 = arith.constant 0 : i32
    %c0_i32_0 = arith.constant 0 : i32
    return %c1_i32, %arg0, %c0_i32 : i32, i32, i32
  }
  func.func @transform_2(%arg0: i32) -> (i32, i32) {
    %c0_i32 = arith.constant 0 : i32
    %c0_i32_0 = arith.constant 0 : i32
    return %arg0, %c0_i32 : i32, i32
  }
  func.func @transform_3(%arg0: i32) -> (i32, i32) {
    %c0_i32 = arith.constant 0 : i32
    %c0_i32_0 = arith.constant 0 : i32
    %c0_i32_1 = arith.constant 0 : i32
    return %c0_i32, %c0_i32_0 : i32, i32
  }
  func.func @transform_4(%arg0: i32) -> (i32, i32) {
    %c0_i32 = arith.constant 0 : i32
    %c0_i32_0 = arith.constant 0 : i32
    %c0_i32_1 = arith.constant 0 : i32
    return %c0_i32, %c0_i32_0 : i32, i32
  }
  func.func @transform_5(%arg0: i32) -> (i32, i32) {
    %c0_i32 = arith.constant 0 : i32
    %c0_i32_0 = arith.constant 0 : i32
    return %arg0, %c0_i32 : i32, i32
  }
  func.func @transform_6(%arg0: i32) -> (i32, i32) {
    %c0_i32 = arith.constant 0 : i32
    %c0_i32_0 = arith.constant 0 : i32
    return %arg0, %c0_i32 : i32, i32
  }
}

module attributes {stable_mosaic.version = 14 : i64} {
  func.func @_post_body(%arg0: i32, %arg1: memref<1x1000x128xf32, #tpu.memory_space<vmem>>, %arg2: memref<1x1000x128xf32, #tpu.memory_space<vmem>>, %arg3: memref<1000x1xf32, #tpu.memory_space<vmem>>, %arg4: memref<1x128xf32, #tpu.memory_space<vmem>>, %arg5: memref<1000x128xf32, #tpu.memory_space<vmem>>) attributes {dimension_semantics = [#tpu.dimension_semantics<arbitrary>], iteration_bounds = array<i64: 10>, scalar_prefetch = 0 : i64, scratch_operands = 0 : i64, tpu.core_type = #tpu.core_type<tc>, window_params = [{transform_indices = @transform_0, window_bounds = array<i64: 1, 1000, 128>}, {transform_indices = @transform_1, window_bounds = array<i64: 1, 1000, 128>}, {transform_indices = @transform_2, window_bounds = array<i64: 1000, 1>}, {pipeline_mode = #tpu.pipeline_mode<synchronous>, transform_indices = @transform_3, window_bounds = array<i64: 1, 128>}, {transform_indices = @transform_4, window_bounds = array<i64: 1000, 128>}]} {
    %get3A = arith.constant 0 : index
    %get3A_0 = arith.constant 0 : index
    %get3A_1 = vector.load %arg3[%get3A, %get3A_0] : memref<1000x1xf32, #tpu.memory_space<vmem>>, vector<1000x1xf32>
    %jit3A = arith.constant 1.000000e+00 : f32
    %max3A = vector.broadcast %jit3A : f32 to vector<1000x1xf32>
    %max3A_2 = arith.maximumf %max3A, %get3A_1 : vector<1000x1xf32>
    %rsqrt3A = math.rsqrt %max3A_2 : vector<1000x1xf32>
    %get3A_3 = arith.constant 0 : index
    %get3A_4 = arith.constant 0 : index
    %get3A_5 = arith.constant 0 : index
    %get3A_6 = vector.load %arg1[%get3A_3, %get3A_4, %get3A_5] : memref<1x1000x128xf32, #tpu.memory_space<vmem>>, vector<1x1000x128xf32>
    %get3A_7 = vector.shape_cast %get3A_6 : vector<1x1000x128xf32> to vector<1000x128xf32>
    %get3A_8 = arith.constant 0 : index
    %get3A_9 = arith.constant 0 : index
    %get3A_10 = arith.constant 0 : index
    %get3A_11 = vector.load %arg2[%get3A_8, %get3A_9, %get3A_10] : memref<1x1000x128xf32, #tpu.memory_space<vmem>>, vector<1x1000x128xf32>
    %get3A_12 = vector.shape_cast %get3A_11 : vector<1x1000x128xf32> to vector<1000x128xf32>
    %add3A = arith.addf %get3A_7, %get3A_12 : vector<1000x128xf32>
    %mul3A = vector.broadcast %rsqrt3A : vector<1000x1xf32> to vector<1000x128xf32>
    %mul3A_13 = arith.mulf %add3A, %mul3A : vector<1000x128xf32>
    %get3A_14 = arith.constant 0 : index
    %get3A_15 = arith.constant 0 : index
    %get3A_16 = vector.load %arg4[%get3A_14, %get3A_15] : memref<1x128xf32, #tpu.memory_space<vmem>>, vector<1x128xf32>
    %add3A_17 = vector.broadcast %get3A_16 : vector<1x128xf32> to vector<1000x128xf32>
    %add3A_18 = arith.addf %mul3A_13, %add3A_17 : vector<1000x128xf32>
    %max3A_19 = arith.constant 0.000000e+00 : f32
    %max3A_20 = vector.broadcast %max3A_19 : f32 to vector<1000x128xf32>
    %max3A_21 = arith.maximumf %add3A_18, %max3A_20 : vector<1000x128xf32>
    %swap3A = arith.constant 0 : index
    %swap3A_22 = arith.constant 0 : index
    %swap3A_23 = vector.load %arg5[%swap3A, %swap3A_22] : memref<1000x128xf32, #tpu.memory_space<vmem>>, vector<1000x128xf32>
    tpu.vector_store %arg5[%swap3A, %swap3A_22], %max3A_21 {strides = array<i32>} : memref<1000x128xf32, #tpu.memory_space<vmem>>, vector<1000x128xf32>,
    return
  }
  func.func @transform_0(%arg0: i32) -> (i32, i32, i32) {
    %c0_i32 = arith.constant 0 : i32
    %c0_i32_0 = arith.constant 0 : i32
    %c0_i32_1 = arith.constant 0 : i32
    return %c0_i32, %arg0, %c0_i32_0 : i32, i32, i32
  }
  func.func @transform_1(%arg0: i32) -> (i32, i32, i32) {
    %c1_i32 = arith.constant 1 : i32
    %c0_i32 = arith.constant 0 : i32
    %c0_i32_0 = arith.constant 0 : i32
    return %c1_i32, %arg0, %c0_i32 : i32, i32, i32
  }
  func.func @transform_2(%arg0: i32) -> (i32, i32) {
    %c0_i32 = arith.constant 0 : i32
    %c0_i32_0 = arith.constant 0 : i32
    return %arg0, %c0_i32 : i32, i32
  }
  func.func @transform_3(%arg0: i32) -> (i32, i32) {
    %c0_i32 = arith.constant 0 : i32
    %c0_i32_0 = arith.constant 0 : i32
    %c0_i32_1 = arith.constant 0 : i32
    return %c0_i32, %c0_i32_0 : i32, i32
  }
  func.func @transform_4(%arg0: i32) -> (i32, i32) {
    %c0_i32 = arith.constant 0 : i32
    %c0_i32_0 = arith.constant 0 : i32
    return %arg0, %c0_i32 : i32, i32
  }
}

module attributes {stable_mosaic.version = 14 : i64} {
  func.func @_reduce_body(%arg0: i32, %arg1: memref<2000x16xf32, #tpu.memory_space<vmem>>, %arg2: memref<2000x1xf32, #tpu.memory_space<vmem>>) attributes {dimension_semantics = [#tpu.dimension_semantics<arbitrary>], iteration_bounds = array<i64: 160>, scalar_prefetch = 0 : i64, scratch_operands = 0 : i64, tpu.core_type = #tpu.core_type<tc>, window_params = [{transform_indices = @transform_0, window_bounds = array<i64: 2000, 16>}, {transform_indices = @transform_1, window_bounds = array<i64: 2000, 1>}]} {
    %get3A = arith.constant 0 : index
    %get3A_0 = arith.constant 0 : index
    %get3A_1 = vector.load %arg1[%get3A, %get3A_0] : memref<2000x16xf32, #tpu.memory_space<vmem>>, vector<2000x16xf32>
    %reduce_sum3A = arith.constant dense<0.000000e+00> : vector<2000xf32>
    %reduce_sum3A_2 = vector.multi_reduction <add>, %get3A_1, %reduce_sum3A [1] : vector<2000x16xf32> to vector<2000xf32>
    %broadcast_in_dim3A = vector.shape_cast %reduce_sum3A_2 : vector<2000xf32> to vector<2000x1xf32>
    %swap3A = arith.constant 0 : index
    %swap3A_3 = arith.constant 0 : index
    %swap3A_4 = vector.load %arg2[%swap3A, %swap3A_3] : memref<2000x1xf32, #tpu.memory_space<vmem>>, vector<2000x1xf32>
    tpu.vector_store %arg2[%swap3A, %swap3A_3], %broadcast_in_dim3A {strides = array<i32>} : memref<2000x1xf32, #tpu.memory_space<vmem>>, vector<2000x1xf32>,
    return
  }
  func.func @transform_0(%arg0: i32) -> (i32, i32) {
    %c0_i32 = arith.constant 0 : i32
    %c0_i32_0 = arith.constant 0 : i32
    return %arg0, %c0_i32 : i32, i32
  }
  func.func @transform_1(%arg0: i32) -> (i32, i32) {
    %c0_i32 = arith.constant 0 : i32
    %c0_i32_0 = arith.constant 0 : i32
    return %arg0, %c0_i32 : i32, i32
  }
}

</mosaic_0001>

<sc_bundles>
// kernel: kernel.11.cloned.1.call-start
scs
__scs_entry_jumppad:
0x0: {  	(pc) =	sbr.rel $0x88, $3  }
0x1: {  	(tag) =	ssettag $0x0;
	lr =	simm.s32 $0x1  }
0x2: {  	[smem:$0x3F99] =	sst lr;
	_ =	strace $0xD0000000  }
0x3: {  	_ = 	snop  }
0x4: {  	_ = 	snop  }
0x5: {  	_ = 	snop  }
0x6: {  	_ = 	snop  }
0x7: {  	_ = 	snop  }
__scs_overlays_trampoline_lowered:
0x8: {  	[smem:$0x3FA8] =	sst s0  }
0x9: {  	[smem:$0x3FA9] =	sst s1  }
0xa: {  	[smem:$0x3FAA] =	sst s2  }
0xb: {  	[smem:$0x3FAB] =	sst s3  }
0xc: {  	[smem:$0x3FAC] =	sst s4  }
0xd: {  	[smem:$0x3FAD] =	sst s5  }
0xe: {  	[smem:$0x3FAE] =	sst s6  }
0xf: {  	[smem:$0x3FAF] =	sst s7  }
0x10: {  	[smem:$0x3FB0] =	sst s8  }
0x11: {  	[smem:$0x3FB1] =	sst s9;
	s0 =	simm.s32 @!p0 $0x0  }
0x12: {  	s1 =	sld [smem:$0x3F97];
	s0 =	simm.s32 @p0 $0x1  }
0x13: {  	[smem:$0x3FB2] =	sst s0;
	s0 =	simm.s32 @!p1 $0x0  }
0x14: {  	s2 =	sld [smem:$0x3F96];
	s0 =	simm.s32 @p1 $0x1  }
0x15: {  	[smem:$0x3FB3] =	sst s0;
	s0 =	simm.s32 @!p2 $0x0  }
0x16: {  	s3 =	sld [smem:$0x3FDB];
	s0 =	simm.s32 @p2 $0x1  }
0x17: {  	s4 =	simm.s32 $0x1BF5;
	[smem:$0x3FB5] =	sst s0  }
0x18: {  	s0 =	sld [smem:$0x3F98];
	_ =	swait.ge [sflag:s4], $0x0  }
0x19: {  	s7 =	sld [smem:$0x3F99]  }
0x1a: {  	s8 =	sadd.s32 $0xFFFFE003, lr  }
0x1b: {  	s9 =	sadd.s32 $0xFFFFFEF7, lr;
	s5 =	simm.s32 $0xFFFFFFFF;
	p2 =	slt.u32 s8, $0xFFFFF086  }
0x1c: {  	p1 =	slt.u32 s9, $0xF7A;
	s5 =	simm.s32 @!p2 $0x0  }
0x1d: {  	s5 =	simm.s32 @p1 $0x1;
	p0 =	seq.s32 s7, s2  }
0x1e: {  	s7 =	smul.u32 @!p0 $0xF7A, s2;
	p2 =	seq.s32 @!p0 s5, $0x0  }
0x1f: {  	s9 =	smul.u32 $0xF7A, s1;
	s8 =	simm.s32 @!p0 $0x1BF5;
	p2 =	por !p2, p0  }
0x20: {  	[sflag:s8] =	ssyncset.s32 @!p0 $0xFFFFF086;
	s6 =	sadd.s32 @!p0 s3, s7;
	s7 =	simm.s32 @!p0 $0x108  }
0x21: {  	s3 =	sadd.s32 s3, s9;
	s6 =	sadd.s32 @!p0 $0x88, s6;
	s7 =	simm.s32 @p2 $0x1082  }
0x22: {  	[simem:s7], [sflag:s8] =	dma.local @!p0 [hbm:s6], $0xF7A  }
0x23: {  	s9 =	sor.u32 $0xD0000000, s2;
	s6 =	simm.s32 $0x108;
	_ =	swait.ge @!p0 [sflag:s8], $0x0  }
0x24: {  	s3 =	sadd.s32 $0x88, s3;
	s6 =	simm.s32 @!p1 $0x1082;
	[sflag:s4] =	ssyncset.s32 $0xFFFFF086  }
0x25: {  	[simem:s6], [sflag:s4] =	dma.local [hbm:s3], $0xF7A  }
0x26: {  	[smem:$0x3F99] =	sst s1;
	(tag) =	ssettag s2;
	_ =	strace s9  }
0x27: {  	s1 =	sld [smem:$0x3FA9]  }
0x28: {  	s2 =	sld [smem:$0x3FAA]  }
0x29: {  	s4 =	sld [smem:$0x3FAC]  }
0x2a: {  	p0 =	seq.s32 s5, $0x0;
	s5 =	sld [smem:$0x3FAD]  }
0x2b: {  	s6 =	sld [smem:$0x3FAE]  }
0x2c: {  	s7 =	sld [smem:$0x3FAF]  }
0x2d: {  	s3 =	simm.s32 $0x108;
	s8 =	sld [smem:$0x3FB0]  }
0x2e: {  	s3 =	simm.s32 @!p0 $0x1082;
	s9 =	sld [smem:$0x3FB1]  }
0x2f: {  	lr =	sadd.s32 s0, s3;
	s0 =	sld [smem:$0x3FA8]  }
0x30: {  	s3 =	sld [smem:$0x3FAB]  }
0x31: {  	[smem:$0x3FB4] =	sst s10  }
0x32: {  	s10 =	sld [smem:$0x3FB2];
	_ =	sdelay $0x3  }
0x33: {  	p0 =	seq.s32 s10, $0x1;
	s10 =	sld [smem:$0x3FB4];
	_ =	sdelay $0x3  }
0x34: {  	[smem:$0x3FB4] =	sst s10  }
0x35: {  	s10 =	sld [smem:$0x3FB3];
	_ =	sdelay $0x3  }
0x36: {  	p1 =	seq.s32 s10, $0x1;
	s10 =	sld [smem:$0x3FB4];
	_ =	sdelay $0x3  }
0x37: {  	[smem:$0x3FB4] =	sst s10  }
0x38: {  	s10 =	sld [smem:$0x3FB5]  }
0x39: {  	_ = 	snop;
	(pc) =	sbr.ind lr, $3  }
0x3a: {  	_ = 	snop  }
0x3b: {  	_ = 	snop  }
0x3c: {  	p2 =	seq.s32 s10, $0x1;
	s10 =	sld [smem:$0x3FB4]  }
0x3d: {  	_ =	shalt  }
0x3e: {  	_ =	shalt  }
0x3f: {  	_ =	shalt  }
0x40: {  	_ =	shalt  }
0x41: {  	_ =	shalt  }
0x42: {  	_ =	shalt  }
0x43: {  	_ =	shalt  }
0x44: {  	_ =	shalt  }
0x45: {  	_ =	shalt  }
0x46: {  	_ =	shalt  }
0x47: {  	_ =	shalt  }
0x48: {  	_ =	shalt  }
0x49: {  	_ =	shalt  }
0x4a: {  	_ =	shalt  }
0x4b: {  	_ =	shalt  }
0x4c: {  	_ =	shalt  }
0x4d: {  	_ =	shalt  }
0x4e: {  	_ =	shalt  }
0x4f: {  	_ =	shalt  }
0x50: {  	_ =	shalt  }
0x51: {  	_ =	shalt  }
0x52: {  	_ =	shalt  }
0x53: {  	_ =	shalt  }
0x54: {  	_ =	shalt  }
0x55: {  	_ =	shalt  }
0x56: {  	_ =	shalt  }
0x57: {  	_ =	shalt  }
0x58: {  	_ =	shalt  }
0x59: {  	_ =	shalt  }
0x5a: {  	_ =	shalt  }
0x5b: {  	_ =	shalt  }
0x5c: {  	_ =	shalt  }
0x5d: {  	_ =	shalt  }
0x5e: {  	_ =	shalt  }
0x5f: {  	_ =	shalt  }
0x60: {  	_ =	shalt  }
0x61: {  	_ =	shalt  }
0x62: {  	_ =	shalt  }
0x63: {  	_ =	shalt  }
0x64: {  	_ =	shalt  }
0x65: {  	_ =	shalt  }
0x66: {  	_ =	shalt  }
0x67: {  	_ =	shalt  }
0x68: {  	_ =	shalt  }
0x69: {  	_ =	shalt  }
0x6a: {  	_ =	shalt  }
0x6b: {  	_ =	shalt  }
0x6c: {  	_ =	shalt  }
0x6d: {  	_ =	shalt  }
0x6e: {  	_ =	shalt  }
0x6f: {  	_ =	shalt  }
0x70: {  	_ =	shalt  }
0x71: {  	_ =	shalt  }
0x72: {  	_ =	shalt  }
0x73: {  	_ =	shalt  }
0x74: {  	_ =	shalt  }
0x75: {  	_ =	shalt  }
0x76: {  	_ =	shalt  }
0x77: {  	_ =	shalt  }
0x78: {  	_ =	shalt  }
0x79: {  	_ =	shalt  }
0x7a: {  	_ =	shalt  }
0x7b: {  	_ =	shalt  }
0x7c: {  	_ =	shalt  }
0x7d: {  	_ =	shalt  }
0x7e: {  	_ =	shalt  }
0x7f: {  	_ =	shalt  }
0x80: {  	_ =	shalt  }
0x81: {  	_ =	shalt  }
0x82: {  	_ =	shalt  }
0x83: {  	_ =	shalt  }
0x84: {  	_ =	shalt  }
0x85: {  	_ =	shalt  }
0x86: {  	_ =	shalt  }
0x87: {  	_ =	shalt  }
.Lfunc_end0:
.L_simem_size_0:
called_computation_lowered:
.L_overlay_start_0:
0x88: {  	s2 =	sld [smem:$0x3FD9]  }
0x89: {  	s3 =	sld [smem:$0x3FFE];
	_ =	sdelay $0x1  }
0x8a: {  	s1 =	srdreg.scid  }
0x8b: {  	s0 =	sand.u32 $0x1, s1  }
0x8c: {  	s16 =	sshll.u32 s0, $0xA;
	s2 =	sadd.s32 s3, s2  }
0x8d: {  	s2 =	sadd.s32 s2, s16  }
0x8e: {  	[smem:$0x3FC0] =	sst s2  }
0x8f: {  	_ = 	snop  }
0x90: {  	(tm) =	ssettm $0x1  }
0x91: {  	s17 =	sld [smem:$0x3FFB];
	_ =	sdelay $0x3  }
0x92: {  	_ =	strace s17  }
0x93: {  	s2 =	sld [smem:$0x3FFC];
	_ =	sdelay $0x3  }
0x94: {  	_ =	strace s2  }
0x95: {  	s2 =	sld [smem:$0x3FFD];
	_ =	sdelay $0x3  }
0x96: {  	_ =	strace s2  }
0x97: {  	_ =	strace $0x8FFFFFFF  }
0x98: {  	s18 =	sld [smem:$0x3FDB];
	_ =	sdelay $0x1  }
0x99: {  	s19 =	simm.s32 $_scs_section_size  }
0x9a: {  	s4 =	simm.s32 $_size__tile_overlayer_lowered;
	s5 =	simm.s32 $_tile_overlayer_lowered  }
0x9b: {  	s22 =	simm.s32 $0x1BFF;
	s21 =	sshll.u32 s5, $0x1;
	s2 =	sadd.s32 s19, s18  }
0x9c: {  	s6 =	simm.s32 $0x0;
	s20 =	sshll.u32 s4, $0x1;
	s4 =	sadd.s32 s21, s2  }
0x9d: {  	[timem:s6], [sflag:s22] =	dma.local [hbm:s4], s20  }
0x9e: {  	_ =	swait.ge [sflag:s22], s20  }
0x9f: {  	s3 =	ssub.s32 $0x0, s20;
	[sflag:s22] =	ssyncset.done $0x0  }
0xa0: {  	[sflag:s22] =	ssyncadd.s32 s3;
	_ =	sdelay $0x1  }
0xa1: {  	s23 =	simm.s32 $0x1B8B  }
0xa2: {  	_ =	swait.ge [sflag:s23], $0x1  }
0xa3: {  	[sflag:s23] =	ssyncset.done $0x0  }
0xa4: {  	s25 =	simm.s32 $0x1B8E;
	s24 =	sld [smem:$0x3FFE];
	[sflag:s23] =	ssyncadd.s32 $0xFFFFFFFF  }
0xa5: {  	s26 =	simm.s32 $execute0_lowered;
	[smem:$0x3FD2] =	sst s25  }
0xa6: {  	s4 =	sshll.u32 s26, $0x1;
	_ =	strace $0x80000046;
	[dreg:$0x1] =	wrdreg $0xFFFFFFFF  }
0xa7: {  	s28 =	simm.s32 $_size_execute0_lowered;
	s2 =	sadd.s32 s2, s4;
	[dreg:$0x0] =	wrdreg $0x0  }
0xa8: {  	s4 =	sshll.u32 s28, $0x1;
	[dreg:$0x2] =	wrdreg s2  }
0xa9: {  	[dreg:$0x3] =	wrdreg s4  }
0xaa: {  	[dreg:$0x4] =	wrdreg $0xC0  }
0xab: {  	_ =	task [dreg:s6], $0x5FFFF  }
0xac: {  	[dreg:$0x1] =	wrdreg $0xFFFFFFFF  }
0xad: {  	[dreg:$0x0] =	wrdreg $0x60  }
0xae: {  	[dreg:$0x2] =	wrdreg s24  }
0xaf: {  	[dreg:$0x3] =	wrdreg $0x9  }
0xb0: {  	_ =	task.clear_ibuf [dreg:s6], $0x4FFFF;
	_ =	strace $0x90000046  }
0xb1: {  	s29 =	simm.s32 $0x9;
	_ =	strace $0x80000048  }
0xb2: {  	_ =	swait.ge [sflag:s29], $0x1  }
0xb3: {  	[sflag:s29] =	ssyncadd.s32 $0xFFFFFFFF  }
0xb4: {  	_ =	strace $0x90000048  }
0xb5: {  	_ =	sfence  }
0xb6: {  	s30 =	sld [smem:$0x0];
	_ =	sdelay $0x2  }
0xb7: {  	s31 =	sshll.u32 s1, $0xD;
	s1 =	sshrl.u32 s1, $0x2  }
0xb8: {  	s3 =	sand.u32 $0x4000, s31;
	s1 =	sadd.s32 s1, s30  }
0xb9: {  	s0 =	sor.u32 s3, s0;
	s1 =	sshll.u32 s1, $0x11  }
0xba: {  	s0 =	sor.u32 s1, s0  }
0xbb: {  	s0 =	sadd.s32 $0x8F2B, s0  }
0xbc: {  	[sflag:s0] =	ssyncadd.remote.s32 $0x1  }
0xbd: {  	_ =	sfence.sel $0xFFFF  }
0xbe: {  	[dreg:$0x0] =	wrdreg $0xFFFFFFFF;
	(pc) =	sbr.abs _section_cstart, $3  }
0xbf: {  	[dreg:$0x1] =	wrdreg $0xFFFFFFFF  }
0xc0: {  	_ =	task.clear_ibuf [dreg:s6], $0x2FFFF;
	_ =	strace $0x9FFFFFFF  }
0xc1: {  	(tm) =	ssettm $0x7FFFFFFF  }
tec
execute0_lowered:
.L_overlay_start_1:
0x0: {  	(tag) =	ssettag $0x1  }
0x1: {  	s0 =	srdreg.scid;
	s5 =	rddreg [dreg:$0x0]  }
0x2: {  	s1 =	rddreg [dreg:$0x1];
	s3 =	sand.u32 $0x1, s0  }
0x3: {  	s2 =	simm.s32 $0x0;
	v0 =	vimm.s32 $0xFFEDCBA9;
	v1 =	vimm.s32 $0x87654321;
	s0 =	stileid.u32;
	s4 =	smul.u32 $0xA0000, s3  }
0x4: {  	s9 =	simm.s32 $0x5000;
	s10 =	simm.s32 $0xA000;
	v0 =	vunpack.c.l.s4.s8 v0;
	v1 =	vunpack.c.l.s4.s8 v1;
	s6 =	smul.u32 $0x5000, s0  }
0x5: {  	v2 =	vimm.s32 $0xEDCBA987;
	v3 =	vimm.s32 $0x65432100;
	s11 =	simm.s32 $0xC800;
	s12 =	simm.s32 $0x0;
	s7 =	smul.u32 $0x50000, s3  }
0x6: {  	[smem:$0x7FF] =	sst s2;
	v2 =	vunpack.c.l.s4.s8 v2;
	s8 =	smul.u32 $0x2800, s0;
	s3 =	ssub.s32 $0x2, s3;
	v0 =	vunpack.c.0.s8.s32 v0;
	v1 =	vunpack.c.0.s8.s32 v1  }
0x7: {  	v3 =	vunpack.c.l.s4.s8 v3;
	_ =	strace $0x80000047;
	s31 =	sshrl.u32 s3, $0x1;
	s4 =	sadd.s32 s6, s4  }
0x8: {  	v2 =	vunpack.c.0.s8.s32 v2;
	s30 =	sadd.s32 s8, s7;
	s7 =	ssub.s32 s3, s31;
	s4 =	sshrl.u32 s4, $0x3;
	v4 =	vcombine.low v1, v0  }
0x9: {  	vm0 =	vcmask $0x3F3C;
	v3 =	vunpack.c.0.s8.s32 v3;
	s8 =	simm.s32 $0x1;
	s6 =	sshrl.u32 s30, $0x3;
	v0 =	vimm.f32 $0.0e+00;
	s4 =	sadd.s32 s4, s5  }
0xa: {  	v1 =	vand.u32 $0xF, v2;
	s7 =	smax.u32 s7, $0x1;
	s6 =	sadd.s32 s6, s5;
	s3 =	sadd.s32 $0x1400, s4;
	v2 =	vand.u32 $0xF, v4;
	v4 =	vlaneseq.u32  }
0xb: {  	v1 =	vcombine.low v3, v1;
	s4 =	sadd.s32 $0xB400, s4;
	s5 =	sadd.s32 $0x29400, s6;
	s6 =	sadd.s32 $0x2E400, s6;
	v3 =	vor.u32 $0x80000000, v4;
	v4 =	vadd.s32 $0x1, v4  }
.LBB2_1:
0xc: {  	[tilespmem:s2], [sflag:$0x1] =	stream.linear.gather [hbm4b:s3+s2], $0x4E80, $0x38;
	[tilespmem:$0xF000] =	vst v63  }
0xd: {  	_ =	swait.ge [sflag:s8], $0x4E80  }
0xe: {  	[sflag:s8] =	ssyncset.done $0x0  }
0xf: {  	[sflag:s8] =	ssyncadd.s32 $0xFFFFB180  }
0x10: {  	[tilespmem:s9], [sflag:$0x1] =	stream.linear.gather [hbm4b:s4+s2], $0x4E80, $0x38;
	[tilespmem:$0xF000] =	vst v63  }
0x11: {  	_ =	swait.ge [sflag:s8], $0x4E80  }
0x12: {  	[sflag:s8] =	ssyncset.done $0x0  }
0x13: {  	s14 =	simm.s32 $0x0;
	s13 =	simm.s32 $0x200;
	[sflag:s8] =	ssyncadd.s32 $0xFFFFB180  }
.LBB2_2:
0x14: {  	p0 =	sne.s32 s13, $0x9E00;
	[tilespmem:s14+$0xA070] =	vst v0  }
0x15: {  	[tilespmem:s14+$0xA000] =	vst v0  }
0x16: {  	[tilespmem:s14+$0xA010] =	vst v0  }
.Ltmp0:
0x17: {  	[tilespmem:s14+$0xA020] =	vst v0;
	(pc) =	sbr.rel @p0 .LBB2_2-.Ltmp0, $4  }
0x18: {  	[tilespmem:s14+$0xA030] =	vst v0  }
0x19: {  	[tilespmem:s14+$0xA040] =	vst v0  }
0x1a: {  	[tilespmem:s14+$0xA050] =	vst v0  }
0x1b: {  	[tilespmem:s14+$0xA060] =	vst v0;
	s14 =	sshra.s32 s13, $0x2;
	s13 =	sadd.s32 $0x200, s13  }
0x1c: {  	[tilespmem:s14+$0xA070] =	vst v0  }
0x1d: {  	[tilespmem:s14+$0xA000] =	vst v0  }
0x1e: {  	[tilespmem:s14+$0xA010] =	vst v0  }
0x1f: {  	[tilespmem:s14+$0xA020] =	vst v0  }
0x20: {  	[tilespmem:s14+$0xA030] =	vst v0  }
0x21: {  	[tilespmem:s14+$0xA040] =	vst v0  }
0x22: {  	[tilespmem:s14+$0xA050] =	vst v0  }
0x23: {  	s13 =	simm.s32 $0x0;
	[tilespmem:s14+$0xA060] =	vst v0;
	s14 =	simm.s32 $0x0;
	s15 =	simm.s32 $0x200  }
.LBB2_4:
0x24: {  	p0 =	sne.s32 s15, $0x9E00;
	[tilespmem:s14+$0xC870] =	vst v0  }
0x25: {  	[tilespmem:s14+$0xC800] =	vst v0  }
0x26: {  	[tilespmem:s14+$0xC810] =	vst v0  }
.Ltmp1:
0x27: {  	[tilespmem:s14+$0xC820] =	vst v0;
	(pc) =	sbr.rel @p0 .LBB2_4-.Ltmp1, $4  }
0x28: {  	[tilespmem:s14+$0xC830] =	vst v0  }
0x29: {  	[tilespmem:s14+$0xC840] =	vst v0  }
0x2a: {  	[tilespmem:s14+$0xC850] =	vst v0  }
0x2b: {  	[tilespmem:s14+$0xC860] =	vst v0;
	s14 =	sshra.s32 s15, $0x2;
	s15 =	sadd.s32 $0x200, s15  }
0x2c: {  	[tilespmem:s14+$0xC870] =	vst v0  }
0x2d: {  	[tilespmem:s14+$0xC800] =	vst v0  }
0x2e: {  	[tilespmem:s14+$0xC810] =	vst v0  }
0x2f: {  	[tilespmem:s14+$0xC820] =	vst v0  }
0x30: {  	[tilespmem:s14+$0xC830] =	vst v0  }
0x31: {  	[tilespmem:s14+$0xC840] =	vst v0  }
0x32: {  	[tilespmem:s14+$0xC850] =	vst v0  }
0x33: {  	[tilespmem:s14+$0xC860] =	vst v0  }
.LBB2_6:
0x34: {  	s14 =	sshra.s32 s13, $0x2  }
0x35: {  	v5 =	vld [tilespmem:s14+$0x0];
	_ =	sdelay $0x4  }
0x36: {  	v6 =	vxor.u32 $0x80000000, v5  }
0x37: {  	(xrf1) =	vsort.ascd.msk.u32 $0xffff, v6, v5;
	_ =	sdelay $0xd  }
0x38: {  	v5, _, _ =	vpop (xrf1)  }
0x39: {  	v5 =	vxor.u32 $0x80000000, v5  }
0x3a: {  	v6 =	vperm.xlane v5, v1;
	_ =	sdelay $0x1  }
0x3b: {  	vm1 =	veq.s32 v5, v6  }
0x3c: {  	v6 =	vsel vm1, $0x80000000, v3  }
0x3d: {  	(xrf0) =	vmax.scan.msk.u32 $0xffff, v6;
	_ =	sdelay $0x1  }
0x3e: {  	v6 =	vperm.xlane v5, v2;
	_ =	sdelay $0x1  }
0x3f: {  	vm1 =	vne.s32 v5, v6  }
0x40: {  	vm1 =	vmor vm1, vm0  }
0x41: {  	v6, _, _ =	vpop (xrf0)  }
0x42: {  	v6 =	vxor.u32 $0x80000000, v6  }
0x43: {  	v6 =	vsub.s32 v4, v6  }
0x44: {  	v6 =	vcvt.s32.f32 v6;
	_ =	sdelay $0x1  }
0x45: {  	[tilespmem:v5+s10+$0x0] =	vst.idx.add.f32.msk vm1, v6  }
0x46: {  	v5 =	vld [tilespmem:s14+$0x10];
	_ =	sdelay $0x4  }
0x47: {  	v6 =	vxor.u32 $0x80000000, v5  }
0x48: {  	(xrf1) =	vsort.ascd.msk.u32 $0xffff, v6, v5;
	_ =	sdelay $0xd  }
0x49: {  	v5, _, _ =	vpop (xrf1)  }
0x4a: {  	v5 =	vxor.u32 $0x80000000, v5  }
0x4b: {  	v6 =	vperm.xlane v5, v1;
	_ =	sdelay $0x1  }
0x4c: {  	vm1 =	veq.s32 v5, v6  }
0x4d: {  	v6 =	vsel vm1, $0x80000000, v3  }
0x4e: {  	(xrf0) =	vmax.scan.msk.u32 $0xffff, v6;
	_ =	sdelay $0x1  }
0x4f: {  	v6 =	vperm.xlane v5, v2;
	_ =	sdelay $0x1  }
0x50: {  	vm1 =	vne.s32 v5, v6  }
0x51: {  	vm1 =	vmor vm1, vm0  }
0x52: {  	v6, _, _ =	vpop (xrf0)  }
0x53: {  	v6 =	vxor.u32 $0x80000000, v6  }
0x54: {  	v6 =	vsub.s32 v4, v6  }
0x55: {  	v6 =	vcvt.s32.f32 v6;
	_ =	sdelay $0x1  }
0x56: {  	[tilespmem:v5+s10+$0x0] =	vst.idx.add.f32.msk vm1, v6  }
0x57: {  	v5 =	vld [tilespmem:s14+$0x20];
	_ =	sdelay $0x4  }
0x58: {  	v6 =	vxor.u32 $0x80000000, v5  }
0x59: {  	(xrf1) =	vsort.ascd.msk.u32 $0xffff, v6, v5;
	_ =	sdelay $0xd  }
0x5a: {  	v5, _, _ =	vpop (xrf1)  }
0x5b: {  	v5 =	vxor.u32 $0x80000000, v5  }
0x5c: {  	v6 =	vperm.xlane v5, v1;
	_ =	sdelay $0x1  }
0x5d: {  	vm1 =	veq.s32 v5, v6  }
0x5e: {  	v6 =	vsel vm1, $0x80000000, v3  }
0x5f: {  	(xrf0) =	vmax.scan.msk.u32 $0xffff, v6;
	_ =	sdelay $0x1  }
0x60: {  	v6 =	vperm.xlane v5, v2;
	_ =	sdelay $0x1  }
0x61: {  	vm1 =	vne.s32 v5, v6  }
0x62: {  	vm1 =	vmor vm1, vm0  }
0x63: {  	v6, _, _ =	vpop (xrf0)  }
0x64: {  	v6 =	vxor.u32 $0x80000000, v6  }
0x65: {  	v6 =	vsub.s32 v4, v6  }
0x66: {  	v6 =	vcvt.s32.f32 v6;
	_ =	sdelay $0x1  }
0x67: {  	[tilespmem:v5+s10+$0x0] =	vst.idx.add.f32.msk vm1, v6  }
0x68: {  	v5 =	vld [tilespmem:s14+$0x30];
	_ =	sdelay $0x4  }
0x69: {  	v6 =	vxor.u32 $0x80000000, v5  }
0x6a: {  	(xrf1) =	vsort.ascd.msk.u32 $0xffff, v6, v5;
	_ =	sdelay $0xd  }
0x6b: {  	v5, _, _ =	vpop (xrf1)  }
0x6c: {  	v5 =	vxor.u32 $0x80000000, v5  }
0x6d: {  	v6 =	vperm.xlane v5, v1;
	_ =	sdelay $0x1  }
0x6e: {  	vm1 =	veq.s32 v5, v6  }
0x6f: {  	v6 =	vsel vm1, $0x80000000, v3  }
0x70: {  	(xrf0) =	vmax.scan.msk.u32 $0xffff, v6;
	_ =	sdelay $0x1  }
0x71: {  	v6 =	vperm.xlane v5, v2;
	_ =	sdelay $0x1  }
0x72: {  	vm1 =	vne.s32 v5, v6  }
0x73: {  	vm1 =	vmor vm1, vm0  }
0x74: {  	v6, _, _ =	vpop (xrf0)  }
0x75: {  	v6 =	vxor.u32 $0x80000000, v6  }
0x76: {  	v6 =	vsub.s32 v4, v6  }
0x77: {  	v6 =	vcvt.s32.f32 v6;
	_ =	sdelay $0x1  }
0x78: {  	[tilespmem:v5+s10+$0x0] =	vst.idx.add.f32.msk vm1, v6  }
0x79: {  	v5 =	vld [tilespmem:s14+$0x40];
	_ =	sdelay $0x4  }
0x7a: {  	v6 =	vxor.u32 $0x80000000, v5  }
0x7b: {  	(xrf1) =	vsort.ascd.msk.u32 $0xffff, v6, v5;
	_ =	sdelay $0xd  }
0x7c: {  	v5, _, _ =	vpop (xrf1)  }
0x7d: {  	v5 =	vxor.u32 $0x80000000, v5  }
0x7e: {  	v6 =	vperm.xlane v5, v1;
	_ =	sdelay $0x1  }
0x7f: {  	vm1 =	veq.s32 v5, v6  }
0x80: {  	v6 =	vsel vm1, $0x80000000, v3  }
0x81: {  	(xrf0) =	vmax.scan.msk.u32 $0xffff, v6;
	_ =	sdelay $0x1  }
0x82: {  	v6 =	vperm.xlane v5, v2;
	_ =	sdelay $0x1  }
0x83: {  	vm1 =	vne.s32 v5, v6  }
0x84: {  	vm1 =	vmor vm1, vm0  }
0x85: {  	v6, _, _ =	vpop (xrf0)  }
0x86: {  	v6 =	vxor.u32 $0x80000000, v6  }
0x87: {  	v6 =	vsub.s32 v4, v6  }
0x88: {  	v6 =	vcvt.s32.f32 v6;
	_ =	sdelay $0x1  }
0x89: {  	[tilespmem:v5+s10+$0x0] =	vst.idx.add.f32.msk vm1, v6  }
0x8a: {  	v5 =	vld [tilespmem:s14+$0x50];
	_ =	sdelay $0x4  }
0x8b: {  	v6 =	vxor.u32 $0x80000000, v5  }
0x8c: {  	(xrf1) =	vsort.ascd.msk.u32 $0xffff, v6, v5;
	_ =	sdelay $0xd  }
0x8d: {  	v5, _, _ =	vpop (xrf1)  }
0x8e: {  	v5 =	vxor.u32 $0x80000000, v5  }
0x8f: {  	v6 =	vperm.xlane v5, v1;
	_ =	sdelay $0x1  }
0x90: {  	vm1 =	veq.s32 v5, v6  }
0x91: {  	v6 =	vsel vm1, $0x80000000, v3  }
0x92: {  	(xrf0) =	vmax.scan.msk.u32 $0xffff, v6;
	_ =	sdelay $0x1  }
0x93: {  	v6 =	vperm.xlane v5, v2;
	_ =	sdelay $0x1  }
0x94: {  	vm1 =	vne.s32 v5, v6  }
0x95: {  	vm1 =	vmor vm1, vm0  }
0x96: {  	v6, _, _ =	vpop (xrf0)  }
0x97: {  	v6 =	vxor.u32 $0x80000000, v6  }
0x98: {  	v6 =	vsub.s32 v4, v6  }
0x99: {  	v6 =	vcvt.s32.f32 v6;
	_ =	sdelay $0x1  }
0x9a: {  	[tilespmem:v5+s10+$0x0] =	vst.idx.add.f32.msk vm1, v6  }
0x9b: {  	v5 =	vld [tilespmem:s14+$0x60];
	_ =	sdelay $0x4  }
0x9c: {  	v6 =	vxor.u32 $0x80000000, v5  }
0x9d: {  	(xrf1) =	vsort.ascd.msk.u32 $0xffff, v6, v5;
	_ =	sdelay $0xd  }
0x9e: {  	v5, _, _ =	vpop (xrf1)  }
0x9f: {  	v5 =	vxor.u32 $0x80000000, v5  }
0xa0: {  	v6 =	vperm.xlane v5, v1;
	_ =	sdelay $0x1  }
0xa1: {  	vm1 =	veq.s32 v5, v6  }
0xa2: {  	v6 =	vsel vm1, $0x80000000, v3  }
0xa3: {  	(xrf0) =	vmax.scan.msk.u32 $0xffff, v6;
	_ =	sdelay $0x1  }
0xa4: {  	v6 =	vperm.xlane v5, v2;
	_ =	sdelay $0x1  }
0xa5: {  	vm1 =	vne.s32 v5, v6  }
0xa6: {  	vm1 =	vmor vm1, vm0  }
0xa7: {  	v6, _, _ =	vpop (xrf0)  }
0xa8: {  	v6 =	vxor.u32 $0x80000000, v6  }
0xa9: {  	v6 =	vsub.s32 v4, v6  }
0xaa: {  	v6 =	vcvt.s32.f32 v6;
	_ =	sdelay $0x1  }
0xab: {  	[tilespmem:v5+s10+$0x0] =	vst.idx.add.f32.msk vm1, v6  }
0xac: {  	v5 =	vld [tilespmem:s14+$0x70];
	_ =	sdelay $0x4  }
0xad: {  	v6 =	vxor.u32 $0x80000000, v5  }
0xae: {  	(xrf1) =	vsort.ascd.msk.u32 $0xffff, v6, v5;
	_ =	sdelay $0xd  }
0xaf: {  	v5, _, _ =	vpop (xrf1)  }
0xb0: {  	v5 =	vxor.u32 $0x80000000, v5  }
0xb1: {  	v6 =	vperm.xlane v5, v1;
	_ =	sdelay $0x1  }
0xb2: {  	vm1 =	veq.s32 v5, v6  }
0xb3: {  	v6 =	vsel vm1, $0x80000000, v3  }
0xb4: {  	(xrf0) =	vmax.scan.msk.u32 $0xffff, v6;
	_ =	sdelay $0x1  }
0xb5: {  	v6 =	vperm.xlane v5, v2;
	_ =	sdelay $0x1  }
0xb6: {  	vm1 =	vne.s32 v5, v6  }
0xb7: {  	vm1 =	vmor vm1, vm0  }
0xb8: {  	p0 =	sne.s32 s13, $0x13800;
	v6, _, _ =	vpop (xrf0)  }
.Ltmp2:
0xb9: {  	v6 =	vxor.u32 $0x80000000, v6;
	(pc) =	sbr.rel @p0 .LBB2_6-.Ltmp2, $3  }
0xba: {  	v6 =	vsub.s32 v4, v6  }
0xbb: {  	v6 =	vcvt.s32.f32 v6;
	_ =	sdelay $0x1  }
0xbc: {  	s13 =	sadd.s32 $0x200, s13;
	[tilespmem:v5+s10+$0x0] =	vst.idx.add.f32.msk vm1, v6  }
0xbd: {  	s13 =	simm.s32 $0x0  }
.LBB2_8:
0xbe: {  	s14 =	sshra.s32 s13, $0x2  }
0xbf: {  	v5 =	vld [tilespmem:s14+$0x5000];
	_ =	sdelay $0x4  }
0xc0: {  	v6 =	vxor.u32 $0x80000000, v5  }
0xc1: {  	(xrf1) =	vsort.ascd.msk.u32 $0xffff, v6, v5;
	_ =	sdelay $0xd  }
0xc2: {  	v5, _, _ =	vpop (xrf1)  }
0xc3: {  	v5 =	vxor.u32 $0x80000000, v5  }
0xc4: {  	v6 =	vperm.xlane v5, v1;
	_ =	sdelay $0x1  }
0xc5: {  	vm1 =	veq.s32 v5, v6  }
0xc6: {  	v6 =	vsel vm1, $0x80000000, v3  }
0xc7: {  	(xrf0) =	vmax.scan.msk.u32 $0xffff, v6;
	_ =	sdelay $0x1  }
0xc8: {  	v6 =	vperm.xlane v5, v2;
	_ =	sdelay $0x1  }
0xc9: {  	vm1 =	vne.s32 v5, v6  }
0xca: {  	vm1 =	vmor vm1, vm0  }
0xcb: {  	v6, _, _ =	vpop (xrf0)  }
0xcc: {  	v6 =	vxor.u32 $0x80000000, v6  }
0xcd: {  	v6 =	vsub.s32 v4, v6  }
0xce: {  	v6 =	vcvt.s32.f32 v6;
	_ =	sdelay $0x1  }
0xcf: {  	[tilespmem:v5+s11+$0x0] =	vst.idx.add.f32.msk vm1, v6  }
0xd0: {  	v5 =	vld [tilespmem:s14+$0x5010];
	_ =	sdelay $0x4  }
0xd1: {  	v6 =	vxor.u32 $0x80000000, v5  }
0xd2: {  	(xrf1) =	vsort.ascd.msk.u32 $0xffff, v6, v5;
	_ =	sdelay $0xd  }
0xd3: {  	v5, _, _ =	vpop (xrf1)  }
0xd4: {  	v5 =	vxor.u32 $0x80000000, v5  }
0xd5: {  	v6 =	vperm.xlane v5, v1;
	_ =	sdelay $0x1  }
0xd6: {  	vm1 =	veq.s32 v5, v6  }
0xd7: {  	v6 =	vsel vm1, $0x80000000, v3  }
0xd8: {  	(xrf0) =	vmax.scan.msk.u32 $0xffff, v6;
	_ =	sdelay $0x1  }
0xd9: {  	v6 =	vperm.xlane v5, v2;
	_ =	sdelay $0x1  }
0xda: {  	vm1 =	vne.s32 v5, v6  }
0xdb: {  	vm1 =	vmor vm1, vm0  }
0xdc: {  	v6, _, _ =	vpop (xrf0)  }
0xdd: {  	v6 =	vxor.u32 $0x80000000, v6  }
0xde: {  	v6 =	vsub.s32 v4, v6  }
0xdf: {  	v6 =	vcvt.s32.f32 v6;
	_ =	sdelay $0x1  }
0xe0: {  	[tilespmem:v5+s11+$0x0] =	vst.idx.add.f32.msk vm1, v6  }
0xe1: {  	v5 =	vld [tilespmem:s14+$0x5020];
	_ =	sdelay $0x4  }
0xe2: {  	v6 =	vxor.u32 $0x80000000, v5  }
0xe3: {  	(xrf1) =	vsort.ascd.msk.u32 $0xffff, v6, v5;
	_ =	sdelay $0xd  }
0xe4: {  	v5, _, _ =	vpop (xrf1)  }
0xe5: {  	v5 =	vxor.u32 $0x80000000, v5  }
0xe6: {  	v6 =	vperm.xlane v5, v1;
	_ =	sdelay $0x1  }
0xe7: {  	vm1 =	veq.s32 v5, v6  }
0xe8: {  	v6 =	vsel vm1, $0x80000000, v3  }
0xe9: {  	(xrf0) =	vmax.scan.msk.u32 $0xffff, v6;
	_ =	sdelay $0x1  }
0xea: {  	v6 =	vperm.xlane v5, v2;
	_ =	sdelay $0x1  }
0xeb: {  	vm1 =	vne.s32 v5, v6  }
0xec: {  	vm1 =	vmor vm1, vm0  }
0xed: {  	v6, _, _ =	vpop (xrf0)  }
0xee: {  	v6 =	vxor.u32 $0x80000000, v6  }
0xef: {  	v6 =	vsub.s32 v4, v6  }
0xf0: {  	v6 =	vcvt.s32.f32 v6;
	_ =	sdelay $0x1  }
0xf1: {  	[tilespmem:v5+s11+$0x0] =	vst.idx.add.f32.msk vm1, v6  }
0xf2: {  	v5 =	vld [tilespmem:s14+$0x5030];
	_ =	sdelay $0x4  }
0xf3: {  	v6 =	vxor.u32 $0x80000000, v5  }
0xf4: {  	(xrf1) =	vsort.ascd.msk.u32 $0xffff, v6, v5;
	_ =	sdelay $0xd  }
0xf5: {  	v5, _, _ =	vpop (xrf1)  }
0xf6: {  	v5 =	vxor.u32 $0x80000000, v5  }
0xf7: {  	v6 =	vperm.xlane v5, v1;
	_ =	sdelay $0x1  }
0xf8: {  	vm1 =	veq.s32 v5, v6  }
0xf9: {  	v6 =	vsel vm1, $0x80000000, v3  }
0xfa: {  	(xrf0) =	vmax.scan.msk.u32 $0xffff, v6;
	_ =	sdelay $0x1  }
0xfb: {  	v6 =	vperm.xlane v5, v2;
	_ =	sdelay $0x1  }
0xfc: {  	vm1 =	vne.s32 v5, v6  }
0xfd: {  	vm1 =	vmor vm1, vm0  }
0xfe: {  	v6, _, _ =	vpop (xrf0)  }
0xff: {  	v6 =	vxor.u32 $0x80000000, v6  }
0x100: {  	v6 =	vsub.s32 v4, v6  }
0x101: {  	v6 =	vcvt.s32.f32 v6;
	_ =	sdelay $0x1  }
0x102: {  	[tilespmem:v5+s11+$0x0] =	vst.idx.add.f32.msk vm1, v6  }
0x103: {  	v5 =	vld [tilespmem:s14+$0x5040];
	_ =	sdelay $0x4  }
0x104: {  	v6 =	vxor.u32 $0x80000000, v5  }
0x105: {  	(xrf1) =	vsort.ascd.msk.u32 $0xffff, v6, v5;
	_ =	sdelay $0xd  }
0x106: {  	v5, _, _ =	vpop (xrf1)  }
0x107: {  	v5 =	vxor.u32 $0x80000000, v5  }
0x108: {  	v6 =	vperm.xlane v5, v1;
	_ =	sdelay $0x1  }
0x109: {  	vm1 =	veq.s32 v5, v6  }
0x10a: {  	v6 =	vsel vm1, $0x80000000, v3  }
0x10b: {  	(xrf0) =	vmax.scan.msk.u32 $0xffff, v6;
	_ =	sdelay $0x1  }
0x10c: {  	v6 =	vperm.xlane v5, v2;
	_ =	sdelay $0x1  }
0x10d: {  	vm1 =	vne.s32 v5, v6  }
0x10e: {  	vm1 =	vmor vm1, vm0  }
0x10f: {  	v6, _, _ =	vpop (xrf0)  }
0x110: {  	v6 =	vxor.u32 $0x80000000, v6  }
0x111: {  	v6 =	vsub.s32 v4, v6  }
0x112: {  	v6 =	vcvt.s32.f32 v6;
	_ =	sdelay $0x1  }
0x113: {  	[tilespmem:v5+s11+$0x0] =	vst.idx.add.f32.msk vm1, v6  }
0x114: {  	v5 =	vld [tilespmem:s14+$0x5050];
	_ =	sdelay $0x4  }
0x115: {  	v6 =	vxor.u32 $0x80000000, v5  }
0x116: {  	(xrf1) =	vsort.ascd.msk.u32 $0xffff, v6, v5;
	_ =	sdelay $0xd  }
0x117: {  	v5, _, _ =	vpop (xrf1)  }
0x118: {  	v5 =	vxor.u32 $0x80000000, v5  }
0x119: {  	v6 =	vperm.xlane v5, v1;
	_ =	sdelay $0x1  }
0x11a: {  	vm1 =	veq.s32 v5, v6  }
0x11b: {  	v6 =	vsel vm1, $0x80000000, v3  }
0x11c: {  	(xrf0) =	vmax.scan.msk.u32 $0xffff, v6;
	_ =	sdelay $0x1  }
0x11d: {  	v6 =	vperm.xlane v5, v2;
	_ =	sdelay $0x1  }
0x11e: {  	vm1 =	vne.s32 v5, v6  }
0x11f: {  	vm1 =	vmor vm1, vm0  }
0x120: {  	v6, _, _ =	vpop (xrf0)  }
0x121: {  	v6 =	vxor.u32 $0x80000000, v6  }
0x122: {  	v6 =	vsub.s32 v4, v6  }
0x123: {  	v6 =	vcvt.s32.f32 v6;
	_ =	sdelay $0x1  }
0x124: {  	[tilespmem:v5+s11+$0x0] =	vst.idx.add.f32.msk vm1, v6  }
0x125: {  	v5 =	vld [tilespmem:s14+$0x5060];
	_ =	sdelay $0x4  }
0x126: {  	v6 =	vxor.u32 $0x80000000, v5  }
0x127: {  	(xrf1) =	vsort.ascd.msk.u32 $0xffff, v6, v5;
	_ =	sdelay $0xd  }
0x128: {  	v5, _, _ =	vpop (xrf1)  }
0x129: {  	v5 =	vxor.u32 $0x80000000, v5  }
0x12a: {  	v6 =	vperm.xlane v5, v1;
	_ =	sdelay $0x1  }
0x12b: {  	vm1 =	veq.s32 v5, v6  }
0x12c: {  	v6 =	vsel vm1, $0x80000000, v3  }
0x12d: {  	(xrf0) =	vmax.scan.msk.u32 $0xffff, v6;
	_ =	sdelay $0x1  }
0x12e: {  	v6 =	vperm.xlane v5, v2;
	_ =	sdelay $0x1  }
0x12f: {  	vm1 =	vne.s32 v5, v6  }
0x130: {  	vm1 =	vmor vm1, vm0  }
0x131: {  	v6, _, _ =	vpop (xrf0)  }
0x132: {  	v6 =	vxor.u32 $0x80000000, v6  }
0x133: {  	v6 =	vsub.s32 v4, v6  }
0x134: {  	v6 =	vcvt.s32.f32 v6;
	_ =	sdelay $0x1  }
0x135: {  	[tilespmem:v5+s11+$0x0] =	vst.idx.add.f32.msk vm1, v6  }
0x136: {  	v5 =	vld [tilespmem:s14+$0x5070];
	_ =	sdelay $0x4  }
0x137: {  	v6 =	vxor.u32 $0x80000000, v5  }
0x138: {  	(xrf1) =	vsort.ascd.msk.u32 $0xffff, v6, v5;
	_ =	sdelay $0xd  }
0x139: {  	v5, _, _ =	vpop (xrf1)  }
0x13a: {  	v5 =	vxor.u32 $0x80000000, v5  }
0x13b: {  	v6 =	vperm.xlane v5, v1;
	_ =	sdelay $0x1  }
0x13c: {  	vm1 =	veq.s32 v5, v6  }
0x13d: {  	v6 =	vsel vm1, $0x80000000, v3  }
0x13e: {  	(xrf0) =	vmax.scan.msk.u32 $0xffff, v6;
	_ =	sdelay $0x1  }
0x13f: {  	v6 =	vperm.xlane v5, v2;
	_ =	sdelay $0x1  }
0x140: {  	vm1 =	vne.s32 v5, v6  }
0x141: {  	vm1 =	vmor vm1, vm0  }
0x142: {  	p0 =	sne.s32 s13, $0x13800;
	v6, _, _ =	vpop (xrf0)  }
.Ltmp3:
0x143: {  	v6 =	vxor.u32 $0x80000000, v6;
	(pc) =	sbr.rel @p0 .LBB2_8-.Ltmp3, $3  }
0x144: {  	v6 =	vsub.s32 v4, v6  }
0x145: {  	v6 =	vcvt.s32.f32 v6;
	_ =	sdelay $0x1  }
0x146: {  	s13 =	sadd.s32 $0x200, s13;
	[tilespmem:v5+s11+$0x0] =	vst.idx.add.f32.msk vm1, v6  }
0x147: {  	[hbm4b:s5+s2] =	stream.linear.scatter [tilespmem:s10], [sflag:$0x1], $0x2800, $0x38;
	[tilespmem:$0xF000] =	vst v63  }
0x148: {  	s12 =	sadd.s32 $0x1, s12;
	_ =	swait.ge [sflag:s8], $0x2800  }
0x149: {  	p0 =	sne.s32 s12, s7;
	[sflag:s8] =	ssyncset.done $0x0  }
.Ltmp4:
0x14a: {  	[sflag:s8] =	ssyncadd.s32 $0xFFFFD800;
	(pc) =	sbr.rel @p0 .LBB2_1-.Ltmp4, $4  }
0x14b: {  	[hbm4b:s6+s2] =	stream.linear.scatter [tilespmem:s11], [sflag:$0x1], $0x2800, $0x38;
	[tilespmem:$0xF000] =	vst v63  }
0x14c: {  	_ =	swait.ge [sflag:s8], $0x2800  }
0x14d: {  	[sflag:s8] =	ssyncset.done $0x0  }
0x14e: {  	[sflag:s8] =	ssyncadd.s32 $0xFFFFD800  }
0x14f: {  	_ =	sfence.sel $0x180000  }
0x150: {  	[bflag:$0x0] =	sbarrier.arrive $0xFFFF  }
0x151: {  	p0 =	sne.s32 s0, $0x0;
	_ =	strace $0x90000047  }
0x152: {  	s0 =	sadd.s32 @!p0 $0x100000, s1;
	[bflag:$0x2] =	sbarrier.arrive $0xFFFF  }
0x153: {  	[sflag:s0] =	ssyncadd.tile.s32 @!p0 $0x1;
	_ =	shalt  }
.Lfunc_end2:
_tile_overlayer_lowered:
.L_overlay_start_2:
0x154: {  	(tag) =	ssettag $0x2  }
0x155: {  	s0 =	rddreg [dreg:$0x0];
	s2 =	stileid.u32  }
0x156: {  	s1 =	rddreg [dreg:$0x1];
	p0 =	sne.s32 s2, $0x0  }
0x157: {  	s3 =	rddreg [dreg:$0x2];
	[bflag:$0x3] =	sbarrier.arrive $0xFFFF;
	s2 =	simm.s32 @!p0 $0x1C01  }
0x158: {  	[timem:s3], [sflag:s2] =	dma.local @!p0 [hbm:s0], s1  }
0x159: {  	s0 =	simm.s32 @!p0 $0x1  }
0x15a: {  	_ =	swait.ge @!p0 [sflag:s0], s1  }
0x15b: {  	s1 =	ssub.s32 @!p0 $0x0, s1;
	[sflag:s0] =	ssyncset.done @!p0 $0x0  }
0x15c: {  	[sflag:s0] =	ssyncadd.s32 @!p0 s1  }
0x15d: {  	[bflag:$0x3] =	sbarrier.arrive $0xFFFF  }
0x15e: {  	_ =	shalt  }

// kernel: kernel.14.cloned.1.call-start
scs
__scs_entry_jumppad:
0x0: {  	(pc) =	sbr.rel $0x88, $3  }
0x1: {  	(tag) =	ssettag $0x0;
	lr =	simm.s32 $0x1  }
0x2: {  	[smem:$0x3F99] =	sst lr;
	_ =	strace $0xD0000000  }
0x3: {  	_ = 	snop  }
0x4: {  	_ = 	snop  }
0x5: {  	_ = 	snop  }
0x6: {  	_ = 	snop  }
0x7: {  	_ = 	snop  }
__scs_overlays_trampoline_lowered:
0x8: {  	[smem:$0x3FA8] =	sst s0  }
0x9: {  	[smem:$0x3FA9] =	sst s1  }
0xa: {  	[smem:$0x3FAA] =	sst s2  }
0xb: {  	[smem:$0x3FAB] =	sst s3  }
0xc: {  	[smem:$0x3FAC] =	sst s4  }
0xd: {  	[smem:$0x3FAD] =	sst s5  }
0xe: {  	[smem:$0x3FAE] =	sst s6  }
0xf: {  	[smem:$0x3FAF] =	sst s7  }
0x10: {  	[smem:$0x3FB0] =	sst s8  }
0x11: {  	[smem:$0x3FB1] =	sst s9;
	s0 =	simm.s32 @!p0 $0x0  }
0x12: {  	s1 =	sld [smem:$0x3F97];
	s0 =	simm.s32 @p0 $0x1  }
0x13: {  	[smem:$0x3FB2] =	sst s0;
	s0 =	simm.s32 @!p1 $0x0  }
0x14: {  	s2 =	sld [smem:$0x3F96];
	s0 =	simm.s32 @p1 $0x1  }
0x15: {  	[smem:$0x3FB3] =	sst s0;
	s0 =	simm.s32 @!p2 $0x0  }
0x16: {  	s3 =	sld [smem:$0x3FDB];
	s0 =	simm.s32 @p2 $0x1  }
0x17: {  	s4 =	simm.s32 $0x1BF5;
	[smem:$0x3FB5] =	sst s0  }
0x18: {  	s0 =	sld [smem:$0x3F98];
	_ =	swait.ge [sflag:s4], $0x0  }
0x19: {  	s7 =	sld [smem:$0x3F99]  }
0x1a: {  	s8 =	sadd.s32 $0xFFFFE003, lr  }
0x1b: {  	s9 =	sadd.s32 $0xFFFFFEF7, lr;
	s5 =	simm.s32 $0xFFFFFFFF;
	p2 =	slt.u32 s8, $0xFFFFF086  }
0x1c: {  	p1 =	slt.u32 s9, $0xF7A;
	s5 =	simm.s32 @!p2 $0x0  }
0x1d: {  	s5 =	simm.s32 @p1 $0x1;
	p0 =	seq.s32 s7, s2  }
0x1e: {  	s7 =	smul.u32 @!p0 $0xF7A, s2;
	p2 =	seq.s32 @!p0 s5, $0x0  }
0x1f: {  	s9 =	smul.u32 $0xF7A, s1;
	s8 =	simm.s32 @!p0 $0x1BF5;
	p2 =	por !p2, p0  }
0x20: {  	[sflag:s8] =	ssyncset.s32 @!p0 $0xFFFFF086;
	s6 =	sadd.s32 @!p0 s3, s7;
	s7 =	simm.s32 @!p0 $0x108  }
0x21: {  	s3 =	sadd.s32 s3, s9;
	s6 =	sadd.s32 @!p0 $0x88, s6;
	s7 =	simm.s32 @p2 $0x1082  }
0x22: {  	[simem:s7], [sflag:s8] =	dma.local @!p0 [hbm:s6], $0xF7A  }
0x23: {  	s9 =	sor.u32 $0xD0000000, s2;
	s6 =	simm.s32 $0x108;
	_ =	swait.ge @!p0 [sflag:s8], $0x0  }
0x24: {  	s3 =	sadd.s32 $0x88, s3;
	s6 =	simm.s32 @!p1 $0x1082;
	[sflag:s4] =	ssyncset.s32 $0xFFFFF086  }
0x25: {  	[simem:s6], [sflag:s4] =	dma.local [hbm:s3], $0xF7A  }
0x26: {  	[smem:$0x3F99] =	sst s1;
	(tag) =	ssettag s2;
	_ =	strace s9  }
0x27: {  	s1 =	sld [smem:$0x3FA9]  }
0x28: {  	s2 =	sld [smem:$0x3FAA]  }
0x29: {  	s4 =	sld [smem:$0x3FAC]  }
0x2a: {  	p0 =	seq.s32 s5, $0x0;
	s5 =	sld [smem:$0x3FAD]  }
0x2b: {  	s6 =	sld [smem:$0x3FAE]  }
0x2c: {  	s7 =	sld [smem:$0x3FAF]  }
0x2d: {  	s3 =	simm.s32 $0x108;
	s8 =	sld [smem:$0x3FB0]  }
0x2e: {  	s3 =	simm.s32 @!p0 $0x1082;
	s9 =	sld [smem:$0x3FB1]  }
0x2f: {  	lr =	sadd.s32 s0, s3;
	s0 =	sld [smem:$0x3FA8]  }
0x30: {  	s3 =	sld [smem:$0x3FAB]  }
0x31: {  	[smem:$0x3FB4] =	sst s10  }
0x32: {  	s10 =	sld [smem:$0x3FB2];
	_ =	sdelay $0x3  }
0x33: {  	p0 =	seq.s32 s10, $0x1;
	s10 =	sld [smem:$0x3FB4];
	_ =	sdelay $0x3  }
0x34: {  	[smem:$0x3FB4] =	sst s10  }
0x35: {  	s10 =	sld [smem:$0x3FB3];
	_ =	sdelay $0x3  }
0x36: {  	p1 =	seq.s32 s10, $0x1;
	s10 =	sld [smem:$0x3FB4];
	_ =	sdelay $0x3  }
0x37: {  	[smem:$0x3FB4] =	sst s10  }
0x38: {  	s10 =	sld [smem:$0x3FB5]  }
0x39: {  	_ = 	snop;
	(pc) =	sbr.ind lr, $3  }
0x3a: {  	_ = 	snop  }
0x3b: {  	_ = 	snop  }
0x3c: {  	p2 =	seq.s32 s10, $0x1;
	s10 =	sld [smem:$0x3FB4]  }
0x3d: {  	_ =	shalt  }
0x3e: {  	_ =	shalt  }
0x3f: {  	_ =	shalt  }
0x40: {  	_ =	shalt  }
0x41: {  	_ =	shalt  }
0x42: {  	_ =	shalt  }
0x43: {  	_ =	shalt  }
0x44: {  	_ =	shalt  }
0x45: {  	_ =	shalt  }
0x46: {  	_ =	shalt  }
0x47: {  	_ =	shalt  }
0x48: {  	_ =	shalt  }
0x49: {  	_ =	shalt  }
0x4a: {  	_ =	shalt  }
0x4b: {  	_ =	shalt  }
0x4c: {  	_ =	shalt  }
0x4d: {  	_ =	shalt  }
0x4e: {  	_ =	shalt  }
0x4f: {  	_ =	shalt  }
0x50: {  	_ =	shalt  }
0x51: {  	_ =	shalt  }
0x52: {  	_ =	shalt  }
0x53: {  	_ =	shalt  }
0x54: {  	_ =	shalt  }
0x55: {  	_ =	shalt  }
0x56: {  	_ =	shalt  }
0x57: {  	_ =	shalt  }
0x58: {  	_ =	shalt  }
0x59: {  	_ =	shalt  }
0x5a: {  	_ =	shalt  }
0x5b: {  	_ =	shalt  }
0x5c: {  	_ =	shalt  }
0x5d: {  	_ =	shalt  }
0x5e: {  	_ =	shalt  }
0x5f: {  	_ =	shalt  }
0x60: {  	_ =	shalt  }
0x61: {  	_ =	shalt  }
0x62: {  	_ =	shalt  }
0x63: {  	_ =	shalt  }
0x64: {  	_ =	shalt  }
0x65: {  	_ =	shalt  }
0x66: {  	_ =	shalt  }
0x67: {  	_ =	shalt  }
0x68: {  	_ =	shalt  }
0x69: {  	_ =	shalt  }
0x6a: {  	_ =	shalt  }
0x6b: {  	_ =	shalt  }
0x6c: {  	_ =	shalt  }
0x6d: {  	_ =	shalt  }
0x6e: {  	_ =	shalt  }
0x6f: {  	_ =	shalt  }
0x70: {  	_ =	shalt  }
0x71: {  	_ =	shalt  }
0x72: {  	_ =	shalt  }
0x73: {  	_ =	shalt  }
0x74: {  	_ =	shalt  }
0x75: {  	_ =	shalt  }
0x76: {  	_ =	shalt  }
0x77: {  	_ =	shalt  }
0x78: {  	_ =	shalt  }
0x79: {  	_ =	shalt  }
0x7a: {  	_ =	shalt  }
0x7b: {  	_ =	shalt  }
0x7c: {  	_ =	shalt  }
0x7d: {  	_ =	shalt  }
0x7e: {  	_ =	shalt  }
0x7f: {  	_ =	shalt  }
0x80: {  	_ =	shalt  }
0x81: {  	_ =	shalt  }
0x82: {  	_ =	shalt  }
0x83: {  	_ =	shalt  }
0x84: {  	_ =	shalt  }
0x85: {  	_ =	shalt  }
0x86: {  	_ =	shalt  }
0x87: {  	_ =	shalt  }
.Lfunc_end0:
.L_simem_size_0:
called_computation.1_lowered:
.L_overlay_start_0:
0x88: {  	s2 =	sld [smem:$0x3FD9]  }
0x89: {  	s3 =	sld [smem:$0x3FFE];
	_ =	sdelay $0x1  }
0x8a: {  	s1 =	srdreg.scid  }
0x8b: {  	s0 =	sand.u32 $0x1, s1  }
0x8c: {  	s16 =	sshll.u32 s0, $0xA;
	s2 =	sadd.s32 s3, s2  }
0x8d: {  	s2 =	sadd.s32 s2, s16  }
0x8e: {  	[smem:$0x3FC0] =	sst s2  }
0x8f: {  	_ = 	snop  }
0x90: {  	(tm) =	ssettm $0x1  }
0x91: {  	s17 =	sld [smem:$0x3FFB];
	_ =	sdelay $0x3  }
0x92: {  	_ =	strace s17  }
0x93: {  	s2 =	sld [smem:$0x3FFC];
	_ =	sdelay $0x3  }
0x94: {  	_ =	strace s2  }
0x95: {  	s2 =	sld [smem:$0x3FFD];
	_ =	sdelay $0x3  }
0x96: {  	_ =	strace s2  }
0x97: {  	_ =	strace $0x8FFFFFFF  }
0x98: {  	s18 =	sld [smem:$0x3FDB];
	_ =	sdelay $0x1  }
0x99: {  	s19 =	simm.s32 $_scs_section_size  }
0x9a: {  	s4 =	simm.s32 $_size__tile_overlayer_lowered;
	s5 =	simm.s32 $_tile_overlayer_lowered  }
0x9b: {  	s22 =	simm.s32 $0x1BFF;
	s21 =	sshll.u32 s5, $0x1;
	s2 =	sadd.s32 s19, s18  }
0x9c: {  	s6 =	simm.s32 $0x0;
	s20 =	sshll.u32 s4, $0x1;
	s4 =	sadd.s32 s21, s2  }
0x9d: {  	[timem:s6], [sflag:s22] =	dma.local [hbm:s4], s20  }
0x9e: {  	_ =	swait.ge [sflag:s22], s20  }
0x9f: {  	s3 =	ssub.s32 $0x0, s20;
	[sflag:s22] =	ssyncset.done $0x0  }
0xa0: {  	[sflag:s22] =	ssyncadd.s32 s3;
	_ =	sdelay $0x1  }
0xa1: {  	s23 =	simm.s32 $0x1B8B  }
0xa2: {  	_ =	swait.ge [sflag:s23], $0x1  }
0xa3: {  	[sflag:s23] =	ssyncset.done $0x0  }
0xa4: {  	s25 =	simm.s32 $0x1B8E;
	s24 =	sld [smem:$0x3FFE];
	[sflag:s23] =	ssyncadd.s32 $0xFFFFFFFF  }
0xa5: {  	s26 =	simm.s32 $execute0_lowered;
	[smem:$0x3FD2] =	sst s25  }
0xa6: {  	s4 =	sshll.u32 s26, $0x1;
	_ =	strace $0x80000049;
	[dreg:$0x1] =	wrdreg $0xFFFFFFFF  }
0xa7: {  	s28 =	simm.s32 $_size_execute0_lowered;
	s2 =	sadd.s32 s2, s4;
	[dreg:$0x0] =	wrdreg $0x0  }
0xa8: {  	s4 =	sshll.u32 s28, $0x1;
	[dreg:$0x2] =	wrdreg s2  }
0xa9: {  	[dreg:$0x3] =	wrdreg s4  }
0xaa: {  	[dreg:$0x4] =	wrdreg $0xC0  }
0xab: {  	_ =	task [dreg:s6], $0x5FFFF  }
0xac: {  	[dreg:$0x1] =	wrdreg $0xFFFFFFFF  }
0xad: {  	[dreg:$0x0] =	wrdreg $0x60  }
0xae: {  	[dreg:$0x2] =	wrdreg s24  }
0xaf: {  	[dreg:$0x3] =	wrdreg $0xAC000  }
0xb0: {  	[dreg:$0x4] =	wrdreg $0x9  }
0xb1: {  	_ =	task.clear_ibuf [dreg:s6], $0x5FFFF;
	_ =	strace $0x90000049  }
0xb2: {  	s29 =	simm.s32 $0x9;
	_ =	strace $0x8000004B  }
0xb3: {  	_ =	swait.ge [sflag:s29], $0x1  }
0xb4: {  	[sflag:s29] =	ssyncadd.s32 $0xFFFFFFFF  }
0xb5: {  	_ =	strace $0x9000004B  }
0xb6: {  	_ =	sfence  }
0xb7: {  	s30 =	sld [smem:$0x0];
	_ =	sdelay $0x2  }
0xb8: {  	s31 =	sshll.u32 s1, $0xD;
	s1 =	sshrl.u32 s1, $0x2  }
0xb9: {  	s3 =	sand.u32 $0x4000, s31;
	s1 =	sadd.s32 s1, s30  }
0xba: {  	s0 =	sor.u32 s3, s0;
	s1 =	sshll.u32 s1, $0x11  }
0xbb: {  	s0 =	sor.u32 s1, s0  }
0xbc: {  	s0 =	sadd.s32 $0x8F2B, s0  }
0xbd: {  	[sflag:s0] =	ssyncadd.remote.s32 $0x1  }
0xbe: {  	_ =	sfence.sel $0xFFFF  }
0xbf: {  	[dreg:$0x0] =	wrdreg $0xFFFFFFFF;
	(pc) =	sbr.abs _section_cstart, $3  }
0xc0: {  	[dreg:$0x1] =	wrdreg $0xFFFFFFFF  }
0xc1: {  	_ =	task.clear_ibuf [dreg:s6], $0x2FFFF;
	_ =	strace $0x9FFFFFFF  }
0xc2: {  	(tm) =	ssettm $0x7FFFFFFF  }
0xc3: {  	_ =	shalt  }
tec
execute0_lowered:
.L_overlay_start_1:
0x0: {  	(tag) =	ssettag $0x1  }
0x1: {  	s5 =	rddreg [dreg:$0x0]  }
0x2: {  	s1 =	rddreg [dreg:$0x1];
	s2 =	srdreg.scid  }
0x3: {  	s0 =	rddreg [dreg:$0x2];
	s3 =	simm.s32 $0x0;
	s14 =	simm.s32 $0x1400  }
0x4: {  	s15 =	simm.s32 $0x7D;
	s16 =	simm.s32 $0x2800;
	s17 =	simm.s32 $0x6800  }
0x5: {  	s18 =	simm.s32 $0x1;
	s19 =	simm.s32 $0x2;
	s6 =	sand.u32 $0x1, s2  }
0x6: {  	s20 =	simm.s32 $0x1380;
	s2 =	stileid.u32;
	s7 =	smul.u32 $0x13C000, s6  }
0x7: {  	s21 =	simm.s32 $0x2700;
	s22 =	simm.s32 $0x2780;
	s8 =	smul.u32 $0x13C00, s2  }
0x8: {  	[smem:$0x7FF] =	sst s3;
	s4 =	sadd.s32 $0x1400, s5;
	s9 =	smul.u32 $0x4F000, s2  }
0x9: {  	s10 =	sadd.s32 $0x47400, s5;
	s12 =	sadd.s32 $0x3D400, s5;
	s26 =	smul.u32 $0x28000, s6  }
0xa: {  	_ =	strace $0x8000004A;
	s11 =	smul.u32 $0x2800, s2;
	s28 =	ssub.s32 $0x2, s6  }
0xb: {  	s6 =	sshrl.u32 s28, $0x1;
	s7 =	sadd.s32 s8, s7;
	s29 =	sshrl.u32 s9, $0x2  }
0xc: {  	s8 =	sadd.s32 s11, s26;
	s30 =	ssub.s32 s28, s6;
	s7 =	sshrl.u32 s7, $0x3  }
0xd: {  	s8 =	sshrl.u32 s8, $0x3;
	s11 =	smax.u32 s30, $0x1;
	s13 =	sadd.s32 s7, s5  }
0xe: {  	s5 =	sadd.s32 s29, s1;
	s6 =	sadd.s32 s10, s8;
	s31 =	sadd.s32 $0x280, s8  }
0xf: {  	s7 =	sadd.s32 s12, s8;
	s8 =	sadd.s32 s10, s31;
	s9 =	sadd.s32 s12, s31  }
0x10: {  	v0 =	vimm.f32 $0.0e+00;
	s10 =	sadd.s32 $0x51400, s13;
	s12 =	simm.s32 $0xA800;
	s13 =	simm.s32 $0x3  }
.LBB2_1:
0x11: {  	[tilespmem:$0xA800] =	vst v0  }
0x12: {  	[tilespmem:$0xA810] =	vst v0  }
0x13: {  	[tilespmem:$0xA820] =	vst v0  }
0x14: {  	[tilespmem:$0xA830] =	vst v0  }
0x15: {  	[tilespmem:$0xA840] =	vst v0  }
0x16: {  	[tilespmem:$0xA850] =	vst v0  }
0x17: {  	[tilespmem:$0xA860] =	vst v0  }
0x18: {  	[tilespmem:$0xA870] =	vst v0  }
0x19: {  	[tilespmem:$0xA880] =	vst v0  }
0x1a: {  	[tilespmem:$0xA890] =	vst v0  }
0x1b: {  	[tilespmem:$0xA8A0] =	vst v0  }
0x1c: {  	[tilespmem:$0xA8B0] =	vst v0  }
0x1d: {  	[tilespmem:$0xA8C0] =	vst v0  }
0x1e: {  	[tilespmem:$0xA8D0] =	vst v0  }
0x1f: {  	[tilespmem:$0xA8E0] =	vst v0  }
0x20: {  	[tilespmem:$0xA8F0] =	vst v0  }
0x21: {  	[tilespmem:$0xA900] =	vst v0  }
0x22: {  	[tilespmem:$0xA910] =	vst v0  }
0x23: {  	[tilespmem:$0xA920] =	vst v0  }
0x24: {  	[tilespmem:$0xA930] =	vst v0  }
0x25: {  	[tilespmem:$0xA940] =	vst v0  }
0x26: {  	[tilespmem:$0xA950] =	vst v0  }
0x27: {  	[tilespmem:$0xA960] =	vst v0  }
0x28: {  	[tilespmem:$0xA970] =	vst v0  }
0x29: {  	[tilespmem:$0xA980] =	vst v0  }
0x2a: {  	[tilespmem:$0xA990] =	vst v0  }
0x2b: {  	[tilespmem:$0xA9A0] =	vst v0  }
0x2c: {  	[tilespmem:$0xA9B0] =	vst v0  }
0x2d: {  	[tilespmem:$0xA9C0] =	vst v0  }
0x2e: {  	[tilespmem:$0xA9D0] =	vst v0  }
0x2f: {  	[tilespmem:$0xA9E0] =	vst v0  }
0x30: {  	[tilespmem:$0xA9F0] =	vst v0  }
0x31: {  	[tilespmem:$0xAA00] =	vst v0  }
0x32: {  	[tilespmem:$0xAA10] =	vst v0  }
0x33: {  	[tilespmem:$0xAA20] =	vst v0  }
0x34: {  	[tilespmem:$0xAA30] =	vst v0  }
0x35: {  	[tilespmem:$0xAA40] =	vst v0  }
0x36: {  	[tilespmem:$0xAA50] =	vst v0  }
0x37: {  	[tilespmem:$0xAA60] =	vst v0  }
0x38: {  	[tilespmem:$0xAA70] =	vst v0  }
0x39: {  	[tilespmem:$0xAA80] =	vst v0  }
0x3a: {  	[tilespmem:$0xAA90] =	vst v0  }
0x3b: {  	[tilespmem:$0xAAA0] =	vst v0  }
0x3c: {  	[tilespmem:$0xAAB0] =	vst v0  }
0x3d: {  	[tilespmem:$0xAAC0] =	vst v0  }
0x3e: {  	[tilespmem:$0xAAD0] =	vst v0  }
0x3f: {  	[tilespmem:$0xAAE0] =	vst v0  }
0x40: {  	[tilespmem:$0xAAF0] =	vst v0  }
0x41: {  	[tilespmem:$0xAB00] =	vst v0  }
0x42: {  	[tilespmem:$0xAB10] =	vst v0  }
0x43: {  	[tilespmem:$0xAB20] =	vst v0  }
0x44: {  	[tilespmem:$0xAB30] =	vst v0  }
0x45: {  	[tilespmem:$0xAB40] =	vst v0  }
0x46: {  	[tilespmem:$0xAB50] =	vst v0  }
0x47: {  	[tilespmem:$0xAB60] =	vst v0  }
0x48: {  	[tilespmem:$0xAB70] =	vst v0  }
0x49: {  	[tilespmem:$0xAB80] =	vst v0  }
0x4a: {  	[tilespmem:$0xAB90] =	vst v0  }
0x4b: {  	[tilespmem:$0xABA0] =	vst v0  }
0x4c: {  	[tilespmem:$0xABB0] =	vst v0  }
0x4d: {  	[tilespmem:$0xABC0] =	vst v0  }
0x4e: {  	[tilespmem:$0xABD0] =	vst v0  }
0x4f: {  	[tilespmem:$0xABE0] =	vst v0  }
0x50: {  	[tilespmem:$0xABF0] =	vst v0;
	s23 =	sadd.s32 $0x0, s5  }
0x51: {  	[spmem:s23] =	stream.linear.scatter [tilespmem:s12], [sflag:$0x3], $0x400, $0x38;
	[tilespmem:$0x1E800] =	vst v63  }
0x52: {  	s23 =	simm.s32 $0x1000;
	_ =	swait.ge [sflag:s13], $0x400  }
.LBB2_2:
0x53: {  	s24 =	sshra.s32 s23, $0x2;
	[sflag:s13] =	ssyncset.done $0x0;
	p0 =	sne.s32 s23, $0x4E000  }
.Ltmp0:
0x54: {  	s24 =	sadd.s32 s24, s5;
	[sflag:s13] =	ssyncadd.s32 $0xFFFFFC00;
	(pc) =	sbr.rel @p0 .LBB2_2-.Ltmp0, $3  }
0x55: {  	[spmem:s24] =	stream.linear.scatter [tilespmem:s12], [sflag:$0x3], $0x400, $0x38;
	[tilespmem:$0x1E800] =	vst v63  }
0x56: {  	s23 =	sadd.s32 $0x1000, s23;
	_ =	sdelay $0x1  }
0x57: {  	_ =	swait.ge [sflag:s13], $0x400  }
0x58: {  	[sflag:s13] =	ssyncset.done $0x0  }
0x59: {  	[sflag:s13] =	ssyncadd.s32 $0xFFFFFC00  }
0x5a: {  	s23 =	simm.s32 $0x0;
	[bflag:$0x0] =	sbarrier.arrive $0xFFFF  }
0x5b: {  	[tilespmem:s23], [sflag:$0x3] =	stream.linear.gather [hbm4b:s6+s23], $0x1400, $0x38;
	[tilespmem:$0x1E800] =	vst v63  }
0x5c: {  	_ =	swait.ge [sflag:s13], $0x1400  }
0x5d: {  	[sflag:s13] =	ssyncset.done $0x0  }
0x5e: {  	[sflag:s13] =	ssyncadd.s32 $0xFFFFEC00  }
0x5f: {  	[tilespmem:s14], [sflag:$0x3] =	stream.linear.gather [hbm4b:s7+s23], $0x1400, $0x38;
	[tilespmem:$0x1E800] =	vst v63  }
0x60: {  	_ =	swait.ge [sflag:s13], $0x1400  }
0x61: {  	[sflag:s13] =	ssyncset.done $0x0  }
0x62: {  	[sflag:s13] =	ssyncadd.s32 $0xFFFFEC00  }
0x63: {  	[tilespmem:s16], [sflag:$0x1] =	stream.indirect.gather [hbm4b:s4+s15], $0x80, s23, s15, $0xb8;
	[tilespmem:$0x1E800] =	vst v63  }
0x64: {  	s28 =	simm.s32 $0x80  }
0x65: {  	[tilespmem:s17], [sflag:$0x2] =	stream.indirect.gather [hbm4b:s4+s15], $0x80, s28, s15, $0xb8;
	[tilespmem:$0x1E800] =	vst v63  }
0x66: {  	_ =	swait.ge [sflag:s18], $0x3E80  }
0x67: {  	[sflag:s18] =	ssyncset.done $0x0  }
0x68: {  	s29 =	simm.s32 $0x1400;
	[sflag:s18] =	ssyncadd.s32 $0xFFFFC180  }
0x69: {  	[spmem:s1] =	stream.indirect.scatter.add.f32 [tilespmem:s16], [sflag:$0x3], $0x80, s29, s15, $0xb8;
	[tilespmem:$0x1E800] =	vst v63  }
0x6a: {  	_ =	swait.ge [sflag:s13], $0x3E80  }
0x6b: {  	[sflag:s13] =	ssyncset.done $0x0  }
0x6c: {  	s30 =	simm.s32 $0x100;
	[sflag:s13] =	ssyncadd.s32 $0xFFFFC180  }
0x6d: {  	[tilespmem:s16], [sflag:$0x1] =	stream.indirect.gather [hbm4b:s4+s15], $0x80, s30, s15, $0xb8;
	[tilespmem:$0x1E800] =	vst v63  }
0x6e: {  	_ =	swait.ge [sflag:s19], $0x3E80  }
0x6f: {  	[sflag:s19] =	ssyncset.done $0x0  }
0x70: {  	s31 =	simm.s32 $0x1480;
	[sflag:s19] =	ssyncadd.s32 $0xFFFFC180  }
0x71: {  	[spmem:s1] =	stream.indirect.scatter.add.f32 [tilespmem:s17], [sflag:$0x3], $0x80, s31, s15, $0xb8;
	[tilespmem:$0x1E800] =	vst v63  }
0x72: {  	_ =	swait.ge [sflag:s13], $0x3E80  }
0x73: {  	s24 =	simm.s32 $0x800;
	s23 =	simm.s32 $0x100;
	[sflag:s13] =	ssyncset.done $0x0  }
.LBB2_4:
0x74: {  	s25 =	sadd.s32 $0x80, s23  }
0x75: {  	[sflag:s13] =	ssyncadd.s32 $0xFFFFC180;
	s26 =	smov.u32 s24;
	s28 =	sadd.s32 $0x400, s24  }
0x76: {  	[tilespmem:s17], [sflag:$0x2] =	stream.indirect.gather [hbm4b:s4+s15], $0x80, s25, s15, $0xb8;
	[tilespmem:$0x1E800] =	vst v63  }
0x77: {  	p0 =	sne.s32 s24, $0x4800;
	_ =	swait.ge [sflag:s18], $0x3E80  }
0x78: {  	[sflag:s18] =	ssyncset.done $0x0  }
0x79: {  	s24 =	sadd.s32 $0x1400, s23;
	[sflag:s18] =	ssyncadd.s32 $0xFFFFC180  }
0x7a: {  	[spmem:s1] =	stream.indirect.scatter.add.f32 [tilespmem:s16], [sflag:$0x3], $0x80, s24, s15, $0xb8;
	[tilespmem:$0x1E800] =	vst v63  }
0x7b: {  	_ =	swait.ge [sflag:s13], $0x3E80  }
0x7c: {  	[sflag:s13] =	ssyncset.done $0x0  }
0x7d: {  	s24 =	sadd.s32 $0x100, s23;
	[sflag:s13] =	ssyncadd.s32 $0xFFFFC180  }
0x7e: {  	[tilespmem:s16], [sflag:$0x1] =	stream.indirect.gather [hbm4b:s4+s15], $0x80, s24, s15, $0xb8;
	[tilespmem:$0x1E800] =	vst v63  }
0x7f: {  	_ =	swait.ge [sflag:s19], $0x3E80  }
.Ltmp1:
0x80: {  	[sflag:s19] =	ssyncset.done $0x0;
	(pc) =	sbr.rel @p0 .LBB2_4-.Ltmp1, $4  }
0x81: {  	s23 =	sadd.s32 $0x1480, s23;
	[sflag:s19] =	ssyncadd.s32 $0xFFFFC180  }
0x82: {  	[spmem:s1] =	stream.indirect.scatter.add.f32 [tilespmem:s17], [sflag:$0x3], $0x80, s23, s15, $0xb8;
	[tilespmem:$0x1E800] =	vst v63  }
0x83: {  	_ =	swait.ge [sflag:s13], $0x3E80  }
0x84: {  	s24 =	smov.u32 s28;
	s23 =	sshra.s32 s26, $0x2;
	[sflag:s13] =	ssyncset.done $0x0  }
0x85: {  	s24 =	sadd.s32 $0x80, s23;
	[sflag:s13] =	ssyncadd.s32 $0xFFFFC180  }
0x86: {  	[tilespmem:s17], [sflag:$0x2] =	stream.indirect.gather [hbm4b:s4+s15], $0x80, s24, s15, $0xb8;
	[tilespmem:$0x1E800] =	vst v63  }
0x87: {  	_ =	swait.ge [sflag:s18], $0x3E80  }
0x88: {  	[sflag:s18] =	ssyncset.done $0x0  }
0x89: {  	s30 =	sadd.s32 $0x1400, s23;
	[sflag:s18] =	ssyncadd.s32 $0xFFFFC180  }
0x8a: {  	[spmem:s1] =	stream.indirect.scatter.add.f32 [tilespmem:s16], [sflag:$0x3], $0x80, s30, s15, $0xb8;
	[tilespmem:$0x1E800] =	vst v63  }
0x8b: {  	_ =	swait.ge [sflag:s13], $0x3E80  }
0x8c: {  	[sflag:s13] =	ssyncset.done $0x0  }
0x8d: {  	s31 =	sadd.s32 $0x100, s23;
	[sflag:s13] =	ssyncadd.s32 $0xFFFFC180  }
0x8e: {  	[tilespmem:s16], [sflag:$0x1] =	stream.indirect.gather [hbm4b:s4+s15], $0x80, s31, s15, $0xb8;
	[tilespmem:$0x1E800] =	vst v63  }
0x8f: {  	_ =	swait.ge [sflag:s19], $0x3E80  }
0x90: {  	[sflag:s19] =	ssyncset.done $0x0  }
0x91: {  	s25 =	sadd.s32 $0x1480, s23;
	[sflag:s19] =	ssyncadd.s32 $0xFFFFC180  }
0x92: {  	[spmem:s1] =	stream.indirect.scatter.add.f32 [tilespmem:s17], [sflag:$0x3], $0x80, s25, s15, $0xb8;
	[tilespmem:$0x1E800] =	vst v63  }
0x93: {  	_ =	swait.ge [sflag:s13], $0x3E80  }
0x94: {  	[sflag:s13] =	ssyncset.done $0x0  }
0x95: {  	[sflag:s13] =	ssyncadd.s32 $0xFFFFC180  }
0x96: {  	[tilespmem:s17], [sflag:$0x2] =	stream.indirect.gather [hbm4b:s4+s15], $0x80, s20, s15, $0xb8;
	[tilespmem:$0x1E800] =	vst v63  }
0x97: {  	_ =	swait.ge [sflag:s18], $0x3E80  }
0x98: {  	[sflag:s18] =	ssyncset.done $0x0  }
0x99: {  	[sflag:s18] =	ssyncadd.s32 $0xFFFFC180  }
0x9a: {  	[spmem:s1] =	stream.indirect.scatter.add.f32 [tilespmem:s16], [sflag:$0x3], $0x80, s21, s15, $0xb8;
	[tilespmem:$0x1E800] =	vst v63  }
0x9b: {  	_ =	swait.ge [sflag:s13], $0x3E80  }
0x9c: {  	[sflag:s13] =	ssyncset.done $0x0  }
0x9d: {  	[sflag:s13] =	ssyncadd.s32 $0xFFFFC180  }
0x9e: {  	_ =	swait.ge [sflag:s19], $0x3E80  }
0x9f: {  	[sflag:s19] =	ssyncset.done $0x0  }
0xa0: {  	[sflag:s19] =	ssyncadd.s32 $0xFFFFC180  }
0xa1: {  	[spmem:s1] =	stream.indirect.scatter.add.f32 [tilespmem:s17], [sflag:$0x3], $0x80, s22, s15, $0xb8;
	[tilespmem:$0x1E800] =	vst v63  }
0xa2: {  	_ =	swait.ge [sflag:s13], $0x3E80  }
0xa3: {  	[sflag:s13] =	ssyncset.done $0x0  }
0xa4: {  	s26 =	simm.s32 $0x0;
	[sflag:s13] =	ssyncadd.s32 $0xFFFFC180  }
0xa5: {  	[tilespmem:s26], [sflag:$0x3] =	stream.linear.gather [hbm4b:s8+s26], $0x1400, $0x38;
	[tilespmem:$0x1E800] =	vst v63  }
0xa6: {  	_ =	swait.ge [sflag:s13], $0x1400  }
0xa7: {  	[sflag:s13] =	ssyncset.done $0x0  }
0xa8: {  	[sflag:s13] =	ssyncadd.s32 $0xFFFFEC00  }
0xa9: {  	[tilespmem:s14], [sflag:$0x3] =	stream.linear.gather [hbm4b:s9+s26], $0x1400, $0x38;
	[tilespmem:$0x1E800] =	vst v63  }
0xaa: {  	_ =	swait.ge [sflag:s13], $0x1400  }
0xab: {  	[sflag:s13] =	ssyncset.done $0x0  }
0xac: {  	[sflag:s13] =	ssyncadd.s32 $0xFFFFEC00  }
0xad: {  	[tilespmem:s16], [sflag:$0x1] =	stream.indirect.gather [hbm4b:s4+s15], $0x80, s26, s15, $0xb8;
	[tilespmem:$0x1E800] =	vst v63  }
0xae: {  	s28 =	simm.s32 $0x80  }
0xaf: {  	[tilespmem:s17], [sflag:$0x2] =	stream.indirect.gather [hbm4b:s4+s15], $0x80, s28, s15, $0xb8;
	[tilespmem:$0x1E800] =	vst v63  }
0xb0: {  	_ =	swait.ge [sflag:s18], $0x3E80  }
0xb1: {  	[sflag:s18] =	ssyncset.done $0x0  }
0xb2: {  	s29 =	simm.s32 $0x1400;
	[sflag:s18] =	ssyncadd.s32 $0xFFFFC180  }
0xb3: {  	[spmem:s1] =	stream.indirect.scatter.add.f32 [tilespmem:s16], [sflag:$0x3], $0x80, s29, s15, $0xb8;
	[tilespmem:$0x1E800] =	vst v63  }
0xb4: {  	_ =	swait.ge [sflag:s13], $0x3E80  }
0xb5: {  	[sflag:s13] =	ssyncset.done $0x0  }
0xb6: {  	s30 =	simm.s32 $0x100;
	[sflag:s13] =	ssyncadd.s32 $0xFFFFC180  }
0xb7: {  	[tilespmem:s16], [sflag:$0x1] =	stream.indirect.gather [hbm4b:s4+s15], $0x80, s30, s15, $0xb8;
	[tilespmem:$0x1E800] =	vst v63  }
0xb8: {  	_ =	swait.ge [sflag:s19], $0x3E80  }
0xb9: {  	[sflag:s19] =	ssyncset.done $0x0  }
0xba: {  	s31 =	simm.s32 $0x1480;
	[sflag:s19] =	ssyncadd.s32 $0xFFFFC180  }
0xbb: {  	[spmem:s1] =	stream.indirect.scatter.add.f32 [tilespmem:s17], [sflag:$0x3], $0x80, s31, s15, $0xb8;
	[tilespmem:$0x1E800] =	vst v63  }
0xbc: {  	_ =	swait.ge [sflag:s13], $0x3E80  }
0xbd: {  	s23 =	simm.s32 $0x100;
	s24 =	simm.s32 $0x800;
	[sflag:s13] =	ssyncset.done $0x0  }
.LBB2_6:
0xbe: {  	s25 =	sadd.s32 $0x80, s23  }
0xbf: {  	[sflag:s13] =	ssyncadd.s32 $0xFFFFC180;
	s26 =	smov.u32 s24;
	s28 =	sadd.s32 $0x400, s24  }
0xc0: {  	[tilespmem:s17], [sflag:$0x2] =	stream.indirect.gather [hbm4b:s4+s15], $0x80, s25, s15, $0xb8;
	[tilespmem:$0x1E800] =	vst v63  }
0xc1: {  	p0 =	sne.s32 s24, $0x4800;
	_ =	swait.ge [sflag:s18], $0x3E80  }
0xc2: {  	[sflag:s18] =	ssyncset.done $0x0  }
0xc3: {  	s24 =	sadd.s32 $0x1400, s23;
	[sflag:s18] =	ssyncadd.s32 $0xFFFFC180  }
0xc4: {  	[spmem:s1] =	stream.indirect.scatter.add.f32 [tilespmem:s16], [sflag:$0x3], $0x80, s24, s15, $0xb8;
	[tilespmem:$0x1E800] =	vst v63  }
0xc5: {  	_ =	swait.ge [sflag:s13], $0x3E80  }
0xc6: {  	[sflag:s13] =	ssyncset.done $0x0  }
0xc7: {  	s24 =	sadd.s32 $0x100, s23;
	[sflag:s13] =	ssyncadd.s32 $0xFFFFC180  }
0xc8: {  	[tilespmem:s16], [sflag:$0x1] =	stream.indirect.gather [hbm4b:s4+s15], $0x80, s24, s15, $0xb8;
	[tilespmem:$0x1E800] =	vst v63  }
0xc9: {  	_ =	swait.ge [sflag:s19], $0x3E80  }
.Ltmp2:
0xca: {  	[sflag:s19] =	ssyncset.done $0x0;
	(pc) =	sbr.rel @p0 .LBB2_6-.Ltmp2, $4  }
0xcb: {  	s23 =	sadd.s32 $0x1480, s23;
	[sflag:s19] =	ssyncadd.s32 $0xFFFFC180  }
0xcc: {  	[spmem:s1] =	stream.indirect.scatter.add.f32 [tilespmem:s17], [sflag:$0x3], $0x80, s23, s15, $0xb8;
	[tilespmem:$0x1E800] =	vst v63  }
0xcd: {  	_ =	swait.ge [sflag:s13], $0x3E80  }
0xce: {  	s24 =	smov.u32 s28;
	s23 =	sshra.s32 s26, $0x2;
	[sflag:s13] =	ssyncset.done $0x0  }
0xcf: {  	s24 =	sadd.s32 $0x80, s23;
	[sflag:s13] =	ssyncadd.s32 $0xFFFFC180  }
0xd0: {  	[tilespmem:s17], [sflag:$0x2] =	stream.indirect.gather [hbm4b:s4+s15], $0x80, s24, s15, $0xb8;
	[tilespmem:$0x1E800] =	vst v63  }
0xd1: {  	_ =	swait.ge [sflag:s18], $0x3E80  }
0xd2: {  	[sflag:s18] =	ssyncset.done $0x0  }
0xd3: {  	s26 =	sadd.s32 $0x1400, s23;
	[sflag:s18] =	ssyncadd.s32 $0xFFFFC180  }
0xd4: {  	[spmem:s1] =	stream.indirect.scatter.add.f32 [tilespmem:s16], [sflag:$0x3], $0x80, s26, s15, $0xb8;
	[tilespmem:$0x1E800] =	vst v63  }
0xd5: {  	_ =	swait.ge [sflag:s13], $0x3E80  }
0xd6: {  	[sflag:s13] =	ssyncset.done $0x0  }
0xd7: {  	s28 =	sadd.s32 $0x100, s23;
	[sflag:s13] =	ssyncadd.s32 $0xFFFFC180  }
0xd8: {  	[tilespmem:s16], [sflag:$0x1] =	stream.indirect.gather [hbm4b:s4+s15], $0x80, s28, s15, $0xb8;
	[tilespmem:$0x1E800] =	vst v63  }
0xd9: {  	_ =	swait.ge [sflag:s19], $0x3E80  }
0xda: {  	[sflag:s19] =	ssyncset.done $0x0  }
0xdb: {  	s29 =	sadd.s32 $0x1480, s23;
	[sflag:s19] =	ssyncadd.s32 $0xFFFFC180  }
0xdc: {  	[spmem:s1] =	stream.indirect.scatter.add.f32 [tilespmem:s17], [sflag:$0x3], $0x80, s29, s15, $0xb8;
	[tilespmem:$0x1E800] =	vst v63  }
0xdd: {  	_ =	swait.ge [sflag:s13], $0x3E80  }
0xde: {  	[sflag:s13] =	ssyncset.done $0x0  }
0xdf: {  	[sflag:s13] =	ssyncadd.s32 $0xFFFFC180  }
0xe0: {  	[tilespmem:s17], [sflag:$0x2] =	stream.indirect.gather [hbm4b:s4+s15], $0x80, s20, s15, $0xb8;
	[tilespmem:$0x1E800] =	vst v63  }
0xe1: {  	_ =	swait.ge [sflag:s18], $0x3E80  }
0xe2: {  	[sflag:s18] =	ssyncset.done $0x0  }
0xe3: {  	[sflag:s18] =	ssyncadd.s32 $0xFFFFC180  }
0xe4: {  	[spmem:s1] =	stream.indirect.scatter.add.f32 [tilespmem:s16], [sflag:$0x3], $0x80, s21, s15, $0xb8;
	[tilespmem:$0x1E800] =	vst v63  }
0xe5: {  	_ =	swait.ge [sflag:s13], $0x3E80  }
0xe6: {  	[sflag:s13] =	ssyncset.done $0x0  }
0xe7: {  	[sflag:s13] =	ssyncadd.s32 $0xFFFFC180  }
0xe8: {  	_ =	swait.ge [sflag:s19], $0x3E80  }
0xe9: {  	[sflag:s19] =	ssyncset.done $0x0  }
0xea: {  	[sflag:s19] =	ssyncadd.s32 $0xFFFFC180  }
0xeb: {  	[spmem:s1] =	stream.indirect.scatter.add.f32 [tilespmem:s17], [sflag:$0x3], $0x80, s22, s15, $0xb8;
	[tilespmem:$0x1E800] =	vst v63  }
0xec: {  	_ =	swait.ge [sflag:s13], $0x3E80  }
0xed: {  	s30 =	sshll.u32 s2, $0x6;
	s3 =	sadd.s32 $0x1, s3;
	[sflag:s13] =	ssyncset.done $0x0  }
0xee: {  	s31 =	sshrl.u32 s5, $0x3;
	p0 =	sne.s32 s3, s11;
	[sflag:s13] =	ssyncadd.s32 $0xFFFFC180  }
.Ltmp3:
0xef: {  	s23 =	sor.u32 $0x1C03, s30;
	[bflag:$0x0] =	sbarrier.arrive $0xFFFF;
	(pc) =	sbr.rel @p0 .LBB2_1-.Ltmp3, $4  }
0xf0: {  	[hbm:s10], [sflag:s23] =	dma.local [spmem:s31], $0x2780  }
0xf1: {  	_ =	swait.ge [sflag:s13], $0x2780  }
0xf2: {  	[sflag:s13] =	ssyncset.done $0x0  }
0xf3: {  	[sflag:s13] =	ssyncadd.s32 $0xFFFFD880  }
0xf4: {  	_ =	sfence.sel $0x180000  }
0xf5: {  	[bflag:$0x0] =	sbarrier.arrive $0xFFFF  }
0xf6: {  	p0 =	sne.s32 s2, $0x0;
	_ =	strace $0x9000004A  }
0xf7: {  	s0 =	sadd.s32 @!p0 $0x100000, s0;
	[bflag:$0x2] =	sbarrier.arrive $0xFFFF  }
0xf8: {  	[sflag:s0] =	ssyncadd.tile.s32 @!p0 $0x1;
	_ =	shalt  }
.Lfunc_end2:
_tile_overlayer_lowered:
.L_overlay_start_2:
0xf9: {  	(tag) =	ssettag $0x2  }
0xfa: {  	s0 =	rddreg [dreg:$0x0];
	s2 =	stileid.u32  }
0xfb: {  	s1 =	rddreg [dreg:$0x1];
	p0 =	sne.s32 s2, $0x0  }
0xfc: {  	s3 =	rddreg [dreg:$0x2];
	[bflag:$0x3] =	sbarrier.arrive $0xFFFF;
	s2 =	simm.s32 @!p0 $0x1C03  }
0xfd: {  	[timem:s3], [sflag:s2] =	dma.local @!p0 [hbm:s0], s1  }
0xfe: {  	s0 =	simm.s32 @!p0 $0x3  }
0xff: {  	_ =	swait.ge @!p0 [sflag:s0], s1  }
0x100: {  	s1 =	ssub.s32 @!p0 $0x0, s1;
	[sflag:s0] =	ssyncset.done @!p0 $0x0  }
0x101: {  	[sflag:s0] =	ssyncadd.s32 @!p0 s1  }
0x102: {  	[bflag:$0x3] =	sbarrier.arrive $0xFFFF  }
0x103: {  	_ =	shalt  }

// kernel: kernel.17.cloned.1.call-start
scs
__scs_entry_jumppad:
0x0: {  	(pc) =	sbr.rel $0x88, $3  }
0x1: {  	(tag) =	ssettag $0x0;
	lr =	simm.s32 $0x1  }
0x2: {  	[smem:$0x3F99] =	sst lr;
	_ =	strace $0xD0000000  }
0x3: {  	_ = 	snop  }
0x4: {  	_ = 	snop  }
0x5: {  	_ = 	snop  }
0x6: {  	_ = 	snop  }
0x7: {  	_ = 	snop  }
__scs_overlays_trampoline_lowered:
0x8: {  	[smem:$0x3FA8] =	sst s0  }
0x9: {  	[smem:$0x3FA9] =	sst s1  }
0xa: {  	[smem:$0x3FAA] =	sst s2  }
0xb: {  	[smem:$0x3FAB] =	sst s3  }
0xc: {  	[smem:$0x3FAC] =	sst s4  }
0xd: {  	[smem:$0x3FAD] =	sst s5  }
0xe: {  	[smem:$0x3FAE] =	sst s6  }
0xf: {  	[smem:$0x3FAF] =	sst s7  }
0x10: {  	[smem:$0x3FB0] =	sst s8  }
0x11: {  	[smem:$0x3FB1] =	sst s9;
	s0 =	simm.s32 @!p0 $0x0  }
0x12: {  	s1 =	sld [smem:$0x3F97];
	s0 =	simm.s32 @p0 $0x1  }
0x13: {  	[smem:$0x3FB2] =	sst s0;
	s0 =	simm.s32 @!p1 $0x0  }
0x14: {  	s2 =	sld [smem:$0x3F96];
	s0 =	simm.s32 @p1 $0x1  }
0x15: {  	[smem:$0x3FB3] =	sst s0;
	s0 =	simm.s32 @!p2 $0x0  }
0x16: {  	s3 =	sld [smem:$0x3FDB];
	s0 =	simm.s32 @p2 $0x1  }
0x17: {  	s4 =	simm.s32 $0x1BF5;
	[smem:$0x3FB5] =	sst s0  }
0x18: {  	s0 =	sld [smem:$0x3F98];
	_ =	swait.ge [sflag:s4], $0x0  }
0x19: {  	s7 =	sld [smem:$0x3F99]  }
0x1a: {  	s8 =	sadd.s32 $0xFFFFE003, lr  }
0x1b: {  	s9 =	sadd.s32 $0xFFFFFEF7, lr;
	s5 =	simm.s32 $0xFFFFFFFF;
	p2 =	slt.u32 s8, $0xFFFFF086  }
0x1c: {  	p1 =	slt.u32 s9, $0xF7A;
	s5 =	simm.s32 @!p2 $0x0  }
0x1d: {  	s5 =	simm.s32 @p1 $0x1;
	p0 =	seq.s32 s7, s2  }
0x1e: {  	s7 =	smul.u32 @!p0 $0xF7A, s2;
	p2 =	seq.s32 @!p0 s5, $0x0  }
0x1f: {  	s9 =	smul.u32 $0xF7A, s1;
	s8 =	simm.s32 @!p0 $0x1BF5;
	p2 =	por !p2, p0  }
0x20: {  	[sflag:s8] =	ssyncset.s32 @!p0 $0xFFFFF086;
	s6 =	sadd.s32 @!p0 s3, s7;
	s7 =	simm.s32 @!p0 $0x108  }
0x21: {  	s3 =	sadd.s32 s3, s9;
	s6 =	sadd.s32 @!p0 $0x88, s6;
	s7 =	simm.s32 @p2 $0x1082  }
0x22: {  	[simem:s7], [sflag:s8] =	dma.local @!p0 [hbm:s6], $0xF7A  }
0x23: {  	s9 =	sor.u32 $0xD0000000, s2;
	s6 =	simm.s32 $0x108;
	_ =	swait.ge @!p0 [sflag:s8], $0x0  }
0x24: {  	s3 =	sadd.s32 $0x88, s3;
	s6 =	simm.s32 @!p1 $0x1082;
	[sflag:s4] =	ssyncset.s32 $0xFFFFF086  }
0x25: {  	[simem:s6], [sflag:s4] =	dma.local [hbm:s3], $0xF7A  }
0x26: {  	[smem:$0x3F99] =	sst s1;
	(tag) =	ssettag s2;
	_ =	strace s9  }
0x27: {  	s1 =	sld [smem:$0x3FA9]  }
0x28: {  	s2 =	sld [smem:$0x3FAA]  }
0x29: {  	s4 =	sld [smem:$0x3FAC]  }
0x2a: {  	p0 =	seq.s32 s5, $0x0;
	s5 =	sld [smem:$0x3FAD]  }
0x2b: {  	s6 =	sld [smem:$0x3FAE]  }
0x2c: {  	s7 =	sld [smem:$0x3FAF]  }
0x2d: {  	s3 =	simm.s32 $0x108;
	s8 =	sld [smem:$0x3FB0]  }
0x2e: {  	s3 =	simm.s32 @!p0 $0x1082;
	s9 =	sld [smem:$0x3FB1]  }
0x2f: {  	lr =	sadd.s32 s0, s3;
	s0 =	sld [smem:$0x3FA8]  }
0x30: {  	s3 =	sld [smem:$0x3FAB]  }
0x31: {  	[smem:$0x3FB4] =	sst s10  }
0x32: {  	s10 =	sld [smem:$0x3FB2];
	_ =	sdelay $0x3  }
0x33: {  	p0 =	seq.s32 s10, $0x1;
	s10 =	sld [smem:$0x3FB4];
	_ =	sdelay $0x3  }
0x34: {  	[smem:$0x3FB4] =	sst s10  }
0x35: {  	s10 =	sld [smem:$0x3FB3];
	_ =	sdelay $0x3  }
0x36: {  	p1 =	seq.s32 s10, $0x1;
	s10 =	sld [smem:$0x3FB4];
	_ =	sdelay $0x3  }
0x37: {  	[smem:$0x3FB4] =	sst s10  }
0x38: {  	s10 =	sld [smem:$0x3FB5]  }
0x39: {  	_ = 	snop;
	(pc) =	sbr.ind lr, $3  }
0x3a: {  	_ = 	snop  }
0x3b: {  	_ = 	snop  }
0x3c: {  	p2 =	seq.s32 s10, $0x1;
	s10 =	sld [smem:$0x3FB4]  }
0x3d: {  	_ =	shalt  }
0x3e: {  	_ =	shalt  }
0x3f: {  	_ =	shalt  }
0x40: {  	_ =	shalt  }
0x41: {  	_ =	shalt  }
0x42: {  	_ =	shalt  }
0x43: {  	_ =	shalt  }
0x44: {  	_ =	shalt  }
0x45: {  	_ =	shalt  }
0x46: {  	_ =	shalt  }
0x47: {  	_ =	shalt  }
0x48: {  	_ =	shalt  }
0x49: {  	_ =	shalt  }
0x4a: {  	_ =	shalt  }
0x4b: {  	_ =	shalt  }
0x4c: {  	_ =	shalt  }
0x4d: {  	_ =	shalt  }
0x4e: {  	_ =	shalt  }
0x4f: {  	_ =	shalt  }
0x50: {  	_ =	shalt  }
0x51: {  	_ =	shalt  }
0x52: {  	_ =	shalt  }
0x53: {  	_ =	shalt  }
0x54: {  	_ =	shalt  }
0x55: {  	_ =	shalt  }
0x56: {  	_ =	shalt  }
0x57: {  	_ =	shalt  }
0x58: {  	_ =	shalt  }
0x59: {  	_ =	shalt  }
0x5a: {  	_ =	shalt  }
0x5b: {  	_ =	shalt  }
0x5c: {  	_ =	shalt  }
0x5d: {  	_ =	shalt  }
0x5e: {  	_ =	shalt  }
0x5f: {  	_ =	shalt  }
0x60: {  	_ =	shalt  }
0x61: {  	_ =	shalt  }
0x62: {  	_ =	shalt  }
0x63: {  	_ =	shalt  }
0x64: {  	_ =	shalt  }
0x65: {  	_ =	shalt  }
0x66: {  	_ =	shalt  }
0x67: {  	_ =	shalt  }
0x68: {  	_ =	shalt  }
0x69: {  	_ =	shalt  }
0x6a: {  	_ =	shalt  }
0x6b: {  	_ =	shalt  }
0x6c: {  	_ =	shalt  }
0x6d: {  	_ =	shalt  }
0x6e: {  	_ =	shalt  }
0x6f: {  	_ =	shalt  }
0x70: {  	_ =	shalt  }
0x71: {  	_ =	shalt  }
0x72: {  	_ =	shalt  }
0x73: {  	_ =	shalt  }
0x74: {  	_ =	shalt  }
0x75: {  	_ =	shalt  }
0x76: {  	_ =	shalt  }
0x77: {  	_ =	shalt  }
0x78: {  	_ =	shalt  }
0x79: {  	_ =	shalt  }
0x7a: {  	_ =	shalt  }
0x7b: {  	_ =	shalt  }
0x7c: {  	_ =	shalt  }
0x7d: {  	_ =	shalt  }
0x7e: {  	_ =	shalt  }
0x7f: {  	_ =	shalt  }
0x80: {  	_ =	shalt  }
0x81: {  	_ =	shalt  }
0x82: {  	_ =	shalt  }
0x83: {  	_ =	shalt  }
0x84: {  	_ =	shalt  }
0x85: {  	_ =	shalt  }
0x86: {  	_ =	shalt  }
0x87: {  	_ =	shalt  }
.Lfunc_end0:
.L_simem_size_0:
called_computation.2_lowered:
.L_overlay_start_0:
0x88: {  	s2 =	sld [smem:$0x3FD9]  }
0x89: {  	s3 =	sld [smem:$0x3FFE];
	_ =	sdelay $0x1  }
0x8a: {  	s1 =	srdreg.scid  }
0x8b: {  	s0 =	sand.u32 $0x1, s1  }
0x8c: {  	s16 =	sshll.u32 s0, $0xA;
	s2 =	sadd.s32 s3, s2  }
0x8d: {  	s2 =	sadd.s32 s2, s16  }
0x8e: {  	[smem:$0x3FC0] =	sst s2  }
0x8f: {  	_ = 	snop  }
0x90: {  	(tm) =	ssettm $0x1  }
0x91: {  	s17 =	sld [smem:$0x3FFB];
	_ =	sdelay $0x3  }
0x92: {  	_ =	strace s17  }
0x93: {  	s2 =	sld [smem:$0x3FFC];
	_ =	sdelay $0x3  }
0x94: {  	_ =	strace s2  }
0x95: {  	s2 =	sld [smem:$0x3FFD];
	_ =	sdelay $0x3  }
0x96: {  	_ =	strace s2  }
0x97: {  	_ =	strace $0x8FFFFFFF  }
0x98: {  	s18 =	sld [smem:$0x3FDB];
	_ =	sdelay $0x1  }
0x99: {  	s19 =	simm.s32 $_scs_section_size  }
0x9a: {  	s4 =	simm.s32 $_size__tile_overlayer_lowered;
	s5 =	simm.s32 $_tile_overlayer_lowered  }
0x9b: {  	s22 =	simm.s32 $0x1BFF;
	s21 =	sshll.u32 s5, $0x1;
	s2 =	sadd.s32 s19, s18  }
0x9c: {  	s6 =	simm.s32 $0x0;
	s20 =	sshll.u32 s4, $0x1;
	s4 =	sadd.s32 s21, s2  }
0x9d: {  	[timem:s6], [sflag:s22] =	dma.local [hbm:s4], s20  }
0x9e: {  	_ =	swait.ge [sflag:s22], s20  }
0x9f: {  	s3 =	ssub.s32 $0x0, s20;
	[sflag:s22] =	ssyncset.done $0x0  }
0xa0: {  	[sflag:s22] =	ssyncadd.s32 s3;
	_ =	sdelay $0x1  }
0xa1: {  	s23 =	simm.s32 $0x1B8B  }
0xa2: {  	_ =	swait.ge [sflag:s23], $0x1  }
0xa3: {  	[sflag:s23] =	ssyncset.done $0x0  }
0xa4: {  	s25 =	simm.s32 $0x1B8E;
	s24 =	sld [smem:$0x3FFE];
	[sflag:s23] =	ssyncadd.s32 $0xFFFFFFFF  }
0xa5: {  	s26 =	simm.s32 $execute0_lowered;
	[smem:$0x3FD2] =	sst s25  }
0xa6: {  	s4 =	sshll.u32 s26, $0x1;
	_ =	strace $0x8000004C;
	[dreg:$0x1] =	wrdreg $0xFFFFFFFF  }
0xa7: {  	s28 =	simm.s32 $_size_execute0_lowered;
	s2 =	sadd.s32 s2, s4;
	[dreg:$0x0] =	wrdreg $0x0  }
0xa8: {  	s4 =	sshll.u32 s28, $0x1;
	[dreg:$0x2] =	wrdreg s2  }
0xa9: {  	[dreg:$0x3] =	wrdreg s4  }
0xaa: {  	[dreg:$0x4] =	wrdreg $0xC0  }
0xab: {  	_ =	task [dreg:s6], $0x5FFFF  }
0xac: {  	[dreg:$0x1] =	wrdreg $0xFFFFFFFF  }
0xad: {  	[dreg:$0x0] =	wrdreg $0x60  }
0xae: {  	[dreg:$0x2] =	wrdreg s24  }
0xaf: {  	[dreg:$0x3] =	wrdreg $0xAC000  }
0xb0: {  	[dreg:$0x4] =	wrdreg $0x9  }
0xb1: {  	_ =	task.clear_ibuf [dreg:s6], $0x5FFFF;
	_ =	strace $0x9000004C  }
0xb2: {  	s29 =	simm.s32 $0x9;
	_ =	strace $0x8000004E  }
0xb3: {  	_ =	swait.ge [sflag:s29], $0x1  }
0xb4: {  	[sflag:s29] =	ssyncadd.s32 $0xFFFFFFFF  }
0xb5: {  	_ =	strace $0x9000004E  }
0xb6: {  	_ =	sfence  }
0xb7: {  	s30 =	sld [smem:$0x0];
	_ =	sdelay $0x2  }
0xb8: {  	s31 =	sshll.u32 s1, $0xD;
	s1 =	sshrl.u32 s1, $0x2  }
0xb9: {  	s3 =	sand.u32 $0x4000, s31;
	s1 =	sadd.s32 s1, s30  }
0xba: {  	s0 =	sor.u32 s3, s0;
	s1 =	sshll.u32 s1, $0x11  }
0xbb: {  	s0 =	sor.u32 s1, s0  }
0xbc: {  	s0 =	sadd.s32 $0x8F2B, s0  }
0xbd: {  	[sflag:s0] =	ssyncadd.remote.s32 $0x1  }
0xbe: {  	_ =	sfence.sel $0xFFFF  }
0xbf: {  	[dreg:$0x0] =	wrdreg $0xFFFFFFFF;
	(pc) =	sbr.abs _section_cstart, $3  }
0xc0: {  	[dreg:$0x1] =	wrdreg $0xFFFFFFFF  }
0xc1: {  	_ =	task.clear_ibuf [dreg:s6], $0x2FFFF;
	_ =	strace $0x9FFFFFFF  }
0xc2: {  	(tm) =	ssettm $0x7FFFFFFF  }
0xc3: {  	_ =	shalt  }
tec
execute0_lowered:
.L_overlay_start_1:
0x0: {  	(tag) =	ssettag $0x1  }
0x1: {  	s5 =	rddreg [dreg:$0x0]  }
0x2: {  	s1 =	rddreg [dreg:$0x1];
	s2 =	srdreg.scid  }
0x3: {  	s0 =	rddreg [dreg:$0x2];
	s3 =	simm.s32 $0x0;
	s14 =	simm.s32 $0x1400  }
0x4: {  	s15 =	simm.s32 $0x7D;
	s16 =	simm.s32 $0x2800;
	s17 =	simm.s32 $0x6800  }
0x5: {  	s18 =	simm.s32 $0x1;
	s19 =	simm.s32 $0x2;
	s6 =	sand.u32 $0x1, s2  }
0x6: {  	s20 =	simm.s32 $0x1380;
	s2 =	stileid.u32;
	s7 =	smul.u32 $0x13C000, s6  }
0x7: {  	s21 =	simm.s32 $0x2700;
	s22 =	simm.s32 $0x2780;
	s8 =	smul.u32 $0x13C00, s2  }
0x8: {  	[smem:$0x7FF] =	sst s3;
	s4 =	sadd.s32 $0x1400, s5;
	s9 =	smul.u32 $0x4F000, s2  }
0x9: {  	s10 =	sadd.s32 $0x32600, s5;
	s12 =	sadd.s32 $0x28600, s5;
	s26 =	smul.u32 $0x28000, s6  }
0xa: {  	_ =	strace $0x8000004D;
	s11 =	smul.u32 $0x2800, s2;
	s28 =	ssub.s32 $0x2, s6  }
0xb: {  	s6 =	sshrl.u32 s28, $0x1;
	s7 =	sadd.s32 s8, s7;
	s29 =	sshrl.u32 s9, $0x2  }
0xc: {  	s8 =	sadd.s32 s11, s26;
	s30 =	ssub.s32 s28, s6;
	s7 =	sshrl.u32 s7, $0x3  }
0xd: {  	s8 =	sshrl.u32 s8, $0x3;
	s11 =	smax.u32 s30, $0x1;
	s13 =	sadd.s32 s7, s5  }
0xe: {  	s5 =	sadd.s32 s29, s1;
	s6 =	sadd.s32 s10, s8;
	s31 =	sadd.s32 $0x280, s8  }
0xf: {  	s7 =	sadd.s32 s12, s8;
	s8 =	sadd.s32 s10, s31;
	s9 =	sadd.s32 s12, s31  }
0x10: {  	v0 =	vimm.f32 $0.0e+00;
	s10 =	sadd.s32 $0x3C600, s13;
	s12 =	simm.s32 $0xA800;
	s13 =	simm.s32 $0x3  }
.LBB2_1:
0x11: {  	[tilespmem:$0xA800] =	vst v0  }
0x12: {  	[tilespmem:$0xA810] =	vst v0  }
0x13: {  	[tilespmem:$0xA820] =	vst v0  }
0x14: {  	[tilespmem:$0xA830] =	vst v0  }
0x15: {  	[tilespmem:$0xA840] =	vst v0  }
0x16: {  	[tilespmem:$0xA850] =	vst v0  }
0x17: {  	[tilespmem:$0xA860] =	vst v0  }
0x18: {  	[tilespmem:$0xA870] =	vst v0  }
0x19: {  	[tilespmem:$0xA880] =	vst v0  }
0x1a: {  	[tilespmem:$0xA890] =	vst v0  }
0x1b: {  	[tilespmem:$0xA8A0] =	vst v0  }
0x1c: {  	[tilespmem:$0xA8B0] =	vst v0  }
0x1d: {  	[tilespmem:$0xA8C0] =	vst v0  }
0x1e: {  	[tilespmem:$0xA8D0] =	vst v0  }
0x1f: {  	[tilespmem:$0xA8E0] =	vst v0  }
0x20: {  	[tilespmem:$0xA8F0] =	vst v0  }
0x21: {  	[tilespmem:$0xA900] =	vst v0  }
0x22: {  	[tilespmem:$0xA910] =	vst v0  }
0x23: {  	[tilespmem:$0xA920] =	vst v0  }
0x24: {  	[tilespmem:$0xA930] =	vst v0  }
0x25: {  	[tilespmem:$0xA940] =	vst v0  }
0x26: {  	[tilespmem:$0xA950] =	vst v0  }
0x27: {  	[tilespmem:$0xA960] =	vst v0  }
0x28: {  	[tilespmem:$0xA970] =	vst v0  }
0x29: {  	[tilespmem:$0xA980] =	vst v0  }
0x2a: {  	[tilespmem:$0xA990] =	vst v0  }
0x2b: {  	[tilespmem:$0xA9A0] =	vst v0  }
0x2c: {  	[tilespmem:$0xA9B0] =	vst v0  }
0x2d: {  	[tilespmem:$0xA9C0] =	vst v0  }
0x2e: {  	[tilespmem:$0xA9D0] =	vst v0  }
0x2f: {  	[tilespmem:$0xA9E0] =	vst v0  }
0x30: {  	[tilespmem:$0xA9F0] =	vst v0  }
0x31: {  	[tilespmem:$0xAA00] =	vst v0  }
0x32: {  	[tilespmem:$0xAA10] =	vst v0  }
0x33: {  	[tilespmem:$0xAA20] =	vst v0  }
0x34: {  	[tilespmem:$0xAA30] =	vst v0  }
0x35: {  	[tilespmem:$0xAA40] =	vst v0  }
0x36: {  	[tilespmem:$0xAA50] =	vst v0  }
0x37: {  	[tilespmem:$0xAA60] =	vst v0  }
0x38: {  	[tilespmem:$0xAA70] =	vst v0  }
0x39: {  	[tilespmem:$0xAA80] =	vst v0  }
0x3a: {  	[tilespmem:$0xAA90] =	vst v0  }
0x3b: {  	[tilespmem:$0xAAA0] =	vst v0  }
0x3c: {  	[tilespmem:$0xAAB0] =	vst v0  }
0x3d: {  	[tilespmem:$0xAAC0] =	vst v0  }
0x3e: {  	[tilespmem:$0xAAD0] =	vst v0  }
0x3f: {  	[tilespmem:$0xAAE0] =	vst v0  }
0x40: {  	[tilespmem:$0xAAF0] =	vst v0  }
0x41: {  	[tilespmem:$0xAB00] =	vst v0  }
0x42: {  	[tilespmem:$0xAB10] =	vst v0  }
0x43: {  	[tilespmem:$0xAB20] =	vst v0  }
0x44: {  	[tilespmem:$0xAB30] =	vst v0  }
0x45: {  	[tilespmem:$0xAB40] =	vst v0  }
0x46: {  	[tilespmem:$0xAB50] =	vst v0  }
0x47: {  	[tilespmem:$0xAB60] =	vst v0  }
0x48: {  	[tilespmem:$0xAB70] =	vst v0  }
0x49: {  	[tilespmem:$0xAB80] =	vst v0  }
0x4a: {  	[tilespmem:$0xAB90] =	vst v0  }
0x4b: {  	[tilespmem:$0xABA0] =	vst v0  }
0x4c: {  	[tilespmem:$0xABB0] =	vst v0  }
0x4d: {  	[tilespmem:$0xABC0] =	vst v0  }
0x4e: {  	[tilespmem:$0xABD0] =	vst v0  }
0x4f: {  	[tilespmem:$0xABE0] =	vst v0  }
0x50: {  	[tilespmem:$0xABF0] =	vst v0;
	s23 =	sadd.s32 $0x0, s5  }
0x51: {  	[spmem:s23] =	stream.linear.scatter [tilespmem:s12], [sflag:$0x3], $0x400, $0x38;
	[tilespmem:$0x1E800] =	vst v63  }
0x52: {  	s23 =	simm.s32 $0x1000;
	_ =	swait.ge [sflag:s13], $0x400  }
.LBB2_2:
0x53: {  	s24 =	sshra.s32 s23, $0x2;
	[sflag:s13] =	ssyncset.done $0x0;
	p0 =	sne.s32 s23, $0x4E000  }
.Ltmp0:
0x54: {  	s24 =	sadd.s32 s24, s5;
	[sflag:s13] =	ssyncadd.s32 $0xFFFFFC00;
	(pc) =	sbr.rel @p0 .LBB2_2-.Ltmp0, $3  }
0x55: {  	[spmem:s24] =	stream.linear.scatter [tilespmem:s12], [sflag:$0x3], $0x400, $0x38;
	[tilespmem:$0x1E800] =	vst v63  }
0x56: {  	s23 =	sadd.s32 $0x1000, s23;
	_ =	sdelay $0x1  }
0x57: {  	_ =	swait.ge [sflag:s13], $0x400  }
0x58: {  	[sflag:s13] =	ssyncset.done $0x0  }
0x59: {  	[sflag:s13] =	ssyncadd.s32 $0xFFFFFC00  }
0x5a: {  	s23 =	simm.s32 $0x0;
	[bflag:$0x0] =	sbarrier.arrive $0xFFFF  }
0x5b: {  	[tilespmem:s23], [sflag:$0x3] =	stream.linear.gather [hbm4b:s6+s23], $0x1400, $0x38;
	[tilespmem:$0x1E800] =	vst v63  }
0x5c: {  	_ =	swait.ge [sflag:s13], $0x1400  }
0x5d: {  	[sflag:s13] =	ssyncset.done $0x0  }
0x5e: {  	[sflag:s13] =	ssyncadd.s32 $0xFFFFEC00  }
0x5f: {  	[tilespmem:s14], [sflag:$0x3] =	stream.linear.gather [hbm4b:s7+s23], $0x1400, $0x38;
	[tilespmem:$0x1E800] =	vst v63  }
0x60: {  	_ =	swait.ge [sflag:s13], $0x1400  }
0x61: {  	[sflag:s13] =	ssyncset.done $0x0  }
0x62: {  	[sflag:s13] =	ssyncadd.s32 $0xFFFFEC00  }
0x63: {  	[tilespmem:s16], [sflag:$0x1] =	stream.indirect.gather [hbm4b:s4+s15], $0x80, s23, s15, $0xb8;
	[tilespmem:$0x1E800] =	vst v63  }
0x64: {  	s28 =	simm.s32 $0x80  }
0x65: {  	[tilespmem:s17], [sflag:$0x2] =	stream.indirect.gather [hbm4b:s4+s15], $0x80, s28, s15, $0xb8;
	[tilespmem:$0x1E800] =	vst v63  }
0x66: {  	_ =	swait.ge [sflag:s18], $0x3E80  }
0x67: {  	[sflag:s18] =	ssyncset.done $0x0  }
0x68: {  	s29 =	simm.s32 $0x1400;
	[sflag:s18] =	ssyncadd.s32 $0xFFFFC180  }
0x69: {  	[spmem:s1] =	stream.indirect.scatter.add.f32 [tilespmem:s16], [sflag:$0x3], $0x80, s29, s15, $0xb8;
	[tilespmem:$0x1E800] =	vst v63  }
0x6a: {  	_ =	swait.ge [sflag:s13], $0x3E80  }
0x6b: {  	[sflag:s13] =	ssyncset.done $0x0  }
0x6c: {  	s30 =	simm.s32 $0x100;
	[sflag:s13] =	ssyncadd.s32 $0xFFFFC180  }
0x6d: {  	[tilespmem:s16], [sflag:$0x1] =	stream.indirect.gather [hbm4b:s4+s15], $0x80, s30, s15, $0xb8;
	[tilespmem:$0x1E800] =	vst v63  }
0x6e: {  	_ =	swait.ge [sflag:s19], $0x3E80  }
0x6f: {  	[sflag:s19] =	ssyncset.done $0x0  }
0x70: {  	s31 =	simm.s32 $0x1480;
	[sflag:s19] =	ssyncadd.s32 $0xFFFFC180  }
0x71: {  	[spmem:s1] =	stream.indirect.scatter.add.f32 [tilespmem:s17], [sflag:$0x3], $0x80, s31, s15, $0xb8;
	[tilespmem:$0x1E800] =	vst v63  }
0x72: {  	_ =	swait.ge [sflag:s13], $0x3E80  }
0x73: {  	s24 =	simm.s32 $0x800;
	s23 =	simm.s32 $0x100;
	[sflag:s13] =	ssyncset.done $0x0  }
.LBB2_4:
0x74: {  	s25 =	sadd.s32 $0x80, s23  }
0x75: {  	[sflag:s13] =	ssyncadd.s32 $0xFFFFC180;
	s26 =	smov.u32 s24;
	s28 =	sadd.s32 $0x400, s24  }
0x76: {  	[tilespmem:s17], [sflag:$0x2] =	stream.indirect.gather [hbm4b:s4+s15], $0x80, s25, s15, $0xb8;
	[tilespmem:$0x1E800] =	vst v63  }
0x77: {  	p0 =	sne.s32 s24, $0x4800;
	_ =	swait.ge [sflag:s18], $0x3E80  }
0x78: {  	[sflag:s18] =	ssyncset.done $0x0  }
0x79: {  	s24 =	sadd.s32 $0x1400, s23;
	[sflag:s18] =	ssyncadd.s32 $0xFFFFC180  }
0x7a: {  	[spmem:s1] =	stream.indirect.scatter.add.f32 [tilespmem:s16], [sflag:$0x3], $0x80, s24, s15, $0xb8;
	[tilespmem:$0x1E800] =	vst v63  }
0x7b: {  	_ =	swait.ge [sflag:s13], $0x3E80  }
0x7c: {  	[sflag:s13] =	ssyncset.done $0x0  }
0x7d: {  	s24 =	sadd.s32 $0x100, s23;
	[sflag:s13] =	ssyncadd.s32 $0xFFFFC180  }
0x7e: {  	[tilespmem:s16], [sflag:$0x1] =	stream.indirect.gather [hbm4b:s4+s15], $0x80, s24, s15, $0xb8;
	[tilespmem:$0x1E800] =	vst v63  }
0x7f: {  	_ =	swait.ge [sflag:s19], $0x3E80  }
.Ltmp1:
0x80: {  	[sflag:s19] =	ssyncset.done $0x0;
	(pc) =	sbr.rel @p0 .LBB2_4-.Ltmp1, $4  }
0x81: {  	s23 =	sadd.s32 $0x1480, s23;
	[sflag:s19] =	ssyncadd.s32 $0xFFFFC180  }
0x82: {  	[spmem:s1] =	stream.indirect.scatter.add.f32 [tilespmem:s17], [sflag:$0x3], $0x80, s23, s15, $0xb8;
	[tilespmem:$0x1E800] =	vst v63  }
0x83: {  	_ =	swait.ge [sflag:s13], $0x3E80  }
0x84: {  	s24 =	smov.u32 s28;
	s23 =	sshra.s32 s26, $0x2;
	[sflag:s13] =	ssyncset.done $0x0  }
0x85: {  	s24 =	sadd.s32 $0x80, s23;
	[sflag:s13] =	ssyncadd.s32 $0xFFFFC180  }
0x86: {  	[tilespmem:s17], [sflag:$0x2] =	stream.indirect.gather [hbm4b:s4+s15], $0x80, s24, s15, $0xb8;
	[tilespmem:$0x1E800] =	vst v63  }
0x87: {  	_ =	swait.ge [sflag:s18], $0x3E80  }
0x88: {  	[sflag:s18] =	ssyncset.done $0x0  }
0x89: {  	s30 =	sadd.s32 $0x1400, s23;
	[sflag:s18] =	ssyncadd.s32 $0xFFFFC180  }
0x8a: {  	[spmem:s1] =	stream.indirect.scatter.add.f32 [tilespmem:s16], [sflag:$0x3], $0x80, s30, s15, $0xb8;
	[tilespmem:$0x1E800] =	vst v63  }
0x8b: {  	_ =	swait.ge [sflag:s13], $0x3E80  }
0x8c: {  	[sflag:s13] =	ssyncset.done $0x0  }
0x8d: {  	s31 =	sadd.s32 $0x100, s23;
	[sflag:s13] =	ssyncadd.s32 $0xFFFFC180  }
0x8e: {  	[tilespmem:s16], [sflag:$0x1] =	stream.indirect.gather [hbm4b:s4+s15], $0x80, s31, s15, $0xb8;
	[tilespmem:$0x1E800] =	vst v63  }
0x8f: {  	_ =	swait.ge [sflag:s19], $0x3E80  }
0x90: {  	[sflag:s19] =	ssyncset.done $0x0  }
0x91: {  	s25 =	sadd.s32 $0x1480, s23;
	[sflag:s19] =	ssyncadd.s32 $0xFFFFC180  }
0x92: {  	[spmem:s1] =	stream.indirect.scatter.add.f32 [tilespmem:s17], [sflag:$0x3], $0x80, s25, s15, $0xb8;
	[tilespmem:$0x1E800] =	vst v63  }
0x93: {  	_ =	swait.ge [sflag:s13], $0x3E80  }
0x94: {  	[sflag:s13] =	ssyncset.done $0x0  }
0x95: {  	[sflag:s13] =	ssyncadd.s32 $0xFFFFC180  }
0x96: {  	[tilespmem:s17], [sflag:$0x2] =	stream.indirect.gather [hbm4b:s4+s15], $0x80, s20, s15, $0xb8;
	[tilespmem:$0x1E800] =	vst v63  }
0x97: {  	_ =	swait.ge [sflag:s18], $0x3E80  }
0x98: {  	[sflag:s18] =	ssyncset.done $0x0  }
0x99: {  	[sflag:s18] =	ssyncadd.s32 $0xFFFFC180  }
0x9a: {  	[spmem:s1] =	stream.indirect.scatter.add.f32 [tilespmem:s16], [sflag:$0x3], $0x80, s21, s15, $0xb8;
	[tilespmem:$0x1E800] =	vst v63  }
0x9b: {  	_ =	swait.ge [sflag:s13], $0x3E80  }
0x9c: {  	[sflag:s13] =	ssyncset.done $0x0  }
0x9d: {  	[sflag:s13] =	ssyncadd.s32 $0xFFFFC180  }
0x9e: {  	_ =	swait.ge [sflag:s19], $0x3E80  }
0x9f: {  	[sflag:s19] =	ssyncset.done $0x0  }
0xa0: {  	[sflag:s19] =	ssyncadd.s32 $0xFFFFC180  }
0xa1: {  	[spmem:s1] =	stream.indirect.scatter.add.f32 [tilespmem:s17], [sflag:$0x3], $0x80, s22, s15, $0xb8;
	[tilespmem:$0x1E800] =	vst v63  }
0xa2: {  	_ =	swait.ge [sflag:s13], $0x3E80  }
0xa3: {  	[sflag:s13] =	ssyncset.done $0x0  }
0xa4: {  	s26 =	simm.s32 $0x0;
	[sflag:s13] =	ssyncadd.s32 $0xFFFFC180  }
0xa5: {  	[tilespmem:s26], [sflag:$0x3] =	stream.linear.gather [hbm4b:s8+s26], $0x1400, $0x38;
	[tilespmem:$0x1E800] =	vst v63  }
0xa6: {  	_ =	swait.ge [sflag:s13], $0x1400  }
0xa7: {  	[sflag:s13] =	ssyncset.done $0x0  }
0xa8: {  	[sflag:s13] =	ssyncadd.s32 $0xFFFFEC00  }
0xa9: {  	[tilespmem:s14], [sflag:$0x3] =	stream.linear.gather [hbm4b:s9+s26], $0x1400, $0x38;
	[tilespmem:$0x1E800] =	vst v63  }
0xaa: {  	_ =	swait.ge [sflag:s13], $0x1400  }
0xab: {  	[sflag:s13] =	ssyncset.done $0x0  }
0xac: {  	[sflag:s13] =	ssyncadd.s32 $0xFFFFEC00  }
0xad: {  	[tilespmem:s16], [sflag:$0x1] =	stream.indirect.gather [hbm4b:s4+s15], $0x80, s26, s15, $0xb8;
	[tilespmem:$0x1E800] =	vst v63  }
0xae: {  	s28 =	simm.s32 $0x80  }
0xaf: {  	[tilespmem:s17], [sflag:$0x2] =	stream.indirect.gather [hbm4b:s4+s15], $0x80, s28, s15, $0xb8;
	[tilespmem:$0x1E800] =	vst v63  }
0xb0: {  	_ =	swait.ge [sflag:s18], $0x3E80  }
0xb1: {  	[sflag:s18] =	ssyncset.done $0x0  }
0xb2: {  	s29 =	simm.s32 $0x1400;
	[sflag:s18] =	ssyncadd.s32 $0xFFFFC180  }
0xb3: {  	[spmem:s1] =	stream.indirect.scatter.add.f32 [tilespmem:s16], [sflag:$0x3], $0x80, s29, s15, $0xb8;
	[tilespmem:$0x1E800] =	vst v63  }
0xb4: {  	_ =	swait.ge [sflag:s13], $0x3E80  }
0xb5: {  	[sflag:s13] =	ssyncset.done $0x0  }
0xb6: {  	s30 =	simm.s32 $0x100;
	[sflag:s13] =	ssyncadd.s32 $0xFFFFC180  }
0xb7: {  	[tilespmem:s16], [sflag:$0x1] =	stream.indirect.gather [hbm4b:s4+s15], $0x80, s30, s15, $0xb8;
	[tilespmem:$0x1E800] =	vst v63  }
0xb8: {  	_ =	swait.ge [sflag:s19], $0x3E80  }
0xb9: {  	[sflag:s19] =	ssyncset.done $0x0  }
0xba: {  	s31 =	simm.s32 $0x1480;
	[sflag:s19] =	ssyncadd.s32 $0xFFFFC180  }
0xbb: {  	[spmem:s1] =	stream.indirect.scatter.add.f32 [tilespmem:s17], [sflag:$0x3], $0x80, s31, s15, $0xb8;
	[tilespmem:$0x1E800] =	vst v63  }
0xbc: {  	_ =	swait.ge [sflag:s13], $0x3E80  }
0xbd: {  	s23 =	simm.s32 $0x100;
	s24 =	simm.s32 $0x800;
	[sflag:s13] =	ssyncset.done $0x0  }
.LBB2_6:
0xbe: {  	s25 =	sadd.s32 $0x80, s23  }
0xbf: {  	[sflag:s13] =	ssyncadd.s32 $0xFFFFC180;
	s26 =	smov.u32 s24;
	s28 =	sadd.s32 $0x400, s24  }
0xc0: {  	[tilespmem:s17], [sflag:$0x2] =	stream.indirect.gather [hbm4b:s4+s15], $0x80, s25, s15, $0xb8;
	[tilespmem:$0x1E800] =	vst v63  }
0xc1: {  	p0 =	sne.s32 s24, $0x4800;
	_ =	swait.ge [sflag:s18], $0x3E80  }
0xc2: {  	[sflag:s18] =	ssyncset.done $0x0  }
0xc3: {  	s24 =	sadd.s32 $0x1400, s23;
	[sflag:s18] =	ssyncadd.s32 $0xFFFFC180  }
0xc4: {  	[spmem:s1] =	stream.indirect.scatter.add.f32 [tilespmem:s16], [sflag:$0x3], $0x80, s24, s15, $0xb8;
	[tilespmem:$0x1E800] =	vst v63  }
0xc5: {  	_ =	swait.ge [sflag:s13], $0x3E80  }
0xc6: {  	[sflag:s13] =	ssyncset.done $0x0  }
0xc7: {  	s24 =	sadd.s32 $0x100, s23;
	[sflag:s13] =	ssyncadd.s32 $0xFFFFC180  }
0xc8: {  	[tilespmem:s16], [sflag:$0x1] =	stream.indirect.gather [hbm4b:s4+s15], $0x80, s24, s15, $0xb8;
	[tilespmem:$0x1E800] =	vst v63  }
0xc9: {  	_ =	swait.ge [sflag:s19], $0x3E80  }
.Ltmp2:
0xca: {  	[sflag:s19] =	ssyncset.done $0x0;
	(pc) =	sbr.rel @p0 .LBB2_6-.Ltmp2, $4  }
0xcb: {  	s23 =	sadd.s32 $0x1480, s23;
	[sflag:s19] =	ssyncadd.s32 $0xFFFFC180  }
0xcc: {  	[spmem:s1] =	stream.indirect.scatter.add.f32 [tilespmem:s17], [sflag:$0x3], $0x80, s23, s15, $0xb8;
	[tilespmem:$0x1E800] =	vst v63  }
0xcd: {  	_ =	swait.ge [sflag:s13], $0x3E80  }
0xce: {  	s24 =	smov.u32 s28;
	s23 =	sshra.s32 s26, $0x2;
	[sflag:s13] =	ssyncset.done $0x0  }
0xcf: {  	s24 =	sadd.s32 $0x80, s23;
	[sflag:s13] =	ssyncadd.s32 $0xFFFFC180  }
0xd0: {  	[tilespmem:s17], [sflag:$0x2] =	stream.indirect.gather [hbm4b:s4+s15], $0x80, s24, s15, $0xb8;
	[tilespmem:$0x1E800] =	vst v63  }
0xd1: {  	_ =	swait.ge [sflag:s18], $0x3E80  }
0xd2: {  	[sflag:s18] =	ssyncset.done $0x0  }
0xd3: {  	s26 =	sadd.s32 $0x1400, s23;
	[sflag:s18] =	ssyncadd.s32 $0xFFFFC180  }
0xd4: {  	[spmem:s1] =	stream.indirect.scatter.add.f32 [tilespmem:s16], [sflag:$0x3], $0x80, s26, s15, $0xb8;
	[tilespmem:$0x1E800] =	vst v63  }
0xd5: {  	_ =	swait.ge [sflag:s13], $0x3E80  }
0xd6: {  	[sflag:s13] =	ssyncset.done $0x0  }
0xd7: {  	s28 =	sadd.s32 $0x100, s23;
	[sflag:s13] =	ssyncadd.s32 $0xFFFFC180  }
0xd8: {  	[tilespmem:s16], [sflag:$0x1] =	stream.indirect.gather [hbm4b:s4+s15], $0x80, s28, s15, $0xb8;
	[tilespmem:$0x1E800] =	vst v63  }
0xd9: {  	_ =	swait.ge [sflag:s19], $0x3E80  }
0xda: {  	[sflag:s19] =	ssyncset.done $0x0  }
0xdb: {  	s29 =	sadd.s32 $0x1480, s23;
	[sflag:s19] =	ssyncadd.s32 $0xFFFFC180  }
0xdc: {  	[spmem:s1] =	stream.indirect.scatter.add.f32 [tilespmem:s17], [sflag:$0x3], $0x80, s29, s15, $0xb8;
	[tilespmem:$0x1E800] =	vst v63  }
0xdd: {  	_ =	swait.ge [sflag:s13], $0x3E80  }
0xde: {  	[sflag:s13] =	ssyncset.done $0x0  }
0xdf: {  	[sflag:s13] =	ssyncadd.s32 $0xFFFFC180  }
0xe0: {  	[tilespmem:s17], [sflag:$0x2] =	stream.indirect.gather [hbm4b:s4+s15], $0x80, s20, s15, $0xb8;
	[tilespmem:$0x1E800] =	vst v63  }
0xe1: {  	_ =	swait.ge [sflag:s18], $0x3E80  }
0xe2: {  	[sflag:s18] =	ssyncset.done $0x0  }
0xe3: {  	[sflag:s18] =	ssyncadd.s32 $0xFFFFC180  }
0xe4: {  	[spmem:s1] =	stream.indirect.scatter.add.f32 [tilespmem:s16], [sflag:$0x3], $0x80, s21, s15, $0xb8;
	[tilespmem:$0x1E800] =	vst v63  }
0xe5: {  	_ =	swait.ge [sflag:s13], $0x3E80  }
0xe6: {  	[sflag:s13] =	ssyncset.done $0x0  }
0xe7: {  	[sflag:s13] =	ssyncadd.s32 $0xFFFFC180  }
0xe8: {  	_ =	swait.ge [sflag:s19], $0x3E80  }
0xe9: {  	[sflag:s19] =	ssyncset.done $0x0  }
0xea: {  	[sflag:s19] =	ssyncadd.s32 $0xFFFFC180  }
0xeb: {  	[spmem:s1] =	stream.indirect.scatter.add.f32 [tilespmem:s17], [sflag:$0x3], $0x80, s22, s15, $0xb8;
	[tilespmem:$0x1E800] =	vst v63  }
0xec: {  	_ =	swait.ge [sflag:s13], $0x3E80  }
0xed: {  	s30 =	sshll.u32 s2, $0x6;
	s3 =	sadd.s32 $0x1, s3;
	[sflag:s13] =	ssyncset.done $0x0  }
0xee: {  	s31 =	sshrl.u32 s5, $0x3;
	p0 =	sne.s32 s3, s11;
	[sflag:s13] =	ssyncadd.s32 $0xFFFFC180  }
.Ltmp3:
0xef: {  	s23 =	sor.u32 $0x1C03, s30;
	[bflag:$0x0] =	sbarrier.arrive $0xFFFF;
	(pc) =	sbr.rel @p0 .LBB2_1-.Ltmp3, $4  }
0xf0: {  	[hbm:s10], [sflag:s23] =	dma.local [spmem:s31], $0x2780  }
0xf1: {  	_ =	swait.ge [sflag:s13], $0x2780  }
0xf2: {  	[sflag:s13] =	ssyncset.done $0x0  }
0xf3: {  	[sflag:s13] =	ssyncadd.s32 $0xFFFFD880  }
0xf4: {  	_ =	sfence.sel $0x180000  }
0xf5: {  	[bflag:$0x0] =	sbarrier.arrive $0xFFFF  }
0xf6: {  	p0 =	sne.s32 s2, $0x0;
	_ =	strace $0x9000004D  }
0xf7: {  	s0 =	sadd.s32 @!p0 $0x100000, s0;
	[bflag:$0x2] =	sbarrier.arrive $0xFFFF  }
0xf8: {  	[sflag:s0] =	ssyncadd.tile.s32 @!p0 $0x1;
	_ =	shalt  }
.Lfunc_end2:
_tile_overlayer_lowered:
.L_overlay_start_2:
0xf9: {  	(tag) =	ssettag $0x2  }
0xfa: {  	s0 =	rddreg [dreg:$0x0];
	s2 =	stileid.u32  }
0xfb: {  	s1 =	rddreg [dreg:$0x1];
	p0 =	sne.s32 s2, $0x0  }
0xfc: {  	s3 =	rddreg [dreg:$0x2];
	[bflag:$0x3] =	sbarrier.arrive $0xFFFF;
	s2 =	simm.s32 @!p0 $0x1C03  }
0xfd: {  	[timem:s3], [sflag:s2] =	dma.local @!p0 [hbm:s0], s1  }
0xfe: {  	s0 =	simm.s32 @!p0 $0x3  }
0xff: {  	_ =	swait.ge @!p0 [sflag:s0], s1  }
0x100: {  	s1 =	ssub.s32 @!p0 $0x0, s1;
	[sflag:s0] =	ssyncset.done @!p0 $0x0  }
0x101: {  	[sflag:s0] =	ssyncadd.s32 @!p0 s1  }
0x102: {  	[bflag:$0x3] =	sbarrier.arrive $0xFFFF  }
0x103: {  	_ =	shalt  }

// kernel: kernel.20.cloned.1.call-start
scs
__scs_entry_jumppad:
0x0: {  	(pc) =	sbr.rel $0x88, $3  }
0x1: {  	(tag) =	ssettag $0x0;
	lr =	simm.s32 $0x1  }
0x2: {  	[smem:$0x3F99] =	sst lr;
	_ =	strace $0xD0000000  }
0x3: {  	_ = 	snop  }
0x4: {  	_ = 	snop  }
0x5: {  	_ = 	snop  }
0x6: {  	_ = 	snop  }
0x7: {  	_ = 	snop  }
__scs_overlays_trampoline_lowered:
0x8: {  	[smem:$0x3FA8] =	sst s0  }
0x9: {  	[smem:$0x3FA9] =	sst s1  }
0xa: {  	[smem:$0x3FAA] =	sst s2  }
0xb: {  	[smem:$0x3FAB] =	sst s3  }
0xc: {  	[smem:$0x3FAC] =	sst s4  }
0xd: {  	[smem:$0x3FAD] =	sst s5  }
0xe: {  	[smem:$0x3FAE] =	sst s6  }
0xf: {  	[smem:$0x3FAF] =	sst s7  }
0x10: {  	[smem:$0x3FB0] =	sst s8  }
0x11: {  	[smem:$0x3FB1] =	sst s9;
	s0 =	simm.s32 @!p0 $0x0  }
0x12: {  	s1 =	sld [smem:$0x3F97];
	s0 =	simm.s32 @p0 $0x1  }
0x13: {  	[smem:$0x3FB2] =	sst s0;
	s0 =	simm.s32 @!p1 $0x0  }
0x14: {  	s2 =	sld [smem:$0x3F96];
	s0 =	simm.s32 @p1 $0x1  }
0x15: {  	[smem:$0x3FB3] =	sst s0;
	s0 =	simm.s32 @!p2 $0x0  }
0x16: {  	s3 =	sld [smem:$0x3FDB];
	s0 =	simm.s32 @p2 $0x1  }
0x17: {  	s4 =	simm.s32 $0x1BF5;
	[smem:$0x3FB5] =	sst s0  }
0x18: {  	s0 =	sld [smem:$0x3F98];
	_ =	swait.ge [sflag:s4], $0x0  }
0x19: {  	s7 =	sld [smem:$0x3F99]  }
0x1a: {  	s8 =	sadd.s32 $0xFFFFE003, lr  }
0x1b: {  	s9 =	sadd.s32 $0xFFFFFEF7, lr;
	s5 =	simm.s32 $0xFFFFFFFF;
	p2 =	slt.u32 s8, $0xFFFFF086  }
0x1c: {  	p1 =	slt.u32 s9, $0xF7A;
	s5 =	simm.s32 @!p2 $0x0  }
0x1d: {  	s5 =	simm.s32 @p1 $0x1;
	p0 =	seq.s32 s7, s2  }
0x1e: {  	s7 =	smul.u32 @!p0 $0xF7A, s2;
	p2 =	seq.s32 @!p0 s5, $0x0  }
0x1f: {  	s9 =	smul.u32 $0xF7A, s1;
	s8 =	simm.s32 @!p0 $0x1BF5;
	p2 =	por !p2, p0  }
0x20: {  	[sflag:s8] =	ssyncset.s32 @!p0 $0xFFFFF086;
	s6 =	sadd.s32 @!p0 s3, s7;
	s7 =	simm.s32 @!p0 $0x108  }
0x21: {  	s3 =	sadd.s32 s3, s9;
	s6 =	sadd.s32 @!p0 $0x88, s6;
	s7 =	simm.s32 @p2 $0x1082  }
0x22: {  	[simem:s7], [sflag:s8] =	dma.local @!p0 [hbm:s6], $0xF7A  }
0x23: {  	s9 =	sor.u32 $0xD0000000, s2;
	s6 =	simm.s32 $0x108;
	_ =	swait.ge @!p0 [sflag:s8], $0x0  }
0x24: {  	s3 =	sadd.s32 $0x88, s3;
	s6 =	simm.s32 @!p1 $0x1082;
	[sflag:s4] =	ssyncset.s32 $0xFFFFF086  }
0x25: {  	[simem:s6], [sflag:s4] =	dma.local [hbm:s3], $0xF7A  }
0x26: {  	[smem:$0x3F99] =	sst s1;
	(tag) =	ssettag s2;
	_ =	strace s9  }
0x27: {  	s1 =	sld [smem:$0x3FA9]  }
0x28: {  	s2 =	sld [smem:$0x3FAA]  }
0x29: {  	s4 =	sld [smem:$0x3FAC]  }
0x2a: {  	p0 =	seq.s32 s5, $0x0;
	s5 =	sld [smem:$0x3FAD]  }
0x2b: {  	s6 =	sld [smem:$0x3FAE]  }
0x2c: {  	s7 =	sld [smem:$0x3FAF]  }
0x2d: {  	s3 =	simm.s32 $0x108;
	s8 =	sld [smem:$0x3FB0]  }
0x2e: {  	s3 =	simm.s32 @!p0 $0x1082;
	s9 =	sld [smem:$0x3FB1]  }
0x2f: {  	lr =	sadd.s32 s0, s3;
	s0 =	sld [smem:$0x3FA8]  }
0x30: {  	s3 =	sld [smem:$0x3FAB]  }
0x31: {  	[smem:$0x3FB4] =	sst s10  }
0x32: {  	s10 =	sld [smem:$0x3FB2];
	_ =	sdelay $0x3  }
0x33: {  	p0 =	seq.s32 s10, $0x1;
	s10 =	sld [smem:$0x3FB4];
	_ =	sdelay $0x3  }
0x34: {  	[smem:$0x3FB4] =	sst s10  }
0x35: {  	s10 =	sld [smem:$0x3FB3];
	_ =	sdelay $0x3  }
0x36: {  	p1 =	seq.s32 s10, $0x1;
	s10 =	sld [smem:$0x3FB4];
	_ =	sdelay $0x3  }
0x37: {  	[smem:$0x3FB4] =	sst s10  }
0x38: {  	s10 =	sld [smem:$0x3FB5]  }
0x39: {  	_ = 	snop;
	(pc) =	sbr.ind lr, $3  }
0x3a: {  	_ = 	snop  }
0x3b: {  	_ = 	snop  }
0x3c: {  	p2 =	seq.s32 s10, $0x1;
	s10 =	sld [smem:$0x3FB4]  }
0x3d: {  	_ =	shalt  }
0x3e: {  	_ =	shalt  }
0x3f: {  	_ =	shalt  }
0x40: {  	_ =	shalt  }
0x41: {  	_ =	shalt  }
0x42: {  	_ =	shalt  }
0x43: {  	_ =	shalt  }
0x44: {  	_ =	shalt  }
0x45: {  	_ =	shalt  }
0x46: {  	_ =	shalt  }
0x47: {  	_ =	shalt  }
0x48: {  	_ =	shalt  }
0x49: {  	_ =	shalt  }
0x4a: {  	_ =	shalt  }
0x4b: {  	_ =	shalt  }
0x4c: {  	_ =	shalt  }
0x4d: {  	_ =	shalt  }
0x4e: {  	_ =	shalt  }
0x4f: {  	_ =	shalt  }
0x50: {  	_ =	shalt  }
0x51: {  	_ =	shalt  }
0x52: {  	_ =	shalt  }
0x53: {  	_ =	shalt  }
0x54: {  	_ =	shalt  }
0x55: {  	_ =	shalt  }
0x56: {  	_ =	shalt  }
0x57: {  	_ =	shalt  }
0x58: {  	_ =	shalt  }
0x59: {  	_ =	shalt  }
0x5a: {  	_ =	shalt  }
0x5b: {  	_ =	shalt  }
0x5c: {  	_ =	shalt  }
0x5d: {  	_ =	shalt  }
0x5e: {  	_ =	shalt  }
0x5f: {  	_ =	shalt  }
0x60: {  	_ =	shalt  }
0x61: {  	_ =	shalt  }
0x62: {  	_ =	shalt  }
0x63: {  	_ =	shalt  }
0x64: {  	_ =	shalt  }
0x65: {  	_ =	shalt  }
0x66: {  	_ =	shalt  }
0x67: {  	_ =	shalt  }
0x68: {  	_ =	shalt  }
0x69: {  	_ =	shalt  }
0x6a: {  	_ =	shalt  }
0x6b: {  	_ =	shalt  }
0x6c: {  	_ =	shalt  }
0x6d: {  	_ =	shalt  }
0x6e: {  	_ =	shalt  }
0x6f: {  	_ =	shalt  }
0x70: {  	_ =	shalt  }
0x71: {  	_ =	shalt  }
0x72: {  	_ =	shalt  }
0x73: {  	_ =	shalt  }
0x74: {  	_ =	shalt  }
0x75: {  	_ =	shalt  }
0x76: {  	_ =	shalt  }
0x77: {  	_ =	shalt  }
0x78: {  	_ =	shalt  }
0x79: {  	_ =	shalt  }
0x7a: {  	_ =	shalt  }
0x7b: {  	_ =	shalt  }
0x7c: {  	_ =	shalt  }
0x7d: {  	_ =	shalt  }
0x7e: {  	_ =	shalt  }
0x7f: {  	_ =	shalt  }
0x80: {  	_ =	shalt  }
0x81: {  	_ =	shalt  }
0x82: {  	_ =	shalt  }
0x83: {  	_ =	shalt  }
0x84: {  	_ =	shalt  }
0x85: {  	_ =	shalt  }
0x86: {  	_ =	shalt  }
0x87: {  	_ =	shalt  }
.Lfunc_end0:
.L_simem_size_0:
called_computation.3_lowered:
.L_overlay_start_0:
0x88: {  	s2 =	sld [smem:$0x3FD9]  }
0x89: {  	s3 =	sld [smem:$0x3FFE];
	_ =	sdelay $0x1  }
0x8a: {  	s1 =	srdreg.scid  }
0x8b: {  	s0 =	sand.u32 $0x1, s1  }
0x8c: {  	s16 =	sshll.u32 s0, $0xA;
	s2 =	sadd.s32 s3, s2  }
0x8d: {  	s2 =	sadd.s32 s2, s16  }
0x8e: {  	[smem:$0x3FC0] =	sst s2  }
0x8f: {  	_ = 	snop  }
0x90: {  	(tm) =	ssettm $0x1  }
0x91: {  	s17 =	sld [smem:$0x3FFB];
	_ =	sdelay $0x3  }
0x92: {  	_ =	strace s17  }
0x93: {  	s2 =	sld [smem:$0x3FFC];
	_ =	sdelay $0x3  }
0x94: {  	_ =	strace s2  }
0x95: {  	s2 =	sld [smem:$0x3FFD];
	_ =	sdelay $0x3  }
0x96: {  	_ =	strace s2  }
0x97: {  	_ =	strace $0x8FFFFFFF  }
0x98: {  	s18 =	sld [smem:$0x3FDB];
	_ =	sdelay $0x1  }
0x99: {  	s19 =	simm.s32 $_scs_section_size  }
0x9a: {  	s4 =	simm.s32 $_size__tile_overlayer_lowered;
	s5 =	simm.s32 $_tile_overlayer_lowered  }
0x9b: {  	s22 =	simm.s32 $0x1BFF;
	s21 =	sshll.u32 s5, $0x1;
	s2 =	sadd.s32 s19, s18  }
0x9c: {  	s6 =	simm.s32 $0x0;
	s20 =	sshll.u32 s4, $0x1;
	s4 =	sadd.s32 s21, s2  }
0x9d: {  	[timem:s6], [sflag:s22] =	dma.local [hbm:s4], s20  }
0x9e: {  	_ =	swait.ge [sflag:s22], s20  }
0x9f: {  	s3 =	ssub.s32 $0x0, s20;
	[sflag:s22] =	ssyncset.done $0x0  }
0xa0: {  	[sflag:s22] =	ssyncadd.s32 s3;
	_ =	sdelay $0x1  }
0xa1: {  	s23 =	simm.s32 $0x1B8B  }
0xa2: {  	_ =	swait.ge [sflag:s23], $0x1  }
0xa3: {  	[sflag:s23] =	ssyncset.done $0x0  }
0xa4: {  	s25 =	simm.s32 $0x1B8E;
	s24 =	sld [smem:$0x3FFE];
	[sflag:s23] =	ssyncadd.s32 $0xFFFFFFFF  }
0xa5: {  	s26 =	simm.s32 $execute0_lowered;
	[smem:$0x3FD2] =	sst s25  }
0xa6: {  	s4 =	sshll.u32 s26, $0x1;
	_ =	strace $0x8000004F;
	[dreg:$0x1] =	wrdreg $0xFFFFFFFF  }
0xa7: {  	s28 =	simm.s32 $_size_execute0_lowered;
	s2 =	sadd.s32 s2, s4;
	[dreg:$0x0] =	wrdreg $0x0  }
0xa8: {  	s4 =	sshll.u32 s28, $0x1;
	[dreg:$0x2] =	wrdreg s2  }
0xa9: {  	[dreg:$0x3] =	wrdreg s4  }
0xaa: {  	[dreg:$0x4] =	wrdreg $0xC0  }
0xab: {  	_ =	task [dreg:s6], $0x5FFFF  }
0xac: {  	[dreg:$0x1] =	wrdreg $0xFFFFFFFF  }
0xad: {  	[dreg:$0x0] =	wrdreg $0x60  }
0xae: {  	[dreg:$0x2] =	wrdreg s24  }
0xaf: {  	[dreg:$0x3] =	wrdreg $0x9  }
0xb0: {  	_ =	task.clear_ibuf [dreg:s6], $0x4FFFF;
	_ =	strace $0x9000004F  }
0xb1: {  	s29 =	simm.s32 $0x9;
	_ =	strace $0x80000051  }
0xb2: {  	_ =	swait.ge [sflag:s29], $0x1  }
0xb3: {  	[sflag:s29] =	ssyncadd.s32 $0xFFFFFFFF  }
0xb4: {  	_ =	strace $0x90000051  }
0xb5: {  	_ =	sfence  }
0xb6: {  	s30 =	sld [smem:$0x0];
	_ =	sdelay $0x2  }
0xb7: {  	s31 =	sshll.u32 s1, $0xD;
	s1 =	sshrl.u32 s1, $0x2  }
0xb8: {  	s3 =	sand.u32 $0x4000, s31;
	s1 =	sadd.s32 s1, s30  }
0xb9: {  	s0 =	sor.u32 s3, s0;
	s1 =	sshll.u32 s1, $0x11  }
0xba: {  	s0 =	sor.u32 s1, s0  }
0xbb: {  	s0 =	sadd.s32 $0x8F2B, s0  }
0xbc: {  	[sflag:s0] =	ssyncadd.remote.s32 $0x1  }
0xbd: {  	_ =	sfence.sel $0xFFFF  }
0xbe: {  	[dreg:$0x0] =	wrdreg $0xFFFFFFFF;
	(pc) =	sbr.abs _section_cstart, $3  }
0xbf: {  	[dreg:$0x1] =	wrdreg $0xFFFFFFFF  }
0xc0: {  	_ =	task.clear_ibuf [dreg:s6], $0x2FFFF;
	_ =	strace $0x9FFFFFFF  }
0xc1: {  	(tm) =	ssettm $0x7FFFFFFF  }
tec
execute0_lowered:
.L_overlay_start_1:
0x0: {  	(tag) =	ssettag $0x1  }
0x1: {  	s5 =	rddreg [dreg:$0x0]  }
0x2: {  	s0 =	srdreg.scid;
	s1 =	rddreg [dreg:$0x1];
	s2 =	simm.s32 $0x0  }
0x3: {  	s11 =	simm.s32 $0x7D;
	s12 =	simm.s32 $0x5000;
	s13 =	simm.s32 $0x9000  }
0x4: {  	s14 =	simm.s32 $0xD000;
	s15 =	simm.s32 $0x11000;
	s16 =	simm.s32 $0x1  }
0x5: {  	s17 =	simm.s32 $0x2;
	s18 =	simm.s32 $0x15000;
	s4 =	sand.u32 $0x1, s0  }
0x6: {  	s19 =	simm.s32 $0x3;
	s0 =	stileid.u32;
	s3 =	smul.u32 $0x28000, s4  }
0x7: {  	s20 =	simm.s32 $0x4;
	[smem:$0x7FF] =	sst s2;
	s6 =	smul.u32 $0x2800, s0  }
0x8: {  	s21 =	simm.s32 $0x0;
	_ =	strace $0x80000050;
	s8 =	smul.u32 $0x1400000, s4  }
0x9: {  	s7 =	ssub.s32 $0x2, s4;
	s4 =	sadd.s32 $0x9F600, s5;
	s9 =	smul.u32 $0x140000, s0  }
0xa: {  	s31 =	sshrl.u32 s7, $0x1;
	s6 =	sadd.s32 s6, s3;
	s3 =	sadd.s32 $0x1400, s5  }
0xb: {  	s10 =	ssub.s32 s7, s31;
	s7 =	sadd.s32 s9, s8;
	s6 =	sshrl.u32 s6, $0x3  }
0xc: {  	s9 =	simm.s32 $0x5;
	s8 =	smax.u32 s10, $0x1;
	s6 =	sadd.s32 s6, s5  }
0xd: {  	s10 =	simm.s32 $0x2800;
	s5 =	sadd.s32 $0x95600, s6;
	s6 =	sadd.s32 $0x8B600, s6  }
.LBB2_1:
0xe: {  	[tilespmem:s2], [sflag:$0x5] =	stream.linear.gather [hbm4b:s5+s2], $0x2800, $0x38;
	[tilespmem:$0x19000] =	vst v63  }
0xf: {  	_ =	swait.ge [sflag:s9], $0x2800  }
0x10: {  	[sflag:s9] =	ssyncset.done $0x0  }
0x11: {  	[sflag:s9] =	ssyncadd.s32 $0xFFFFD800  }
0x12: {  	[tilespmem:s10], [sflag:$0x5] =	stream.linear.gather [hbm4b:s6+s2], $0x2800, $0x38;
	[tilespmem:$0x19000] =	vst v63  }
0x13: {  	_ =	swait.ge [sflag:s9], $0x2800  }
0x14: {  	[sflag:s9] =	ssyncset.done $0x0  }
0x15: {  	[sflag:s9] =	ssyncadd.s32 $0xFFFFD800  }
0x16: {  	[tilespmem:s12], [sflag:$0x1] =	stream.indirect.gather [hbm4b:s3+s11], $0x80, s2, s11, $0xb8;
	[tilespmem:$0x19000] =	vst v63  }
0x17: {  	s22 =	simm.s32 $0x0  }
0x18: {  	[tilespmem:s13], [sflag:$0x2] =	stream.indirect.gather [hbm4b:s3+s11], $0x80, s10, s11, $0xb8;
	[tilespmem:$0x19000] =	vst v63  }
.LBB2_2:
0x19: {  	s23 =	sshllo.u32 s22, $0x1  }
0x1a: {  	s24 =	sshll.u32 s23, $0x7  }
0x1b: {  	[tilespmem:s14], [sflag:$0x3] =	stream.indirect.gather [hbm4b:s3+s11], $0x80, s24, s11, $0xb8;
	[tilespmem:$0x19000] =	vst v63  }
0x1c: {  	s24 =	sadd.s32 $0x2800, s24  }
0x1d: {  	[tilespmem:s15], [sflag:$0x4] =	stream.indirect.gather [hbm4b:s3+s11], $0x80, s24, s11, $0xb8;
	[tilespmem:$0x19000] =	vst v63  }
0x1e: {  	_ =	swait.ge [sflag:s16], $0x3E80  }
0x1f: {  	[sflag:s16] =	ssyncset.done $0x0  }
0x20: {  	[sflag:s16] =	ssyncadd.s32 $0xFFFFC180  }
0x21: {  	_ =	swait.ge [sflag:s17], $0x3E80  }
0x22: {  	[sflag:s17] =	ssyncset.done $0x0  }
0x23: {  	s24 =	simm.s32 $0x0;
	[sflag:s17] =	ssyncadd.s32 $0xFFFFC180  }
0x24: {  	v0 =	vld [tilespmem:s24+$0x5200]  }
0x25: {  	v1 =	vld [tilespmem:s24+$0x9200]  }
0x26: {  	v2 =	vld [tilespmem:s24+$0x5210]  }
0x27: {  	v3 =	vld [tilespmem:s24+$0x9210]  }
0x28: {  	v4 =	vld [tilespmem:s24+$0x5220]  }
0x29: {  	v5 =	vld [tilespmem:s24+$0x9220]  }
0x2a: {  	v6 =	vld [tilespmem:s24+$0x5230]  }
0x2b: {  	v7 =	vld [tilespmem:s24+$0x9230]  }
0x2c: {  	v8 =	vld [tilespmem:s24+$0x5240]  }
0x2d: {  	v9 =	vld [tilespmem:s24+$0x5100]  }
0x2e: {  	v10 =	vld [tilespmem:s24+$0x5110]  }
0x2f: {  	v11 =	vld [tilespmem:s24+$0x9110]  }
0x30: {  	v12 =	vld [tilespmem:s24+$0x5180]  }
0x31: {  	v13 =	vld [tilespmem:s24+$0x9180]  }
0x32: {  	v14 =	vld [tilespmem:s24+$0x5190]  }
0x33: {  	v15 =	vld [tilespmem:s24+$0x9190]  }
0x34: {  	v16 =	vld [tilespmem:s24+$0x5020]  }
0x35: {  	v17 =	vld [tilespmem:s24+$0x9020]  }
0x36: {  	v18 =	vld [tilespmem:s24+$0x50A0]  }
0x37: {  	v19 =	vld [tilespmem:s24+$0x90A0]  }
0x38: {  	v20 =	vld [tilespmem:s24+$0x5120]  }
0x39: {  	v21 =	vld [tilespmem:s24+$0x9120]  }
0x3a: {  	v22 =	vld [tilespmem:s24+$0x51A0]  }
0x3b: {  	v23 =	vld [tilespmem:s24+$0x91A0]  }
0x3c: {  	v24 =	vld [tilespmem:s24+$0x5030]  }
0x3d: {  	v25 =	vld [tilespmem:s24+$0x9030]  }
0x3e: {  	v26 =	vld [tilespmem:s24+$0x50B0]  }
0x3f: {  	v27 =	vld [tilespmem:s24+$0x90B0]  }
0x40: {  	v28 =	vld [tilespmem:s24+$0x5130]  }
0x41: {  	v29 =	vld [tilespmem:s24+$0x9130]  }
0x42: {  	v30 =	vld [tilespmem:s24+$0x51B0]  }
0x43: {  	v31 =	vld [tilespmem:s24+$0x91B0]  }
0x44: {  	v32 =	vld [tilespmem:s24+$0x5040]  }
0x45: {  	v33 =	vld [tilespmem:s24+$0x9040]  }
0x46: {  	v34 =	vld [tilespmem:s24+$0x50C0]  }
0x47: {  	v35 =	vld [tilespmem:s24+$0x90C0]  }
0x48: {  	v36 =	vld [tilespmem:s24+$0x5140]  }
0x49: {  	v37 =	vld [tilespmem:s24+$0x9140]  }
0x4a: {  	v38 =	vld [tilespmem:s24+$0x51C0]  }
0x4b: {  	v39 =	vld [tilespmem:s24+$0x91C0]  }
0x4c: {  	v40 =	vld [tilespmem:s24+$0x5050]  }
0x4d: {  	v41 =	vld [tilespmem:s24+$0x9050]  }
0x4e: {  	v42 =	vld [tilespmem:s24+$0x50D0]  }
0x4f: {  	v43 =	vld [tilespmem:s24+$0x90D0]  }
0x50: {  	v0 =	vmul.f32 v1, v0;
	v1 =	vmul.f32 v3, v2;
	v2 =	vld [tilespmem:s24+$0x9240]  }
0x51: {  	v3 =	vld [tilespmem:s24+$0x5250]  }
0x52: {  	v0 =	vadd.f32 v1, v0;
	v1 =	vmul.f32 v5, v4;
	v4 =	vld [tilespmem:s24+$0x9250]  }
0x53: {  	v5 =	vld [tilespmem:s24+$0x5260]  }
0x54: {  	v0 =	vadd.f32 v1, v0;
	v1 =	vmul.f32 v7, v6;
	v6 =	vld [tilespmem:s24+$0x9260]  }
0x55: {  	v7 =	vld [tilespmem:s24+$0x5270]  }
0x56: {  	v0 =	vadd.f32 v1, v0;
	v1 =	vmul.f32 v2, v8;
	v2 =	vld [tilespmem:s24+$0x9270]  }
0x57: {  	v8 =	vld [tilespmem:s24+$0x5000]  }
0x58: {  	v0 =	vadd.f32 v1, v0;
	v1 =	vmul.f32 v4, v3;
	v3 =	vld [tilespmem:s24+$0x9000]  }
0x59: {  	v4 =	vld [tilespmem:s24+$0x5010]  }
0x5a: {  	v0 =	vadd.f32 v1, v0;
	v1 =	vmul.f32 v6, v5;
	v5 =	vld [tilespmem:s24+$0x9010]  }
0x5b: {  	v6 =	vld [tilespmem:s24+$0x5080]  }
0x5c: {  	v0 =	vadd.f32 v1, v0;
	v1 =	vmul.f32 v2, v7;
	v2 =	vld [tilespmem:s24+$0x9080]  }
0x5d: {  	v7 =	vld [tilespmem:s24+$0x5090]  }
0x5e: {  	v0 =	vadd.f32 v1, v0;
	v1 =	vld [tilespmem:s24+$0x9090]  }
0x5f: {  	v44 =	vld [tilespmem:s24+$0x5150]  }
0x60: {  	[tilespmem:s24+$0x15200] =	vst v0;
	v0 =	vld [tilespmem:s24+$0x9100]  }
0x61: {  	v45 =	vld [tilespmem:s24+$0x9150]  }
0x62: {  	v46 =	vld [tilespmem:s24+$0x51D0];
	v3 =	vmul.f32 v3, v8;
	v4 =	vmul.f32 v5, v4  }
0x63: {  	v51 =	vld [tilespmem:s24+$0x9160];
	v2 =	vmul.f32 v2, v6;
	v1 =	vmul.f32 v1, v7  }
0x64: {  	v53 =	vld [tilespmem:s24+$0x51E0];
	v7 =	vmul.f32 v11, v10;
	v10 =	vmul.f32 v15, v14  }
0x65: {  	v55 =	vld [tilespmem:s24+$0x5070];
	v0 =	vmul.f32 v0, v9;
	v9 =	vmul.f32 v13, v12  }
0x66: {  	v59 =	vld [tilespmem:s24+$0x50F0];
	v3 =	vadd.f32 v4, v3;
	v1 =	vadd.f32 v1, v2;
	v2 =	vmul.f32 v17, v16  }
0x67: {  	v60 =	vld [tilespmem:s24+$0x90F0];
	v0 =	vadd.f32 v7, v0;
	v7 =	vadd.f32 v10, v9;
	v9 =	vmul.f32 v19, v18  }
0x68: {  	v50 =	vmul.f32 v23, v22;
	v8 =	vld [tilespmem:s24+$0x9060];
	v2 =	vadd.f32 v2, v3;
	v3 =	vmul.f32 v21, v20  }
0x69: {  	v52 =	vmul.f32 v27, v26;
	v5 =	vld [tilespmem:s24+$0x91D0];
	v1 =	vadd.f32 v9, v1;
	v9 =	vmul.f32 v25, v24  }
0x6a: {  	v6 =	vld [tilespmem:s24+$0x5060];
	v0 =	vadd.f32 v3, v0;
	v3 =	vadd.f32 v50, v7;
	v7 =	vmul.f32 v29, v28  }
0x6b: {  	v56 =	vmul.f32 v35, v34;
	v4 =	vld [tilespmem:s24+$0x90E0];
	v2 =	vadd.f32 v9, v2;
	v9 =	vmul.f32 v31, v30  }
0x6c: {  	v58 =	vmul.f32 v39, v38;
	v11 =	vld [tilespmem:s24+$0x50E0];
	v0 =	vadd.f32 v7, v0;
	v7 =	vmul.f32 v33, v32  }
0x6d: {  	v57 =	vld [tilespmem:s24+$0x9070];
	v1 =	vadd.f32 v52, v1;
	v3 =	vadd.f32 v9, v3;
	v9 =	vmul.f32 v37, v36  }
0x6e: {  	v63 =	vmul.f32 v60, v59;
	v10 =	vld [tilespmem:s24+$0x5160];
	v2 =	vadd.f32 v7, v2;
	v7 =	vmul.f32 v41, v40  }
0x6f: {  	v54 =	vld [tilespmem:s24+$0x91E0];
	v1 =	vadd.f32 v56, v1;
	v0 =	vadd.f32 v9, v0;
	v9 =	vmul.f32 v43, v42  }
0x70: {  	v61 =	vld [tilespmem:s24+$0x5170];
	v62 =	vmul.f32 v5, v46;
	v6 =	vmul.f32 v8, v6;
	v2 =	vadd.f32 v7, v2  }
0x71: {  	v8 =	vld [tilespmem:s24+$0x9170];
	v4 =	vmul.f32 v4, v11;
	v7 =	vmul.f32 v45, v44;
	v9 =	vadd.f32 v9, v1  }
0x72: {  	v5 =	vld [tilespmem:s24+$0x91F0];
	v3 =	vadd.f32 v58, v3;
	v2 =	vadd.f32 v6, v2;
	v6 =	vmul.f32 v57, v55  }
0x73: {  	s26 =	simm.s32 $0x280;
	v1 =	vld [tilespmem:s24+$0x51F0];
	v7 =	vadd.f32 v7, v0;
	v9 =	vadd.f32 v4, v9;
	v4 =	vmul.f32 v51, v10  }
0x74: {  	v3 =	vadd.f32 v62, v3;
	v0 =	vld [tilespmem:s26+$0x5200];
	v10 =	vmul.f32 v54, v53;
	v11 =	vadd.f32 v6, v2  }
0x75: {  	v2 =	vld [tilespmem:s26+$0x9200];
	v6 =	vadd.f32 v4, v7  }
0x76: {  	s25 =	simm.s32 $0x1400;
	v8 =	vmul.f32 v8, v61;
	v4 =	vld [tilespmem:s26+$0x5210];
	v3 =	vadd.f32 v10, v3;
	[tilespmem:s24+$0x15000] =	vst v11;
	v7 =	vadd.f32 v63, v9  }
.LBB2_3:
0x77: {  	p0 =	sne.s32 s25, $0xF000;
	v9 =	vld [tilespmem:s26+$0x9210]  }
0x78: {  	v10 =	vld [tilespmem:s26+$0x5220];
	[tilespmem:s24+$0x15080] =	vst v7;
	v6 =	vadd.f32 v8, v6;
	v1 =	vmul.f32 v5, v1  }
0x79: {  	v5 =	vld [tilespmem:s26+$0x9220]  }
0x7a: {  	v7 =	vld [tilespmem:s26+$0x5230];
	[tilespmem:s24+$0x15100] =	vst v6;
	v1 =	vadd.f32 v1, v3  }
0x7b: {  	v3 =	vld [tilespmem:s26+$0x9230]  }
0x7c: {  	v0 =	vmul.f32 v2, v0;
	v2 =	vmul.f32 v9, v4;
	v4 =	vld [tilespmem:s26+$0x5240];
	[tilespmem:s24+$0x15180] =	vst v1;
	s24 =	smov.u32 s26  }
0x7d: {  	v1 =	vld [tilespmem:s24+$0x9240]  }
0x7e: {  	v0 =	vadd.f32 v2, v0;
	v2 =	vmul.f32 v5, v10;
	v5 =	vld [tilespmem:s24+$0x5250]  }
0x7f: {  	v6 =	vld [tilespmem:s24+$0x9250]  }
0x80: {  	v0 =	vadd.f32 v2, v0;
	v2 =	vmul.f32 v3, v7;
	v3 =	vld [tilespmem:s24+$0x5260]  }
0x81: {  	v7 =	vld [tilespmem:s24+$0x9260]  }
0x82: {  	v0 =	vadd.f32 v2, v0;
	v1 =	vmul.f32 v1, v4;
	v2 =	vld [tilespmem:s24+$0x5270]  }
0x83: {  	v4 =	vld [tilespmem:s24+$0x9270]  }
0x84: {  	v8 =	vld [tilespmem:s24+$0x5000];
	v0 =	vadd.f32 v1, v0;
	v1 =	vmul.f32 v6, v5  }
0x85: {  	v5 =	vld [tilespmem:s24+$0x9000]  }
0x86: {  	v6 =	vld [tilespmem:s24+$0x5010];
	v0 =	vadd.f32 v1, v0;
	v1 =	vmul.f32 v7, v3  }
0x87: {  	v3 =	vld [tilespmem:s24+$0x9010]  }
0x88: {  	v7 =	vld [tilespmem:s24+$0x5080];
	v0 =	vadd.f32 v1, v0;
	v1 =	vmul.f32 v4, v2  }
0x89: {  	v2 =	vld [tilespmem:s24+$0x9080]  }
0x8a: {  	v4 =	vmul.f32 v5, v8;
	v5 =	vld [tilespmem:s24+$0x5090];
	v0 =	vadd.f32 v1, v0  }
0x8b: {  	v1 =	vld [tilespmem:s24+$0x9090]  }
0x8c: {  	v3 =	vmul.f32 v3, v6;
	v6 =	vld [tilespmem:s24+$0x5100];
	[tilespmem:s24+$0x15200] =	vst v0  }
0x8d: {  	v0 =	vld [tilespmem:s24+$0x9100]  }
0x8e: {  	v3 =	vadd.f32 v3, v4;
	v2 =	vmul.f32 v2, v7;
	v4 =	vld [tilespmem:s24+$0x5110]  }
0x8f: {  	v7 =	vld [tilespmem:s24+$0x9110]  }
0x90: {  	v1 =	vmul.f32 v1, v5;
	v5 =	vld [tilespmem:s24+$0x5180]  }
0x91: {  	v8 =	vld [tilespmem:s24+$0x9180]  }
0x92: {  	v1 =	vadd.f32 v1, v2;
	v0 =	vmul.f32 v0, v6;
	v2 =	vld [tilespmem:s24+$0x5190]  }
0x93: {  	v6 =	vld [tilespmem:s24+$0x9190]  }
0x94: {  	v9 =	vld [tilespmem:s24+$0x5020];
	v4 =	vmul.f32 v7, v4  }
0x95: {  	v7 =	vld [tilespmem:s24+$0x9020]  }
0x96: {  	v10 =	vld [tilespmem:s24+$0x50A0];
	v0 =	vadd.f32 v4, v0;
	v4 =	vmul.f32 v8, v5  }
0x97: {  	v5 =	vld [tilespmem:s24+$0x90A0]  }
0x98: {  	v8 =	vld [tilespmem:s24+$0x5120];
	v2 =	vmul.f32 v6, v2  }
0x99: {  	v6 =	vld [tilespmem:s24+$0x9120]  }
0x9a: {  	v7 =	vmul.f32 v7, v9;
	v2 =	vadd.f32 v2, v4;
	v4 =	vld [tilespmem:s24+$0x51A0]  }
0x9b: {  	v9 =	vld [tilespmem:s24+$0x91A0]  }
0x9c: {  	v3 =	vadd.f32 v7, v3;
	v7 =	vld [tilespmem:s24+$0x5030];
	v5 =	vmul.f32 v5, v10  }
0x9d: {  	v10 =	vld [tilespmem:s24+$0x9030]  }
0x9e: {  	v1 =	vadd.f32 v5, v1;
	v5 =	vld [tilespmem:s24+$0x50B0];
	v6 =	vmul.f32 v6, v8  }
0x9f: {  	v8 =	vld [tilespmem:s24+$0x90B0]  }
0xa0: {  	v0 =	vadd.f32 v6, v0;
	v6 =	vld [tilespmem:s24+$0x5130];
	v4 =	vmul.f32 v9, v4  }
0xa1: {  	v9 =	vld [tilespmem:s24+$0x9130]  }
0xa2: {  	v7 =	vmul.f32 v10, v7;
	v2 =	vadd.f32 v4, v2;
	v4 =	vld [tilespmem:s24+$0x51B0]  }
0xa3: {  	v10 =	vld [tilespmem:s24+$0x91B0]  }
0xa4: {  	v3 =	vadd.f32 v7, v3;
	v7 =	vld [tilespmem:s24+$0x5040];
	v5 =	vmul.f32 v8, v5  }
0xa5: {  	v8 =	vld [tilespmem:s24+$0x9040]  }
0xa6: {  	v1 =	vadd.f32 v5, v1;
	v5 =	vld [tilespmem:s24+$0x50C0];
	v6 =	vmul.f32 v9, v6  }
0xa7: {  	v9 =	vld [tilespmem:s24+$0x90C0]  }
0xa8: {  	v0 =	vadd.f32 v6, v0;
	v6 =	vld [tilespmem:s24+$0x5140];
	v4 =	vmul.f32 v10, v4  }
0xa9: {  	v10 =	vld [tilespmem:s24+$0x9140]  }
0xaa: {  	v7 =	vmul.f32 v8, v7;
	v2 =	vadd.f32 v4, v2;
	v4 =	vld [tilespmem:s24+$0x51C0]  }
0xab: {  	v8 =	vld [tilespmem:s24+$0x91C0]  }
0xac: {  	v3 =	vadd.f32 v7, v3;
	v7 =	vld [tilespmem:s24+$0x5050];
	v5 =	vmul.f32 v9, v5  }
0xad: {  	v9 =	vld [tilespmem:s24+$0x9050]  }
0xae: {  	v1 =	vadd.f32 v5, v1;
	v5 =	vld [tilespmem:s24+$0x50D0];
	v6 =	vmul.f32 v10, v6  }
0xaf: {  	v10 =	vld [tilespmem:s24+$0x90D0]  }
0xb0: {  	v0 =	vadd.f32 v6, v0;
	v6 =	vld [tilespmem:s24+$0x5150];
	v4 =	vmul.f32 v8, v4  }
0xb1: {  	v8 =	vld [tilespmem:s24+$0x9150]  }
0xb2: {  	v7 =	vmul.f32 v9, v7;
	v2 =	vadd.f32 v4, v2;
	v4 =	vld [tilespmem:s24+$0x51D0]  }
0xb3: {  	v9 =	vld [tilespmem:s24+$0x91D0]  }
0xb4: {  	v3 =	vadd.f32 v7, v3;
	v7 =	vld [tilespmem:s24+$0x5060];
	v5 =	vmul.f32 v10, v5  }
0xb5: {  	v10 =	vld [tilespmem:s24+$0x9060]  }
0xb6: {  	v1 =	vadd.f32 v5, v1;
	v5 =	vld [tilespmem:s24+$0x50E0];
	v6 =	vmul.f32 v8, v6  }
0xb7: {  	v8 =	vld [tilespmem:s24+$0x90E0]  }
0xb8: {  	v0 =	vadd.f32 v6, v0;
	v6 =	vld [tilespmem:s24+$0x5160];
	v4 =	vmul.f32 v9, v4  }
0xb9: {  	v9 =	vld [tilespmem:s24+$0x9160]  }
0xba: {  	v7 =	vmul.f32 v10, v7;
	v2 =	vadd.f32 v4, v2;
	v4 =	vld [tilespmem:s24+$0x51E0]  }
0xbb: {  	v10 =	vld [tilespmem:s24+$0x91E0]  }
0xbc: {  	v7 =	vadd.f32 v7, v3;
	v3 =	vld [tilespmem:s24+$0x5070];
	v5 =	vmul.f32 v8, v5  }
0xbd: {  	v8 =	vld [tilespmem:s24+$0x9070]  }
0xbe: {  	v11 =	vadd.f32 v5, v1;
	v12 =	vld [tilespmem:s24+$0x50F0];
	v1 =	vmul.f32 v9, v6  }
0xbf: {  	v9 =	vld [tilespmem:s24+$0x90F0]  }
0xc0: {  	v6 =	vadd.f32 v1, v0;
	v13 =	vld [tilespmem:s24+$0x5170];
	v0 =	vmul.f32 v10, v4  }
0xc1: {  	v10 =	vld [tilespmem:s24+$0x9170]  }
.Ltmp0:
0xc2: {  	v4 =	vmul.f32 v8, v3;
	v3 =	vadd.f32 v0, v2;
	v1 =	vld [tilespmem:s24+$0x51F0];
	(pc) =	sbr.rel @p0 .LBB2_3-.Ltmp0, $4  }
0xc3: {  	s26 =	sshra.s32 s25, $0x2;
	v5 =	vld [tilespmem:s24+$0x91F0]  }
0xc4: {  	v0 =	vld [tilespmem:s26+$0x5200];
	v7 =	vadd.f32 v4, v7;
	v8 =	vmul.f32 v9, v12  }
0xc5: {  	v2 =	vld [tilespmem:s26+$0x9200]  }
0xc6: {  	s25 =	sadd.s32 $0xA00, s25;
	v4 =	vld [tilespmem:s26+$0x5210];
	[tilespmem:s24+$0x15000] =	vst v7;
	v7 =	vadd.f32 v8, v11;
	v8 =	vmul.f32 v10, v13  }
0xc7: {  	v9 =	vld [tilespmem:s26+$0x9210]  }
0xc8: {  	v10 =	vld [tilespmem:s26+$0x5220];
	[tilespmem:s24+$0x15080] =	vst v7;
	v6 =	vadd.f32 v8, v6;
	v1 =	vmul.f32 v5, v1  }
0xc9: {  	v7 =	vld [tilespmem:s26+$0x9220]  }
0xca: {  	v5 =	vld [tilespmem:s26+$0x5230];
	[tilespmem:s24+$0x15100] =	vst v6;
	v1 =	vadd.f32 v1, v3  }
0xcb: {  	v3 =	vld [tilespmem:s26+$0x9230]  }
0xcc: {  	v6 =	vld [tilespmem:s26+$0x5240];
	[tilespmem:s24+$0x15180] =	vst v1  }
0xcd: {  	v0 =	vmul.f32 v2, v0;
	v2 =	vld [tilespmem:s26+$0x9240]  }
0xce: {  	v1 =	vmul.f32 v9, v4;
	v4 =	vld [tilespmem:s26+$0x5250]  }
0xcf: {  	v8 =	vld [tilespmem:s26+$0x5260]  }
0xd0: {  	v9 =	vld [tilespmem:s26+$0x5100]  }
0xd1: {  	v11 =	vld [tilespmem:s26+$0x9110]  }
0xd2: {  	v12 =	vld [tilespmem:s26+$0x5180]  }
0xd3: {  	v13 =	vld [tilespmem:s26+$0x9180]  }
0xd4: {  	v14 =	vld [tilespmem:s26+$0x5190]  }
0xd5: {  	v15 =	vld [tilespmem:s26+$0x9190]  }
0xd6: {  	v16 =	vld [tilespmem:s26+$0x5020]  }
0xd7: {  	v17 =	vld [tilespmem:s26+$0x9020]  }
0xd8: {  	v18 =	vld [tilespmem:s26+$0x50A0]  }
0xd9: {  	v19 =	vld [tilespmem:s26+$0x90A0]  }
0xda: {  	v20 =	vld [tilespmem:s26+$0x5120]  }
0xdb: {  	v21 =	vld [tilespmem:s26+$0x9120]  }
0xdc: {  	v22 =	vld [tilespmem:s26+$0x51A0]  }
0xdd: {  	v23 =	vld [tilespmem:s26+$0x91A0]  }
0xde: {  	v24 =	vld [tilespmem:s26+$0x5030]  }
0xdf: {  	v25 =	vld [tilespmem:s26+$0x9030]  }
0xe0: {  	v26 =	vld [tilespmem:s26+$0x50B0]  }
0xe1: {  	v27 =	vld [tilespmem:s26+$0x90B0]  }
0xe2: {  	v28 =	vld [tilespmem:s26+$0x5130]  }
0xe3: {  	v29 =	vld [tilespmem:s26+$0x9130]  }
0xe4: {  	v30 =	vld [tilespmem:s26+$0x51B0]  }
0xe5: {  	v31 =	vld [tilespmem:s26+$0x91B0]  }
0xe6: {  	v32 =	vld [tilespmem:s26+$0x5040]  }
0xe7: {  	v33 =	vld [tilespmem:s26+$0x9040]  }
0xe8: {  	v34 =	vld [tilespmem:s26+$0x50C0]  }
0xe9: {  	v35 =	vld [tilespmem:s26+$0x90C0]  }
0xea: {  	v36 =	vld [tilespmem:s26+$0x5140]  }
0xeb: {  	v37 =	vld [tilespmem:s26+$0x9140]  }
0xec: {  	v38 =	vld [tilespmem:s26+$0x51C0]  }
0xed: {  	v39 =	vld [tilespmem:s26+$0x91C0]  }
0xee: {  	v40 =	vld [tilespmem:s26+$0x5050]  }
0xef: {  	v41 =	vld [tilespmem:s26+$0x9050]  }
0xf0: {  	v42 =	vld [tilespmem:s26+$0x50D0]  }
0xf1: {  	v43 =	vld [tilespmem:s26+$0x90D0]  }
0xf2: {  	v44 =	vld [tilespmem:s26+$0x5150]  }
0xf3: {  	v45 =	vld [tilespmem:s26+$0x9150]  }
0xf4: {  	v46 =	vld [tilespmem:s26+$0x51D0];
	v0 =	vadd.f32 v1, v0;
	v1 =	vmul.f32 v7, v10  }
0xf5: {  	v7 =	vld [tilespmem:s26+$0x9250]  }
0xf6: {  	v10 =	vld [tilespmem:s26+$0x5110];
	v0 =	vadd.f32 v1, v0;
	v1 =	vmul.f32 v3, v5  }
0xf7: {  	v3 =	vld [tilespmem:s26+$0x9260]  }
0xf8: {  	v5 =	vld [tilespmem:s26+$0x5270];
	v0 =	vadd.f32 v1, v0;
	v1 =	vmul.f32 v2, v6  }
0xf9: {  	v2 =	vld [tilespmem:s26+$0x9270]  }
0xfa: {  	v6 =	vld [tilespmem:s26+$0x5000];
	v0 =	vadd.f32 v1, v0;
	v1 =	vmul.f32 v7, v4  }
0xfb: {  	v4 =	vld [tilespmem:s26+$0x9000]  }
0xfc: {  	v7 =	vld [tilespmem:s26+$0x5010];
	v0 =	vadd.f32 v1, v0;
	v1 =	vmul.f32 v3, v8  }
0xfd: {  	v3 =	vld [tilespmem:s26+$0x9010]  }
0xfe: {  	v8 =	vld [tilespmem:s26+$0x5080];
	v0 =	vadd.f32 v1, v0;
	v1 =	vmul.f32 v2, v5  }
0xff: {  	v2 =	vld [tilespmem:s26+$0x9080]  }
0x100: {  	v5 =	vld [tilespmem:s26+$0x5090];
	v0 =	vadd.f32 v1, v0  }
0x101: {  	v1 =	vld [tilespmem:s26+$0x9090]  }
0x102: {  	[tilespmem:s26+$0x15200] =	vst v0;
	v0 =	vld [tilespmem:s26+$0x9100]  }
0x103: {  	v47 =	vld [tilespmem:s26+$0x91D0]  }
0x104: {  	v48 =	vld [tilespmem:s26+$0x5060];
	v30 =	vmul.f32 v31, v30;
	v34 =	vmul.f32 v35, v34  }
0x105: {  	v63 =	vld [tilespmem:s26+$0x51E0];
	v4 =	vmul.f32 v4, v6;
	v3 =	vmul.f32 v3, v7  }
0x106: {  	v49 =	vld [tilespmem:s26+$0x51F0];
	v2 =	vmul.f32 v2, v8;
	v1 =	vmul.f32 v1, v5  }
0x107: {  	v31 =	vld [tilespmem:s26+$0x9070];
	v3 =	vadd.f32 v3, v4;
	v4 =	vmul.f32 v11, v10;
	v0 =	vmul.f32 v0, v9  }
0x108: {  	v35 =	vld [tilespmem:s26+$0x50F0];
	v8 =	vmul.f32 v15, v14;
	v1 =	vadd.f32 v1, v2;
	v2 =	vmul.f32 v13, v12  }
0x109: {  	v42 =	vmul.f32 v43, v42;
	v43 =	vld [tilespmem:s26+$0x9170];
	v0 =	vadd.f32 v4, v0;
	v4 =	vmul.f32 v17, v16  }
0x10a: {  	v6 =	vld [tilespmem:s26+$0x9060];
	v10 =	vmul.f32 v19, v18;
	v2 =	vadd.f32 v8, v2;
	v8 =	vmul.f32 v21, v20  }
0x10b: {  	v62 =	vmul.f32 v23, v22;
	v7 =	vld [tilespmem:s26+$0x90E0];
	v3 =	vadd.f32 v4, v3;
	v4 =	vmul.f32 v25, v24  }
0x10c: {  	v5 =	vld [tilespmem:s26+$0x50E0];
	v1 =	vadd.f32 v10, v1;
	v0 =	vadd.f32 v8, v0;
	v8 =	vmul.f32 v27, v26  }
0x10d: {  	v11 =	vld [tilespmem:s26+$0x9160];
	v2 =	vadd.f32 v62, v2;
	v3 =	vadd.f32 v4, v3;
	v4 =	vmul.f32 v29, v28  }
0x10e: {  	v9 =	vld [tilespmem:s26+$0x5160];
	v1 =	vadd.f32 v8, v1;
	v8 =	vmul.f32 v33, v32  }
0x10f: {  	v10 =	vld [tilespmem:s26+$0x91E0];
	v2 =	vadd.f32 v30, v2;
	v0 =	vadd.f32 v4, v0;
	v4 =	vmul.f32 v37, v36  }
0x110: {  	v37 =	vld [tilespmem:s26+$0x90F0];
	v3 =	vadd.f32 v8, v3;
	v1 =	vadd.f32 v34, v1;
	v8 =	vmul.f32 v39, v38  }
0x111: {  	v5 =	vmul.f32 v7, v5;
	v27 =	vld [tilespmem:s26+$0x5070];
	v0 =	vadd.f32 v4, v0;
	v4 =	vmul.f32 v41, v40  }
0x112: {  	v39 =	vld [tilespmem:s26+$0x5170];
	v2 =	vadd.f32 v8, v2;
	v8 =	vmul.f32 v45, v44;
	v1 =	vadd.f32 v42, v1  }
0x113: {  	v3 =	vadd.f32 v4, v3;
	v4 =	vmul.f32 v6, v48;
	v6 =	vld [tilespmem:s26+$0x91F0]  }
0x114: {  	v47 =	vmul.f32 v47, v46;
	v0 =	vadd.f32 v8, v0;
	v1 =	vadd.f32 v5, v1  }
0x115: {  	v8 =	vmul.f32 v37, v35;
	v3 =	vadd.f32 v4, v3;
	v4 =	vmul.f32 v11, v9  }
0x116: {  	v7 =	vmul.f32 v31, v27;
	v2 =	vadd.f32 v47, v2;
	v5 =	vmul.f32 v10, v63  }
0x117: {  	v1 =	vadd.f32 v8, v1;
	v0 =	vadd.f32 v4, v0;
	v4 =	vmul.f32 v43, v39  }
0x118: {  	v2 =	vadd.f32 v5, v2;
	v3 =	vadd.f32 v7, v3;
	v5 =	vmul.f32 v6, v49  }
0x119: {  	s31 =	sshll.u32 s22, $0xF;
	[tilespmem:s26+$0x15080] =	vst v1;
	v0 =	vadd.f32 v4, v0  }
0x11a: {  	s24 =	sadd.s32 s7, s31;
	[tilespmem:s26+$0x15000] =	vst v3;
	v1 =	vadd.f32 v5, v2  }
0x11b: {  	s24 =	sshrl.u32 s24, $0x3;
	[tilespmem:s26+$0x15100] =	vst v0  }
0x11c: {  	s24 =	sadd.s32 s4, s24;
	[tilespmem:s26+$0x15180] =	vst v1  }
0x11d: {  	[hbm4b:s24+s2] =	stream.linear.scatter [tilespmem:s18], [sflag:$0x5], $0x3E80, $0x38;
	[tilespmem:$0x19000] =	vst v63  }
0x11e: {  	p0 =	seq.s32 s22, $0x27;
	_ =	swait.ge [sflag:s9], $0x3E80  }
0x11f: {  	s28 =	simm.s32 @!p0 $0x5000;
	s24 =	sshll.u32 @!p0 s22, $0x8;
	[sflag:s9] =	ssyncset.done $0x0  }
0x120: {  	s26 =	simm.s32 @!p0 $0x7D;
	s25 =	sadd.s32 @!p0 $0x100, s24;
	[sflag:s9] =	ssyncadd.s32 $0xFFFFC180  }
0x121: {  	[tilespmem:s28], [sflag:$0x1] =	stream.indirect.gather @!p0 [hbm4b:s3+s26], $0x80, s25, s26, $0xb8;
	[tilespmem:$0x19000] =	vst v63  }
0x122: {  	s24 =	sadd.s32 @!p0 $0x2900, s24;
	s25 =	simm.s32 @!p0 $0x9000  }
0x123: {  	[tilespmem:s25], [sflag:$0x2] =	stream.indirect.gather @!p0 [hbm4b:s3+s26], $0x80, s24, s26, $0xb8;
	[tilespmem:$0x19000] =	vst v63  }
0x124: {  	_ =	swait.ge [sflag:s19], $0x3E80  }
0x125: {  	[sflag:s19] =	ssyncset.done $0x0  }
0x126: {  	[sflag:s19] =	ssyncadd.s32 $0xFFFFC180  }
0x127: {  	_ =	swait.ge [sflag:s20], $0x3E80  }
0x128: {  	[sflag:s20] =	ssyncset.done $0x0  }
0x129: {  	s24 =	simm.s32 $0x0;
	[sflag:s20] =	ssyncadd.s32 $0xFFFFC180  }
0x12a: {  	v0 =	vld [tilespmem:s24+$0xD200]  }
0x12b: {  	v1 =	vld [tilespmem:s24+$0x11200]  }
0x12c: {  	v2 =	vld [tilespmem:s24+$0xD210]  }
0x12d: {  	v3 =	vld [tilespmem:s24+$0x11210]  }
0x12e: {  	v4 =	vld [tilespmem:s24+$0xD220]  }
0x12f: {  	v5 =	vld [tilespmem:s24+$0x11220]  }
0x130: {  	v6 =	vld [tilespmem:s24+$0xD230]  }
0x131: {  	v7 =	vld [tilespmem:s24+$0x11230]  }
0x132: {  	v8 =	vld [tilespmem:s24+$0xD240]  }
0x133: {  	v9 =	vld [tilespmem:s24+$0xD100]  }
0x134: {  	v10 =	vld [tilespmem:s24+$0xD110]  }
0x135: {  	v11 =	vld [tilespmem:s24+$0x11110]  }
0x136: {  	v12 =	vld [tilespmem:s24+$0xD180]  }
0x137: {  	v13 =	vld [tilespmem:s24+$0x11180]  }
0x138: {  	v14 =	vld [tilespmem:s24+$0xD190]  }
0x139: {  	v15 =	vld [tilespmem:s24+$0x11190]  }
0x13a: {  	v16 =	vld [tilespmem:s24+$0xD020]  }
0x13b: {  	v17 =	vld [tilespmem:s24+$0x11020]  }
0x13c: {  	v18 =	vld [tilespmem:s24+$0xD0A0]  }
0x13d: {  	v19 =	vld [tilespmem:s24+$0x110A0]  }
0x13e: {  	v20 =	vld [tilespmem:s24+$0xD120]  }
0x13f: {  	v21 =	vld [tilespmem:s24+$0x11120]  }
0x140: {  	v50 =	vld [tilespmem:s24+$0xD1A0]  }
0x141: {  	v51 =	vld [tilespmem:s24+$0x111A0]  }
0x142: {  	v24 =	vld [tilespmem:s24+$0xD030]  }
0x143: {  	v25 =	vld [tilespmem:s24+$0x11030]  }
0x144: {  	v52 =	vld [tilespmem:s24+$0xD0B0]  }
0x145: {  	v53 =	vld [tilespmem:s24+$0x110B0]  }
0x146: {  	v28 =	vld [tilespmem:s24+$0xD130]  }
0x147: {  	v54 =	vld [tilespmem:s24+$0x11130]  }
0x148: {  	v30 =	vld [tilespmem:s24+$0xD1B0]  }
0x149: {  	v55 =	vld [tilespmem:s24+$0x111B0]  }
0x14a: {  	v32 =	vld [tilespmem:s24+$0xD040]  }
0x14b: {  	v33 =	vld [tilespmem:s24+$0x11040]  }
0x14c: {  	v56 =	vld [tilespmem:s24+$0xD0C0]  }
0x14d: {  	v57 =	vld [tilespmem:s24+$0x110C0]  }
0x14e: {  	v36 =	vld [tilespmem:s24+$0xD140]  }
0x14f: {  	v37 =	vld [tilespmem:s24+$0x11140]  }
0x150: {  	v58 =	vld [tilespmem:s24+$0xD1C0]  }
0x151: {  	v59 =	vld [tilespmem:s24+$0x111C0]  }
0x152: {  	v40 =	vld [tilespmem:s24+$0xD050]  }
0x153: {  	v60 =	vld [tilespmem:s24+$0x11050]  }
0x154: {  	v61 =	vld [tilespmem:s24+$0xD0D0]  }
0x155: {  	v62 =	vld [tilespmem:s24+$0x110D0]  }
0x156: {  	v0 =	vmul.f32 v1, v0;
	v1 =	vmul.f32 v3, v2;
	v2 =	vld [tilespmem:s24+$0x11240]  }
0x157: {  	v3 =	vld [tilespmem:s24+$0xD250]  }
0x158: {  	v0 =	vadd.f32 v1, v0;
	v1 =	vmul.f32 v5, v4;
	v4 =	vld [tilespmem:s24+$0x11250]  }
0x159: {  	v5 =	vld [tilespmem:s24+$0xD260]  }
0x15a: {  	v0 =	vadd.f32 v1, v0;
	v1 =	vmul.f32 v7, v6;
	v6 =	vld [tilespmem:s24+$0x11260]  }
0x15b: {  	v7 =	vld [tilespmem:s24+$0xD270]  }
0x15c: {  	v0 =	vadd.f32 v1, v0;
	v1 =	vmul.f32 v2, v8;
	v2 =	vld [tilespmem:s24+$0x11270]  }
0x15d: {  	v8 =	vld [tilespmem:s24+$0xD000]  }
0x15e: {  	v0 =	vadd.f32 v1, v0;
	v1 =	vmul.f32 v4, v3;
	v3 =	vld [tilespmem:s24+$0x11000]  }
0x15f: {  	v4 =	vld [tilespmem:s24+$0xD010]  }
0x160: {  	v0 =	vadd.f32 v1, v0;
	v1 =	vmul.f32 v6, v5;
	v5 =	vld [tilespmem:s24+$0x11010]  }
0x161: {  	v6 =	vld [tilespmem:s24+$0xD080]  }
0x162: {  	v0 =	vadd.f32 v1, v0;
	v1 =	vmul.f32 v2, v7;
	v2 =	vld [tilespmem:s24+$0x11080]  }
0x163: {  	v7 =	vld [tilespmem:s24+$0xD090]  }
0x164: {  	v0 =	vadd.f32 v1, v0;
	v1 =	vld [tilespmem:s24+$0x11090]  }
0x165: {  	v63 =	vld [tilespmem:s24+$0xD150]  }
0x166: {  	v50 =	vmul.f32 v51, v50;
	v52 =	vmul.f32 v53, v52;
	[tilespmem:s24+$0x15200] =	vst v0;
	v0 =	vld [tilespmem:s24+$0x11100]  }
0x167: {  	v48 =	vld [tilespmem:s24+$0x11150];
	v56 =	vmul.f32 v57, v56;
	v58 =	vmul.f32 v59, v58  }
0x168: {  	v49 =	vld [tilespmem:s24+$0xD1D0];
	v3 =	vmul.f32 v3, v8;
	v4 =	vmul.f32 v5, v4  }
0x169: {  	v51 =	vld [tilespmem:s24+$0x11160];
	v2 =	vmul.f32 v2, v6;
	v1 =	vmul.f32 v1, v7  }
0x16a: {  	v53 =	vld [tilespmem:s24+$0xD1E0];
	v7 =	vmul.f32 v11, v10;
	v10 =	vmul.f32 v15, v14  }
0x16b: {  	v57 =	vld [tilespmem:s24+$0x11070];
	v0 =	vmul.f32 v0, v9;
	v9 =	vmul.f32 v13, v12  }
0x16c: {  	v59 =	vld [tilespmem:s24+$0xD0F0];
	v3 =	vadd.f32 v4, v3;
	v1 =	vadd.f32 v1, v2;
	v2 =	vmul.f32 v17, v16  }
0x16d: {  	v8 =	vld [tilespmem:s24+$0x11060];
	v0 =	vadd.f32 v7, v0;
	v7 =	vadd.f32 v10, v9;
	v9 =	vmul.f32 v19, v18  }
0x16e: {  	v5 =	vld [tilespmem:s24+$0x111D0];
	v2 =	vadd.f32 v2, v3;
	v3 =	vmul.f32 v21, v20  }
0x16f: {  	v6 =	vld [tilespmem:s24+$0xD060];
	v1 =	vadd.f32 v9, v1;
	v9 =	vmul.f32 v25, v24  }
0x170: {  	v4 =	vld [tilespmem:s24+$0x110E0];
	v0 =	vadd.f32 v3, v0;
	v3 =	vadd.f32 v50, v7;
	v7 =	vmul.f32 v54, v28  }
0x171: {  	v11 =	vld [tilespmem:s24+$0xD0E0];
	v2 =	vadd.f32 v9, v2;
	v9 =	vmul.f32 v55, v30  }
0x172: {  	v10 =	vld [tilespmem:s24+$0xD160];
	v0 =	vadd.f32 v7, v0;
	v7 =	vmul.f32 v33, v32  }
0x173: {  	v1 =	vadd.f32 v52, v1;
	v55 =	vld [tilespmem:s24+$0xD070];
	v3 =	vadd.f32 v9, v3;
	v9 =	vmul.f32 v37, v36  }
0x174: {  	v6 =	vmul.f32 v8, v6;
	v54 =	vld [tilespmem:s24+$0x111E0];
	v2 =	vadd.f32 v7, v2;
	v7 =	vmul.f32 v60, v40  }
0x175: {  	v1 =	vadd.f32 v56, v1;
	v60 =	vld [tilespmem:s24+$0x110F0];
	v0 =	vadd.f32 v9, v0;
	v9 =	vmul.f32 v62, v61  }
0x176: {  	v8 =	vld [tilespmem:s24+$0x11170];
	v4 =	vmul.f32 v4, v11;
	v2 =	vadd.f32 v7, v2;
	v7 =	vmul.f32 v48, v63  }
0x177: {  	v3 =	vadd.f32 v58, v3;
	v61 =	vld [tilespmem:s24+$0xD170];
	v62 =	vmul.f32 v5, v49;
	v9 =	vadd.f32 v9, v1  }
0x178: {  	v5 =	vld [tilespmem:s24+$0x111F0];
	v7 =	vadd.f32 v7, v0;
	v2 =	vadd.f32 v6, v2;
	v6 =	vmul.f32 v57, v55  }
0x179: {  	s26 =	simm.s32 $0x280;
	v1 =	vld [tilespmem:s24+$0xD1F0];
	v3 =	vadd.f32 v62, v3;
	v9 =	vadd.f32 v4, v9;
	v4 =	vmul.f32 v51, v10  }
0x17a: {  	v0 =	vld [tilespmem:s26+$0xD200];
	v63 =	vmul.f32 v60, v59;
	v10 =	vmul.f32 v54, v53;
	v11 =	vadd.f32 v6, v2  }
0x17b: {  	v2 =	vld [tilespmem:s26+$0x11200];
	v6 =	vadd.f32 v4, v7  }
0x17c: {  	s25 =	simm.s32 $0x1400;
	v8 =	vmul.f32 v8, v61;
	v4 =	vld [tilespmem:s26+$0xD210];
	v3 =	vadd.f32 v10, v3;
	[tilespmem:s24+$0x15000] =	vst v11;
	v7 =	vadd.f32 v63, v9  }
.LBB2_5:
0x17d: {  	p0 =	sne.s32 s25, $0xF000;
	v9 =	vld [tilespmem:s26+$0x11210]  }
0x17e: {  	v10 =	vld [tilespmem:s26+$0xD220];
	[tilespmem:s24+$0x15080] =	vst v7;
	v6 =	vadd.f32 v8, v6;
	v1 =	vmul.f32 v5, v1  }
0x17f: {  	v5 =	vld [tilespmem:s26+$0x11220]  }
0x180: {  	v7 =	vld [tilespmem:s26+$0xD230];
	[tilespmem:s24+$0x15100] =	vst v6;
	v1 =	vadd.f32 v1, v3  }
0x181: {  	v3 =	vld [tilespmem:s26+$0x11230]  }
0x182: {  	v0 =	vmul.f32 v2, v0;
	v2 =	vmul.f32 v9, v4;
	v4 =	vld [tilespmem:s26+$0xD240];
	[tilespmem:s24+$0x15180] =	vst v1;
	s24 =	smov.u32 s26  }
0x183: {  	v1 =	vld [tilespmem:s24+$0x11240]  }
0x184: {  	v0 =	vadd.f32 v2, v0;
	v2 =	vmul.f32 v5, v10;
	v5 =	vld [tilespmem:s24+$0xD250]  }
0x185: {  	v6 =	vld [tilespmem:s24+$0x11250]  }
0x186: {  	v0 =	vadd.f32 v2, v0;
	v2 =	vmul.f32 v3, v7;
	v3 =	vld [tilespmem:s24+$0xD260]  }
0x187: {  	v7 =	vld [tilespmem:s24+$0x11260]  }
0x188: {  	v0 =	vadd.f32 v2, v0;
	v1 =	vmul.f32 v1, v4;
	v2 =	vld [tilespmem:s24+$0xD270]  }
0x189: {  	v4 =	vld [tilespmem:s24+$0x11270]  }
0x18a: {  	v8 =	vld [tilespmem:s24+$0xD000];
	v0 =	vadd.f32 v1, v0;
	v1 =	vmul.f32 v6, v5  }
0x18b: {  	v5 =	vld [tilespmem:s24+$0x11000]  }
0x18c: {  	v6 =	vld [tilespmem:s24+$0xD010];
	v0 =	vadd.f32 v1, v0;
	v1 =	vmul.f32 v7, v3  }
0x18d: {  	v3 =	vld [tilespmem:s24+$0x11010]  }
0x18e: {  	v7 =	vld [tilespmem:s24+$0xD080];
	v0 =	vadd.f32 v1, v0;
	v1 =	vmul.f32 v4, v2  }
0x18f: {  	v2 =	vld [tilespmem:s24+$0x11080]  }
0x190: {  	v4 =	vmul.f32 v5, v8;
	v5 =	vld [tilespmem:s24+$0xD090];
	v0 =	vadd.f32 v1, v0  }
0x191: {  	v1 =	vld [tilespmem:s24+$0x11090]  }
0x192: {  	v3 =	vmul.f32 v3, v6;
	v6 =	vld [tilespmem:s24+$0xD100];
	[tilespmem:s24+$0x15200] =	vst v0  }
0x193: {  	v0 =	vld [tilespmem:s24+$0x11100]  }
0x194: {  	v3 =	vadd.f32 v3, v4;
	v2 =	vmul.f32 v2, v7;
	v4 =	vld [tilespmem:s24+$0xD110]  }
0x195: {  	v7 =	vld [tilespmem:s24+$0x11110]  }
0x196: {  	v1 =	vmul.f32 v1, v5;
	v5 =	vld [tilespmem:s24+$0xD180]  }
0x197: {  	v8 =	vld [tilespmem:s24+$0x11180]  }
0x198: {  	v1 =	vadd.f32 v1, v2;
	v0 =	vmul.f32 v0, v6;
	v2 =	vld [tilespmem:s24+$0xD190]  }
0x199: {  	v6 =	vld [tilespmem:s24+$0x11190]  }
0x19a: {  	v9 =	vld [tilespmem:s24+$0xD020];
	v4 =	vmul.f32 v7, v4  }
0x19b: {  	v7 =	vld [tilespmem:s24+$0x11020]  }
0x19c: {  	v10 =	vld [tilespmem:s24+$0xD0A0];
	v0 =	vadd.f32 v4, v0;
	v4 =	vmul.f32 v8, v5  }
0x19d: {  	v5 =	vld [tilespmem:s24+$0x110A0]  }
0x19e: {  	v8 =	vld [tilespmem:s24+$0xD120];
	v2 =	vmul.f32 v6, v2  }
0x19f: {  	v6 =	vld [tilespmem:s24+$0x11120]  }
0x1a0: {  	v7 =	vmul.f32 v7, v9;
	v2 =	vadd.f32 v2, v4;
	v4 =	vld [tilespmem:s24+$0xD1A0]  }
0x1a1: {  	v9 =	vld [tilespmem:s24+$0x111A0]  }
0x1a2: {  	v3 =	vadd.f32 v7, v3;
	v7 =	vld [tilespmem:s24+$0xD030];
	v5 =	vmul.f32 v5, v10  }
0x1a3: {  	v10 =	vld [tilespmem:s24+$0x11030]  }
0x1a4: {  	v1 =	vadd.f32 v5, v1;
	v5 =	vld [tilespmem:s24+$0xD0B0];
	v6 =	vmul.f32 v6, v8  }
0x1a5: {  	v8 =	vld [tilespmem:s24+$0x110B0]  }
0x1a6: {  	v0 =	vadd.f32 v6, v0;
	v6 =	vld [tilespmem:s24+$0xD130];
	v4 =	vmul.f32 v9, v4  }
0x1a7: {  	v9 =	vld [tilespmem:s24+$0x11130]  }
0x1a8: {  	v7 =	vmul.f32 v10, v7;
	v2 =	vadd.f32 v4, v2;
	v4 =	vld [tilespmem:s24+$0xD1B0]  }
0x1a9: {  	v10 =	vld [tilespmem:s24+$0x111B0]  }
0x1aa: {  	v3 =	vadd.f32 v7, v3;
	v7 =	vld [tilespmem:s24+$0xD040];
	v5 =	vmul.f32 v8, v5  }
0x1ab: {  	v8 =	vld [tilespmem:s24+$0x11040]  }
0x1ac: {  	v1 =	vadd.f32 v5, v1;
	v5 =	vld [tilespmem:s24+$0xD0C0];
	v6 =	vmul.f32 v9, v6  }
0x1ad: {  	v9 =	vld [tilespmem:s24+$0x110C0]  }
0x1ae: {  	v0 =	vadd.f32 v6, v0;
	v6 =	vld [tilespmem:s24+$0xD140];
	v4 =	vmul.f32 v10, v4  }
0x1af: {  	v10 =	vld [tilespmem:s24+$0x11140]  }
0x1b0: {  	v7 =	vmul.f32 v8, v7;
	v2 =	vadd.f32 v4, v2;
	v4 =	vld [tilespmem:s24+$0xD1C0]  }
0x1b1: {  	v8 =	vld [tilespmem:s24+$0x111C0]  }
0x1b2: {  	v3 =	vadd.f32 v7, v3;
	v7 =	vld [tilespmem:s24+$0xD050];
	v5 =	vmul.f32 v9, v5  }
0x1b3: {  	v9 =	vld [tilespmem:s24+$0x11050]  }
0x1b4: {  	v1 =	vadd.f32 v5, v1;
	v5 =	vld [tilespmem:s24+$0xD0D0];
	v6 =	vmul.f32 v10, v6  }
0x1b5: {  	v10 =	vld [tilespmem:s24+$0x110D0]  }
0x1b6: {  	v0 =	vadd.f32 v6, v0;
	v6 =	vld [tilespmem:s24+$0xD150];
	v4 =	vmul.f32 v8, v4  }
0x1b7: {  	v8 =	vld [tilespmem:s24+$0x11150]  }
0x1b8: {  	v7 =	vmul.f32 v9, v7;
	v2 =	vadd.f32 v4, v2;
	v4 =	vld [tilespmem:s24+$0xD1D0]  }
0x1b9: {  	v9 =	vld [tilespmem:s24+$0x111D0]  }
0x1ba: {  	v3 =	vadd.f32 v7, v3;
	v7 =	vld [tilespmem:s24+$0xD060];
	v5 =	vmul.f32 v10, v5  }
0x1bb: {  	v10 =	vld [tilespmem:s24+$0x11060]  }
0x1bc: {  	v1 =	vadd.f32 v5, v1;
	v5 =	vld [tilespmem:s24+$0xD0E0];
	v6 =	vmul.f32 v8, v6  }
0x1bd: {  	v8 =	vld [tilespmem:s24+$0x110E0]  }
0x1be: {  	v0 =	vadd.f32 v6, v0;
	v6 =	vld [tilespmem:s24+$0xD160];
	v4 =	vmul.f32 v9, v4  }
0x1bf: {  	v9 =	vld [tilespmem:s24+$0x11160]  }
0x1c0: {  	v7 =	vmul.f32 v10, v7;
	v2 =	vadd.f32 v4, v2;
	v4 =	vld [tilespmem:s24+$0xD1E0]  }
0x1c1: {  	v10 =	vld [tilespmem:s24+$0x111E0]  }
0x1c2: {  	v7 =	vadd.f32 v7, v3;
	v3 =	vld [tilespmem:s24+$0xD070];
	v5 =	vmul.f32 v8, v5  }
0x1c3: {  	v8 =	vld [tilespmem:s24+$0x11070]  }
0x1c4: {  	v11 =	vadd.f32 v5, v1;
	v12 =	vld [tilespmem:s24+$0xD0F0];
	v1 =	vmul.f32 v9, v6  }
0x1c5: {  	v9 =	vld [tilespmem:s24+$0x110F0]  }
0x1c6: {  	v6 =	vadd.f32 v1, v0;
	v13 =	vld [tilespmem:s24+$0xD170];
	v0 =	vmul.f32 v10, v4  }
0x1c7: {  	v10 =	vld [tilespmem:s24+$0x11170]  }
.Ltmp1:
0x1c8: {  	v4 =	vmul.f32 v8, v3;
	v3 =	vadd.f32 v0, v2;
	v1 =	vld [tilespmem:s24+$0xD1F0];
	(pc) =	sbr.rel @p0 .LBB2_5-.Ltmp1, $4  }
0x1c9: {  	s26 =	sshra.s32 s25, $0x2;
	v5 =	vld [tilespmem:s24+$0x111F0]  }
0x1ca: {  	v0 =	vld [tilespmem:s26+$0xD200];
	v7 =	vadd.f32 v4, v7;
	v8 =	vmul.f32 v9, v12  }
0x1cb: {  	v2 =	vld [tilespmem:s26+$0x11200]  }
0x1cc: {  	s25 =	sadd.s32 $0xA00, s25;
	v4 =	vld [tilespmem:s26+$0xD210];
	[tilespmem:s24+$0x15000] =	vst v7;
	v7 =	vadd.f32 v8, v11;
	v8 =	vmul.f32 v10, v13  }
0x1cd: {  	v9 =	vld [tilespmem:s26+$0x11210]  }
0x1ce: {  	v10 =	vld [tilespmem:s26+$0xD220];
	[tilespmem:s24+$0x15080] =	vst v7;
	v6 =	vadd.f32 v8, v6;
	v1 =	vmul.f32 v5, v1  }
0x1cf: {  	v7 =	vld [tilespmem:s26+$0x11220]  }
0x1d0: {  	v40 =	vld [tilespmem:s26+$0xD230];
	[tilespmem:s24+$0x15100] =	vst v6;
	v1 =	vadd.f32 v1, v3  }
0x1d1: {  	v41 =	vld [tilespmem:s26+$0x11230]  }
0x1d2: {  	v6 =	vld [tilespmem:s26+$0xD240];
	[tilespmem:s24+$0x15180] =	vst v1  }
0x1d3: {  	v43 =	vld [tilespmem:s26+$0x11240]  }
0x1d4: {  	v44 =	vld [tilespmem:s26+$0xD250]  }
0x1d5: {  	v46 =	vld [tilespmem:s26+$0x11250]  }
0x1d6: {  	v47 =	vld [tilespmem:s26+$0xD260]  }
0x1d7: {  	v49 =	vld [tilespmem:s26+$0x11260]  }
0x1d8: {  	v50 =	vld [tilespmem:s26+$0xD270]  }
0x1d9: {  	v52 =	vld [tilespmem:s26+$0x11270]  }
0x1da: {  	v54 =	vld [tilespmem:s26+$0x11000]  }
0x1db: {  	v55 =	vld [tilespmem:s26+$0xD010]  }
0x1dc: {  	v57 =	vld [tilespmem:s26+$0x11010]  }
0x1dd: {  	v58 =	vld [tilespmem:s26+$0xD080]  }
0x1de: {  	v60 =	vld [tilespmem:s26+$0x11080]  }
0x1df: {  	v61 =	vld [tilespmem:s26+$0xD090]  }
0x1e0: {  	v62 =	vld [tilespmem:s26+$0x11090]  }
0x1e1: {  	v63 =	vld [tilespmem:s26+$0xD100]  }
0x1e2: {  	v11 =	vld [tilespmem:s26+$0x11110]  }
0x1e3: {  	v12 =	vld [tilespmem:s26+$0xD180]  }
0x1e4: {  	v13 =	vld [tilespmem:s26+$0x11180]  }
0x1e5: {  	v14 =	vld [tilespmem:s26+$0xD190]  }
0x1e6: {  	v15 =	vld [tilespmem:s26+$0x11190]  }
0x1e7: {  	v16 =	vld [tilespmem:s26+$0xD020]  }
0x1e8: {  	v17 =	vld [tilespmem:s26+$0x11020]  }
0x1e9: {  	v18 =	vld [tilespmem:s26+$0xD0A0]  }
0x1ea: {  	v19 =	vld [tilespmem:s26+$0x110A0]  }
0x1eb: {  	v20 =	vld [tilespmem:s26+$0xD120]  }
0x1ec: {  	v21 =	vld [tilespmem:s26+$0x11120]  }
0x1ed: {  	v22 =	vld [tilespmem:s26+$0xD1A0]  }
0x1ee: {  	v23 =	vld [tilespmem:s26+$0x111A0]  }
0x1ef: {  	v24 =	vld [tilespmem:s26+$0xD030]  }
0x1f0: {  	v25 =	vld [tilespmem:s26+$0x11030]  }
0x1f1: {  	v26 =	vld [tilespmem:s26+$0xD0B0]  }
0x1f2: {  	v27 =	vld [tilespmem:s26+$0x110B0]  }
0x1f3: {  	v28 =	vld [tilespmem:s26+$0xD130]  }
0x1f4: {  	v29 =	vld [tilespmem:s26+$0x11130]  }
0x1f5: {  	v30 =	vld [tilespmem:s26+$0xD1B0]  }
0x1f6: {  	v31 =	vld [tilespmem:s26+$0x111B0]  }
0x1f7: {  	v32 =	vld [tilespmem:s26+$0xD040]  }
0x1f8: {  	v33 =	vld [tilespmem:s26+$0x11040]  }
0x1f9: {  	v34 =	vld [tilespmem:s26+$0xD0C0]  }
0x1fa: {  	v35 =	vld [tilespmem:s26+$0x110C0]  }
0x1fb: {  	v36 =	vld [tilespmem:s26+$0xD140]  }
0x1fc: {  	v37 =	vld [tilespmem:s26+$0x11140]  }
0x1fd: {  	v38 =	vld [tilespmem:s26+$0xD1C0]  }
0x1fe: {  	v0 =	vmul.f32 v2, v0;
	v42 =	vmul.f32 v9, v4;
	v39 =	vld [tilespmem:s26+$0x111C0]  }
0x1ff: {  	v5 =	vld [tilespmem:s26+$0xD0E0]  }
0x200: {  	v0 =	vadd.f32 v42, v0;
	v42 =	vld [tilespmem:s26+$0xD0D0]  }
0x201: {  	v45 =	vmul.f32 v7, v10;
	v7 =	vld [tilespmem:s26+$0x110E0]  }
0x202: {  	v48 =	vmul.f32 v41, v40;
	v40 =	vld [tilespmem:s26+$0xD050]  }
0x203: {  	v41 =	vld [tilespmem:s26+$0x11050]  }
0x204: {  	v0 =	vadd.f32 v45, v0;
	v45 =	vld [tilespmem:s26+$0x11150]  }
0x205: {  	v51 =	vmul.f32 v43, v6;
	v6 =	vld [tilespmem:s26+$0xD000]  }
0x206: {  	v59 =	vmul.f32 v52, v50;
	v52 =	vld [tilespmem:s26+$0x11100]  }
0x207: {  	v43 =	vld [tilespmem:s26+$0x110D0]  }
0x208: {  	v0 =	vadd.f32 v48, v0;
	v53 =	vmul.f32 v46, v44;
	v56 =	vmul.f32 v49, v47;
	v44 =	vld [tilespmem:s26+$0xD150]  }
0x209: {  	v46 =	vld [tilespmem:s26+$0xD1D0];
	v3 =	vmul.f32 v57, v55;
	v2 =	vmul.f32 v60, v58  }
0x20a: {  	v47 =	vld [tilespmem:s26+$0x111D0];
	v1 =	vmul.f32 v62, v61;
	v55 =	vmul.f32 v13, v12;
	v0 =	vadd.f32 v51, v0  }
0x20b: {  	v48 =	vld [tilespmem:s26+$0xD060];
	v58 =	vmul.f32 v17, v16;
	v61 =	vmul.f32 v21, v20  }
0x20c: {  	v57 =	vld [tilespmem:s26+$0xD160];
	v62 =	vmul.f32 v23, v22;
	v24 =	vmul.f32 v25, v24;
	v0 =	vadd.f32 v53, v0  }
0x20d: {  	v26 =	vmul.f32 v27, v26;
	v29 =	vmul.f32 v29, v28;
	v53 =	vld [tilespmem:s26+$0xD110]  }
0x20e: {  	v60 =	vld [tilespmem:s26+$0x11160];
	v30 =	vmul.f32 v31, v30;
	v33 =	vmul.f32 v33, v32;
	v0 =	vadd.f32 v56, v0  }
0x20f: {  	v25 =	vld [tilespmem:s26+$0x111E0];
	v34 =	vmul.f32 v35, v34;
	v4 =	vmul.f32 v54, v6  }
0x210: {  	v27 =	vld [tilespmem:s26+$0xD070];
	v36 =	vmul.f32 v37, v36;
	v38 =	vmul.f32 v39, v38;
	v0 =	vadd.f32 v59, v0  }
0x211: {  	v31 =	vld [tilespmem:s26+$0x11070];
	v56 =	vmul.f32 v15, v14;
	v3 =	vadd.f32 v3, v4;
	v59 =	vmul.f32 v19, v18  }
0x212: {  	v35 =	vld [tilespmem:s26+$0xD0F0];
	v1 =	vadd.f32 v1, v2;
	v54 =	vmul.f32 v11, v53;
	[tilespmem:s26+$0x15200] =	vst v0;
	v0 =	vmul.f32 v52, v63  }
0x213: {  	v37 =	vld [tilespmem:s26+$0x110F0];
	v5 =	vmul.f32 v7, v5;
	v2 =	vadd.f32 v56, v55;
	v3 =	vadd.f32 v58, v3  }
0x214: {  	v49 =	vmul.f32 v41, v40;
	v6 =	vld [tilespmem:s26+$0x11060];
	v1 =	vadd.f32 v59, v1;
	v0 =	vadd.f32 v54, v0  }
0x215: {  	v39 =	vld [tilespmem:s26+$0xD170];
	v50 =	vmul.f32 v43, v42;
	v2 =	vadd.f32 v62, v2;
	v3 =	vadd.f32 v24, v3  }
0x216: {  	v57 =	vmul.f32 v60, v57;
	v63 =	vld [tilespmem:s26+$0xD1E0];
	v1 =	vadd.f32 v26, v1;
	v0 =	vadd.f32 v61, v0  }
0x217: {  	v56 =	vld [tilespmem:s26+$0x111F0];
	v53 =	vmul.f32 v47, v46;
	v2 =	vadd.f32 v30, v2;
	v3 =	vadd.f32 v33, v3  }
0x218: {  	v58 =	vmul.f32 v31, v27;
	v54 =	vld [tilespmem:s26+$0xD1F0];
	v1 =	vadd.f32 v34, v1;
	v0 =	vadd.f32 v29, v0  }
0x219: {  	v51 =	vld [tilespmem:s26+$0x11170];
	v55 =	vmul.f32 v6, v48;
	v2 =	vadd.f32 v38, v2;
	v3 =	vadd.f32 v49, v3  }
0x21a: {  	v52 =	vmul.f32 v45, v44;
	v1 =	vadd.f32 v50, v1;
	v0 =	vadd.f32 v36, v0  }
0x21b: {  	v59 =	vmul.f32 v25, v63;
	v2 =	vadd.f32 v53, v2;
	v3 =	vadd.f32 v55, v3  }
0x21c: {  	v60 =	vmul.f32 v37, v35;
	v1 =	vadd.f32 v5, v1;
	v0 =	vadd.f32 v52, v0  }
0x21d: {  	v62 =	vmul.f32 v56, v54;
	v2 =	vadd.f32 v59, v2;
	v3 =	vadd.f32 v58, v3  }
0x21e: {  	v61 =	vmul.f32 v51, v39;
	v1 =	vadd.f32 v60, v1;
	v0 =	vadd.f32 v57, v0  }
0x21f: {  	s23 =	sshll.u32 s23, $0xE;
	v63 =	vadd.f32 v62, v2;
	[tilespmem:s26+$0x15000] =	vst v3  }
0x220: {  	s22 =	sadd.s32 $0x1, s22;
	s23 =	sadd.s32 s7, s23;
	[tilespmem:s26+$0x15080] =	vst v1;
	v0 =	vadd.f32 v61, v0  }
0x221: {  	p0 =	sne.s32 s22, $0x28;
	s23 =	sshrl.u32 s23, $0x3;
	[tilespmem:s26+$0x15180] =	vst v63  }
.Ltmp2:
0x222: {  	s23 =	sadd.s32 s4, s23;
	[tilespmem:s26+$0x15100] =	vst v0;
	(pc) =	sbr.rel @p0 .LBB2_2-.Ltmp2, $4  }
0x223: {  	[hbm4b:s23+s2] =	stream.linear.scatter [tilespmem:s18], [sflag:$0x5], $0x3E80, $0x38;
	[tilespmem:$0x19000] =	vst v63  }
0x224: {  	_ =	swait.ge [sflag:s9], $0x3E80  }
0x225: {  	[sflag:s9] =	ssyncset.done $0x0  }
0x226: {  	[sflag:s9] =	ssyncadd.s32 $0xFFFFC180  }
0x227: {  	s21 =	sadd.s32 $0x1, s21  }
0x228: {  	p0 =	sne.s32 s21, s8  }
.Ltmp3:
0x229: {  	_ = 	snop;
	(pc) =	sbr.rel @p0 .LBB2_1-.Ltmp3, $1  }
0x22a: {  	_ =	sdelay $0x3  }
0x22b: {  	_ =	sfence.sel $0x180000  }
0x22c: {  	[bflag:$0x0] =	sbarrier.arrive $0xFFFF  }
0x22d: {  	p0 =	sne.s32 s0, $0x0;
	_ =	strace $0x90000050  }
0x22e: {  	s0 =	sadd.s32 @!p0 $0x100000, s1;
	[bflag:$0x2] =	sbarrier.arrive $0xFFFF  }
0x22f: {  	[sflag:s0] =	ssyncadd.tile.s32 @!p0 $0x1;
	_ =	shalt  }
.Lfunc_end2:
_tile_overlayer_lowered:
.L_overlay_start_2:
0x230: {  	(tag) =	ssettag $0x2  }
0x231: {  	s0 =	rddreg [dreg:$0x0];
	s2 =	stileid.u32  }
0x232: {  	s1 =	rddreg [dreg:$0x1];
	p0 =	sne.s32 s2, $0x0  }
0x233: {  	s3 =	rddreg [dreg:$0x2];
	[bflag:$0x3] =	sbarrier.arrive $0xFFFF;
	s2 =	simm.s32 @!p0 $0x1C05  }
0x234: {  	[timem:s3], [sflag:s2] =	dma.local @!p0 [hbm:s0], s1  }
0x235: {  	s0 =	simm.s32 @!p0 $0x5  }
0x236: {  	_ =	swait.ge @!p0 [sflag:s0], s1  }
0x237: {  	s1 =	ssub.s32 @!p0 $0x0, s1;
	[sflag:s0] =	ssyncset.done @!p0 $0x0  }
0x238: {  	[sflag:s0] =	ssyncadd.s32 @!p0 s1  }
0x239: {  	[bflag:$0x3] =	sbarrier.arrive $0xFFFF  }
0x23a: {  	_ =	shalt  }

</sc_bundles>
